<compile_context>
chip_gen: v7x
topology: tpu7x:2x2x1
jax: 0.10.2.dev20260603
libtpu: 0.0.44.dev20260713+nightly
codegen_flags: <defaults>
</compile_context>

<pallas_src>
import jax
import jax.numpy as jnp
from jax import lax
from jax.experimental import pallas as pl
from jax.experimental.pallas import tpu as pltpu
from jax.experimental.pallas import tpu_sc as plsc

NC = 2
NS = 16
NW = NC * NS

WDIM = 64
PDIM = 32
B = 4096
L = 200
PV = 1000
PVP = 1008

LANES = 128
BT = B // LANES
SUBS = 8
UB = B // SUBS
JROWS = UB // LANES
HB = JROWS // 2
UNITS = L * SUBS
PER_W = UNITS // NW


@jax.jit
def _embed(words_t3, pos_t3, word_table, pos_table2):
  mesh = plsc.VectorSubcoreMesh(core_axis_name="c", subcore_axis_name="s")

  def body(words_hbm, pos_hbm, wtab_hbm, ptab_hbm, out_w_hbm, out_p_hbm,
           idx_w, idx_p, rows_w, ptab_t, tw, tp,
           sem_i, sem_g, sem_ww, sem_wp):
    wid = lax.axis_index("s") * NC + lax.axis_index("c")
    iota16 = lax.iota(jnp.int32, 16)
    g16 = [g * 16 + iota16 for g in range(8)]
    btl_splat = [jnp.full((16,), btl, jnp.int32) for btl in range(HB)]

    stage = rows_w.at[0, pl.ds(0, PV // 2)]
    pltpu.sync_copy(ptab_hbm, stage)

    @plsc.parallel_loop(0, PVP // 16)
    def build(ig):
      i_vec = ig * 16 + iota16
      i_clamped = jnp.minimum(i_vec, PV - 1)
      r_vec = i_clamped >> 1
      c_base = (i_clamped & 1) << 5
      for d in range(PDIM):
        v = plsc.load_gather(stage, [r_vec, c_base + d])
        ptab_t[d, pl.ds(ig * 16, 16)] = v

    def unit_lsub(k):
      u = wid * PER_W + k
      return u // SUBS, u % SUBS

    def idx_load(k, slot):
      l, sub = unit_lsub(k)
      pltpu.async_copy(words_hbm.at[l, pl.ds(sub * JROWS, JROWS)],
                       idx_w.at[slot], sem_i)
      pltpu.async_copy(pos_hbm.at[l, pl.ds(sub * JROWS, JROWS)],
                       idx_p.at[slot], sem_i)

    def idx_wait(slot):
      pltpu.make_async_copy(words_hbm.at[0, pl.ds(0, JROWS)],
                            idx_w.at[slot], sem_i).wait()
      pltpu.make_async_copy(pos_hbm.at[0, pl.ds(0, JROWS)],
                            idx_p.at[slot], sem_i).wait()

    def fire_gathers(slot):
      for j in range(JROWS):
        pltpu.async_copy(wtab_hbm.at[idx_w.at[slot, j]],
                         rows_w.at[slot, pl.ds(j * LANES, LANES)], sem_g)

    def drain_gathers():
      for j in range(JROWS):
        pltpu.make_async_copy(
            wtab_hbm.at[idx_w.at[0, 0]],
            rows_w.at[0, pl.ds(0, LANES)], sem_g).wait()

    def wb_wait():
      pltpu.make_async_copy(
          tw, out_w_hbm.at[0, :, pl.ds(0, HB)], sem_ww).wait()
      pltpu.make_async_copy(
          tp, out_p_hbm.at[0, :, pl.ds(0, HB)], sem_wp).wait()

    def transpose(rows, dim, base):
      @plsc.parallel_loop(0, dim, unroll=4)
      def t_body(c0):
        c_vec = (c0 + iota16) & (dim - 1)
        dt_vec = c_vec >> 3
        dr_vec = c_vec & 7
        for bl in range(HB):
          for g in range(8):
            r_vec = (base + bl) * LANES + g16[g]
            v = plsc.load_gather(rows, [r_vec, c_vec])
            plsc.store_scatter(tw, [dt_vec, btl_splat[bl], dr_vec,
                                    g16[g]], v)

    def pos_fill(slot, base):
      idxv = [[idx_p[slot, base + bl, pl.ds(g * 16, 16)]
               for g in range(8)] for bl in range(HB)]

      @plsc.parallel_loop(0, PDIM, unroll=4)
      def p_body(d):
        d_splat = jnp.full((16,), d, jnp.int32)
        dt = d >> 3
        dr = d & 7
        for bl in range(HB):
          for g in range(8):
            v = plsc.load_gather(ptab_t, [d_splat, idxv[bl][g]])
            tp[dt, bl, dr, pl.ds(g * 16, 16)] = v

    idx_load(0, 0)
    idx_wait(0)
    fire_gathers(0)
    idx_load(1, 1)

    def unit(k, carry):
      s = k & 1
      l, sub = unit_lsub(k)
      drain_gathers()

      @pl.when(k + 1 < PER_W)
      def _():
        idx_wait(1 - s)
        fire_gathers(1 - s)

      rw = rows_w.at[s]
      @pl.when(k > 0)
      def _():
        wb_wait()
      transpose(rw, WDIM, 0)
      pos_fill(s, 0)
      pltpu.async_copy(tw, out_w_hbm.at[l, :, pl.ds(sub * JROWS, HB)],
                       sem_ww)
      pltpu.async_copy(tp, out_p_hbm.at[l, :, pl.ds(sub * JROWS, HB)],
                       sem_wp)
      wb_wait()
      transpose(rw, WDIM, HB)
      pos_fill(s, HB)
      pltpu.async_copy(tw, out_w_hbm.at[l, :, pl.ds(sub * JROWS + HB, HB)],
                       sem_ww)
      pltpu.async_copy(tp, out_p_hbm.at[l, :, pl.ds(sub * JROWS + HB, HB)],
                       sem_wp)
      @pl.when(k + 2 < PER_W)
      def _():
        idx_load(k + 2, s)
      return carry

    lax.fori_loop(0, PER_W, unit, 0)
    wb_wait()

  run = pl.kernel(
      body,
      out_type=(
          jax.ShapeDtypeStruct((L, WDIM // 8, BT, 8, LANES), jnp.float32),
          jax.ShapeDtypeStruct((L, PDIM // 8, BT, 8, LANES), jnp.float32),
      ),
      mesh=mesh,
      compiler_params=pltpu.CompilerParams(use_tc_tiling_on_sc=False,
                                           needs_layout_passes=False),
      scratch_types=[
          pltpu.VMEM((2, JROWS, LANES), jnp.int32),
          pltpu.VMEM((2, JROWS, LANES), jnp.int32),
          pltpu.VMEM((2, UB, WDIM), jnp.float32),
          pltpu.VMEM((PDIM, PVP), jnp.float32),
          pltpu.VMEM((WDIM // 8, HB, 8, LANES), jnp.float32),
          pltpu.VMEM((PDIM // 8, HB, 8, LANES), jnp.float32),
          pltpu.SemaphoreType.DMA,
          pltpu.SemaphoreType.DMA,
          pltpu.SemaphoreType.DMA,
          pltpu.SemaphoreType.DMA,
      ],
  )
  return run(words_t3, pos_t3, word_table, pos_table2)


def kernel(words, pos, word_table, pos_table):
  words_t3 = words.astype(jnp.int32).T.reshape(L, BT, LANES)
  pos_t3 = pos.astype(jnp.int32).T.reshape(L, BT, LANES)
  pos_table2 = pos_table.reshape(PV // 2, 2 * PDIM)
  out_w5, out_p5 = _embed(words_t3, pos_t3, word_table, pos_table2)
  out_w = out_w5.transpose(2, 4, 0, 1, 3).reshape(B, L, WDIM)
  out_p = out_p5.transpose(2, 4, 0, 1, 3).reshape(B, L, PDIM)
  return (out_w, out_p)

# --- scband reference (transcript-rebuilt; emitter-appended) ---
"""Pipeline reference for scband-embedding-layer-36086315221312 (READ-ONLY COPY).

The authoritative reference and input builder live on the scoring server;
editing this copy changes nothing except your own understanding.
"""

import jax, jax.numpy as jnp
import numpy as np

WORD_VOCAB = 1000000
WORD_DIM = 64
POS_VOCAB = 1000
POS_DIM = 32
B = 4096
L = 200


def setup_inputs(seed: int = 0) -> dict:
    key = jax.random.key(seed)
    k1, k2, k3, k4 = jax.random.split(key, 4)
    words = jax.random.randint(k1, (B, L), 0, WORD_VOCAB, dtype=jnp.int64) if jax.config.jax_enable_x64 else jax.random.randint(k1, (B, L), 0, WORD_VOCAB, dtype=jnp.int32)
    pos = jax.random.randint(k2, (B, L), 0, POS_VOCAB, dtype=jnp.int32)
    word_table = jax.random.normal(k3, (WORD_VOCAB, WORD_DIM), dtype=jnp.float32)
    pos_table = jax.random.normal(k4, (POS_VOCAB, POS_DIM), dtype=jnp.float32)
    return {"words": words, "pos": pos, "word_table": word_table, "pos_table": pos_table}


def reference(words, pos, word_table, pos_table):
    # EmbeddingLayer.forward: word embedding + POS embedding lookups.
    # (relationEmbedding over graphs is a no-op with an empty graph list.)
    word_embeddings = jnp.take(word_table, words, axis=0)
    pos_embeddings = jnp.take(pos_table, pos, axis=0)
    return (word_embeddings, pos_embeddings)

if __name__ == "__main__":
    import jax
    _d = setup_inputs()
    print(jax.jit(kernel)(*tuple(_d.values())))

</pallas_src>

<mosaic_0001>
#map = affine_map<(d0, d1) -> (0, 0, 0)>
#map1 = affine_map<(d0, d1) -> (0, 0)>
#map2 = affine_map<(d0, d1) -> (0, 0, 0, 0, 0)>
module attributes {stable_mosaic.version = 14 : i64} {
  func.func @body(%arg0: i32, %arg1: i32, %arg2: memref<200x32x128xi32, #tpu.memory_space<hbm>>, %arg3: memref<200x32x128xi32, #tpu.memory_space<hbm>>, %arg4: memref<1000000x64xf32, #tpu.memory_space<hbm>>, %arg5: memref<500x64xf32, #tpu.memory_space<hbm>>, %arg6: memref<200x8x32x8x128xf32, #tpu.memory_space<hbm>>, %arg7: memref<200x4x32x8x128xf32, #tpu.memory_space<hbm>>, %arg8: memref<2x4x128xi32, #tpu.memory_space<vmem>>, %arg9: memref<2x4x128xi32, #tpu.memory_space<vmem>>, %arg10: memref<2x512x64xf32, #tpu.memory_space<vmem>>, %arg11: memref<32x1008xf32, #tpu.memory_space<vmem>>, %arg12: memref<8x2x8x128xf32, #tpu.memory_space<vmem>>, %arg13: memref<4x2x8x128xf32, #tpu.memory_space<vmem>>, %arg14: memref<!tpu.dma_semaphore, #tpu.memory_space<semaphore_mem>>, %arg15: memref<!tpu.dma_semaphore, #tpu.memory_space<semaphore_mem>>, %arg16: memref<!tpu.dma_semaphore, #tpu.memory_space<semaphore_mem>>, %arg17: memref<!tpu.dma_semaphore, #tpu.memory_space<semaphore_mem>>) attributes {dimension_semantics = [#tpu.dimension_semantics<core_parallel>, #tpu.dimension_semantics<subcore_parallel>], iteration_bounds = array<i64: 2, 16>, scalar_prefetch = 0 : i64, scratch_operands = 10 : i64, tpu.core_type = #tpu.core_type<sc_vector_subcore>, window_params = [{transform_indices = #map}, {transform_indices = #map}, {transform_indices = #map1}, {transform_indices = #map1}, {transform_indices = #map2}, {transform_indices = #map2}]} {
    %mul3A = arith.constant 2 : i32
    %mul3A_0 = arith.muli %arg1, %mul3A : i32
    %add3A = arith.addi %mul3A_0, %arg0 : i32
    %iota3A = tpu.iota {dimensions = array<i32: 0>} : vector<16xi32>
    %add3A_1 = arith.constant 0 : i32
    %add3A_2 = vector.broadcast %add3A_1 : i32 to vector<16xi32>
    %add3A_3 = arith.addi %add3A_2, %iota3A : vector<16xi32>
    %add3A_4 = arith.constant 16 : i32
    %add3A_5 = vector.broadcast %add3A_4 : i32 to vector<16xi32>
    %add3A_6 = arith.addi %add3A_5, %iota3A : vector<16xi32>
    %add3A_7 = arith.constant 32 : i32
    %add3A_8 = vector.broadcast %add3A_7 : i32 to vector<16xi32>
    %add3A_9 = arith.addi %add3A_8, %iota3A : vector<16xi32>
    %add3A_10 = arith.constant 48 : i32
    %add3A_11 = vector.broadcast %add3A_10 : i32 to vector<16xi32>
    %add3A_12 = arith.addi %add3A_11, %iota3A : vector<16xi32>
    %add3A_13 = arith.constant 64 : i32
    %add3A_14 = vector.broadcast %add3A_13 : i32 to vector<16xi32>
    %add3A_15 = arith.addi %add3A_14, %iota3A : vector<16xi32>
    %add3A_16 = arith.constant 80 : i32
    %add3A_17 = vector.broadcast %add3A_16 : i32 to vector<16xi32>
    %add3A_18 = arith.addi %add3A_17, %iota3A : vector<16xi32>
    %add3A_19 = arith.constant 96 : i32
    %add3A_20 = vector.broadcast %add3A_19 : i32 to vector<16xi32>
    %add3A_21 = arith.addi %add3A_20, %iota3A : vector<16xi32>
    %add3A_22 = arith.constant 112 : i32
    %add3A_23 = vector.broadcast %add3A_22 : i32 to vector<16xi32>
    %add3A_24 = arith.addi %add3A_23, %iota3A : vector<16xi32>
    %broadcast_in_dim3A = arith.constant 0 : i32
    %broadcast_in_dim3A_25 = vector.broadcast %broadcast_in_dim3A : i32 to vector<16xi32>
    %broadcast_in_dim3A_26 = arith.constant 1 : i32
    %broadcast_in_dim3A_27 = vector.broadcast %broadcast_in_dim3A_26 : i32 to vector<16xi32>
    %run_scoped3A = arith.constant 0 : i32
    "tpu.region"() ({
      %run_scoped3A_294 = tpu.sem_alloc : memref<!tpu.dma_semaphore, #tpu.memory_space<semaphore_mem>>
      %dma_start3A_295 = arith.constant 0 : i32
      %dma_start3A_296 = arith.constant 0 : i32
      %dma_start3A_297 = tpu.memref_slice %arg10[%run_scoped3A, %dma_start3A_295, %dma_start3A_296] : memref<2x512x64xf32, #tpu.memory_space<vmem>> -> memref<1x500x64xf32, #tpu.memory_space<vmem>>
      %dma_start3A_298 = tpu.memref_squeeze %dma_start3A_297 : memref<1x500x64xf32, #tpu.memory_space<vmem>> -> memref<500x64xf32, #tpu.memory_space<vmem>>
      %dma_start3A_299 = arith.constant 0 : i32
      %dma_start3A_300 = arith.constant 0 : i32
      %dma_start3A_301 = tpu.memref_slice %arg10[%run_scoped3A, %dma_start3A_299, %dma_start3A_300] : memref<2x512x64xf32, #tpu.memory_space<vmem>> -> memref<1x500x64xf32, #tpu.memory_space<vmem>>
      %dma_start3A_302 = tpu.memref_squeeze %dma_start3A_301 : memref<1x500x64xf32, #tpu.memory_space<vmem>> -> memref<500x64xf32, #tpu.memory_space<vmem>>
      tpu.enqueue_dma source(%arg5 : memref<500x64xf32, #tpu.memory_space<hbm>>) target(%dma_start3A_302 : memref<500x64xf32, #tpu.memory_space<vmem>>) target_semaphore(%run_scoped3A_294 : memref<!tpu.dma_semaphore, #tpu.memory_space<semaphore_mem>>)
      %dma_wait3A_303 = arith.constant 0 : i32
      %dma_wait3A_304 = arith.constant 0 : i32
      %dma_wait3A_305 = tpu.memref_slice %arg10[%run_scoped3A, %dma_wait3A_303, %dma_wait3A_304] : memref<2x512x64xf32, #tpu.memory_space<vmem>> -> memref<1x500x64xf32, #tpu.memory_space<vmem>>
      %dma_wait3A_306 = tpu.memref_squeeze %dma_wait3A_305 : memref<1x500x64xf32, #tpu.memory_space<vmem>> -> memref<500x64xf32, #tpu.memory_space<vmem>>
      %dma_wait3A_307 = arith.constant 0 : i32
      %dma_wait3A_308 = arith.constant 0 : i32
      %dma_wait3A_309 = tpu.memref_slice %arg10[%run_scoped3A, %dma_wait3A_307, %dma_wait3A_308] : memref<2x512x64xf32, #tpu.memory_space<vmem>> -> memref<1x500x64xf32, #tpu.memory_space<vmem>>
      %dma_wait3A_310 = tpu.memref_squeeze %dma_wait3A_309 : memref<1x500x64xf32, #tpu.memory_space<vmem>> -> memref<500x64xf32, #tpu.memory_space<vmem>>
      tpu.wait_dma2 semaphore(%run_scoped3A_294 : memref<!tpu.dma_semaphore, #tpu.memory_space<semaphore_mem>>) src(%arg5 : memref<500x64xf32, #tpu.memory_space<hbm>>) dst(%dma_wait3A_310 : memref<500x64xf32, #tpu.memory_space<vmem>>)
      tpu.yield
    }) : () -> ()
    %parallel_loop3A = arith.constant 0 : i32
    %parallel_loop3A_28 = arith.constant 63 : i32
    %parallel_loop3A_29 = arith.constant 1 : i32
    %parallel_loop3A_30 = arith.constant 0 : i32
    scf.for %parallel_loop3A_294 = %parallel_loop3A to %parallel_loop3A_28 step %parallel_loop3A_29  : i32 {
      %parallel_loop3A_295 = arith.constant 16 : i32
      %parallel_loop3A_296 = arith.muli %parallel_loop3A_294, %parallel_loop3A_295 : i32
      %parallel_loop3A_297 = vector.broadcast %parallel_loop3A_296 : i32 to vector<16xi32>
      %parallel_loop3A_298 = arith.addi %parallel_loop3A_297, %iota3A : vector<16xi32>
      %parallel_loop3A_299 = arith.constant 999 : i32
      %parallel_loop3A_300 = vector.broadcast %parallel_loop3A_299 : i32 to vector<16xi32>
      %parallel_loop3A_301 = arith.minsi %parallel_loop3A_298, %parallel_loop3A_300 : vector<16xi32>
      %parallel_loop3A_302 = arith.constant 1 : i32
      %parallel_loop3A_303 = vector.broadcast %parallel_loop3A_302 : i32 to vector<16xi32>
      %parallel_loop3A_304 = arith.shrsi %parallel_loop3A_301, %parallel_loop3A_303 : vector<16xi32>
      %parallel_loop3A_305 = arith.constant 1 : i32
      %parallel_loop3A_306 = vector.broadcast %parallel_loop3A_305 : i32 to vector<16xi32>
      %parallel_loop3A_307 = arith.andi %parallel_loop3A_301, %parallel_loop3A_306 : vector<16xi32>
      %parallel_loop3A_308 = arith.constant 5 : i32
      %parallel_loop3A_309 = vector.broadcast %parallel_loop3A_308 : i32 to vector<16xi32>
      %parallel_loop3A_310 = arith.shli %parallel_loop3A_307, %parallel_loop3A_309 : vector<16xi32>
      %parallel_loop3A_311 = arith.constant 0 : i32
      %parallel_loop3A_312 = vector.broadcast %parallel_loop3A_311 : i32 to vector<16xi32>
      %parallel_loop3A_313 = arith.addi %parallel_loop3A_310, %parallel_loop3A_312 : vector<16xi32>
      %parallel_loop3A_314 = arith.constant 0 : i32
      %parallel_loop3A_315 = arith.constant 0 : i32
      %parallel_loop3A_316 = tpu.memref_slice %arg10[%parallel_loop3A_30, %parallel_loop3A_314, %parallel_loop3A_315] : memref<2x512x64xf32, #tpu.memory_space<vmem>> -> memref<1x500x64xf32, #tpu.memory_space<vmem>>
      %parallel_loop3A_317 = tpu.memref_squeeze %parallel_loop3A_316 : memref<1x500x64xf32, #tpu.memory_space<vmem>> -> memref<500x64xf32, #tpu.memory_space<vmem>>
      %parallel_loop3A_318 = tpu.vector_load_idx %parallel_loop3A_317[%parallel_loop3A_304, %parallel_loop3A_313] : memref<500x64xf32, #tpu.memory_space<vmem>>[vector<16xi32>, vector<16xi32>], vector<16xf32>,
      %parallel_loop3A_319 = arith.constant 16 : i32
      %parallel_loop3A_320 = arith.muli %parallel_loop3A_294, %parallel_loop3A_319 : i32
      %parallel_loop3A_321 = arith.constant 0 : i32
      %parallel_loop3A_322 = arith.index_cast %parallel_loop3A_321 : i32 to index
      %parallel_loop3A_323 = arith.index_cast %parallel_loop3A_320 : i32 to index
      %parallel_loop3A_324 = tpu.vector_load %arg11[%parallel_loop3A_322, %parallel_loop3A_323] {strides = array<i32>} : memref<32x1008xf32, #tpu.memory_space<vmem>>, vector<16xf32>,
      tpu.vector_store %arg11[%parallel_loop3A_322, %parallel_loop3A_323], %parallel_loop3A_318 {strides = array<i32>} : memref<32x1008xf32, #tpu.memory_space<vmem>>, vector<16xf32>,
      %parallel_loop3A_325 = arith.constant 1 : i32
      %parallel_loop3A_326 = vector.broadcast %parallel_loop3A_325 : i32 to vector<16xi32>
      %parallel_loop3A_327 = arith.addi %parallel_loop3A_310, %parallel_loop3A_326 : vector<16xi32>
      %parallel_loop3A_328 = arith.constant 0 : i32
      %parallel_loop3A_329 = arith.constant 0 : i32
      %parallel_loop3A_330 = tpu.memref_slice %arg10[%parallel_loop3A_30, %parallel_loop3A_328, %parallel_loop3A_329] : memref<2x512x64xf32, #tpu.memory_space<vmem>> -> memref<1x500x64xf32, #tpu.memory_space<vmem>>
      %parallel_loop3A_331 = tpu.memref_squeeze %parallel_loop3A_330 : memref<1x500x64xf32, #tpu.memory_space<vmem>> -> memref<500x64xf32, #tpu.memory_space<vmem>>
      %parallel_loop3A_332 = tpu.vector_load_idx %parallel_loop3A_331[%parallel_loop3A_304, %parallel_loop3A_327] : memref<500x64xf32, #tpu.memory_space<vmem>>[vector<16xi32>, vector<16xi32>], vector<16xf32>,
      %parallel_loop3A_333 = arith.constant 16 : i32
      %parallel_loop3A_334 = arith.muli %parallel_loop3A_294, %parallel_loop3A_333 : i32
      %parallel_loop3A_335 = arith.constant 1 : i32
      %parallel_loop3A_336 = arith.index_cast %parallel_loop3A_335 : i32 to index
      %parallel_loop3A_337 = arith.index_cast %parallel_loop3A_334 : i32 to index
      %parallel_loop3A_338 = tpu.vector_load %arg11[%parallel_loop3A_336, %parallel_loop3A_337] {strides = array<i32>} : memref<32x1008xf32, #tpu.memory_space<vmem>>, vector<16xf32>,
      tpu.vector_store %arg11[%parallel_loop3A_336, %parallel_loop3A_337], %parallel_loop3A_332 {strides = array<i32>} : memref<32x1008xf32, #tpu.memory_space<vmem>>, vector<16xf32>,
      %parallel_loop3A_339 = arith.constant 2 : i32
      %parallel_loop3A_340 = vector.broadcast %parallel_loop3A_339 : i32 to vector<16xi32>
      %parallel_loop3A_341 = arith.addi %parallel_loop3A_310, %parallel_loop3A_340 : vector<16xi32>
      %parallel_loop3A_342 = arith.constant 0 : i32
      %parallel_loop3A_343 = arith.constant 0 : i32
      %parallel_loop3A_344 = tpu.memref_slice %arg10[%parallel_loop3A_30, %parallel_loop3A_342, %parallel_loop3A_343] : memref<2x512x64xf32, #tpu.memory_space<vmem>> -> memref<1x500x64xf32, #tpu.memory_space<vmem>>
      %parallel_loop3A_345 = tpu.memref_squeeze %parallel_loop3A_344 : memref<1x500x64xf32, #tpu.memory_space<vmem>> -> memref<500x64xf32, #tpu.memory_space<vmem>>
      %parallel_loop3A_346 = tpu.vector_load_idx %parallel_loop3A_345[%parallel_loop3A_304, %parallel_loop3A_341] : memref<500x64xf32, #tpu.memory_space<vmem>>[vector<16xi32>, vector<16xi32>], vector<16xf32>,
      %parallel_loop3A_347 = arith.constant 16 : i32
      %parallel_loop3A_348 = arith.muli %parallel_loop3A_294, %parallel_loop3A_347 : i32
      %parallel_loop3A_349 = arith.constant 2 : i32
      %parallel_loop3A_350 = arith.index_cast %parallel_loop3A_349 : i32 to index
      %parallel_loop3A_351 = arith.index_cast %parallel_loop3A_348 : i32 to index
      %parallel_loop3A_352 = tpu.vector_load %arg11[%parallel_loop3A_350, %parallel_loop3A_351] {strides = array<i32>} : memref<32x1008xf32, #tpu.memory_space<vmem>>, vector<16xf32>,
      tpu.vector_store %arg11[%parallel_loop3A_350, %parallel_loop3A_351], %parallel_loop3A_346 {strides = array<i32>} : memref<32x1008xf32, #tpu.memory_space<vmem>>, vector<16xf32>,
      %parallel_loop3A_353 = arith.constant 3 : i32
      %parallel_loop3A_354 = vector.broadcast %parallel_loop3A_353 : i32 to vector<16xi32>
      %parallel_loop3A_355 = arith.addi %parallel_loop3A_310, %parallel_loop3A_354 : vector<16xi32>
      %parallel_loop3A_356 = arith.constant 0 : i32
      %parallel_loop3A_357 = arith.constant 0 : i32
      %parallel_loop3A_358 = tpu.memref_slice %arg10[%parallel_loop3A_30, %parallel_loop3A_356, %parallel_loop3A_357] : memref<2x512x64xf32, #tpu.memory_space<vmem>> -> memref<1x500x64xf32, #tpu.memory_space<vmem>>
      %parallel_loop3A_359 = tpu.memref_squeeze %parallel_loop3A_358 : memref<1x500x64xf32, #tpu.memory_space<vmem>> -> memref<500x64xf32, #tpu.memory_space<vmem>>
      %parallel_loop3A_360 = tpu.vector_load_idx %parallel_loop3A_359[%parallel_loop3A_304, %parallel_loop3A_355] : memref<500x64xf32, #tpu.memory_space<vmem>>[vector<16xi32>, vector<16xi32>], vector<16xf32>,
      %parallel_loop3A_361 = arith.constant 16 : i32
      %parallel_loop3A_362 = arith.muli %parallel_loop3A_294, %parallel_loop3A_361 : i32
      %parallel_loop3A_363 = arith.constant 3 : i32
      %parallel_loop3A_364 = arith.index_cast %parallel_loop3A_363 : i32 to index
      %parallel_loop3A_365 = arith.index_cast %parallel_loop3A_362 : i32 to index
      %parallel_loop3A_366 = tpu.vector_load %arg11[%parallel_loop3A_364, %parallel_loop3A_365] {strides = array<i32>} : memref<32x1008xf32, #tpu.memory_space<vmem>>, vector<16xf32>,
      tpu.vector_store %arg11[%parallel_loop3A_364, %parallel_loop3A_365], %parallel_loop3A_360 {strides = array<i32>} : memref<32x1008xf32, #tpu.memory_space<vmem>>, vector<16xf32>,
      %parallel_loop3A_367 = arith.constant 4 : i32
      %parallel_loop3A_368 = vector.broadcast %parallel_loop3A_367 : i32 to vector<16xi32>
      %parallel_loop3A_369 = arith.addi %parallel_loop3A_310, %parallel_loop3A_368 : vector<16xi32>
      %parallel_loop3A_370 = arith.constant 0 : i32
      %parallel_loop3A_371 = arith.constant 0 : i32
      %parallel_loop3A_372 = tpu.memref_slice %arg10[%parallel_loop3A_30, %parallel_loop3A_370, %parallel_loop3A_371] : memref<2x512x64xf32, #tpu.memory_space<vmem>> -> memref<1x500x64xf32, #tpu.memory_space<vmem>>
      %parallel_loop3A_373 = tpu.memref_squeeze %parallel_loop3A_372 : memref<1x500x64xf32, #tpu.memory_space<vmem>> -> memref<500x64xf32, #tpu.memory_space<vmem>>
      %parallel_loop3A_374 = tpu.vector_load_idx %parallel_loop3A_373[%parallel_loop3A_304, %parallel_loop3A_369] : memref<500x64xf32, #tpu.memory_space<vmem>>[vector<16xi32>, vector<16xi32>], vector<16xf32>,
      %parallel_loop3A_375 = arith.constant 16 : i32
      %parallel_loop3A_376 = arith.muli %parallel_loop3A_294, %parallel_loop3A_375 : i32
      %parallel_loop3A_377 = arith.constant 4 : i32
      %parallel_loop3A_378 = arith.index_cast %parallel_loop3A_377 : i32 to index
      %parallel_loop3A_379 = arith.index_cast %parallel_loop3A_376 : i32 to index
      %parallel_loop3A_380 = tpu.vector_load %arg11[%parallel_loop3A_378, %parallel_loop3A_379] {strides = array<i32>} : memref<32x1008xf32, #tpu.memory_space<vmem>>, vector<16xf32>,
      tpu.vector_store %arg11[%parallel_loop3A_378, %parallel_loop3A_379], %parallel_loop3A_374 {strides = array<i32>} : memref<32x1008xf32, #tpu.memory_space<vmem>>, vector<16xf32>,
      %parallel_loop3A_381 = arith.constant 5 : i32
      %parallel_loop3A_382 = vector.broadcast %parallel_loop3A_381 : i32 to vector<16xi32>
      %parallel_loop3A_383 = arith.addi %parallel_loop3A_310, %parallel_loop3A_382 : vector<16xi32>
      %parallel_loop3A_384 = arith.constant 0 : i32
      %parallel_loop3A_385 = arith.constant 0 : i32
      %parallel_loop3A_386 = tpu.memref_slice %arg10[%parallel_loop3A_30, %parallel_loop3A_384, %parallel_loop3A_385] : memref<2x512x64xf32, #tpu.memory_space<vmem>> -> memref<1x500x64xf32, #tpu.memory_space<vmem>>
      %parallel_loop3A_387 = tpu.memref_squeeze %parallel_loop3A_386 : memref<1x500x64xf32, #tpu.memory_space<vmem>> -> memref<500x64xf32, #tpu.memory_space<vmem>>
      %parallel_loop3A_388 = tpu.vector_load_idx %parallel_loop3A_387[%parallel_loop3A_304, %parallel_loop3A_383] : memref<500x64xf32, #tpu.memory_space<vmem>>[vector<16xi32>, vector<16xi32>], vector<16xf32>,
      %parallel_loop3A_389 = arith.constant 16 : i32
      %parallel_loop3A_390 = arith.muli %parallel_loop3A_294, %parallel_loop3A_389 : i32
      %parallel_loop3A_391 = arith.constant 5 : i32
      %parallel_loop3A_392 = arith.index_cast %parallel_loop3A_391 : i32 to index
      %parallel_loop3A_393 = arith.index_cast %parallel_loop3A_390 : i32 to index
      %parallel_loop3A_394 = tpu.vector_load %arg11[%parallel_loop3A_392, %parallel_loop3A_393] {strides = array<i32>} : memref<32x1008xf32, #tpu.memory_space<vmem>>, vector<16xf32>,
      tpu.vector_store %arg11[%parallel_loop3A_392, %parallel_loop3A_393], %parallel_loop3A_388 {strides = array<i32>} : memref<32x1008xf32, #tpu.memory_space<vmem>>, vector<16xf32>,
      %parallel_loop3A_395 = arith.constant 6 : i32
      %parallel_loop3A_396 = vector.broadcast %parallel_loop3A_395 : i32 to vector<16xi32>
      %parallel_loop3A_397 = arith.addi %parallel_loop3A_310, %parallel_loop3A_396 : vector<16xi32>
      %parallel_loop3A_398 = arith.constant 0 : i32
      %parallel_loop3A_399 = arith.constant 0 : i32
      %parallel_loop3A_400 = tpu.memref_slice %arg10[%parallel_loop3A_30, %parallel_loop3A_398, %parallel_loop3A_399] : memref<2x512x64xf32, #tpu.memory_space<vmem>> -> memref<1x500x64xf32, #tpu.memory_space<vmem>>
      %parallel_loop3A_401 = tpu.memref_squeeze %parallel_loop3A_400 : memref<1x500x64xf32, #tpu.memory_space<vmem>> -> memref<500x64xf32, #tpu.memory_space<vmem>>
      %parallel_loop3A_402 = tpu.vector_load_idx %parallel_loop3A_401[%parallel_loop3A_304, %parallel_loop3A_397] : memref<500x64xf32, #tpu.memory_space<vmem>>[vector<16xi32>, vector<16xi32>], vector<16xf32>,
      %parallel_loop3A_403 = arith.constant 16 : i32
      %parallel_loop3A_404 = arith.muli %parallel_loop3A_294, %parallel_loop3A_403 : i32
      %parallel_loop3A_405 = arith.constant 6 : i32
      %parallel_loop3A_406 = arith.index_cast %parallel_loop3A_405 : i32 to index
      %parallel_loop3A_407 = arith.index_cast %parallel_loop3A_404 : i32 to index
      %parallel_loop3A_408 = tpu.vector_load %arg11[%parallel_loop3A_406, %parallel_loop3A_407] {strides = array<i32>} : memref<32x1008xf32, #tpu.memory_space<vmem>>, vector<16xf32>,
      tpu.vector_store %arg11[%parallel_loop3A_406, %parallel_loop3A_407], %parallel_loop3A_402 {strides = array<i32>} : memref<32x1008xf32, #tpu.memory_space<vmem>>, vector<16xf32>,
      %parallel_loop3A_409 = arith.constant 7 : i32
      %parallel_loop3A_410 = vector.broadcast %parallel_loop3A_409 : i32 to vector<16xi32>
      %parallel_loop3A_411 = arith.addi %parallel_loop3A_310, %parallel_loop3A_410 : vector<16xi32>
      %parallel_loop3A_412 = arith.constant 0 : i32
      %parallel_loop3A_413 = arith.constant 0 : i32
      %parallel_loop3A_414 = tpu.memref_slice %arg10[%parallel_loop3A_30, %parallel_loop3A_412, %parallel_loop3A_413] : memref<2x512x64xf32, #tpu.memory_space<vmem>> -> memref<1x500x64xf32, #tpu.memory_space<vmem>>
      %parallel_loop3A_415 = tpu.memref_squeeze %parallel_loop3A_414 : memref<1x500x64xf32, #tpu.memory_space<vmem>> -> memref<500x64xf32, #tpu.memory_space<vmem>>
      %parallel_loop3A_416 = tpu.vector_load_idx %parallel_loop3A_415[%parallel_loop3A_304, %parallel_loop3A_411] : memref<500x64xf32, #tpu.memory_space<vmem>>[vector<16xi32>, vector<16xi32>], vector<16xf32>,
      %parallel_loop3A_417 = arith.constant 16 : i32
      %parallel_loop3A_418 = arith.muli %parallel_loop3A_294, %parallel_loop3A_417 : i32
      %parallel_loop3A_419 = arith.constant 7 : i32
      %parallel_loop3A_420 = arith.index_cast %parallel_loop3A_419 : i32 to index
      %parallel_loop3A_421 = arith.index_cast %parallel_loop3A_418 : i32 to index
      %parallel_loop3A_422 = tpu.vector_load %arg11[%parallel_loop3A_420, %parallel_loop3A_421] {strides = array<i32>} : memref<32x1008xf32, #tpu.memory_space<vmem>>, vector<16xf32>,
      tpu.vector_store %arg11[%parallel_loop3A_420, %parallel_loop3A_421], %parallel_loop3A_416 {strides = array<i32>} : memref<32x1008xf32, #tpu.memory_space<vmem>>, vector<16xf32>,
      %parallel_loop3A_423 = arith.constant 8 : i32
      %parallel_loop3A_424 = vector.broadcast %parallel_loop3A_423 : i32 to vector<16xi32>
      %parallel_loop3A_425 = arith.addi %parallel_loop3A_310, %parallel_loop3A_424 : vector<16xi32>
      %parallel_loop3A_426 = arith.constant 0 : i32
      %parallel_loop3A_427 = arith.constant 0 : i32
      %parallel_loop3A_428 = tpu.memref_slice %arg10[%parallel_loop3A_30, %parallel_loop3A_426, %parallel_loop3A_427] : memref<2x512x64xf32, #tpu.memory_space<vmem>> -> memref<1x500x64xf32, #tpu.memory_space<vmem>>
      %parallel_loop3A_429 = tpu.memref_squeeze %parallel_loop3A_428 : memref<1x500x64xf32, #tpu.memory_space<vmem>> -> memref<500x64xf32, #tpu.memory_space<vmem>>
      %parallel_loop3A_430 = tpu.vector_load_idx %parallel_loop3A_429[%parallel_loop3A_304, %parallel_loop3A_425] : memref<500x64xf32, #tpu.memory_space<vmem>>[vector<16xi32>, vector<16xi32>], vector<16xf32>,
      %parallel_loop3A_431 = arith.constant 16 : i32
      %parallel_loop3A_432 = arith.muli %parallel_loop3A_294, %parallel_loop3A_431 : i32
      %parallel_loop3A_433 = arith.constant 8 : i32
      %parallel_loop3A_434 = arith.index_cast %parallel_loop3A_433 : i32 to index
      %parallel_loop3A_435 = arith.index_cast %parallel_loop3A_432 : i32 to index
      %parallel_loop3A_436 = tpu.vector_load %arg11[%parallel_loop3A_434, %parallel_loop3A_435] {strides = array<i32>} : memref<32x1008xf32, #tpu.memory_space<vmem>>, vector<16xf32>,
      tpu.vector_store %arg11[%parallel_loop3A_434, %parallel_loop3A_435], %parallel_loop3A_430 {strides = array<i32>} : memref<32x1008xf32, #tpu.memory_space<vmem>>, vector<16xf32>,
      %parallel_loop3A_437 = arith.constant 9 : i32
      %parallel_loop3A_438 = vector.broadcast %parallel_loop3A_437 : i32 to vector<16xi32>
      %parallel_loop3A_439 = arith.addi %parallel_loop3A_310, %parallel_loop3A_438 : vector<16xi32>
      %parallel_loop3A_440 = arith.constant 0 : i32
      %parallel_loop3A_441 = arith.constant 0 : i32
      %parallel_loop3A_442 = tpu.memref_slice %arg10[%parallel_loop3A_30, %parallel_loop3A_440, %parallel_loop3A_441] : memref<2x512x64xf32, #tpu.memory_space<vmem>> -> memref<1x500x64xf32, #tpu.memory_space<vmem>>
      %parallel_loop3A_443 = tpu.memref_squeeze %parallel_loop3A_442 : memref<1x500x64xf32, #tpu.memory_space<vmem>> -> memref<500x64xf32, #tpu.memory_space<vmem>>
      %parallel_loop3A_444 = tpu.vector_load_idx %parallel_loop3A_443[%parallel_loop3A_304, %parallel_loop3A_439] : memref<500x64xf32, #tpu.memory_space<vmem>>[vector<16xi32>, vector<16xi32>], vector<16xf32>,
      %parallel_loop3A_445 = arith.constant 16 : i32
      %parallel_loop3A_446 = arith.muli %parallel_loop3A_294, %parallel_loop3A_445 : i32
      %parallel_loop3A_447 = arith.constant 9 : i32
      %parallel_loop3A_448 = arith.index_cast %parallel_loop3A_447 : i32 to index
      %parallel_loop3A_449 = arith.index_cast %parallel_loop3A_446 : i32 to index
      %parallel_loop3A_450 = tpu.vector_load %arg11[%parallel_loop3A_448, %parallel_loop3A_449] {strides = array<i32>} : memref<32x1008xf32, #tpu.memory_space<vmem>>, vector<16xf32>,
      tpu.vector_store %arg11[%parallel_loop3A_448, %parallel_loop3A_449], %parallel_loop3A_444 {strides = array<i32>} : memref<32x1008xf32, #tpu.memory_space<vmem>>, vector<16xf32>,
      %parallel_loop3A_451 = arith.constant 10 : i32
      %parallel_loop3A_452 = vector.broadcast %parallel_loop3A_451 : i32 to vector<16xi32>
      %parallel_loop3A_453 = arith.addi %parallel_loop3A_310, %parallel_loop3A_452 : vector<16xi32>
      %parallel_loop3A_454 = arith.constant 0 : i32
      %parallel_loop3A_455 = arith.constant 0 : i32
      %parallel_loop3A_456 = tpu.memref_slice %arg10[%parallel_loop3A_30, %parallel_loop3A_454, %parallel_loop3A_455] : memref<2x512x64xf32, #tpu.memory_space<vmem>> -> memref<1x500x64xf32, #tpu.memory_space<vmem>>
      %parallel_loop3A_457 = tpu.memref_squeeze %parallel_loop3A_456 : memref<1x500x64xf32, #tpu.memory_space<vmem>> -> memref<500x64xf32, #tpu.memory_space<vmem>>
      %parallel_loop3A_458 = tpu.vector_load_idx %parallel_loop3A_457[%parallel_loop3A_304, %parallel_loop3A_453] : memref<500x64xf32, #tpu.memory_space<vmem>>[vector<16xi32>, vector<16xi32>], vector<16xf32>,
      %parallel_loop3A_459 = arith.constant 16 : i32
      %parallel_loop3A_460 = arith.muli %parallel_loop3A_294, %parallel_loop3A_459 : i32
      %parallel_loop3A_461 = arith.constant 10 : i32
      %parallel_loop3A_462 = arith.index_cast %parallel_loop3A_461 : i32 to index
      %parallel_loop3A_463 = arith.index_cast %parallel_loop3A_460 : i32 to index
      %parallel_loop3A_464 = tpu.vector_load %arg11[%parallel_loop3A_462, %parallel_loop3A_463] {strides = array<i32>} : memref<32x1008xf32, #tpu.memory_space<vmem>>, vector<16xf32>,
      tpu.vector_store %arg11[%parallel_loop3A_462, %parallel_loop3A_463], %parallel_loop3A_458 {strides = array<i32>} : memref<32x1008xf32, #tpu.memory_space<vmem>>, vector<16xf32>,
      %parallel_loop3A_465 = arith.constant 11 : i32
      %parallel_loop3A_466 = vector.broadcast %parallel_loop3A_465 : i32 to vector<16xi32>
      %parallel_loop3A_467 = arith.addi %parallel_loop3A_310, %parallel_loop3A_466 : vector<16xi32>
      %parallel_loop3A_468 = arith.constant 0 : i32
      %parallel_loop3A_469 = arith.constant 0 : i32
      %parallel_loop3A_470 = tpu.memref_slice %arg10[%parallel_loop3A_30, %parallel_loop3A_468, %parallel_loop3A_469] : memref<2x512x64xf32, #tpu.memory_space<vmem>> -> memref<1x500x64xf32, #tpu.memory_space<vmem>>
      %parallel_loop3A_471 = tpu.memref_squeeze %parallel_loop3A_470 : memref<1x500x64xf32, #tpu.memory_space<vmem>> -> memref<500x64xf32, #tpu.memory_space<vmem>>
      %parallel_loop3A_472 = tpu.vector_load_idx %parallel_loop3A_471[%parallel_loop3A_304, %parallel_loop3A_467] : memref<500x64xf32, #tpu.memory_space<vmem>>[vector<16xi32>, vector<16xi32>], vector<16xf32>,
      %parallel_loop3A_473 = arith.constant 16 : i32
      %parallel_loop3A_474 = arith.muli %parallel_loop3A_294, %parallel_loop3A_473 : i32
      %parallel_loop3A_475 = arith.constant 11 : i32
      %parallel_loop3A_476 = arith.index_cast %parallel_loop3A_475 : i32 to index
      %parallel_loop3A_477 = arith.index_cast %parallel_loop3A_474 : i32 to index
      %parallel_loop3A_478 = tpu.vector_load %arg11[%parallel_loop3A_476, %parallel_loop3A_477] {strides = array<i32>} : memref<32x1008xf32, #tpu.memory_space<vmem>>, vector<16xf32>,
      tpu.vector_store %arg11[%parallel_loop3A_476, %parallel_loop3A_477], %parallel_loop3A_472 {strides = array<i32>} : memref<32x1008xf32, #tpu.memory_space<vmem>>, vector<16xf32>,
      %parallel_loop3A_479 = arith.constant 12 : i32
      %parallel_loop3A_480 = vector.broadcast %parallel_loop3A_479 : i32 to vector<16xi32>
      %parallel_loop3A_481 = arith.addi %parallel_loop3A_310, %parallel_loop3A_480 : vector<16xi32>
      %parallel_loop3A_482 = arith.constant 0 : i32
      %parallel_loop3A_483 = arith.constant 0 : i32
      %parallel_loop3A_484 = tpu.memref_slice %arg10[%parallel_loop3A_30, %parallel_loop3A_482, %parallel_loop3A_483] : memref<2x512x64xf32, #tpu.memory_space<vmem>> -> memref<1x500x64xf32, #tpu.memory_space<vmem>>
      %parallel_loop3A_485 = tpu.memref_squeeze %parallel_loop3A_484 : memref<1x500x64xf32, #tpu.memory_space<vmem>> -> memref<500x64xf32, #tpu.memory_space<vmem>>
      %parallel_loop3A_486 = tpu.vector_load_idx %parallel_loop3A_485[%parallel_loop3A_304, %parallel_loop3A_481] : memref<500x64xf32, #tpu.memory_space<vmem>>[vector<16xi32>, vector<16xi32>], vector<16xf32>,
      %parallel_loop3A_487 = arith.constant 16 : i32
      %parallel_loop3A_488 = arith.muli %parallel_loop3A_294, %parallel_loop3A_487 : i32
      %parallel_loop3A_489 = arith.constant 12 : i32
      %parallel_loop3A_490 = arith.index_cast %parallel_loop3A_489 : i32 to index
      %parallel_loop3A_491 = arith.index_cast %parallel_loop3A_488 : i32 to index
      %parallel_loop3A_492 = tpu.vector_load %arg11[%parallel_loop3A_490, %parallel_loop3A_491] {strides = array<i32>} : memref<32x1008xf32, #tpu.memory_space<vmem>>, vector<16xf32>,
      tpu.vector_store %arg11[%parallel_loop3A_490, %parallel_loop3A_491], %parallel_loop3A_486 {strides = array<i32>} : memref<32x1008xf32, #tpu.memory_space<vmem>>, vector<16xf32>,
      %parallel_loop3A_493 = arith.constant 13 : i32
      %parallel_loop3A_494 = vector.broadcast %parallel_loop3A_493 : i32 to vector<16xi32>
      %parallel_loop3A_495 = arith.addi %parallel_loop3A_310, %parallel_loop3A_494 : vector<16xi32>
      %parallel_loop3A_496 = arith.constant 0 : i32
      %parallel_loop3A_497 = arith.constant 0 : i32
      %parallel_loop3A_498 = tpu.memref_slice %arg10[%parallel_loop3A_30, %parallel_loop3A_496, %parallel_loop3A_497] : memref<2x512x64xf32, #tpu.memory_space<vmem>> -> memref<1x500x64xf32, #tpu.memory_space<vmem>>
      %parallel_loop3A_499 = tpu.memref_squeeze %parallel_loop3A_498 : memref<1x500x64xf32, #tpu.memory_space<vmem>> -> memref<500x64xf32, #tpu.memory_space<vmem>>
      %parallel_loop3A_500 = tpu.vector_load_idx %parallel_loop3A_499[%parallel_loop3A_304, %parallel_loop3A_495] : memref<500x64xf32, #tpu.memory_space<vmem>>[vector<16xi32>, vector<16xi32>], vector<16xf32>,
      %parallel_loop3A_501 = arith.constant 16 : i32
      %parallel_loop3A_502 = arith.muli %parallel_loop3A_294, %parallel_loop3A_501 : i32
      %parallel_loop3A_503 = arith.constant 13 : i32
      %parallel_loop3A_504 = arith.index_cast %parallel_loop3A_503 : i32 to index
      %parallel_loop3A_505 = arith.index_cast %parallel_loop3A_502 : i32 to index
      %parallel_loop3A_506 = tpu.vector_load %arg11[%parallel_loop3A_504, %parallel_loop3A_505] {strides = array<i32>} : memref<32x1008xf32, #tpu.memory_space<vmem>>, vector<16xf32>,
      tpu.vector_store %arg11[%parallel_loop3A_504, %parallel_loop3A_505], %parallel_loop3A_500 {strides = array<i32>} : memref<32x1008xf32, #tpu.memory_space<vmem>>, vector<16xf32>,
      %parallel_loop3A_507 = arith.constant 14 : i32
      %parallel_loop3A_508 = vector.broadcast %parallel_loop3A_507 : i32 to vector<16xi32>
      %parallel_loop3A_509 = arith.addi %parallel_loop3A_310, %parallel_loop3A_508 : vector<16xi32>
      %parallel_loop3A_510 = arith.constant 0 : i32
      %parallel_loop3A_511 = arith.constant 0 : i32
      %parallel_loop3A_512 = tpu.memref_slice %arg10[%parallel_loop3A_30, %parallel_loop3A_510, %parallel_loop3A_511] : memref<2x512x64xf32, #tpu.memory_space<vmem>> -> memref<1x500x64xf32, #tpu.memory_space<vmem>>
      %parallel_loop3A_513 = tpu.memref_squeeze %parallel_loop3A_512 : memref<1x500x64xf32, #tpu.memory_space<vmem>> -> memref<500x64xf32, #tpu.memory_space<vmem>>
      %parallel_loop3A_514 = tpu.vector_load_idx %parallel_loop3A_513[%parallel_loop3A_304, %parallel_loop3A_509] : memref<500x64xf32, #tpu.memory_space<vmem>>[vector<16xi32>, vector<16xi32>], vector<16xf32>,
      %parallel_loop3A_515 = arith.constant 16 : i32
      %parallel_loop3A_516 = arith.muli %parallel_loop3A_294, %parallel_loop3A_515 : i32
      %parallel_loop3A_517 = arith.constant 14 : i32
      %parallel_loop3A_518 = arith.index_cast %parallel_loop3A_517 : i32 to index
      %parallel_loop3A_519 = arith.index_cast %parallel_loop3A_516 : i32 to index
      %parallel_loop3A_520 = tpu.vector_load %arg11[%parallel_loop3A_518, %parallel_loop3A_519] {strides = array<i32>} : memref<32x1008xf32, #tpu.memory_space<vmem>>, vector<16xf32>,
      tpu.vector_store %arg11[%parallel_loop3A_518, %parallel_loop3A_519], %parallel_loop3A_514 {strides = array<i32>} : memref<32x1008xf32, #tpu.memory_space<vmem>>, vector<16xf32>,
      %parallel_loop3A_521 = arith.constant 15 : i32
      %parallel_loop3A_522 = vector.broadcast %parallel_loop3A_521 : i32 to vector<16xi32>
      %parallel_loop3A_523 = arith.addi %parallel_loop3A_310, %parallel_loop3A_522 : vector<16xi32>
      %parallel_loop3A_524 = arith.constant 0 : i32
      %parallel_loop3A_525 = arith.constant 0 : i32
      %parallel_loop3A_526 = tpu.memref_slice %arg10[%parallel_loop3A_30, %parallel_loop3A_524, %parallel_loop3A_525] : memref<2x512x64xf32, #tpu.memory_space<vmem>> -> memref<1x500x64xf32, #tpu.memory_space<vmem>>
      %parallel_loop3A_527 = tpu.memref_squeeze %parallel_loop3A_526 : memref<1x500x64xf32, #tpu.memory_space<vmem>> -> memref<500x64xf32, #tpu.memory_space<vmem>>
      %parallel_loop3A_528 = tpu.vector_load_idx %parallel_loop3A_527[%parallel_loop3A_304, %parallel_loop3A_523] : memref<500x64xf32, #tpu.memory_space<vmem>>[vector<16xi32>, vector<16xi32>], vector<16xf32>,
      %parallel_loop3A_529 = arith.constant 16 : i32
      %parallel_loop3A_530 = arith.muli %parallel_loop3A_294, %parallel_loop3A_529 : i32
      %parallel_loop3A_531 = arith.constant 15 : i32
      %parallel_loop3A_532 = arith.index_cast %parallel_loop3A_531 : i32 to index
      %parallel_loop3A_533 = arith.index_cast %parallel_loop3A_530 : i32 to index
      %parallel_loop3A_534 = tpu.vector_load %arg11[%parallel_loop3A_532, %parallel_loop3A_533] {strides = array<i32>} : memref<32x1008xf32, #tpu.memory_space<vmem>>, vector<16xf32>,
      tpu.vector_store %arg11[%parallel_loop3A_532, %parallel_loop3A_533], %parallel_loop3A_528 {strides = array<i32>} : memref<32x1008xf32, #tpu.memory_space<vmem>>, vector<16xf32>,
      %parallel_loop3A_535 = arith.constant 16 : i32
      %parallel_loop3A_536 = vector.broadcast %parallel_loop3A_535 : i32 to vector<16xi32>
      %parallel_loop3A_537 = arith.addi %parallel_loop3A_310, %parallel_loop3A_536 : vector<16xi32>
      %parallel_loop3A_538 = arith.constant 0 : i32
      %parallel_loop3A_539 = arith.constant 0 : i32
      %parallel_loop3A_540 = tpu.memref_slice %arg10[%parallel_loop3A_30, %parallel_loop3A_538, %parallel_loop3A_539] : memref<2x512x64xf32, #tpu.memory_space<vmem>> -> memref<1x500x64xf32, #tpu.memory_space<vmem>>
      %parallel_loop3A_541 = tpu.memref_squeeze %parallel_loop3A_540 : memref<1x500x64xf32, #tpu.memory_space<vmem>> -> memref<500x64xf32, #tpu.memory_space<vmem>>
      %parallel_loop3A_542 = tpu.vector_load_idx %parallel_loop3A_541[%parallel_loop3A_304, %parallel_loop3A_537] : memref<500x64xf32, #tpu.memory_space<vmem>>[vector<16xi32>, vector<16xi32>], vector<16xf32>,
      %parallel_loop3A_543 = arith.constant 16 : i32
      %parallel_loop3A_544 = arith.muli %parallel_loop3A_294, %parallel_loop3A_543 : i32
      %parallel_loop3A_545 = arith.constant 16 : i32
      %parallel_loop3A_546 = arith.index_cast %parallel_loop3A_545 : i32 to index
      %parallel_loop3A_547 = arith.index_cast %parallel_loop3A_544 : i32 to index
      %parallel_loop3A_548 = tpu.vector_load %arg11[%parallel_loop3A_546, %parallel_loop3A_547] {strides = array<i32>} : memref<32x1008xf32, #tpu.memory_space<vmem>>, vector<16xf32>,
      tpu.vector_store %arg11[%parallel_loop3A_546, %parallel_loop3A_547], %parallel_loop3A_542 {strides = array<i32>} : memref<32x1008xf32, #tpu.memory_space<vmem>>, vector<16xf32>,
      %parallel_loop3A_549 = arith.constant 17 : i32
      %parallel_loop3A_550 = vector.broadcast %parallel_loop3A_549 : i32 to vector<16xi32>
      %parallel_loop3A_551 = arith.addi %parallel_loop3A_310, %parallel_loop3A_550 : vector<16xi32>
      %parallel_loop3A_552 = arith.constant 0 : i32
      %parallel_loop3A_553 = arith.constant 0 : i32
      %parallel_loop3A_554 = tpu.memref_slice %arg10[%parallel_loop3A_30, %parallel_loop3A_552, %parallel_loop3A_553] : memref<2x512x64xf32, #tpu.memory_space<vmem>> -> memref<1x500x64xf32, #tpu.memory_space<vmem>>
      %parallel_loop3A_555 = tpu.memref_squeeze %parallel_loop3A_554 : memref<1x500x64xf32, #tpu.memory_space<vmem>> -> memref<500x64xf32, #tpu.memory_space<vmem>>
      %parallel_loop3A_556 = tpu.vector_load_idx %parallel_loop3A_555[%parallel_loop3A_304, %parallel_loop3A_551] : memref<500x64xf32, #tpu.memory_space<vmem>>[vector<16xi32>, vector<16xi32>], vector<16xf32>,
      %parallel_loop3A_557 = arith.constant 16 : i32
      %parallel_loop3A_558 = arith.muli %parallel_loop3A_294, %parallel_loop3A_557 : i32
      %parallel_loop3A_559 = arith.constant 17 : i32
      %parallel_loop3A_560 = arith.index_cast %parallel_loop3A_559 : i32 to index
      %parallel_loop3A_561 = arith.index_cast %parallel_loop3A_558 : i32 to index
      %parallel_loop3A_562 = tpu.vector_load %arg11[%parallel_loop3A_560, %parallel_loop3A_561] {strides = array<i32>} : memref<32x1008xf32, #tpu.memory_space<vmem>>, vector<16xf32>,
      tpu.vector_store %arg11[%parallel_loop3A_560, %parallel_loop3A_561], %parallel_loop3A_556 {strides = array<i32>} : memref<32x1008xf32, #tpu.memory_space<vmem>>, vector<16xf32>,
      %parallel_loop3A_563 = arith.constant 18 : i32
      %parallel_loop3A_564 = vector.broadcast %parallel_loop3A_563 : i32 to vector<16xi32>
      %parallel_loop3A_565 = arith.addi %parallel_loop3A_310, %parallel_loop3A_564 : vector<16xi32>
      %parallel_loop3A_566 = arith.constant 0 : i32
      %parallel_loop3A_567 = arith.constant 0 : i32
      %parallel_loop3A_568 = tpu.memref_slice %arg10[%parallel_loop3A_30, %parallel_loop3A_566, %parallel_loop3A_567] : memref<2x512x64xf32, #tpu.memory_space<vmem>> -> memref<1x500x64xf32, #tpu.memory_space<vmem>>
      %parallel_loop3A_569 = tpu.memref_squeeze %parallel_loop3A_568 : memref<1x500x64xf32, #tpu.memory_space<vmem>> -> memref<500x64xf32, #tpu.memory_space<vmem>>
      %parallel_loop3A_570 = tpu.vector_load_idx %parallel_loop3A_569[%parallel_loop3A_304, %parallel_loop3A_565] : memref<500x64xf32, #tpu.memory_space<vmem>>[vector<16xi32>, vector<16xi32>], vector<16xf32>,
      %parallel_loop3A_571 = arith.constant 16 : i32
      %parallel_loop3A_572 = arith.muli %parallel_loop3A_294, %parallel_loop3A_571 : i32
      %parallel_loop3A_573 = arith.constant 18 : i32
      %parallel_loop3A_574 = arith.index_cast %parallel_loop3A_573 : i32 to index
      %parallel_loop3A_575 = arith.index_cast %parallel_loop3A_572 : i32 to index
      %parallel_loop3A_576 = tpu.vector_load %arg11[%parallel_loop3A_574, %parallel_loop3A_575] {strides = array<i32>} : memref<32x1008xf32, #tpu.memory_space<vmem>>, vector<16xf32>,
      tpu.vector_store %arg11[%parallel_loop3A_574, %parallel_loop3A_575], %parallel_loop3A_570 {strides = array<i32>} : memref<32x1008xf32, #tpu.memory_space<vmem>>, vector<16xf32>,
      %parallel_loop3A_577 = arith.constant 19 : i32
      %parallel_loop3A_578 = vector.broadcast %parallel_loop3A_577 : i32 to vector<16xi32>
      %parallel_loop3A_579 = arith.addi %parallel_loop3A_310, %parallel_loop3A_578 : vector<16xi32>
      %parallel_loop3A_580 = arith.constant 0 : i32
      %parallel_loop3A_581 = arith.constant 0 : i32
      %parallel_loop3A_582 = tpu.memref_slice %arg10[%parallel_loop3A_30, %parallel_loop3A_580, %parallel_loop3A_581] : memref<2x512x64xf32, #tpu.memory_space<vmem>> -> memref<1x500x64xf32, #tpu.memory_space<vmem>>
      %parallel_loop3A_583 = tpu.memref_squeeze %parallel_loop3A_582 : memref<1x500x64xf32, #tpu.memory_space<vmem>> -> memref<500x64xf32, #tpu.memory_space<vmem>>
      %parallel_loop3A_584 = tpu.vector_load_idx %parallel_loop3A_583[%parallel_loop3A_304, %parallel_loop3A_579] : memref<500x64xf32, #tpu.memory_space<vmem>>[vector<16xi32>, vector<16xi32>], vector<16xf32>,
      %parallel_loop3A_585 = arith.constant 16 : i32
      %parallel_loop3A_586 = arith.muli %parallel_loop3A_294, %parallel_loop3A_585 : i32
      %parallel_loop3A_587 = arith.constant 19 : i32
      %parallel_loop3A_588 = arith.index_cast %parallel_loop3A_587 : i32 to index
      %parallel_loop3A_589 = arith.index_cast %parallel_loop3A_586 : i32 to index
      %parallel_loop3A_590 = tpu.vector_load %arg11[%parallel_loop3A_588, %parallel_loop3A_589] {strides = array<i32>} : memref<32x1008xf32, #tpu.memory_space<vmem>>, vector<16xf32>,
      tpu.vector_store %arg11[%parallel_loop3A_588, %parallel_loop3A_589], %parallel_loop3A_584 {strides = array<i32>} : memref<32x1008xf32, #tpu.memory_space<vmem>>, vector<16xf32>,
      %parallel_loop3A_591 = arith.constant 20 : i32
      %parallel_loop3A_592 = vector.broadcast %parallel_loop3A_591 : i32 to vector<16xi32>
      %parallel_loop3A_593 = arith.addi %parallel_loop3A_310, %parallel_loop3A_592 : vector<16xi32>
      %parallel_loop3A_594 = arith.constant 0 : i32
      %parallel_loop3A_595 = arith.constant 0 : i32
      %parallel_loop3A_596 = tpu.memref_slice %arg10[%parallel_loop3A_30, %parallel_loop3A_594, %parallel_loop3A_595] : memref<2x512x64xf32, #tpu.memory_space<vmem>> -> memref<1x500x64xf32, #tpu.memory_space<vmem>>
      %parallel_loop3A_597 = tpu.memref_squeeze %parallel_loop3A_596 : memref<1x500x64xf32, #tpu.memory_space<vmem>> -> memref<500x64xf32, #tpu.memory_space<vmem>>
      %parallel_loop3A_598 = tpu.vector_load_idx %parallel_loop3A_597[%parallel_loop3A_304, %parallel_loop3A_593] : memref<500x64xf32, #tpu.memory_space<vmem>>[vector<16xi32>, vector<16xi32>], vector<16xf32>,
      %parallel_loop3A_599 = arith.constant 16 : i32
      %parallel_loop3A_600 = arith.muli %parallel_loop3A_294, %parallel_loop3A_599 : i32
      %parallel_loop3A_601 = arith.constant 20 : i32
      %parallel_loop3A_602 = arith.index_cast %parallel_loop3A_601 : i32 to index
      %parallel_loop3A_603 = arith.index_cast %parallel_loop3A_600 : i32 to index
      %parallel_loop3A_604 = tpu.vector_load %arg11[%parallel_loop3A_602, %parallel_loop3A_603] {strides = array<i32>} : memref<32x1008xf32, #tpu.memory_space<vmem>>, vector<16xf32>,
      tpu.vector_store %arg11[%parallel_loop3A_602, %parallel_loop3A_603], %parallel_loop3A_598 {strides = array<i32>} : memref<32x1008xf32, #tpu.memory_space<vmem>>, vector<16xf32>,
      %parallel_loop3A_605 = arith.constant 21 : i32
      %parallel_loop3A_606 = vector.broadcast %parallel_loop3A_605 : i32 to vector<16xi32>
      %parallel_loop3A_607 = arith.addi %parallel_loop3A_310, %parallel_loop3A_606 : vector<16xi32>
      %parallel_loop3A_608 = arith.constant 0 : i32
      %parallel_loop3A_609 = arith.constant 0 : i32
      %parallel_loop3A_610 = tpu.memref_slice %arg10[%parallel_loop3A_30, %parallel_loop3A_608, %parallel_loop3A_609] : memref<2x512x64xf32, #tpu.memory_space<vmem>> -> memref<1x500x64xf32, #tpu.memory_space<vmem>>
      %parallel_loop3A_611 = tpu.memref_squeeze %parallel_loop3A_610 : memref<1x500x64xf32, #tpu.memory_space<vmem>> -> memref<500x64xf32, #tpu.memory_space<vmem>>
      %parallel_loop3A_612 = tpu.vector_load_idx %parallel_loop3A_611[%parallel_loop3A_304, %parallel_loop3A_607] : memref<500x64xf32, #tpu.memory_space<vmem>>[vector<16xi32>, vector<16xi32>], vector<16xf32>,
      %parallel_loop3A_613 = arith.constant 16 : i32
      %parallel_loop3A_614 = arith.muli %parallel_loop3A_294, %parallel_loop3A_613 : i32
      %parallel_loop3A_615 = arith.constant 21 : i32
      %parallel_loop3A_616 = arith.index_cast %parallel_loop3A_615 : i32 to index
      %parallel_loop3A_617 = arith.index_cast %parallel_loop3A_614 : i32 to index
      %parallel_loop3A_618 = tpu.vector_load %arg11[%parallel_loop3A_616, %parallel_loop3A_617] {strides = array<i32>} : memref<32x1008xf32, #tpu.memory_space<vmem>>, vector<16xf32>,
      tpu.vector_store %arg11[%parallel_loop3A_616, %parallel_loop3A_617], %parallel_loop3A_612 {strides = array<i32>} : memref<32x1008xf32, #tpu.memory_space<vmem>>, vector<16xf32>,
      %parallel_loop3A_619 = arith.constant 22 : i32
      %parallel_loop3A_620 = vector.broadcast %parallel_loop3A_619 : i32 to vector<16xi32>
      %parallel_loop3A_621 = arith.addi %parallel_loop3A_310, %parallel_loop3A_620 : vector<16xi32>
      %parallel_loop3A_622 = arith.constant 0 : i32
      %parallel_loop3A_623 = arith.constant 0 : i32
      %parallel_loop3A_624 = tpu.memref_slice %arg10[%parallel_loop3A_30, %parallel_loop3A_622, %parallel_loop3A_623] : memref<2x512x64xf32, #tpu.memory_space<vmem>> -> memref<1x500x64xf32, #tpu.memory_space<vmem>>
      %parallel_loop3A_625 = tpu.memref_squeeze %parallel_loop3A_624 : memref<1x500x64xf32, #tpu.memory_space<vmem>> -> memref<500x64xf32, #tpu.memory_space<vmem>>
      %parallel_loop3A_626 = tpu.vector_load_idx %parallel_loop3A_625[%parallel_loop3A_304, %parallel_loop3A_621] : memref<500x64xf32, #tpu.memory_space<vmem>>[vector<16xi32>, vector<16xi32>], vector<16xf32>,
      %parallel_loop3A_627 = arith.constant 16 : i32
      %parallel_loop3A_628 = arith.muli %parallel_loop3A_294, %parallel_loop3A_627 : i32
      %parallel_loop3A_629 = arith.constant 22 : i32
      %parallel_loop3A_630 = arith.index_cast %parallel_loop3A_629 : i32 to index
      %parallel_loop3A_631 = arith.index_cast %parallel_loop3A_628 : i32 to index
      %parallel_loop3A_632 = tpu.vector_load %arg11[%parallel_loop3A_630, %parallel_loop3A_631] {strides = array<i32>} : memref<32x1008xf32, #tpu.memory_space<vmem>>, vector<16xf32>,
      tpu.vector_store %arg11[%parallel_loop3A_630, %parallel_loop3A_631], %parallel_loop3A_626 {strides = array<i32>} : memref<32x1008xf32, #tpu.memory_space<vmem>>, vector<16xf32>,
      %parallel_loop3A_633 = arith.constant 23 : i32
      %parallel_loop3A_634 = vector.broadcast %parallel_loop3A_633 : i32 to vector<16xi32>
      %parallel_loop3A_635 = arith.addi %parallel_loop3A_310, %parallel_loop3A_634 : vector<16xi32>
      %parallel_loop3A_636 = arith.constant 0 : i32
      %parallel_loop3A_637 = arith.constant 0 : i32
      %parallel_loop3A_638 = tpu.memref_slice %arg10[%parallel_loop3A_30, %parallel_loop3A_636, %parallel_loop3A_637] : memref<2x512x64xf32, #tpu.memory_space<vmem>> -> memref<1x500x64xf32, #tpu.memory_space<vmem>>
      %parallel_loop3A_639 = tpu.memref_squeeze %parallel_loop3A_638 : memref<1x500x64xf32, #tpu.memory_space<vmem>> -> memref<500x64xf32, #tpu.memory_space<vmem>>
      %parallel_loop3A_640 = tpu.vector_load_idx %parallel_loop3A_639[%parallel_loop3A_304, %parallel_loop3A_635] : memref<500x64xf32, #tpu.memory_space<vmem>>[vector<16xi32>, vector<16xi32>], vector<16xf32>,
      %parallel_loop3A_641 = arith.constant 16 : i32
      %parallel_loop3A_642 = arith.muli %parallel_loop3A_294, %parallel_loop3A_641 : i32
      %parallel_loop3A_643 = arith.constant 23 : i32
      %parallel_loop3A_644 = arith.index_cast %parallel_loop3A_643 : i32 to index
      %parallel_loop3A_645 = arith.index_cast %parallel_loop3A_642 : i32 to index
      %parallel_loop3A_646 = tpu.vector_load %arg11[%parallel_loop3A_644, %parallel_loop3A_645] {strides = array<i32>} : memref<32x1008xf32, #tpu.memory_space<vmem>>, vector<16xf32>,
      tpu.vector_store %arg11[%parallel_loop3A_644, %parallel_loop3A_645], %parallel_loop3A_640 {strides = array<i32>} : memref<32x1008xf32, #tpu.memory_space<vmem>>, vector<16xf32>,
      %parallel_loop3A_647 = arith.constant 24 : i32
      %parallel_loop3A_648 = vector.broadcast %parallel_loop3A_647 : i32 to vector<16xi32>
      %parallel_loop3A_649 = arith.addi %parallel_loop3A_310, %parallel_loop3A_648 : vector<16xi32>
      %parallel_loop3A_650 = arith.constant 0 : i32
      %parallel_loop3A_651 = arith.constant 0 : i32
      %parallel_loop3A_652 = tpu.memref_slice %arg10[%parallel_loop3A_30, %parallel_loop3A_650, %parallel_loop3A_651] : memref<2x512x64xf32, #tpu.memory_space<vmem>> -> memref<1x500x64xf32, #tpu.memory_space<vmem>>
      %parallel_loop3A_653 = tpu.memref_squeeze %parallel_loop3A_652 : memref<1x500x64xf32, #tpu.memory_space<vmem>> -> memref<500x64xf32, #tpu.memory_space<vmem>>
      %parallel_loop3A_654 = tpu.vector_load_idx %parallel_loop3A_653[%parallel_loop3A_304, %parallel_loop3A_649] : memref<500x64xf32, #tpu.memory_space<vmem>>[vector<16xi32>, vector<16xi32>], vector<16xf32>,
      %parallel_loop3A_655 = arith.constant 16 : i32
      %parallel_loop3A_656 = arith.muli %parallel_loop3A_294, %parallel_loop3A_655 : i32
      %parallel_loop3A_657 = arith.constant 24 : i32
      %parallel_loop3A_658 = arith.index_cast %parallel_loop3A_657 : i32 to index
      %parallel_loop3A_659 = arith.index_cast %parallel_loop3A_656 : i32 to index
      %parallel_loop3A_660 = tpu.vector_load %arg11[%parallel_loop3A_658, %parallel_loop3A_659] {strides = array<i32>} : memref<32x1008xf32, #tpu.memory_space<vmem>>, vector<16xf32>,
      tpu.vector_store %arg11[%parallel_loop3A_658, %parallel_loop3A_659], %parallel_loop3A_654 {strides = array<i32>} : memref<32x1008xf32, #tpu.memory_space<vmem>>, vector<16xf32>,
      %parallel_loop3A_661 = arith.constant 25 : i32
      %parallel_loop3A_662 = vector.broadcast %parallel_loop3A_661 : i32 to vector<16xi32>
      %parallel_loop3A_663 = arith.addi %parallel_loop3A_310, %parallel_loop3A_662 : vector<16xi32>
      %parallel_loop3A_664 = arith.constant 0 : i32
      %parallel_loop3A_665 = arith.constant 0 : i32
      %parallel_loop3A_666 = tpu.memref_slice %arg10[%parallel_loop3A_30, %parallel_loop3A_664, %parallel_loop3A_665] : memref<2x512x64xf32, #tpu.memory_space<vmem>> -> memref<1x500x64xf32, #tpu.memory_space<vmem>>
      %parallel_loop3A_667 = tpu.memref_squeeze %parallel_loop3A_666 : memref<1x500x64xf32, #tpu.memory_space<vmem>> -> memref<500x64xf32, #tpu.memory_space<vmem>>
      %parallel_loop3A_668 = tpu.vector_load_idx %parallel_loop3A_667[%parallel_loop3A_304, %parallel_loop3A_663] : memref<500x64xf32, #tpu.memory_space<vmem>>[vector<16xi32>, vector<16xi32>], vector<16xf32>,
      %parallel_loop3A_669 = arith.constant 16 : i32
      %parallel_loop3A_670 = arith.muli %parallel_loop3A_294, %parallel_loop3A_669 : i32
      %parallel_loop3A_671 = arith.constant 25 : i32
      %parallel_loop3A_672 = arith.index_cast %parallel_loop3A_671 : i32 to index
      %parallel_loop3A_673 = arith.index_cast %parallel_loop3A_670 : i32 to index
      %parallel_loop3A_674 = tpu.vector_load %arg11[%parallel_loop3A_672, %parallel_loop3A_673] {strides = array<i32>} : memref<32x1008xf32, #tpu.memory_space<vmem>>, vector<16xf32>,
      tpu.vector_store %arg11[%parallel_loop3A_672, %parallel_loop3A_673], %parallel_loop3A_668 {strides = array<i32>} : memref<32x1008xf32, #tpu.memory_space<vmem>>, vector<16xf32>,
      %parallel_loop3A_675 = arith.constant 26 : i32
      %parallel_loop3A_676 = vector.broadcast %parallel_loop3A_675 : i32 to vector<16xi32>
      %parallel_loop3A_677 = arith.addi %parallel_loop3A_310, %parallel_loop3A_676 : vector<16xi32>
      %parallel_loop3A_678 = arith.constant 0 : i32
      %parallel_loop3A_679 = arith.constant 0 : i32
      %parallel_loop3A_680 = tpu.memref_slice %arg10[%parallel_loop3A_30, %parallel_loop3A_678, %parallel_loop3A_679] : memref<2x512x64xf32, #tpu.memory_space<vmem>> -> memref<1x500x64xf32, #tpu.memory_space<vmem>>
      %parallel_loop3A_681 = tpu.memref_squeeze %parallel_loop3A_680 : memref<1x500x64xf32, #tpu.memory_space<vmem>> -> memref<500x64xf32, #tpu.memory_space<vmem>>
      %parallel_loop3A_682 = tpu.vector_load_idx %parallel_loop3A_681[%parallel_loop3A_304, %parallel_loop3A_677] : memref<500x64xf32, #tpu.memory_space<vmem>>[vector<16xi32>, vector<16xi32>], vector<16xf32>,
      %parallel_loop3A_683 = arith.constant 16 : i32
      %parallel_loop3A_684 = arith.muli %parallel_loop3A_294, %parallel_loop3A_683 : i32
      %parallel_loop3A_685 = arith.constant 26 : i32
      %parallel_loop3A_686 = arith.index_cast %parallel_loop3A_685 : i32 to index
      %parallel_loop3A_687 = arith.index_cast %parallel_loop3A_684 : i32 to index
      %parallel_loop3A_688 = tpu.vector_load %arg11[%parallel_loop3A_686, %parallel_loop3A_687] {strides = array<i32>} : memref<32x1008xf32, #tpu.memory_space<vmem>>, vector<16xf32>,
      tpu.vector_store %arg11[%parallel_loop3A_686, %parallel_loop3A_687], %parallel_loop3A_682 {strides = array<i32>} : memref<32x1008xf32, #tpu.memory_space<vmem>>, vector<16xf32>,
      %parallel_loop3A_689 = arith.constant 27 : i32
      %parallel_loop3A_690 = vector.broadcast %parallel_loop3A_689 : i32 to vector<16xi32>
      %parallel_loop3A_691 = arith.addi %parallel_loop3A_310, %parallel_loop3A_690 : vector<16xi32>
      %parallel_loop3A_692 = arith.constant 0 : i32
      %parallel_loop3A_693 = arith.constant 0 : i32
      %parallel_loop3A_694 = tpu.memref_slice %arg10[%parallel_loop3A_30, %parallel_loop3A_692, %parallel_loop3A_693] : memref<2x512x64xf32, #tpu.memory_space<vmem>> -> memref<1x500x64xf32, #tpu.memory_space<vmem>>
      %parallel_loop3A_695 = tpu.memref_squeeze %parallel_loop3A_694 : memref<1x500x64xf32, #tpu.memory_space<vmem>> -> memref<500x64xf32, #tpu.memory_space<vmem>>
      %parallel_loop3A_696 = tpu.vector_load_idx %parallel_loop3A_695[%parallel_loop3A_304, %parallel_loop3A_691] : memref<500x64xf32, #tpu.memory_space<vmem>>[vector<16xi32>, vector<16xi32>], vector<16xf32>,
      %parallel_loop3A_697 = arith.constant 16 : i32
      %parallel_loop3A_698 = arith.muli %parallel_loop3A_294, %parallel_loop3A_697 : i32
      %parallel_loop3A_699 = arith.constant 27 : i32
      %parallel_loop3A_700 = arith.index_cast %parallel_loop3A_699 : i32 to index
      %parallel_loop3A_701 = arith.index_cast %parallel_loop3A_698 : i32 to index
      %parallel_loop3A_702 = tpu.vector_load %arg11[%parallel_loop3A_700, %parallel_loop3A_701] {strides = array<i32>} : memref<32x1008xf32, #tpu.memory_space<vmem>>, vector<16xf32>,
      tpu.vector_store %arg11[%parallel_loop3A_700, %parallel_loop3A_701], %parallel_loop3A_696 {strides = array<i32>} : memref<32x1008xf32, #tpu.memory_space<vmem>>, vector<16xf32>,
      %parallel_loop3A_703 = arith.constant 28 : i32
      %parallel_loop3A_704 = vector.broadcast %parallel_loop3A_703 : i32 to vector<16xi32>
      %parallel_loop3A_705 = arith.addi %parallel_loop3A_310, %parallel_loop3A_704 : vector<16xi32>
      %parallel_loop3A_706 = arith.constant 0 : i32
      %parallel_loop3A_707 = arith.constant 0 : i32
      %parallel_loop3A_708 = tpu.memref_slice %arg10[%parallel_loop3A_30, %parallel_loop3A_706, %parallel_loop3A_707] : memref<2x512x64xf32, #tpu.memory_space<vmem>> -> memref<1x500x64xf32, #tpu.memory_space<vmem>>
      %parallel_loop3A_709 = tpu.memref_squeeze %parallel_loop3A_708 : memref<1x500x64xf32, #tpu.memory_space<vmem>> -> memref<500x64xf32, #tpu.memory_space<vmem>>
      %parallel_loop3A_710 = tpu.vector_load_idx %parallel_loop3A_709[%parallel_loop3A_304, %parallel_loop3A_705] : memref<500x64xf32, #tpu.memory_space<vmem>>[vector<16xi32>, vector<16xi32>], vector<16xf32>,
      %parallel_loop3A_711 = arith.constant 16 : i32
      %parallel_loop3A_712 = arith.muli %parallel_loop3A_294, %parallel_loop3A_711 : i32
      %parallel_loop3A_713 = arith.constant 28 : i32
      %parallel_loop3A_714 = arith.index_cast %parallel_loop3A_713 : i32 to index
      %parallel_loop3A_715 = arith.index_cast %parallel_loop3A_712 : i32 to index
      %parallel_loop3A_716 = tpu.vector_load %arg11[%parallel_loop3A_714, %parallel_loop3A_715] {strides = array<i32>} : memref<32x1008xf32, #tpu.memory_space<vmem>>, vector<16xf32>,
      tpu.vector_store %arg11[%parallel_loop3A_714, %parallel_loop3A_715], %parallel_loop3A_710 {strides = array<i32>} : memref<32x1008xf32, #tpu.memory_space<vmem>>, vector<16xf32>,
      %parallel_loop3A_717 = arith.constant 29 : i32
      %parallel_loop3A_718 = vector.broadcast %parallel_loop3A_717 : i32 to vector<16xi32>
      %parallel_loop3A_719 = arith.addi %parallel_loop3A_310, %parallel_loop3A_718 : vector<16xi32>
      %parallel_loop3A_720 = arith.constant 0 : i32
      %parallel_loop3A_721 = arith.constant 0 : i32
      %parallel_loop3A_722 = tpu.memref_slice %arg10[%parallel_loop3A_30, %parallel_loop3A_720, %parallel_loop3A_721] : memref<2x512x64xf32, #tpu.memory_space<vmem>> -> memref<1x500x64xf32, #tpu.memory_space<vmem>>
      %parallel_loop3A_723 = tpu.memref_squeeze %parallel_loop3A_722 : memref<1x500x64xf32, #tpu.memory_space<vmem>> -> memref<500x64xf32, #tpu.memory_space<vmem>>
      %parallel_loop3A_724 = tpu.vector_load_idx %parallel_loop3A_723[%parallel_loop3A_304, %parallel_loop3A_719] : memref<500x64xf32, #tpu.memory_space<vmem>>[vector<16xi32>, vector<16xi32>], vector<16xf32>,
      %parallel_loop3A_725 = arith.constant 16 : i32
      %parallel_loop3A_726 = arith.muli %parallel_loop3A_294, %parallel_loop3A_725 : i32
      %parallel_loop3A_727 = arith.constant 29 : i32
      %parallel_loop3A_728 = arith.index_cast %parallel_loop3A_727 : i32 to index
      %parallel_loop3A_729 = arith.index_cast %parallel_loop3A_726 : i32 to index
      %parallel_loop3A_730 = tpu.vector_load %arg11[%parallel_loop3A_728, %parallel_loop3A_729] {strides = array<i32>} : memref<32x1008xf32, #tpu.memory_space<vmem>>, vector<16xf32>,
      tpu.vector_store %arg11[%parallel_loop3A_728, %parallel_loop3A_729], %parallel_loop3A_724 {strides = array<i32>} : memref<32x1008xf32, #tpu.memory_space<vmem>>, vector<16xf32>,
      %parallel_loop3A_731 = arith.constant 30 : i32
      %parallel_loop3A_732 = vector.broadcast %parallel_loop3A_731 : i32 to vector<16xi32>
      %parallel_loop3A_733 = arith.addi %parallel_loop3A_310, %parallel_loop3A_732 : vector<16xi32>
      %parallel_loop3A_734 = arith.constant 0 : i32
      %parallel_loop3A_735 = arith.constant 0 : i32
      %parallel_loop3A_736 = tpu.memref_slice %arg10[%parallel_loop3A_30, %parallel_loop3A_734, %parallel_loop3A_735] : memref<2x512x64xf32, #tpu.memory_space<vmem>> -> memref<1x500x64xf32, #tpu.memory_space<vmem>>
      %parallel_loop3A_737 = tpu.memref_squeeze %parallel_loop3A_736 : memref<1x500x64xf32, #tpu.memory_space<vmem>> -> memref<500x64xf32, #tpu.memory_space<vmem>>
      %parallel_loop3A_738 = tpu.vector_load_idx %parallel_loop3A_737[%parallel_loop3A_304, %parallel_loop3A_733] : memref<500x64xf32, #tpu.memory_space<vmem>>[vector<16xi32>, vector<16xi32>], vector<16xf32>,
      %parallel_loop3A_739 = arith.constant 16 : i32
      %parallel_loop3A_740 = arith.muli %parallel_loop3A_294, %parallel_loop3A_739 : i32
      %parallel_loop3A_741 = arith.constant 30 : i32
      %parallel_loop3A_742 = arith.index_cast %parallel_loop3A_741 : i32 to index
      %parallel_loop3A_743 = arith.index_cast %parallel_loop3A_740 : i32 to index
      %parallel_loop3A_744 = tpu.vector_load %arg11[%parallel_loop3A_742, %parallel_loop3A_743] {strides = array<i32>} : memref<32x1008xf32, #tpu.memory_space<vmem>>, vector<16xf32>,
      tpu.vector_store %arg11[%parallel_loop3A_742, %parallel_loop3A_743], %parallel_loop3A_738 {strides = array<i32>} : memref<32x1008xf32, #tpu.memory_space<vmem>>, vector<16xf32>,
      %parallel_loop3A_745 = arith.constant 31 : i32
      %parallel_loop3A_746 = vector.broadcast %parallel_loop3A_745 : i32 to vector<16xi32>
      %parallel_loop3A_747 = arith.addi %parallel_loop3A_310, %parallel_loop3A_746 : vector<16xi32>
      %parallel_loop3A_748 = arith.constant 0 : i32
      %parallel_loop3A_749 = arith.constant 0 : i32
      %parallel_loop3A_750 = tpu.memref_slice %arg10[%parallel_loop3A_30, %parallel_loop3A_748, %parallel_loop3A_749] : memref<2x512x64xf32, #tpu.memory_space<vmem>> -> memref<1x500x64xf32, #tpu.memory_space<vmem>>
      %parallel_loop3A_751 = tpu.memref_squeeze %parallel_loop3A_750 : memref<1x500x64xf32, #tpu.memory_space<vmem>> -> memref<500x64xf32, #tpu.memory_space<vmem>>
      %parallel_loop3A_752 = tpu.vector_load_idx %parallel_loop3A_751[%parallel_loop3A_304, %parallel_loop3A_747] : memref<500x64xf32, #tpu.memory_space<vmem>>[vector<16xi32>, vector<16xi32>], vector<16xf32>,
      %parallel_loop3A_753 = arith.constant 16 : i32
      %parallel_loop3A_754 = arith.muli %parallel_loop3A_294, %parallel_loop3A_753 : i32
      %parallel_loop3A_755 = arith.constant 31 : i32
      %parallel_loop3A_756 = arith.index_cast %parallel_loop3A_755 : i32 to index
      %parallel_loop3A_757 = arith.index_cast %parallel_loop3A_754 : i32 to index
      %parallel_loop3A_758 = tpu.vector_load %arg11[%parallel_loop3A_756, %parallel_loop3A_757] {strides = array<i32>} : memref<32x1008xf32, #tpu.memory_space<vmem>>, vector<16xf32>,
      tpu.vector_store %arg11[%parallel_loop3A_756, %parallel_loop3A_757], %parallel_loop3A_752 {strides = array<i32>} : memref<32x1008xf32, #tpu.memory_space<vmem>>, vector<16xf32>,
    } {sc.loop_unroll_factor = 1 : i64, sc.parallel_access}
    %mul3A_31 = arith.constant 50 : i32
    %mul3A_32 = arith.muli %add3A, %mul3A_31 : i32
    %add3A_33 = arith.constant 0 : i32
    %add3A_34 = arith.addi %mul3A_32, %add3A_33 : i32
    %jit3A = arith.constant 8 : i32
    %div3A = arith.divsi %add3A_34, %jit3A : i32
    %sign3A = arith.constant 0 : i32
    %sign3A_35 = arith.cmpi sgt, %add3A_34, %sign3A : i32
    %sign3A_36 = arith.extui %sign3A_35 : i1 to i32
    %sign3A_37 = arith.constant 0 : i32
    %sign3A_38 = arith.cmpi slt, %add3A_34, %sign3A_37 : i32
    %sign3A_39 = arith.extui %sign3A_38 : i1 to i32
    %sign3A_40 = arith.subi %sign3A_36, %sign3A_39 : i32
    %sign3A_41 = arith.constant 0 : i32
    %sign3A_42 = arith.cmpi sgt, %jit3A, %sign3A_41 : i32
    %sign3A_43 = arith.extui %sign3A_42 : i1 to i32
    %sign3A_44 = arith.constant 0 : i32
    %sign3A_45 = arith.cmpi slt, %jit3A, %sign3A_44 : i32
    %sign3A_46 = arith.extui %sign3A_45 : i1 to i32
    %sign3A_47 = arith.subi %sign3A_43, %sign3A_46 : i32
    %ne3A = arith.cmpi ne, %sign3A_40, %sign3A_47 : i32
    %rem3A = arith.remsi %add3A_34, %jit3A : i32
    %ne3A_48 = arith.constant 0 : i32
    %ne3A_49 = arith.cmpi ne, %rem3A, %ne3A_48 : i32
    %and3A = arith.andi %ne3A, %ne3A_49 : i1
    %sub3A = arith.constant 1 : i32
    %sub3A_50 = arith.subi %div3A, %sub3A : i32
    %select_n3A = arith.select %and3A, %sub3A_50, %div3A : i32
    %jit3A_51 = arith.constant 8 : i32
    %eq3A = arith.constant 0 : i32
    %eq3A_52 = arith.cmpi eq, %jit3A_51, %eq3A : i32
    %jit3A_53 = arith.constant 1 : i32
    %select_n3A_54 = arith.select %eq3A_52, %jit3A_53, %jit3A_51 : i32
    %rem3A_55 = arith.remsi %add3A_34, %select_n3A_54 : i32
    %ne3A_56 = arith.constant 0 : i32
    %ne3A_57 = arith.cmpi ne, %rem3A_55, %ne3A_56 : i32
    %lt3A = arith.constant 0 : i32
    %lt3A_58 = arith.cmpi slt, %rem3A_55, %lt3A : i32
    %lt3A_59 = arith.constant 0 : i32
    %lt3A_60 = arith.cmpi slt, %select_n3A_54, %lt3A_59 : i32
    %ne3A_61 = arith.xori %lt3A_58, %lt3A_60 : i1
    %and3A_62 = arith.andi %ne3A_61, %ne3A_57 : i1
    %add3A_63 = arith.addi %rem3A_55, %select_n3A_54 : i32
    %select_n3A_64 = arith.select %and3A_62, %add3A_63, %rem3A_55 : i32
    %mul3A_65 = arith.constant 4 : i32
    %mul3A_66 = arith.muli %select_n3A_64, %mul3A_65 : i32
    %dma_start3A = arith.constant 0 : i32
    %dma_start3A_67 = arith.constant 0 : i32
    %dma_start3A_68 = arith.constant 0 : i32
    %dma_start3A_69 = tpu.memref_slice %arg8[%dma_start3A, %dma_start3A_67, %dma_start3A_68] : memref<2x4x128xi32, #tpu.memory_space<vmem>> -> memref<1x4x128xi32, #tpu.memory_space<vmem>>
    %dma_start3A_70 = tpu.memref_squeeze %dma_start3A_69 : memref<1x4x128xi32, #tpu.memory_space<vmem>> -> memref<4x128xi32, #tpu.memory_space<vmem>>
    %dma_start3A_71 = arith.constant 0 : i32
    %dma_start3A_72 = tpu.memref_slice %arg2[%select_n3A, %mul3A_66, %dma_start3A_71] : memref<200x32x128xi32, #tpu.memory_space<hbm>> -> memref<1x4x128xi32, #tpu.memory_space<hbm>>
    %dma_start3A_73 = tpu.memref_squeeze %dma_start3A_72 : memref<1x4x128xi32, #tpu.memory_space<hbm>> -> memref<4x128xi32, #tpu.memory_space<hbm>>
    %dma_start3A_74 = arith.constant 0 : i32
    %dma_start3A_75 = arith.constant 0 : i32
    %dma_start3A_76 = tpu.memref_slice %arg8[%dma_start3A, %dma_start3A_74, %dma_start3A_75] : memref<2x4x128xi32, #tpu.memory_space<vmem>> -> memref<1x4x128xi32, #tpu.memory_space<vmem>>
    %dma_start3A_77 = tpu.memref_squeeze %dma_start3A_76 : memref<1x4x128xi32, #tpu.memory_space<vmem>> -> memref<4x128xi32, #tpu.memory_space<vmem>>
    %dma_start3A_78 = arith.constant 0 : i32
    %dma_start3A_79 = tpu.memref_slice %arg2[%select_n3A, %mul3A_66, %dma_start3A_78] : memref<200x32x128xi32, #tpu.memory_space<hbm>> -> memref<1x4x128xi32, #tpu.memory_space<hbm>>
    %dma_start3A_80 = tpu.memref_squeeze %dma_start3A_79 : memref<1x4x128xi32, #tpu.memory_space<hbm>> -> memref<4x128xi32, #tpu.memory_space<hbm>>
    tpu.enqueue_dma source(%dma_start3A_80 : memref<4x128xi32, #tpu.memory_space<hbm>>) target(%dma_start3A_77 : memref<4x128xi32, #tpu.memory_space<vmem>>) target_semaphore(%arg14 : memref<!tpu.dma_semaphore, #tpu.memory_space<semaphore_mem>>)
    %mul3A_81 = arith.constant 4 : i32
    %mul3A_82 = arith.muli %select_n3A_64, %mul3A_81 : i32
    %dma_start3A_83 = arith.constant 0 : i32
    %dma_start3A_84 = arith.constant 0 : i32
    %dma_start3A_85 = arith.constant 0 : i32
    %dma_start3A_86 = tpu.memref_slice %arg9[%dma_start3A_83, %dma_start3A_84, %dma_start3A_85] : memref<2x4x128xi32, #tpu.memory_space<vmem>> -> memref<1x4x128xi32, #tpu.memory_space<vmem>>
    %dma_start3A_87 = tpu.memref_squeeze %dma_start3A_86 : memref<1x4x128xi32, #tpu.memory_space<vmem>> -> memref<4x128xi32, #tpu.memory_space<vmem>>
    %dma_start3A_88 = arith.constant 0 : i32
    %dma_start3A_89 = tpu.memref_slice %arg3[%select_n3A, %mul3A_82, %dma_start3A_88] : memref<200x32x128xi32, #tpu.memory_space<hbm>> -> memref<1x4x128xi32, #tpu.memory_space<hbm>>
    %dma_start3A_90 = tpu.memref_squeeze %dma_start3A_89 : memref<1x4x128xi32, #tpu.memory_space<hbm>> -> memref<4x128xi32, #tpu.memory_space<hbm>>
    %dma_start3A_91 = arith.constant 0 : i32
    %dma_start3A_92 = arith.constant 0 : i32
    %dma_start3A_93 = tpu.memref_slice %arg9[%dma_start3A_83, %dma_start3A_91, %dma_start3A_92] : memref<2x4x128xi32, #tpu.memory_space<vmem>> -> memref<1x4x128xi32, #tpu.memory_space<vmem>>
    %dma_start3A_94 = tpu.memref_squeeze %dma_start3A_93 : memref<1x4x128xi32, #tpu.memory_space<vmem>> -> memref<4x128xi32, #tpu.memory_space<vmem>>
    %dma_start3A_95 = arith.constant 0 : i32
    %dma_start3A_96 = tpu.memref_slice %arg3[%select_n3A, %mul3A_82, %dma_start3A_95] : memref<200x32x128xi32, #tpu.memory_space<hbm>> -> memref<1x4x128xi32, #tpu.memory_space<hbm>>
    %dma_start3A_97 = tpu.memref_squeeze %dma_start3A_96 : memref<1x4x128xi32, #tpu.memory_space<hbm>> -> memref<4x128xi32, #tpu.memory_space<hbm>>
    tpu.enqueue_dma source(%dma_start3A_97 : memref<4x128xi32, #tpu.memory_space<hbm>>) target(%dma_start3A_94 : memref<4x128xi32, #tpu.memory_space<vmem>>) target_semaphore(%arg14 : memref<!tpu.dma_semaphore, #tpu.memory_space<semaphore_mem>>)
    %dma_wait3A = arith.constant 0 : i32
    %dma_wait3A_98 = arith.constant 0 : i32
    %dma_wait3A_99 = arith.constant 0 : i32
    %dma_wait3A_100 = arith.constant 0 : i32
    %dma_wait3A_101 = tpu.memref_slice %arg8[%dma_wait3A_98, %dma_wait3A_99, %dma_wait3A_100] : memref<2x4x128xi32, #tpu.memory_space<vmem>> -> memref<1x4x128xi32, #tpu.memory_space<vmem>>
    %dma_wait3A_102 = tpu.memref_squeeze %dma_wait3A_101 : memref<1x4x128xi32, #tpu.memory_space<vmem>> -> memref<4x128xi32, #tpu.memory_space<vmem>>
    %dma_wait3A_103 = arith.constant 0 : i32
    %dma_wait3A_104 = arith.constant 0 : i32
    %dma_wait3A_105 = tpu.memref_slice %arg2[%dma_wait3A, %dma_wait3A_103, %dma_wait3A_104] : memref<200x32x128xi32, #tpu.memory_space<hbm>> -> memref<1x4x128xi32, #tpu.memory_space<hbm>>
    %dma_wait3A_106 = tpu.memref_squeeze %dma_wait3A_105 : memref<1x4x128xi32, #tpu.memory_space<hbm>> -> memref<4x128xi32, #tpu.memory_space<hbm>>
    %dma_wait3A_107 = arith.constant 0 : i32
    %dma_wait3A_108 = arith.constant 0 : i32
    %dma_wait3A_109 = tpu.memref_slice %arg8[%dma_wait3A_98, %dma_wait3A_107, %dma_wait3A_108] : memref<2x4x128xi32, #tpu.memory_space<vmem>> -> memref<1x4x128xi32, #tpu.memory_space<vmem>>
    %dma_wait3A_110 = tpu.memref_squeeze %dma_wait3A_109 : memref<1x4x128xi32, #tpu.memory_space<vmem>> -> memref<4x128xi32, #tpu.memory_space<vmem>>
    %dma_wait3A_111 = arith.constant 0 : i32
    %dma_wait3A_112 = arith.constant 0 : i32
    %dma_wait3A_113 = tpu.memref_slice %arg2[%dma_wait3A, %dma_wait3A_111, %dma_wait3A_112] : memref<200x32x128xi32, #tpu.memory_space<hbm>> -> memref<1x4x128xi32, #tpu.memory_space<hbm>>
    %dma_wait3A_114 = tpu.memref_squeeze %dma_wait3A_113 : memref<1x4x128xi32, #tpu.memory_space<hbm>> -> memref<4x128xi32, #tpu.memory_space<hbm>>
    tpu.wait_dma2 semaphore(%arg14 : memref<!tpu.dma_semaphore, #tpu.memory_space<semaphore_mem>>) src(%dma_wait3A_114 : memref<4x128xi32, #tpu.memory_space<hbm>>) dst(%dma_wait3A_110 : memref<4x128xi32, #tpu.memory_space<vmem>>)
    %dma_wait3A_115 = arith.constant 0 : i32
    %dma_wait3A_116 = arith.constant 0 : i32
    %dma_wait3A_117 = arith.constant 0 : i32
    %dma_wait3A_118 = arith.constant 0 : i32
    %dma_wait3A_119 = tpu.memref_slice %arg9[%dma_wait3A_116, %dma_wait3A_117, %dma_wait3A_118] : memref<2x4x128xi32, #tpu.memory_space<vmem>> -> memref<1x4x128xi32, #tpu.memory_space<vmem>>
    %dma_wait3A_120 = tpu.memref_squeeze %dma_wait3A_119 : memref<1x4x128xi32, #tpu.memory_space<vmem>> -> memref<4x128xi32, #tpu.memory_space<vmem>>
    %dma_wait3A_121 = arith.constant 0 : i32
    %dma_wait3A_122 = arith.constant 0 : i32
    %dma_wait3A_123 = tpu.memref_slice %arg3[%dma_wait3A_115, %dma_wait3A_121, %dma_wait3A_122] : memref<200x32x128xi32, #tpu.memory_space<hbm>> -> memref<1x4x128xi32, #tpu.memory_space<hbm>>
    %dma_wait3A_124 = tpu.memref_squeeze %dma_wait3A_123 : memref<1x4x128xi32, #tpu.memory_space<hbm>> -> memref<4x128xi32, #tpu.memory_space<hbm>>
    %dma_wait3A_125 = arith.constant 0 : i32
    %dma_wait3A_126 = arith.constant 0 : i32
    %dma_wait3A_127 = tpu.memref_slice %arg9[%dma_wait3A_116, %dma_wait3A_125, %dma_wait3A_126] : memref<2x4x128xi32, #tpu.memory_space<vmem>> -> memref<1x4x128xi32, #tpu.memory_space<vmem>>
    %dma_wait3A_128 = tpu.memref_squeeze %dma_wait3A_127 : memref<1x4x128xi32, #tpu.memory_space<vmem>> -> memref<4x128xi32, #tpu.memory_space<vmem>>
    %dma_wait3A_129 = arith.constant 0 : i32
    %dma_wait3A_130 = arith.constant 0 : i32
    %dma_wait3A_131 = tpu.memref_slice %arg3[%dma_wait3A_115, %dma_wait3A_129, %dma_wait3A_130] : memref<200x32x128xi32, #tpu.memory_space<hbm>> -> memref<1x4x128xi32, #tpu.memory_space<hbm>>
    %dma_wait3A_132 = tpu.memref_squeeze %dma_wait3A_131 : memref<1x4x128xi32, #tpu.memory_space<hbm>> -> memref<4x128xi32, #tpu.memory_space<hbm>>
    tpu.wait_dma2 semaphore(%arg14 : memref<!tpu.dma_semaphore, #tpu.memory_space<semaphore_mem>>) src(%dma_wait3A_132 : memref<4x128xi32, #tpu.memory_space<hbm>>) dst(%dma_wait3A_128 : memref<4x128xi32, #tpu.memory_space<vmem>>)
    %dma_start3A_133 = arith.constant 0 : i32
    %dma_start3A_134 = arith.constant 0 : i32
    %dma_start3A_135 = arith.constant 0 : i32
    %dma_start3A_136 = arith.constant 0 : i32
    %dma_start3A_137 = arith.constant 0 : i32
    %dma_start3A_138 = tpu.memref_slice %arg10[%dma_start3A_135, %dma_start3A_136, %dma_start3A_137] : memref<2x512x64xf32, #tpu.memory_space<vmem>> -> memref<1x128x64xf32, #tpu.memory_space<vmem>>
    %dma_start3A_139 = tpu.memref_squeeze %dma_start3A_138 : memref<1x128x64xf32, #tpu.memory_space<vmem>> -> memref<128x64xf32, #tpu.memory_space<vmem>>
    %dma_start3A_140 = arith.constant 0 : i32
    %dma_start3A_141 = tpu.memref_slice %arg8[%dma_start3A_133, %dma_start3A_134, %dma_start3A_140] : memref<2x4x128xi32, #tpu.memory_space<vmem>> -> memref<1x1x128xi32, #tpu.memory_space<vmem>>
    %dma_start3A_142 = tpu.memref_squeeze %dma_start3A_141 : memref<1x1x128xi32, #tpu.memory_space<vmem>> -> memref<128xi32, #tpu.memory_space<vmem>>
    %dma_start3A_143 = arith.constant 0 : i32
    %dma_start3A_144 = arith.constant 0 : i32
    %dma_start3A_145 = tpu.memref_slice %arg4[%dma_start3A_143, %dma_start3A_144] : memref<1000000x64xf32, #tpu.memory_space<hbm>> -> memref<1000000x64xf32, #tpu.memory_space<hbm>>
    tpu.enqueue_indirect_dma source(%dma_start3A_145 : memref<1000000x64xf32, #tpu.memory_space<hbm>>) target(%dma_start3A_139 : memref<128x64xf32, #tpu.memory_space<vmem>>) offsets(%dma_start3A_142 : memref<128xi32, #tpu.memory_space<vmem>>) semaphore(%arg15 : memref<!tpu.dma_semaphore, #tpu.memory_space<semaphore_mem>>)
    %dma_start3A_146 = arith.constant 0 : i32
    %dma_start3A_147 = arith.constant 1 : i32
    %dma_start3A_148 = arith.constant 0 : i32
    %dma_start3A_149 = arith.constant 128 : i32
    %dma_start3A_150 = arith.constant 0 : i32
    %dma_start3A_151 = tpu.memref_slice %arg10[%dma_start3A_148, %dma_start3A_149, %dma_start3A_150] : memref<2x512x64xf32, #tpu.memory_space<vmem>> -> memref<1x128x64xf32, #tpu.memory_space<vmem>>
    %dma_start3A_152 = tpu.memref_squeeze %dma_start3A_151 : memref<1x128x64xf32, #tpu.memory_space<vmem>> -> memref<128x64xf32, #tpu.memory_space<vmem>>
    %dma_start3A_153 = arith.constant 0 : i32
    %dma_start3A_154 = tpu.memref_slice %arg8[%dma_start3A_146, %dma_start3A_147, %dma_start3A_153] : memref<2x4x128xi32, #tpu.memory_space<vmem>> -> memref<1x1x128xi32, #tpu.memory_space<vmem>>
    %dma_start3A_155 = tpu.memref_squeeze %dma_start3A_154 : memref<1x1x128xi32, #tpu.memory_space<vmem>> -> memref<128xi32, #tpu.memory_space<vmem>>
    %dma_start3A_156 = arith.constant 0 : i32
    %dma_start3A_157 = arith.constant 0 : i32
    %dma_start3A_158 = tpu.memref_slice %arg4[%dma_start3A_156, %dma_start3A_157] : memref<1000000x64xf32, #tpu.memory_space<hbm>> -> memref<1000000x64xf32, #tpu.memory_space<hbm>>
    tpu.enqueue_indirect_dma source(%dma_start3A_158 : memref<1000000x64xf32, #tpu.memory_space<hbm>>) target(%dma_start3A_152 : memref<128x64xf32, #tpu.memory_space<vmem>>) offsets(%dma_start3A_155 : memref<128xi32, #tpu.memory_space<vmem>>) semaphore(%arg15 : memref<!tpu.dma_semaphore, #tpu.memory_space<semaphore_mem>>)
    %dma_start3A_159 = arith.constant 0 : i32
    %dma_start3A_160 = arith.constant 2 : i32
    %dma_start3A_161 = arith.constant 0 : i32
    %dma_start3A_162 = arith.constant 256 : i32
    %dma_start3A_163 = arith.constant 0 : i32
    %dma_start3A_164 = tpu.memref_slice %arg10[%dma_start3A_161, %dma_start3A_162, %dma_start3A_163] : memref<2x512x64xf32, #tpu.memory_space<vmem>> -> memref<1x128x64xf32, #tpu.memory_space<vmem>>
    %dma_start3A_165 = tpu.memref_squeeze %dma_start3A_164 : memref<1x128x64xf32, #tpu.memory_space<vmem>> -> memref<128x64xf32, #tpu.memory_space<vmem>>
    %dma_start3A_166 = arith.constant 0 : i32
    %dma_start3A_167 = tpu.memref_slice %arg8[%dma_start3A_159, %dma_start3A_160, %dma_start3A_166] : memref<2x4x128xi32, #tpu.memory_space<vmem>> -> memref<1x1x128xi32, #tpu.memory_space<vmem>>
    %dma_start3A_168 = tpu.memref_squeeze %dma_start3A_167 : memref<1x1x128xi32, #tpu.memory_space<vmem>> -> memref<128xi32, #tpu.memory_space<vmem>>
    %dma_start3A_169 = arith.constant 0 : i32
    %dma_start3A_170 = arith.constant 0 : i32
    %dma_start3A_171 = tpu.memref_slice %arg4[%dma_start3A_169, %dma_start3A_170] : memref<1000000x64xf32, #tpu.memory_space<hbm>> -> memref<1000000x64xf32, #tpu.memory_space<hbm>>
    tpu.enqueue_indirect_dma source(%dma_start3A_171 : memref<1000000x64xf32, #tpu.memory_space<hbm>>) target(%dma_start3A_165 : memref<128x64xf32, #tpu.memory_space<vmem>>) offsets(%dma_start3A_168 : memref<128xi32, #tpu.memory_space<vmem>>) semaphore(%arg15 : memref<!tpu.dma_semaphore, #tpu.memory_space<semaphore_mem>>)
    %dma_start3A_172 = arith.constant 0 : i32
    %dma_start3A_173 = arith.constant 3 : i32
    %dma_start3A_174 = arith.constant 0 : i32
    %dma_start3A_175 = arith.constant 384 : i32
    %dma_start3A_176 = arith.constant 0 : i32
    %dma_start3A_177 = tpu.memref_slice %arg10[%dma_start3A_174, %dma_start3A_175, %dma_start3A_176] : memref<2x512x64xf32, #tpu.memory_space<vmem>> -> memref<1x128x64xf32, #tpu.memory_space<vmem>>
    %dma_start3A_178 = tpu.memref_squeeze %dma_start3A_177 : memref<1x128x64xf32, #tpu.memory_space<vmem>> -> memref<128x64xf32, #tpu.memory_space<vmem>>
    %dma_start3A_179 = arith.constant 0 : i32
    %dma_start3A_180 = tpu.memref_slice %arg8[%dma_start3A_172, %dma_start3A_173, %dma_start3A_179] : memref<2x4x128xi32, #tpu.memory_space<vmem>> -> memref<1x1x128xi32, #tpu.memory_space<vmem>>
    %dma_start3A_181 = tpu.memref_squeeze %dma_start3A_180 : memref<1x1x128xi32, #tpu.memory_space<vmem>> -> memref<128xi32, #tpu.memory_space<vmem>>
    %dma_start3A_182 = arith.constant 0 : i32
    %dma_start3A_183 = arith.constant 0 : i32
    %dma_start3A_184 = tpu.memref_slice %arg4[%dma_start3A_182, %dma_start3A_183] : memref<1000000x64xf32, #tpu.memory_space<hbm>> -> memref<1000000x64xf32, #tpu.memory_space<hbm>>
    tpu.enqueue_indirect_dma source(%dma_start3A_184 : memref<1000000x64xf32, #tpu.memory_space<hbm>>) target(%dma_start3A_178 : memref<128x64xf32, #tpu.memory_space<vmem>>) offsets(%dma_start3A_181 : memref<128xi32, #tpu.memory_space<vmem>>) semaphore(%arg15 : memref<!tpu.dma_semaphore, #tpu.memory_space<semaphore_mem>>)
    %mul3A_185 = arith.constant 50 : i32
    %mul3A_186 = arith.muli %add3A, %mul3A_185 : i32
    %add3A_187 = arith.constant 1 : i32
    %add3A_188 = arith.addi %mul3A_186, %add3A_187 : i32
    %jit3A_189 = arith.constant 8 : i32
    %div3A_190 = arith.divsi %add3A_188, %jit3A_189 : i32
    %sign3A_191 = arith.constant 0 : i32
    %sign3A_192 = arith.cmpi sgt, %add3A_188, %sign3A_191 : i32
    %sign3A_193 = arith.extui %sign3A_192 : i1 to i32
    %sign3A_194 = arith.constant 0 : i32
    %sign3A_195 = arith.cmpi slt, %add3A_188, %sign3A_194 : i32
    %sign3A_196 = arith.extui %sign3A_195 : i1 to i32
    %sign3A_197 = arith.subi %sign3A_193, %sign3A_196 : i32
    %sign3A_198 = arith.constant 0 : i32
    %sign3A_199 = arith.cmpi sgt, %jit3A_189, %sign3A_198 : i32
    %sign3A_200 = arith.extui %sign3A_199 : i1 to i32
    %sign3A_201 = arith.constant 0 : i32
    %sign3A_202 = arith.cmpi slt, %jit3A_189, %sign3A_201 : i32
    %sign3A_203 = arith.extui %sign3A_202 : i1 to i32
    %sign3A_204 = arith.subi %sign3A_200, %sign3A_203 : i32
    %ne3A_205 = arith.cmpi ne, %sign3A_197, %sign3A_204 : i32
    %rem3A_206 = arith.remsi %add3A_188, %jit3A_189 : i32
    %ne3A_207 = arith.constant 0 : i32
    %ne3A_208 = arith.cmpi ne, %rem3A_206, %ne3A_207 : i32
    %and3A_209 = arith.andi %ne3A_205, %ne3A_208 : i1
    %sub3A_210 = arith.constant 1 : i32
    %sub3A_211 = arith.subi %div3A_190, %sub3A_210 : i32
    %select_n3A_212 = arith.select %and3A_209, %sub3A_211, %div3A_190 : i32
    %jit3A_213 = arith.constant 8 : i32
    %eq3A_214 = arith.constant 0 : i32
    %eq3A_215 = arith.cmpi eq, %jit3A_213, %eq3A_214 : i32
    %jit3A_216 = arith.constant 1 : i32
    %select_n3A_217 = arith.select %eq3A_215, %jit3A_216, %jit3A_213 : i32
    %rem3A_218 = arith.remsi %add3A_188, %select_n3A_217 : i32
    %ne3A_219 = arith.constant 0 : i32
    %ne3A_220 = arith.cmpi ne, %rem3A_218, %ne3A_219 : i32
    %lt3A_221 = arith.constant 0 : i32
    %lt3A_222 = arith.cmpi slt, %rem3A_218, %lt3A_221 : i32
    %lt3A_223 = arith.constant 0 : i32
    %lt3A_224 = arith.cmpi slt, %select_n3A_217, %lt3A_223 : i32
    %ne3A_225 = arith.xori %lt3A_222, %lt3A_224 : i1
    %and3A_226 = arith.andi %ne3A_225, %ne3A_220 : i1
    %add3A_227 = arith.addi %rem3A_218, %select_n3A_217 : i32
    %select_n3A_228 = arith.select %and3A_226, %add3A_227, %rem3A_218 : i32
    %mul3A_229 = arith.constant 4 : i32
    %mul3A_230 = arith.muli %select_n3A_228, %mul3A_229 : i32
    %dma_start3A_231 = arith.constant 1 : i32
    %dma_start3A_232 = arith.constant 0 : i32
    %dma_start3A_233 = arith.constant 0 : i32
    %dma_start3A_234 = tpu.memref_slice %arg8[%dma_start3A_231, %dma_start3A_232, %dma_start3A_233] : memref<2x4x128xi32, #tpu.memory_space<vmem>> -> memref<1x4x128xi32, #tpu.memory_space<vmem>>
    %dma_start3A_235 = tpu.memref_squeeze %dma_start3A_234 : memref<1x4x128xi32, #tpu.memory_space<vmem>> -> memref<4x128xi32, #tpu.memory_space<vmem>>
    %dma_start3A_236 = arith.constant 0 : i32
    %dma_start3A_237 = tpu.memref_slice %arg2[%select_n3A_212, %mul3A_230, %dma_start3A_236] : memref<200x32x128xi32, #tpu.memory_space<hbm>> -> memref<1x4x128xi32, #tpu.memory_space<hbm>>
    %dma_start3A_238 = tpu.memref_squeeze %dma_start3A_237 : memref<1x4x128xi32, #tpu.memory_space<hbm>> -> memref<4x128xi32, #tpu.memory_space<hbm>>
    %dma_start3A_239 = arith.constant 0 : i32
    %dma_start3A_240 = arith.constant 0 : i32
    %dma_start3A_241 = tpu.memref_slice %arg8[%dma_start3A_231, %dma_start3A_239, %dma_start3A_240] : memref<2x4x128xi32, #tpu.memory_space<vmem>> -> memref<1x4x128xi32, #tpu.memory_space<vmem>>
    %dma_start3A_242 = tpu.memref_squeeze %dma_start3A_241 : memref<1x4x128xi32, #tpu.memory_space<vmem>> -> memref<4x128xi32, #tpu.memory_space<vmem>>
    %dma_start3A_243 = arith.constant 0 : i32
    %dma_start3A_244 = tpu.memref_slice %arg2[%select_n3A_212, %mul3A_230, %dma_start3A_243] : memref<200x32x128xi32, #tpu.memory_space<hbm>> -> memref<1x4x128xi32, #tpu.memory_space<hbm>>
    %dma_start3A_245 = tpu.memref_squeeze %dma_start3A_244 : memref<1x4x128xi32, #tpu.memory_space<hbm>> -> memref<4x128xi32, #tpu.memory_space<hbm>>
    tpu.enqueue_dma source(%dma_start3A_245 : memref<4x128xi32, #tpu.memory_space<hbm>>) target(%dma_start3A_242 : memref<4x128xi32, #tpu.memory_space<vmem>>) target_semaphore(%arg14 : memref<!tpu.dma_semaphore, #tpu.memory_space<semaphore_mem>>)
    %mul3A_246 = arith.constant 4 : i32
    %mul3A_247 = arith.muli %select_n3A_228, %mul3A_246 : i32
    %dma_start3A_248 = arith.constant 1 : i32
    %dma_start3A_249 = arith.constant 0 : i32
    %dma_start3A_250 = arith.constant 0 : i32
    %dma_start3A_251 = tpu.memref_slice %arg9[%dma_start3A_248, %dma_start3A_249, %dma_start3A_250] : memref<2x4x128xi32, #tpu.memory_space<vmem>> -> memref<1x4x128xi32, #tpu.memory_space<vmem>>
    %dma_start3A_252 = tpu.memref_squeeze %dma_start3A_251 : memref<1x4x128xi32, #tpu.memory_space<vmem>> -> memref<4x128xi32, #tpu.memory_space<vmem>>
    %dma_start3A_253 = arith.constant 0 : i32
    %dma_start3A_254 = tpu.memref_slice %arg3[%select_n3A_212, %mul3A_247, %dma_start3A_253] : memref<200x32x128xi32, #tpu.memory_space<hbm>> -> memref<1x4x128xi32, #tpu.memory_space<hbm>>
    %dma_start3A_255 = tpu.memref_squeeze %dma_start3A_254 : memref<1x4x128xi32, #tpu.memory_space<hbm>> -> memref<4x128xi32, #tpu.memory_space<hbm>>
    %dma_start3A_256 = arith.constant 0 : i32
    %dma_start3A_257 = arith.constant 0 : i32
    %dma_start3A_258 = tpu.memref_slice %arg9[%dma_start3A_248, %dma_start3A_256, %dma_start3A_257] : memref<2x4x128xi32, #tpu.memory_space<vmem>> -> memref<1x4x128xi32, #tpu.memory_space<vmem>>
    %dma_start3A_259 = tpu.memref_squeeze %dma_start3A_258 : memref<1x4x128xi32, #tpu.memory_space<vmem>> -> memref<4x128xi32, #tpu.memory_space<vmem>>
    %dma_start3A_260 = arith.constant 0 : i32
    %dma_start3A_261 = tpu.memref_slice %arg3[%select_n3A_212, %mul3A_247, %dma_start3A_260] : memref<200x32x128xi32, #tpu.memory_space<hbm>> -> memref<1x4x128xi32, #tpu.memory_space<hbm>>
    %dma_start3A_262 = tpu.memref_squeeze %dma_start3A_261 : memref<1x4x128xi32, #tpu.memory_space<hbm>> -> memref<4x128xi32, #tpu.memory_space<hbm>>
    tpu.enqueue_dma source(%dma_start3A_262 : memref<4x128xi32, #tpu.memory_space<hbm>>) target(%dma_start3A_259 : memref<4x128xi32, #tpu.memory_space<vmem>>) target_semaphore(%arg14 : memref<!tpu.dma_semaphore, #tpu.memory_space<semaphore_mem>>)
    %scan3A = arith.constant 0 : i32
    %scan3A_263 = arith.constant 0 : i32
    %scan3A_264 = arith.constant 50 : i32
    %scan3A_265 = arith.addi %scan3A_263, %scan3A_264 : i32
    %scan3A_266 = arith.constant 1 : i32
    scf.for %scan3A_294 = %scan3A_263 to %scan3A_265 step %scan3A_266  : i32 {
      %and3A_295 = arith.constant 1 : i32
      %and3A_296 = arith.andi %scan3A_294, %and3A_295 : i32
      %mul3A_297 = arith.constant 50 : i32
      %mul3A_298 = arith.muli %add3A, %mul3A_297 : i32
      %add3A_299 = arith.addi %mul3A_298, %scan3A_294 : i32
      %jit3A_300 = arith.constant 8 : i32
      %div3A_301 = arith.divsi %add3A_299, %jit3A_300 : i32
      %sign3A_302 = arith.constant 0 : i32
      %sign3A_303 = arith.cmpi sgt, %add3A_299, %sign3A_302 : i32
      %sign3A_304 = arith.extui %sign3A_303 : i1 to i32
      %sign3A_305 = arith.constant 0 : i32
      %sign3A_306 = arith.cmpi slt, %add3A_299, %sign3A_305 : i32
      %sign3A_307 = arith.extui %sign3A_306 : i1 to i32
      %sign3A_308 = arith.subi %sign3A_304, %sign3A_307 : i32
      %sign3A_309 = arith.constant 0 : i32
      %sign3A_310 = arith.cmpi sgt, %jit3A_300, %sign3A_309 : i32
      %sign3A_311 = arith.extui %sign3A_310 : i1 to i32
      %sign3A_312 = arith.constant 0 : i32
      %sign3A_313 = arith.cmpi slt, %jit3A_300, %sign3A_312 : i32
      %sign3A_314 = arith.extui %sign3A_313 : i1 to i32
      %sign3A_315 = arith.subi %sign3A_311, %sign3A_314 : i32
      %ne3A_316 = arith.cmpi ne, %sign3A_308, %sign3A_315 : i32
      %rem3A_317 = arith.remsi %add3A_299, %jit3A_300 : i32
      %ne3A_318 = arith.constant 0 : i32
      %ne3A_319 = arith.cmpi ne, %rem3A_317, %ne3A_318 : i32
      %and3A_320 = arith.andi %ne3A_316, %ne3A_319 : i1
      %sub3A_321 = arith.constant 1 : i32
      %sub3A_322 = arith.subi %div3A_301, %sub3A_321 : i32
      %select_n3A_323 = arith.select %and3A_320, %sub3A_322, %div3A_301 : i32
      %jit3A_324 = arith.constant 8 : i32
      %eq3A_325 = arith.constant 0 : i32
      %eq3A_326 = arith.cmpi eq, %jit3A_324, %eq3A_325 : i32
      %jit3A_327 = arith.constant 1 : i32
      %select_n3A_328 = arith.select %eq3A_326, %jit3A_327, %jit3A_324 : i32
      %rem3A_329 = arith.remsi %add3A_299, %select_n3A_328 : i32
      %ne3A_330 = arith.constant 0 : i32
      %ne3A_331 = arith.cmpi ne, %rem3A_329, %ne3A_330 : i32
      %lt3A_332 = arith.constant 0 : i32
      %lt3A_333 = arith.cmpi slt, %rem3A_329, %lt3A_332 : i32
      %lt3A_334 = arith.constant 0 : i32
      %lt3A_335 = arith.cmpi slt, %select_n3A_328, %lt3A_334 : i32
      %ne3A_336 = arith.xori %lt3A_333, %lt3A_335 : i1
      %and3A_337 = arith.andi %ne3A_336, %ne3A_331 : i1
      %add3A_338 = arith.addi %rem3A_329, %select_n3A_328 : i32
      %select_n3A_339 = arith.select %and3A_337, %add3A_338, %rem3A_329 : i32
      %dma_wait3A_340 = arith.constant 0 : i32
      %dma_wait3A_341 = arith.constant 0 : i32
      %dma_wait3A_342 = arith.constant 0 : i32
      %dma_wait3A_343 = arith.constant 0 : i32
      %dma_wait3A_344 = arith.constant 0 : i32
      %dma_wait3A_345 = tpu.memref_slice %arg10[%dma_wait3A_342, %dma_wait3A_343, %dma_wait3A_344] : memref<2x512x64xf32, #tpu.memory_space<vmem>> -> memref<1x128x64xf32, #tpu.memory_space<vmem>>
      %dma_wait3A_346 = tpu.memref_squeeze %dma_wait3A_345 : memref<1x128x64xf32, #tpu.memory_space<vmem>> -> memref<128x64xf32, #tpu.memory_space<vmem>>
      %dma_wait3A_347 = arith.constant 0 : i32
      %dma_wait3A_348 = tpu.memref_slice %arg8[%dma_wait3A_340, %dma_wait3A_341, %dma_wait3A_347] : memref<2x4x128xi32, #tpu.memory_space<vmem>> -> memref<1x1x128xi32, #tpu.memory_space<vmem>>
      %dma_wait3A_349 = tpu.memref_squeeze %dma_wait3A_348 : memref<1x1x128xi32, #tpu.memory_space<vmem>> -> memref<128xi32, #tpu.memory_space<vmem>>
      %dma_wait3A_350 = arith.constant 0 : i32
      %dma_wait3A_351 = arith.constant 0 : i32
      %dma_wait3A_352 = tpu.memref_slice %arg4[%dma_wait3A_350, %dma_wait3A_351] : memref<1000000x64xf32, #tpu.memory_space<hbm>> -> memref<1000000x64xf32, #tpu.memory_space<hbm>>
      tpu.wait_indirect_dma semaphore(%arg15 : memref<!tpu.dma_semaphore, #tpu.memory_space<semaphore_mem>>) src(%dma_wait3A_352 : memref<1000000x64xf32, #tpu.memory_space<hbm>>) dst(%dma_wait3A_346 : memref<128x64xf32, #tpu.memory_space<vmem>>)
      %dma_wait3A_353 = arith.constant 0 : i32
      %dma_wait3A_354 = arith.constant 0 : i32
      %dma_wait3A_355 = arith.constant 0 : i32
      %dma_wait3A_356 = arith.constant 0 : i32
      %dma_wait3A_357 = arith.constant 0 : i32
      %dma_wait3A_358 = tpu.memref_slice %arg10[%dma_wait3A_355, %dma_wait3A_356, %dma_wait3A_357] : memref<2x512x64xf32, #tpu.memory_space<vmem>> -> memref<1x128x64xf32, #tpu.memory_space<vmem>>
      %dma_wait3A_359 = tpu.memref_squeeze %dma_wait3A_358 : memref<1x128x64xf32, #tpu.memory_space<vmem>> -> memref<128x64xf32, #tpu.memory_space<vmem>>
      %dma_wait3A_360 = arith.constant 0 : i32
      %dma_wait3A_361 = tpu.memref_slice %arg8[%dma_wait3A_353, %dma_wait3A_354, %dma_wait3A_360] : memref<2x4x128xi32, #tpu.memory_space<vmem>> -> memref<1x1x128xi32, #tpu.memory_space<vmem>>
      %dma_wait3A_362 = tpu.memref_squeeze %dma_wait3A_361 : memref<1x1x128xi32, #tpu.memory_space<vmem>> -> memref<128xi32, #tpu.memory_space<vmem>>
      %dma_wait3A_363 = arith.constant 0 : i32
      %dma_wait3A_364 = arith.constant 0 : i32
      %dma_wait3A_365 = tpu.memref_slice %arg4[%dma_wait3A_363, %dma_wait3A_364] : memref<1000000x64xf32, #tpu.memory_space<hbm>> -> memref<1000000x64xf32, #tpu.memory_space<hbm>>
      tpu.wait_indirect_dma semaphore(%arg15 : memref<!tpu.dma_semaphore, #tpu.memory_space<semaphore_mem>>) src(%dma_wait3A_365 : memref<1000000x64xf32, #tpu.memory_space<hbm>>) dst(%dma_wait3A_359 : memref<128x64xf32, #tpu.memory_space<vmem>>)
      %dma_wait3A_366 = arith.constant 0 : i32
      %dma_wait3A_367 = arith.constant 0 : i32
      %dma_wait3A_368 = arith.constant 0 : i32
      %dma_wait3A_369 = arith.constant 0 : i32
      %dma_wait3A_370 = arith.constant 0 : i32
      %dma_wait3A_371 = tpu.memref_slice %arg10[%dma_wait3A_368, %dma_wait3A_369, %dma_wait3A_370] : memref<2x512x64xf32, #tpu.memory_space<vmem>> -> memref<1x128x64xf32, #tpu.memory_space<vmem>>
      %dma_wait3A_372 = tpu.memref_squeeze %dma_wait3A_371 : memref<1x128x64xf32, #tpu.memory_space<vmem>> -> memref<128x64xf32, #tpu.memory_space<vmem>>
      %dma_wait3A_373 = arith.constant 0 : i32
      %dma_wait3A_374 = tpu.memref_slice %arg8[%dma_wait3A_366, %dma_wait3A_367, %dma_wait3A_373] : memref<2x4x128xi32, #tpu.memory_space<vmem>> -> memref<1x1x128xi32, #tpu.memory_space<vmem>>
      %dma_wait3A_375 = tpu.memref_squeeze %dma_wait3A_374 : memref<1x1x128xi32, #tpu.memory_space<vmem>> -> memref<128xi32, #tpu.memory_space<vmem>>
      %dma_wait3A_376 = arith.constant 0 : i32
      %dma_wait3A_377 = arith.constant 0 : i32
      %dma_wait3A_378 = tpu.memref_slice %arg4[%dma_wait3A_376, %dma_wait3A_377] : memref<1000000x64xf32, #tpu.memory_space<hbm>> -> memref<1000000x64xf32, #tpu.memory_space<hbm>>
      tpu.wait_indirect_dma semaphore(%arg15 : memref<!tpu.dma_semaphore, #tpu.memory_space<semaphore_mem>>) src(%dma_wait3A_378 : memref<1000000x64xf32, #tpu.memory_space<hbm>>) dst(%dma_wait3A_372 : memref<128x64xf32, #tpu.memory_space<vmem>>)
      %dma_wait3A_379 = arith.constant 0 : i32
      %dma_wait3A_380 = arith.constant 0 : i32
      %dma_wait3A_381 = arith.constant 0 : i32
      %dma_wait3A_382 = arith.constant 0 : i32
      %dma_wait3A_383 = arith.constant 0 : i32
      %dma_wait3A_384 = tpu.memref_slice %arg10[%dma_wait3A_381, %dma_wait3A_382, %dma_wait3A_383] : memref<2x512x64xf32, #tpu.memory_space<vmem>> -> memref<1x128x64xf32, #tpu.memory_space<vmem>>
      %dma_wait3A_385 = tpu.memref_squeeze %dma_wait3A_384 : memref<1x128x64xf32, #tpu.memory_space<vmem>> -> memref<128x64xf32, #tpu.memory_space<vmem>>
      %dma_wait3A_386 = arith.constant 0 : i32
      %dma_wait3A_387 = tpu.memref_slice %arg8[%dma_wait3A_379, %dma_wait3A_380, %dma_wait3A_386] : memref<2x4x128xi32, #tpu.memory_space<vmem>> -> memref<1x1x128xi32, #tpu.memory_space<vmem>>
      %dma_wait3A_388 = tpu.memref_squeeze %dma_wait3A_387 : memref<1x1x128xi32, #tpu.memory_space<vmem>> -> memref<128xi32, #tpu.memory_space<vmem>>
      %dma_wait3A_389 = arith.constant 0 : i32
      %dma_wait3A_390 = arith.constant 0 : i32
      %dma_wait3A_391 = tpu.memref_slice %arg4[%dma_wait3A_389, %dma_wait3A_390] : memref<1000000x64xf32, #tpu.memory_space<hbm>> -> memref<1000000x64xf32, #tpu.memory_space<hbm>>
      tpu.wait_indirect_dma semaphore(%arg15 : memref<!tpu.dma_semaphore, #tpu.memory_space<semaphore_mem>>) src(%dma_wait3A_391 : memref<1000000x64xf32, #tpu.memory_space<hbm>>) dst(%dma_wait3A_385 : memref<128x64xf32, #tpu.memory_space<vmem>>)
      %add3A_392 = arith.constant 1 : i32
      %add3A_393 = arith.addi %scan3A_294, %add3A_392 : i32
      %lt3A_394 = arith.constant 50 : i32
      %lt3A_395 = arith.cmpi slt, %add3A_393, %lt3A_394 : i32
      %convert_element_type3A = arith.extui %lt3A_395 : i1 to i32
      %cond3A = arith.constant 0 : i32
      %cond3A_396 = arith.cmpi ne, %convert_element_type3A, %cond3A : i32
      scf.if %cond3A_396 {
        %sub3A_657 = arith.constant 1 : i32
        %sub3A_658 = arith.subi %sub3A_657, %and3A_296 : i32
        %dma_wait3A_659 = arith.constant 0 : i32
        %dma_wait3A_660 = arith.constant 0 : i32
        %dma_wait3A_661 = arith.constant 0 : i32
        %dma_wait3A_662 = tpu.memref_slice %arg8[%sub3A_658, %dma_wait3A_660, %dma_wait3A_661] : memref<2x4x128xi32, #tpu.memory_space<vmem>> -> memref<1x4x128xi32, #tpu.memory_space<vmem>>
        %dma_wait3A_663 = tpu.memref_squeeze %dma_wait3A_662 : memref<1x4x128xi32, #tpu.memory_space<vmem>> -> memref<4x128xi32, #tpu.memory_space<vmem>>
        %dma_wait3A_664 = arith.constant 0 : i32
        %dma_wait3A_665 = arith.constant 0 : i32
        %dma_wait3A_666 = tpu.memref_slice %arg2[%dma_wait3A_659, %dma_wait3A_664, %dma_wait3A_665] : memref<200x32x128xi32, #tpu.memory_space<hbm>> -> memref<1x4x128xi32, #tpu.memory_space<hbm>>
        %dma_wait3A_667 = tpu.memref_squeeze %dma_wait3A_666 : memref<1x4x128xi32, #tpu.memory_space<hbm>> -> memref<4x128xi32, #tpu.memory_space<hbm>>
        %dma_wait3A_668 = arith.constant 0 : i32
        %dma_wait3A_669 = arith.constant 0 : i32
        %dma_wait3A_670 = tpu.memref_slice %arg8[%sub3A_658, %dma_wait3A_668, %dma_wait3A_669] : memref<2x4x128xi32, #tpu.memory_space<vmem>> -> memref<1x4x128xi32, #tpu.memory_space<vmem>>
        %dma_wait3A_671 = tpu.memref_squeeze %dma_wait3A_670 : memref<1x4x128xi32, #tpu.memory_space<vmem>> -> memref<4x128xi32, #tpu.memory_space<vmem>>
        %dma_wait3A_672 = arith.constant 0 : i32
        %dma_wait3A_673 = arith.constant 0 : i32
        %dma_wait3A_674 = tpu.memref_slice %arg2[%dma_wait3A_659, %dma_wait3A_672, %dma_wait3A_673] : memref<200x32x128xi32, #tpu.memory_space<hbm>> -> memref<1x4x128xi32, #tpu.memory_space<hbm>>
        %dma_wait3A_675 = tpu.memref_squeeze %dma_wait3A_674 : memref<1x4x128xi32, #tpu.memory_space<hbm>> -> memref<4x128xi32, #tpu.memory_space<hbm>>
        tpu.wait_dma2 semaphore(%arg14 : memref<!tpu.dma_semaphore, #tpu.memory_space<semaphore_mem>>) src(%dma_wait3A_675 : memref<4x128xi32, #tpu.memory_space<hbm>>) dst(%dma_wait3A_671 : memref<4x128xi32, #tpu.memory_space<vmem>>)
        %dma_wait3A_676 = arith.constant 0 : i32
        %dma_wait3A_677 = arith.constant 0 : i32
        %dma_wait3A_678 = arith.constant 0 : i32
        %dma_wait3A_679 = tpu.memref_slice %arg9[%sub3A_658, %dma_wait3A_677, %dma_wait3A_678] : memref<2x4x128xi32, #tpu.memory_space<vmem>> -> memref<1x4x128xi32, #tpu.memory_space<vmem>>
        %dma_wait3A_680 = tpu.memref_squeeze %dma_wait3A_679 : memref<1x4x128xi32, #tpu.memory_space<vmem>> -> memref<4x128xi32, #tpu.memory_space<vmem>>
        %dma_wait3A_681 = arith.constant 0 : i32
        %dma_wait3A_682 = arith.constant 0 : i32
        %dma_wait3A_683 = tpu.memref_slice %arg3[%dma_wait3A_676, %dma_wait3A_681, %dma_wait3A_682] : memref<200x32x128xi32, #tpu.memory_space<hbm>> -> memref<1x4x128xi32, #tpu.memory_space<hbm>>
        %dma_wait3A_684 = tpu.memref_squeeze %dma_wait3A_683 : memref<1x4x128xi32, #tpu.memory_space<hbm>> -> memref<4x128xi32, #tpu.memory_space<hbm>>
        %dma_wait3A_685 = arith.constant 0 : i32
        %dma_wait3A_686 = arith.constant 0 : i32
        %dma_wait3A_687 = tpu.memref_slice %arg9[%sub3A_658, %dma_wait3A_685, %dma_wait3A_686] : memref<2x4x128xi32, #tpu.memory_space<vmem>> -> memref<1x4x128xi32, #tpu.memory_space<vmem>>
        %dma_wait3A_688 = tpu.memref_squeeze %dma_wait3A_687 : memref<1x4x128xi32, #tpu.memory_space<vmem>> -> memref<4x128xi32, #tpu.memory_space<vmem>>
        %dma_wait3A_689 = arith.constant 0 : i32
        %dma_wait3A_690 = arith.constant 0 : i32
        %dma_wait3A_691 = tpu.memref_slice %arg3[%dma_wait3A_676, %dma_wait3A_689, %dma_wait3A_690] : memref<200x32x128xi32, #tpu.memory_space<hbm>> -> memref<1x4x128xi32, #tpu.memory_space<hbm>>
        %dma_wait3A_692 = tpu.memref_squeeze %dma_wait3A_691 : memref<1x4x128xi32, #tpu.memory_space<hbm>> -> memref<4x128xi32, #tpu.memory_space<hbm>>
        tpu.wait_dma2 semaphore(%arg14 : memref<!tpu.dma_semaphore, #tpu.memory_space<semaphore_mem>>) src(%dma_wait3A_692 : memref<4x128xi32, #tpu.memory_space<hbm>>) dst(%dma_wait3A_688 : memref<4x128xi32, #tpu.memory_space<vmem>>)
        %sub3A_693 = arith.constant 1 : i32
        %sub3A_694 = arith.subi %sub3A_693, %and3A_296 : i32
        %dma_start3A_695 = arith.constant 0 : i32
        %dma_start3A_696 = arith.constant 0 : i32
        %dma_start3A_697 = arith.constant 0 : i32
        %dma_start3A_698 = tpu.memref_slice %arg10[%sub3A_694, %dma_start3A_696, %dma_start3A_697] : memref<2x512x64xf32, #tpu.memory_space<vmem>> -> memref<1x128x64xf32, #tpu.memory_space<vmem>>
        %dma_start3A_699 = tpu.memref_squeeze %dma_start3A_698 : memref<1x128x64xf32, #tpu.memory_space<vmem>> -> memref<128x64xf32, #tpu.memory_space<vmem>>
        %dma_start3A_700 = arith.constant 0 : i32
        %dma_start3A_701 = tpu.memref_slice %arg8[%sub3A_694, %dma_start3A_695, %dma_start3A_700] : memref<2x4x128xi32, #tpu.memory_space<vmem>> -> memref<1x1x128xi32, #tpu.memory_space<vmem>>
        %dma_start3A_702 = tpu.memref_squeeze %dma_start3A_701 : memref<1x1x128xi32, #tpu.memory_space<vmem>> -> memref<128xi32, #tpu.memory_space<vmem>>
        %dma_start3A_703 = arith.constant 0 : i32
        %dma_start3A_704 = arith.constant 0 : i32
        %dma_start3A_705 = tpu.memref_slice %arg4[%dma_start3A_703, %dma_start3A_704] : memref<1000000x64xf32, #tpu.memory_space<hbm>> -> memref<1000000x64xf32, #tpu.memory_space<hbm>>
        tpu.enqueue_indirect_dma source(%dma_start3A_705 : memref<1000000x64xf32, #tpu.memory_space<hbm>>) target(%dma_start3A_699 : memref<128x64xf32, #tpu.memory_space<vmem>>) offsets(%dma_start3A_702 : memref<128xi32, #tpu.memory_space<vmem>>) semaphore(%arg15 : memref<!tpu.dma_semaphore, #tpu.memory_space<semaphore_mem>>)
        %dma_start3A_706 = arith.constant 1 : i32
        %dma_start3A_707 = arith.constant 128 : i32
        %dma_start3A_708 = arith.constant 0 : i32
        %dma_start3A_709 = tpu.memref_slice %arg10[%sub3A_694, %dma_start3A_707, %dma_start3A_708] : memref<2x512x64xf32, #tpu.memory_space<vmem>> -> memref<1x128x64xf32, #tpu.memory_space<vmem>>
        %dma_start3A_710 = tpu.memref_squeeze %dma_start3A_709 : memref<1x128x64xf32, #tpu.memory_space<vmem>> -> memref<128x64xf32, #tpu.memory_space<vmem>>
        %dma_start3A_711 = arith.constant 0 : i32
        %dma_start3A_712 = tpu.memref_slice %arg8[%sub3A_694, %dma_start3A_706, %dma_start3A_711] : memref<2x4x128xi32, #tpu.memory_space<vmem>> -> memref<1x1x128xi32, #tpu.memory_space<vmem>>
        %dma_start3A_713 = tpu.memref_squeeze %dma_start3A_712 : memref<1x1x128xi32, #tpu.memory_space<vmem>> -> memref<128xi32, #tpu.memory_space<vmem>>
        %dma_start3A_714 = arith.constant 0 : i32
        %dma_start3A_715 = arith.constant 0 : i32
        %dma_start3A_716 = tpu.memref_slice %arg4[%dma_start3A_714, %dma_start3A_715] : memref<1000000x64xf32, #tpu.memory_space<hbm>> -> memref<1000000x64xf32, #tpu.memory_space<hbm>>
        tpu.enqueue_indirect_dma source(%dma_start3A_716 : memref<1000000x64xf32, #tpu.memory_space<hbm>>) target(%dma_start3A_710 : memref<128x64xf32, #tpu.memory_space<vmem>>) offsets(%dma_start3A_713 : memref<128xi32, #tpu.memory_space<vmem>>) semaphore(%arg15 : memref<!tpu.dma_semaphore, #tpu.memory_space<semaphore_mem>>)
        %dma_start3A_717 = arith.constant 2 : i32
        %dma_start3A_718 = arith.constant 256 : i32
        %dma_start3A_719 = arith.constant 0 : i32
        %dma_start3A_720 = tpu.memref_slice %arg10[%sub3A_694, %dma_start3A_718, %dma_start3A_719] : memref<2x512x64xf32, #tpu.memory_space<vmem>> -> memref<1x128x64xf32, #tpu.memory_space<vmem>>
        %dma_start3A_721 = tpu.memref_squeeze %dma_start3A_720 : memref<1x128x64xf32, #tpu.memory_space<vmem>> -> memref<128x64xf32, #tpu.memory_space<vmem>>
        %dma_start3A_722 = arith.constant 0 : i32
        %dma_start3A_723 = tpu.memref_slice %arg8[%sub3A_694, %dma_start3A_717, %dma_start3A_722] : memref<2x4x128xi32, #tpu.memory_space<vmem>> -> memref<1x1x128xi32, #tpu.memory_space<vmem>>
        %dma_start3A_724 = tpu.memref_squeeze %dma_start3A_723 : memref<1x1x128xi32, #tpu.memory_space<vmem>> -> memref<128xi32, #tpu.memory_space<vmem>>
        %dma_start3A_725 = arith.constant 0 : i32
        %dma_start3A_726 = arith.constant 0 : i32
        %dma_start3A_727 = tpu.memref_slice %arg4[%dma_start3A_725, %dma_start3A_726] : memref<1000000x64xf32, #tpu.memory_space<hbm>> -> memref<1000000x64xf32, #tpu.memory_space<hbm>>
        tpu.enqueue_indirect_dma source(%dma_start3A_727 : memref<1000000x64xf32, #tpu.memory_space<hbm>>) target(%dma_start3A_721 : memref<128x64xf32, #tpu.memory_space<vmem>>) offsets(%dma_start3A_724 : memref<128xi32, #tpu.memory_space<vmem>>) semaphore(%arg15 : memref<!tpu.dma_semaphore, #tpu.memory_space<semaphore_mem>>)
        %dma_start3A_728 = arith.constant 3 : i32
        %dma_start3A_729 = arith.constant 384 : i32
        %dma_start3A_730 = arith.constant 0 : i32
        %dma_start3A_731 = tpu.memref_slice %arg10[%sub3A_694, %dma_start3A_729, %dma_start3A_730] : memref<2x512x64xf32, #tpu.memory_space<vmem>> -> memref<1x128x64xf32, #tpu.memory_space<vmem>>
        %dma_start3A_732 = tpu.memref_squeeze %dma_start3A_731 : memref<1x128x64xf32, #tpu.memory_space<vmem>> -> memref<128x64xf32, #tpu.memory_space<vmem>>
        %dma_start3A_733 = arith.constant 0 : i32
        %dma_start3A_734 = tpu.memref_slice %arg8[%sub3A_694, %dma_start3A_728, %dma_start3A_733] : memref<2x4x128xi32, #tpu.memory_space<vmem>> -> memref<1x1x128xi32, #tpu.memory_space<vmem>>
        %dma_start3A_735 = tpu.memref_squeeze %dma_start3A_734 : memref<1x1x128xi32, #tpu.memory_space<vmem>> -> memref<128xi32, #tpu.memory_space<vmem>>
        %dma_start3A_736 = arith.constant 0 : i32
        %dma_start3A_737 = arith.constant 0 : i32
        %dma_start3A_738 = tpu.memref_slice %arg4[%dma_start3A_736, %dma_start3A_737] : memref<1000000x64xf32, #tpu.memory_space<hbm>> -> memref<1000000x64xf32, #tpu.memory_space<hbm>>
        tpu.enqueue_indirect_dma source(%dma_start3A_738 : memref<1000000x64xf32, #tpu.memory_space<hbm>>) target(%dma_start3A_732 : memref<128x64xf32, #tpu.memory_space<vmem>>) offsets(%dma_start3A_735 : memref<128xi32, #tpu.memory_space<vmem>>) semaphore(%arg15 : memref<!tpu.dma_semaphore, #tpu.memory_space<semaphore_mem>>)
      } else {
      }
      %gt3A = arith.constant 0 : i32
      %gt3A_397 = arith.cmpi sgt, %scan3A_294, %gt3A : i32
      %convert_element_type3A_398 = arith.extui %gt3A_397 : i1 to i32
      %cond3A_399 = arith.constant 0 : i32
      %cond3A_400 = arith.cmpi ne, %convert_element_type3A_398, %cond3A_399 : i32
      scf.if %cond3A_400 {
        %dma_wait3A_657 = arith.constant 0 : i32
        %dma_wait3A_658 = arith.constant 0 : i32
        %dma_wait3A_659 = arith.constant 0 : i32
        %dma_wait3A_660 = arith.constant 0 : i32
        %dma_wait3A_661 = arith.constant 0 : i32
        %dma_wait3A_662 = tpu.memref_slice %arg6[%dma_wait3A_657, %dma_wait3A_658, %dma_wait3A_659, %dma_wait3A_660, %dma_wait3A_661] : memref<200x8x32x8x128xf32, #tpu.memory_space<hbm>> -> memref<1x8x2x8x128xf32, #tpu.memory_space<hbm>>
        %dma_wait3A_663 = tpu.memref_squeeze %dma_wait3A_662 : memref<1x8x2x8x128xf32, #tpu.memory_space<hbm>> -> memref<8x2x8x128xf32, #tpu.memory_space<hbm>>
        %dma_wait3A_664 = arith.constant 0 : i32
        %dma_wait3A_665 = arith.constant 0 : i32
        %dma_wait3A_666 = arith.constant 0 : i32
        %dma_wait3A_667 = arith.constant 0 : i32
        %dma_wait3A_668 = tpu.memref_slice %arg6[%dma_wait3A_657, %dma_wait3A_664, %dma_wait3A_665, %dma_wait3A_666, %dma_wait3A_667] : memref<200x8x32x8x128xf32, #tpu.memory_space<hbm>> -> memref<1x8x2x8x128xf32, #tpu.memory_space<hbm>>
        %dma_wait3A_669 = tpu.memref_squeeze %dma_wait3A_668 : memref<1x8x2x8x128xf32, #tpu.memory_space<hbm>> -> memref<8x2x8x128xf32, #tpu.memory_space<hbm>>
        tpu.wait_dma2 semaphore(%arg16 : memref<!tpu.dma_semaphore, #tpu.memory_space<semaphore_mem>>) src(%arg12 : memref<8x2x8x128xf32, #tpu.memory_space<vmem>>) dst(%dma_wait3A_669 : memref<8x2x8x128xf32, #tpu.memory_space<hbm>>)
        %dma_wait3A_670 = arith.constant 0 : i32
        %dma_wait3A_671 = arith.constant 0 : i32
        %dma_wait3A_672 = arith.constant 0 : i32
        %dma_wait3A_673 = arith.constant 0 : i32
        %dma_wait3A_674 = arith.constant 0 : i32
        %dma_wait3A_675 = tpu.memref_slice %arg7[%dma_wait3A_670, %dma_wait3A_671, %dma_wait3A_672, %dma_wait3A_673, %dma_wait3A_674] : memref<200x4x32x8x128xf32, #tpu.memory_space<hbm>> -> memref<1x4x2x8x128xf32, #tpu.memory_space<hbm>>
        %dma_wait3A_676 = tpu.memref_squeeze %dma_wait3A_675 : memref<1x4x2x8x128xf32, #tpu.memory_space<hbm>> -> memref<4x2x8x128xf32, #tpu.memory_space<hbm>>
        %dma_wait3A_677 = arith.constant 0 : i32
        %dma_wait3A_678 = arith.constant 0 : i32
        %dma_wait3A_679 = arith.constant 0 : i32
        %dma_wait3A_680 = arith.constant 0 : i32
        %dma_wait3A_681 = tpu.memref_slice %arg7[%dma_wait3A_670, %dma_wait3A_677, %dma_wait3A_678, %dma_wait3A_679, %dma_wait3A_680] : memref<200x4x32x8x128xf32, #tpu.memory_space<hbm>> -> memref<1x4x2x8x128xf32, #tpu.memory_space<hbm>>
        %dma_wait3A_682 = tpu.memref_squeeze %dma_wait3A_681 : memref<1x4x2x8x128xf32, #tpu.memory_space<hbm>> -> memref<4x2x8x128xf32, #tpu.memory_space<hbm>>
        tpu.wait_dma2 semaphore(%arg17 : memref<!tpu.dma_semaphore, #tpu.memory_space<semaphore_mem>>) src(%arg13 : memref<4x2x8x128xf32, #tpu.memory_space<vmem>>) dst(%dma_wait3A_682 : memref<4x2x8x128xf32, #tpu.memory_space<hbm>>)
      } else {
      }
      %parallel_loop3A_401 = arith.constant 0 : i32
      %parallel_loop3A_402 = arith.constant 64 : i32
      %parallel_loop3A_403 = arith.constant 1 : i32
      scf.for %parallel_loop3A_657 = %parallel_loop3A_401 to %parallel_loop3A_402 step %parallel_loop3A_403  : i32 {
        %parallel_loop3A_658 = vector.broadcast %parallel_loop3A_657 : i32 to vector<16xi32>
        %parallel_loop3A_659 = arith.addi %parallel_loop3A_658, %iota3A : vector<16xi32>
        %parallel_loop3A_660 = arith.constant 63 : i32
        %parallel_loop3A_661 = vector.broadcast %parallel_loop3A_660 : i32 to vector<16xi32>
        %parallel_loop3A_662 = arith.andi %parallel_loop3A_659, %parallel_loop3A_661 : vector<16xi32>
        %parallel_loop3A_663 = arith.constant 3 : i32
        %parallel_loop3A_664 = vector.broadcast %parallel_loop3A_663 : i32 to vector<16xi32>
        %parallel_loop3A_665 = arith.shrsi %parallel_loop3A_662, %parallel_loop3A_664 : vector<16xi32>
        %parallel_loop3A_666 = arith.constant 7 : i32
        %parallel_loop3A_667 = vector.broadcast %parallel_loop3A_666 : i32 to vector<16xi32>
        %parallel_loop3A_668 = arith.andi %parallel_loop3A_662, %parallel_loop3A_667 : vector<16xi32>
        %parallel_loop3A_669 = arith.constant 0 : i32
        %parallel_loop3A_670 = vector.broadcast %parallel_loop3A_669 : i32 to vector<16xi32>
        %parallel_loop3A_671 = arith.addi %parallel_loop3A_670, %add3A_3 : vector<16xi32>
        %parallel_loop3A_672 = arith.constant 0 : i32
        %parallel_loop3A_673 = arith.constant 0 : i32
        %parallel_loop3A_674 = tpu.memref_slice %arg10[%and3A_296, %parallel_loop3A_672, %parallel_loop3A_673] : memref<2x512x64xf32, #tpu.memory_space<vmem>> -> memref<1x512x64xf32, #tpu.memory_space<vmem>>
        %parallel_loop3A_675 = tpu.memref_squeeze %parallel_loop3A_674 : memref<1x512x64xf32, #tpu.memory_space<vmem>> -> memref<512x64xf32, #tpu.memory_space<vmem>>
        %parallel_loop3A_676 = tpu.vector_load_idx %parallel_loop3A_675[%parallel_loop3A_671, %parallel_loop3A_662] : memref<512x64xf32, #tpu.memory_space<vmem>>[vector<16xi32>, vector<16xi32>], vector<16xf32>,
        tpu.vector_store_idx %arg12[%parallel_loop3A_665, %broadcast_in_dim3A_25, %parallel_loop3A_668, %add3A_3], %parallel_loop3A_676 : memref<8x2x8x128xf32, #tpu.memory_space<vmem>>[vector<16xi32>, vector<16xi32>, vector<16xi32>, vector<16xi32>], vector<16xf32>,
        %parallel_loop3A_677 = arith.constant 0 : i32
        %parallel_loop3A_678 = vector.broadcast %parallel_loop3A_677 : i32 to vector<16xi32>
        %parallel_loop3A_679 = arith.addi %parallel_loop3A_678, %add3A_6 : vector<16xi32>
        %parallel_loop3A_680 = arith.constant 0 : i32
        %parallel_loop3A_681 = arith.constant 0 : i32
        %parallel_loop3A_682 = tpu.memref_slice %arg10[%and3A_296, %parallel_loop3A_680, %parallel_loop3A_681] : memref<2x512x64xf32, #tpu.memory_space<vmem>> -> memref<1x512x64xf32, #tpu.memory_space<vmem>>
        %parallel_loop3A_683 = tpu.memref_squeeze %parallel_loop3A_682 : memref<1x512x64xf32, #tpu.memory_space<vmem>> -> memref<512x64xf32, #tpu.memory_space<vmem>>
        %parallel_loop3A_684 = tpu.vector_load_idx %parallel_loop3A_683[%parallel_loop3A_679, %parallel_loop3A_662] : memref<512x64xf32, #tpu.memory_space<vmem>>[vector<16xi32>, vector<16xi32>], vector<16xf32>,
        tpu.vector_store_idx %arg12[%parallel_loop3A_665, %broadcast_in_dim3A_25, %parallel_loop3A_668, %add3A_6], %parallel_loop3A_684 : memref<8x2x8x128xf32, #tpu.memory_space<vmem>>[vector<16xi32>, vector<16xi32>, vector<16xi32>, vector<16xi32>], vector<16xf32>,
        %parallel_loop3A_685 = arith.constant 0 : i32
        %parallel_loop3A_686 = vector.broadcast %parallel_loop3A_685 : i32 to vector<16xi32>
        %parallel_loop3A_687 = arith.addi %parallel_loop3A_686, %add3A_9 : vector<16xi32>
        %parallel_loop3A_688 = arith.constant 0 : i32
        %parallel_loop3A_689 = arith.constant 0 : i32
        %parallel_loop3A_690 = tpu.memref_slice %arg10[%and3A_296, %parallel_loop3A_688, %parallel_loop3A_689] : memref<2x512x64xf32, #tpu.memory_space<vmem>> -> memref<1x512x64xf32, #tpu.memory_space<vmem>>
        %parallel_loop3A_691 = tpu.memref_squeeze %parallel_loop3A_690 : memref<1x512x64xf32, #tpu.memory_space<vmem>> -> memref<512x64xf32, #tpu.memory_space<vmem>>
        %parallel_loop3A_692 = tpu.vector_load_idx %parallel_loop3A_691[%parallel_loop3A_687, %parallel_loop3A_662] : memref<512x64xf32, #tpu.memory_space<vmem>>[vector<16xi32>, vector<16xi32>], vector<16xf32>,
        tpu.vector_store_idx %arg12[%parallel_loop3A_665, %broadcast_in_dim3A_25, %parallel_loop3A_668, %add3A_9], %parallel_loop3A_692 : memref<8x2x8x128xf32, #tpu.memory_space<vmem>>[vector<16xi32>, vector<16xi32>, vector<16xi32>, vector<16xi32>], vector<16xf32>,
        %parallel_loop3A_693 = arith.constant 0 : i32
        %parallel_loop3A_694 = vector.broadcast %parallel_loop3A_693 : i32 to vector<16xi32>
        %parallel_loop3A_695 = arith.addi %parallel_loop3A_694, %add3A_12 : vector<16xi32>
        %parallel_loop3A_696 = arith.constant 0 : i32
        %parallel_loop3A_697 = arith.constant 0 : i32
        %parallel_loop3A_698 = tpu.memref_slice %arg10[%and3A_296, %parallel_loop3A_696, %parallel_loop3A_697] : memref<2x512x64xf32, #tpu.memory_space<vmem>> -> memref<1x512x64xf32, #tpu.memory_space<vmem>>
        %parallel_loop3A_699 = tpu.memref_squeeze %parallel_loop3A_698 : memref<1x512x64xf32, #tpu.memory_space<vmem>> -> memref<512x64xf32, #tpu.memory_space<vmem>>
        %parallel_loop3A_700 = tpu.vector_load_idx %parallel_loop3A_699[%parallel_loop3A_695, %parallel_loop3A_662] : memref<512x64xf32, #tpu.memory_space<vmem>>[vector<16xi32>, vector<16xi32>], vector<16xf32>,
        tpu.vector_store_idx %arg12[%parallel_loop3A_665, %broadcast_in_dim3A_25, %parallel_loop3A_668, %add3A_12], %parallel_loop3A_700 : memref<8x2x8x128xf32, #tpu.memory_space<vmem>>[vector<16xi32>, vector<16xi32>, vector<16xi32>, vector<16xi32>], vector<16xf32>,
        %parallel_loop3A_701 = arith.constant 0 : i32
        %parallel_loop3A_702 = vector.broadcast %parallel_loop3A_701 : i32 to vector<16xi32>
        %parallel_loop3A_703 = arith.addi %parallel_loop3A_702, %add3A_15 : vector<16xi32>
        %parallel_loop3A_704 = arith.constant 0 : i32
        %parallel_loop3A_705 = arith.constant 0 : i32
        %parallel_loop3A_706 = tpu.memref_slice %arg10[%and3A_296, %parallel_loop3A_704, %parallel_loop3A_705] : memref<2x512x64xf32, #tpu.memory_space<vmem>> -> memref<1x512x64xf32, #tpu.memory_space<vmem>>
        %parallel_loop3A_707 = tpu.memref_squeeze %parallel_loop3A_706 : memref<1x512x64xf32, #tpu.memory_space<vmem>> -> memref<512x64xf32, #tpu.memory_space<vmem>>
        %parallel_loop3A_708 = tpu.vector_load_idx %parallel_loop3A_707[%parallel_loop3A_703, %parallel_loop3A_662] : memref<512x64xf32, #tpu.memory_space<vmem>>[vector<16xi32>, vector<16xi32>], vector<16xf32>,
        tpu.vector_store_idx %arg12[%parallel_loop3A_665, %broadcast_in_dim3A_25, %parallel_loop3A_668, %add3A_15], %parallel_loop3A_708 : memref<8x2x8x128xf32, #tpu.memory_space<vmem>>[vector<16xi32>, vector<16xi32>, vector<16xi32>, vector<16xi32>], vector<16xf32>,
        %parallel_loop3A_709 = arith.constant 0 : i32
        %parallel_loop3A_710 = vector.broadcast %parallel_loop3A_709 : i32 to vector<16xi32>
        %parallel_loop3A_711 = arith.addi %parallel_loop3A_710, %add3A_18 : vector<16xi32>
        %parallel_loop3A_712 = arith.constant 0 : i32
        %parallel_loop3A_713 = arith.constant 0 : i32
        %parallel_loop3A_714 = tpu.memref_slice %arg10[%and3A_296, %parallel_loop3A_712, %parallel_loop3A_713] : memref<2x512x64xf32, #tpu.memory_space<vmem>> -> memref<1x512x64xf32, #tpu.memory_space<vmem>>
        %parallel_loop3A_715 = tpu.memref_squeeze %parallel_loop3A_714 : memref<1x512x64xf32, #tpu.memory_space<vmem>> -> memref<512x64xf32, #tpu.memory_space<vmem>>
        %parallel_loop3A_716 = tpu.vector_load_idx %parallel_loop3A_715[%parallel_loop3A_711, %parallel_loop3A_662] : memref<512x64xf32, #tpu.memory_space<vmem>>[vector<16xi32>, vector<16xi32>], vector<16xf32>,
        tpu.vector_store_idx %arg12[%parallel_loop3A_665, %broadcast_in_dim3A_25, %parallel_loop3A_668, %add3A_18], %parallel_loop3A_716 : memref<8x2x8x128xf32, #tpu.memory_space<vmem>>[vector<16xi32>, vector<16xi32>, vector<16xi32>, vector<16xi32>], vector<16xf32>,
        %parallel_loop3A_717 = arith.constant 0 : i32
        %parallel_loop3A_718 = vector.broadcast %parallel_loop3A_717 : i32 to vector<16xi32>
        %parallel_loop3A_719 = arith.addi %parallel_loop3A_718, %add3A_21 : vector<16xi32>
        %parallel_loop3A_720 = arith.constant 0 : i32
        %parallel_loop3A_721 = arith.constant 0 : i32
        %parallel_loop3A_722 = tpu.memref_slice %arg10[%and3A_296, %parallel_loop3A_720, %parallel_loop3A_721] : memref<2x512x64xf32, #tpu.memory_space<vmem>> -> memref<1x512x64xf32, #tpu.memory_space<vmem>>
        %parallel_loop3A_723 = tpu.memref_squeeze %parallel_loop3A_722 : memref<1x512x64xf32, #tpu.memory_space<vmem>> -> memref<512x64xf32, #tpu.memory_space<vmem>>
        %parallel_loop3A_724 = tpu.vector_load_idx %parallel_loop3A_723[%parallel_loop3A_719, %parallel_loop3A_662] : memref<512x64xf32, #tpu.memory_space<vmem>>[vector<16xi32>, vector<16xi32>], vector<16xf32>,
        tpu.vector_store_idx %arg12[%parallel_loop3A_665, %broadcast_in_dim3A_25, %parallel_loop3A_668, %add3A_21], %parallel_loop3A_724 : memref<8x2x8x128xf32, #tpu.memory_space<vmem>>[vector<16xi32>, vector<16xi32>, vector<16xi32>, vector<16xi32>], vector<16xf32>,
        %parallel_loop3A_725 = arith.constant 0 : i32
        %parallel_loop3A_726 = vector.broadcast %parallel_loop3A_725 : i32 to vector<16xi32>
        %parallel_loop3A_727 = arith.addi %parallel_loop3A_726, %add3A_24 : vector<16xi32>
        %parallel_loop3A_728 = arith.constant 0 : i32
        %parallel_loop3A_729 = arith.constant 0 : i32
        %parallel_loop3A_730 = tpu.memref_slice %arg10[%and3A_296, %parallel_loop3A_728, %parallel_loop3A_729] : memref<2x512x64xf32, #tpu.memory_space<vmem>> -> memref<1x512x64xf32, #tpu.memory_space<vmem>>
        %parallel_loop3A_731 = tpu.memref_squeeze %parallel_loop3A_730 : memref<1x512x64xf32, #tpu.memory_space<vmem>> -> memref<512x64xf32, #tpu.memory_space<vmem>>
        %parallel_loop3A_732 = tpu.vector_load_idx %parallel_loop3A_731[%parallel_loop3A_727, %parallel_loop3A_662] : memref<512x64xf32, #tpu.memory_space<vmem>>[vector<16xi32>, vector<16xi32>], vector<16xf32>,
        tpu.vector_store_idx %arg12[%parallel_loop3A_665, %broadcast_in_dim3A_25, %parallel_loop3A_668, %add3A_24], %parallel_loop3A_732 : memref<8x2x8x128xf32, #tpu.memory_space<vmem>>[vector<16xi32>, vector<16xi32>, vector<16xi32>, vector<16xi32>], vector<16xf32>,
        %parallel_loop3A_733 = arith.constant 128 : i32
        %parallel_loop3A_734 = vector.broadcast %parallel_loop3A_733 : i32 to vector<16xi32>
        %parallel_loop3A_735 = arith.addi %parallel_loop3A_734, %add3A_3 : vector<16xi32>
        %parallel_loop3A_736 = arith.constant 0 : i32
        %parallel_loop3A_737 = arith.constant 0 : i32
        %parallel_loop3A_738 = tpu.memref_slice %arg10[%and3A_296, %parallel_loop3A_736, %parallel_loop3A_737] : memref<2x512x64xf32, #tpu.memory_space<vmem>> -> memref<1x512x64xf32, #tpu.memory_space<vmem>>
        %parallel_loop3A_739 = tpu.memref_squeeze %parallel_loop3A_738 : memref<1x512x64xf32, #tpu.memory_space<vmem>> -> memref<512x64xf32, #tpu.memory_space<vmem>>
        %parallel_loop3A_740 = tpu.vector_load_idx %parallel_loop3A_739[%parallel_loop3A_735, %parallel_loop3A_662] : memref<512x64xf32, #tpu.memory_space<vmem>>[vector<16xi32>, vector<16xi32>], vector<16xf32>,
        tpu.vector_store_idx %arg12[%parallel_loop3A_665, %broadcast_in_dim3A_27, %parallel_loop3A_668, %add3A_3], %parallel_loop3A_740 : memref<8x2x8x128xf32, #tpu.memory_space<vmem>>[vector<16xi32>, vector<16xi32>, vector<16xi32>, vector<16xi32>], vector<16xf32>,
        %parallel_loop3A_741 = arith.constant 128 : i32
        %parallel_loop3A_742 = vector.broadcast %parallel_loop3A_741 : i32 to vector<16xi32>
        %parallel_loop3A_743 = arith.addi %parallel_loop3A_742, %add3A_6 : vector<16xi32>
        %parallel_loop3A_744 = arith.constant 0 : i32
        %parallel_loop3A_745 = arith.constant 0 : i32
        %parallel_loop3A_746 = tpu.memref_slice %arg10[%and3A_296, %parallel_loop3A_744, %parallel_loop3A_745] : memref<2x512x64xf32, #tpu.memory_space<vmem>> -> memref<1x512x64xf32, #tpu.memory_space<vmem>>
        %parallel_loop3A_747 = tpu.memref_squeeze %parallel_loop3A_746 : memref<1x512x64xf32, #tpu.memory_space<vmem>> -> memref<512x64xf32, #tpu.memory_space<vmem>>
        %parallel_loop3A_748 = tpu.vector_load_idx %parallel_loop3A_747[%parallel_loop3A_743, %parallel_loop3A_662] : memref<512x64xf32, #tpu.memory_space<vmem>>[vector<16xi32>, vector<16xi32>], vector<16xf32>,
        tpu.vector_store_idx %arg12[%parallel_loop3A_665, %broadcast_in_dim3A_27, %parallel_loop3A_668, %add3A_6], %parallel_loop3A_748 : memref<8x2x8x128xf32, #tpu.memory_space<vmem>>[vector<16xi32>, vector<16xi32>, vector<16xi32>, vector<16xi32>], vector<16xf32>,
        %parallel_loop3A_749 = arith.constant 128 : i32
        %parallel_loop3A_750 = vector.broadcast %parallel_loop3A_749 : i32 to vector<16xi32>
        %parallel_loop3A_751 = arith.addi %parallel_loop3A_750, %add3A_9 : vector<16xi32>
        %parallel_loop3A_752 = arith.constant 0 : i32
        %parallel_loop3A_753 = arith.constant 0 : i32
        %parallel_loop3A_754 = tpu.memref_slice %arg10[%and3A_296, %parallel_loop3A_752, %parallel_loop3A_753] : memref<2x512x64xf32, #tpu.memory_space<vmem>> -> memref<1x512x64xf32, #tpu.memory_space<vmem>>
        %parallel_loop3A_755 = tpu.memref_squeeze %parallel_loop3A_754 : memref<1x512x64xf32, #tpu.memory_space<vmem>> -> memref<512x64xf32, #tpu.memory_space<vmem>>
        %parallel_loop3A_756 = tpu.vector_load_idx %parallel_loop3A_755[%parallel_loop3A_751, %parallel_loop3A_662] : memref<512x64xf32, #tpu.memory_space<vmem>>[vector<16xi32>, vector<16xi32>], vector<16xf32>,
        tpu.vector_store_idx %arg12[%parallel_loop3A_665, %broadcast_in_dim3A_27, %parallel_loop3A_668, %add3A_9], %parallel_loop3A_756 : memref<8x2x8x128xf32, #tpu.memory_space<vmem>>[vector<16xi32>, vector<16xi32>, vector<16xi32>, vector<16xi32>], vector<16xf32>,
        %parallel_loop3A_757 = arith.constant 128 : i32
        %parallel_loop3A_758 = vector.broadcast %parallel_loop3A_757 : i32 to vector<16xi32>
        %parallel_loop3A_759 = arith.addi %parallel_loop3A_758, %add3A_12 : vector<16xi32>
        %parallel_loop3A_760 = arith.constant 0 : i32
        %parallel_loop3A_761 = arith.constant 0 : i32
        %parallel_loop3A_762 = tpu.memref_slice %arg10[%and3A_296, %parallel_loop3A_760, %parallel_loop3A_761] : memref<2x512x64xf32, #tpu.memory_space<vmem>> -> memref<1x512x64xf32, #tpu.memory_space<vmem>>
        %parallel_loop3A_763 = tpu.memref_squeeze %parallel_loop3A_762 : memref<1x512x64xf32, #tpu.memory_space<vmem>> -> memref<512x64xf32, #tpu.memory_space<vmem>>
        %parallel_loop3A_764 = tpu.vector_load_idx %parallel_loop3A_763[%parallel_loop3A_759, %parallel_loop3A_662] : memref<512x64xf32, #tpu.memory_space<vmem>>[vector<16xi32>, vector<16xi32>], vector<16xf32>,
        tpu.vector_store_idx %arg12[%parallel_loop3A_665, %broadcast_in_dim3A_27, %parallel_loop3A_668, %add3A_12], %parallel_loop3A_764 : memref<8x2x8x128xf32, #tpu.memory_space<vmem>>[vector<16xi32>, vector<16xi32>, vector<16xi32>, vector<16xi32>], vector<16xf32>,
        %parallel_loop3A_765 = arith.constant 128 : i32
        %parallel_loop3A_766 = vector.broadcast %parallel_loop3A_765 : i32 to vector<16xi32>
        %parallel_loop3A_767 = arith.addi %parallel_loop3A_766, %add3A_15 : vector<16xi32>
        %parallel_loop3A_768 = arith.constant 0 : i32
        %parallel_loop3A_769 = arith.constant 0 : i32
        %parallel_loop3A_770 = tpu.memref_slice %arg10[%and3A_296, %parallel_loop3A_768, %parallel_loop3A_769] : memref<2x512x64xf32, #tpu.memory_space<vmem>> -> memref<1x512x64xf32, #tpu.memory_space<vmem>>
        %parallel_loop3A_771 = tpu.memref_squeeze %parallel_loop3A_770 : memref<1x512x64xf32, #tpu.memory_space<vmem>> -> memref<512x64xf32, #tpu.memory_space<vmem>>
        %parallel_loop3A_772 = tpu.vector_load_idx %parallel_loop3A_771[%parallel_loop3A_767, %parallel_loop3A_662] : memref<512x64xf32, #tpu.memory_space<vmem>>[vector<16xi32>, vector<16xi32>], vector<16xf32>,
        tpu.vector_store_idx %arg12[%parallel_loop3A_665, %broadcast_in_dim3A_27, %parallel_loop3A_668, %add3A_15], %parallel_loop3A_772 : memref<8x2x8x128xf32, #tpu.memory_space<vmem>>[vector<16xi32>, vector<16xi32>, vector<16xi32>, vector<16xi32>], vector<16xf32>,
        %parallel_loop3A_773 = arith.constant 128 : i32
        %parallel_loop3A_774 = vector.broadcast %parallel_loop3A_773 : i32 to vector<16xi32>
        %parallel_loop3A_775 = arith.addi %parallel_loop3A_774, %add3A_18 : vector<16xi32>
        %parallel_loop3A_776 = arith.constant 0 : i32
        %parallel_loop3A_777 = arith.constant 0 : i32
        %parallel_loop3A_778 = tpu.memref_slice %arg10[%and3A_296, %parallel_loop3A_776, %parallel_loop3A_777] : memref<2x512x64xf32, #tpu.memory_space<vmem>> -> memref<1x512x64xf32, #tpu.memory_space<vmem>>
        %parallel_loop3A_779 = tpu.memref_squeeze %parallel_loop3A_778 : memref<1x512x64xf32, #tpu.memory_space<vmem>> -> memref<512x64xf32, #tpu.memory_space<vmem>>
        %parallel_loop3A_780 = tpu.vector_load_idx %parallel_loop3A_779[%parallel_loop3A_775, %parallel_loop3A_662] : memref<512x64xf32, #tpu.memory_space<vmem>>[vector<16xi32>, vector<16xi32>], vector<16xf32>,
        tpu.vector_store_idx %arg12[%parallel_loop3A_665, %broadcast_in_dim3A_27, %parallel_loop3A_668, %add3A_18], %parallel_loop3A_780 : memref<8x2x8x128xf32, #tpu.memory_space<vmem>>[vector<16xi32>, vector<16xi32>, vector<16xi32>, vector<16xi32>], vector<16xf32>,
        %parallel_loop3A_781 = arith.constant 128 : i32
        %parallel_loop3A_782 = vector.broadcast %parallel_loop3A_781 : i32 to vector<16xi32>
        %parallel_loop3A_783 = arith.addi %parallel_loop3A_782, %add3A_21 : vector<16xi32>
        %parallel_loop3A_784 = arith.constant 0 : i32
        %parallel_loop3A_785 = arith.constant 0 : i32
        %parallel_loop3A_786 = tpu.memref_slice %arg10[%and3A_296, %parallel_loop3A_784, %parallel_loop3A_785] : memref<2x512x64xf32, #tpu.memory_space<vmem>> -> memref<1x512x64xf32, #tpu.memory_space<vmem>>
        %parallel_loop3A_787 = tpu.memref_squeeze %parallel_loop3A_786 : memref<1x512x64xf32, #tpu.memory_space<vmem>> -> memref<512x64xf32, #tpu.memory_space<vmem>>
        %parallel_loop3A_788 = tpu.vector_load_idx %parallel_loop3A_787[%parallel_loop3A_783, %parallel_loop3A_662] : memref<512x64xf32, #tpu.memory_space<vmem>>[vector<16xi32>, vector<16xi32>], vector<16xf32>,
        tpu.vector_store_idx %arg12[%parallel_loop3A_665, %broadcast_in_dim3A_27, %parallel_loop3A_668, %add3A_21], %parallel_loop3A_788 : memref<8x2x8x128xf32, #tpu.memory_space<vmem>>[vector<16xi32>, vector<16xi32>, vector<16xi32>, vector<16xi32>], vector<16xf32>,
        %parallel_loop3A_789 = arith.constant 128 : i32
        %parallel_loop3A_790 = vector.broadcast %parallel_loop3A_789 : i32 to vector<16xi32>
        %parallel_loop3A_791 = arith.addi %parallel_loop3A_790, %add3A_24 : vector<16xi32>
        %parallel_loop3A_792 = arith.constant 0 : i32
        %parallel_loop3A_793 = arith.constant 0 : i32
        %parallel_loop3A_794 = tpu.memref_slice %arg10[%and3A_296, %parallel_loop3A_792, %parallel_loop3A_793] : memref<2x512x64xf32, #tpu.memory_space<vmem>> -> memref<1x512x64xf32, #tpu.memory_space<vmem>>
        %parallel_loop3A_795 = tpu.memref_squeeze %parallel_loop3A_794 : memref<1x512x64xf32, #tpu.memory_space<vmem>> -> memref<512x64xf32, #tpu.memory_space<vmem>>
        %parallel_loop3A_796 = tpu.vector_load_idx %parallel_loop3A_795[%parallel_loop3A_791, %parallel_loop3A_662] : memref<512x64xf32, #tpu.memory_space<vmem>>[vector<16xi32>, vector<16xi32>], vector<16xf32>,
        tpu.vector_store_idx %arg12[%parallel_loop3A_665, %broadcast_in_dim3A_27, %parallel_loop3A_668, %add3A_24], %parallel_loop3A_796 : memref<8x2x8x128xf32, #tpu.memory_space<vmem>>[vector<16xi32>, vector<16xi32>, vector<16xi32>, vector<16xi32>], vector<16xf32>,
      } {sc.loop_unroll_factor = 4 : i64, sc.parallel_access}
      %get3A = arith.constant 0 : i32
      %get3A_404 = arith.index_cast %and3A_296 : i32 to index
      %get3A_405 = arith.index_cast %get3A : i32 to index
      %get3A_406 = arith.constant 0 : index
      %get3A_407 = tpu.vector_load %arg9[%get3A_404, %get3A_405, %get3A_406] {strides = array<i32>} : memref<2x4x128xi32, #tpu.memory_space<vmem>>, vector<16xi32>,
      %get3A_408 = arith.constant 0 : i32
      %get3A_409 = arith.index_cast %and3A_296 : i32 to index
      %get3A_410 = arith.index_cast %get3A_408 : i32 to index
      %get3A_411 = arith.constant 16 : index
      %get3A_412 = tpu.vector_load %arg9[%get3A_409, %get3A_410, %get3A_411] {strides = array<i32>} : memref<2x4x128xi32, #tpu.memory_space<vmem>>, vector<16xi32>,
      %get3A_413 = arith.constant 0 : i32
      %get3A_414 = arith.index_cast %and3A_296 : i32 to index
      %get3A_415 = arith.index_cast %get3A_413 : i32 to index
      %get3A_416 = arith.constant 32 : index
      %get3A_417 = tpu.vector_load %arg9[%get3A_414, %get3A_415, %get3A_416] {strides = array<i32>} : memref<2x4x128xi32, #tpu.memory_space<vmem>>, vector<16xi32>,
      %get3A_418 = arith.constant 0 : i32
      %get3A_419 = arith.index_cast %and3A_296 : i32 to index
      %get3A_420 = arith.index_cast %get3A_418 : i32 to index
      %get3A_421 = arith.constant 48 : index
      %get3A_422 = tpu.vector_load %arg9[%get3A_419, %get3A_420, %get3A_421] {strides = array<i32>} : memref<2x4x128xi32, #tpu.memory_space<vmem>>, vector<16xi32>,
      %get3A_423 = arith.constant 0 : i32
      %get3A_424 = arith.index_cast %and3A_296 : i32 to index
      %get3A_425 = arith.index_cast %get3A_423 : i32 to index
      %get3A_426 = arith.constant 64 : index
      %get3A_427 = tpu.vector_load %arg9[%get3A_424, %get3A_425, %get3A_426] {strides = array<i32>} : memref<2x4x128xi32, #tpu.memory_space<vmem>>, vector<16xi32>,
      %get3A_428 = arith.constant 0 : i32
      %get3A_429 = arith.index_cast %and3A_296 : i32 to index
      %get3A_430 = arith.index_cast %get3A_428 : i32 to index
      %get3A_431 = arith.constant 80 : index
      %get3A_432 = tpu.vector_load %arg9[%get3A_429, %get3A_430, %get3A_431] {strides = array<i32>} : memref<2x4x128xi32, #tpu.memory_space<vmem>>, vector<16xi32>,
      %get3A_433 = arith.constant 0 : i32
      %get3A_434 = arith.index_cast %and3A_296 : i32 to index
      %get3A_435 = arith.index_cast %get3A_433 : i32 to index
      %get3A_436 = arith.constant 96 : index
      %get3A_437 = tpu.vector_load %arg9[%get3A_434, %get3A_435, %get3A_436] {strides = array<i32>} : memref<2x4x128xi32, #tpu.memory_space<vmem>>, vector<16xi32>,
      %get3A_438 = arith.constant 0 : i32
      %get3A_439 = arith.index_cast %and3A_296 : i32 to index
      %get3A_440 = arith.index_cast %get3A_438 : i32 to index
      %get3A_441 = arith.constant 112 : index
      %get3A_442 = tpu.vector_load %arg9[%get3A_439, %get3A_440, %get3A_441] {strides = array<i32>} : memref<2x4x128xi32, #tpu.memory_space<vmem>>, vector<16xi32>,
      %get3A_443 = arith.constant 1 : i32
      %get3A_444 = arith.index_cast %and3A_296 : i32 to index
      %get3A_445 = arith.index_cast %get3A_443 : i32 to index
      %get3A_446 = arith.constant 0 : index
      %get3A_447 = tpu.vector_load %arg9[%get3A_444, %get3A_445, %get3A_446] {strides = array<i32>} : memref<2x4x128xi32, #tpu.memory_space<vmem>>, vector<16xi32>,
      %get3A_448 = arith.constant 1 : i32
      %get3A_449 = arith.index_cast %and3A_296 : i32 to index
      %get3A_450 = arith.index_cast %get3A_448 : i32 to index
      %get3A_451 = arith.constant 16 : index
      %get3A_452 = tpu.vector_load %arg9[%get3A_449, %get3A_450, %get3A_451] {strides = array<i32>} : memref<2x4x128xi32, #tpu.memory_space<vmem>>, vector<16xi32>,
      %get3A_453 = arith.constant 1 : i32
      %get3A_454 = arith.index_cast %and3A_296 : i32 to index
      %get3A_455 = arith.index_cast %get3A_453 : i32 to index
      %get3A_456 = arith.constant 32 : index
      %get3A_457 = tpu.vector_load %arg9[%get3A_454, %get3A_455, %get3A_456] {strides = array<i32>} : memref<2x4x128xi32, #tpu.memory_space<vmem>>, vector<16xi32>,
      %get3A_458 = arith.constant 1 : i32
      %get3A_459 = arith.index_cast %and3A_296 : i32 to index
      %get3A_460 = arith.index_cast %get3A_458 : i32 to index
      %get3A_461 = arith.constant 48 : index
      %get3A_462 = tpu.vector_load %arg9[%get3A_459, %get3A_460, %get3A_461] {strides = array<i32>} : memref<2x4x128xi32, #tpu.memory_space<vmem>>, vector<16xi32>,
      %get3A_463 = arith.constant 1 : i32
      %get3A_464 = arith.index_cast %and3A_296 : i32 to index
      %get3A_465 = arith.index_cast %get3A_463 : i32 to index
      %get3A_466 = arith.constant 64 : index
      %get3A_467 = tpu.vector_load %arg9[%get3A_464, %get3A_465, %get3A_466] {strides = array<i32>} : memref<2x4x128xi32, #tpu.memory_space<vmem>>, vector<16xi32>,
      %get3A_468 = arith.constant 1 : i32
      %get3A_469 = arith.index_cast %and3A_296 : i32 to index
      %get3A_470 = arith.index_cast %get3A_468 : i32 to index
      %get3A_471 = arith.constant 80 : index
      %get3A_472 = tpu.vector_load %arg9[%get3A_469, %get3A_470, %get3A_471] {strides = array<i32>} : memref<2x4x128xi32, #tpu.memory_space<vmem>>, vector<16xi32>,
      %get3A_473 = arith.constant 1 : i32
      %get3A_474 = arith.index_cast %and3A_296 : i32 to index
      %get3A_475 = arith.index_cast %get3A_473 : i32 to index
      %get3A_476 = arith.constant 96 : index
      %get3A_477 = tpu.vector_load %arg9[%get3A_474, %get3A_475, %get3A_476] {strides = array<i32>} : memref<2x4x128xi32, #tpu.memory_space<vmem>>, vector<16xi32>,
      %get3A_478 = arith.constant 1 : i32
      %get3A_479 = arith.index_cast %and3A_296 : i32 to index
      %get3A_480 = arith.index_cast %get3A_478 : i32 to index
      %get3A_481 = arith.constant 112 : index
      %get3A_482 = tpu.vector_load %arg9[%get3A_479, %get3A_480, %get3A_481] {strides = array<i32>} : memref<2x4x128xi32, #tpu.memory_space<vmem>>, vector<16xi32>,
      %parallel_loop3A_483 = arith.constant 0 : i32
      %parallel_loop3A_484 = arith.constant 32 : i32
      %parallel_loop3A_485 = arith.constant 1 : i32
      scf.for %parallel_loop3A_657 = %parallel_loop3A_483 to %parallel_loop3A_484 step %parallel_loop3A_485  : i32 {
        %parallel_loop3A_658 = vector.broadcast %parallel_loop3A_657 : i32 to vector<16xi32>
        %parallel_loop3A_659 = arith.constant 3 : i32
        %parallel_loop3A_660 = arith.shrsi %parallel_loop3A_657, %parallel_loop3A_659 : i32
        %parallel_loop3A_661 = arith.constant 7 : i32
        %parallel_loop3A_662 = arith.andi %parallel_loop3A_657, %parallel_loop3A_661 : i32
        %parallel_loop3A_663 = tpu.vector_load_idx %arg11[%parallel_loop3A_658, %get3A_407] : memref<32x1008xf32, #tpu.memory_space<vmem>>[vector<16xi32>, vector<16xi32>], vector<16xf32>,
        %parallel_loop3A_664 = arith.constant 0 : i32
        %parallel_loop3A_665 = arith.index_cast %parallel_loop3A_660 : i32 to index
        %parallel_loop3A_666 = arith.index_cast %parallel_loop3A_664 : i32 to index
        %parallel_loop3A_667 = arith.index_cast %parallel_loop3A_662 : i32 to index
        %parallel_loop3A_668 = arith.constant 0 : index
        %parallel_loop3A_669 = tpu.vector_load %arg13[%parallel_loop3A_665, %parallel_loop3A_666, %parallel_loop3A_667, %parallel_loop3A_668] {strides = array<i32>} : memref<4x2x8x128xf32, #tpu.memory_space<vmem>>, vector<16xf32>,
        tpu.vector_store %arg13[%parallel_loop3A_665, %parallel_loop3A_666, %parallel_loop3A_667, %parallel_loop3A_668], %parallel_loop3A_663 {strides = array<i32>} : memref<4x2x8x128xf32, #tpu.memory_space<vmem>>, vector<16xf32>,
        %parallel_loop3A_670 = tpu.vector_load_idx %arg11[%parallel_loop3A_658, %get3A_412] : memref<32x1008xf32, #tpu.memory_space<vmem>>[vector<16xi32>, vector<16xi32>], vector<16xf32>,
        %parallel_loop3A_671 = arith.constant 0 : i32
        %parallel_loop3A_672 = arith.index_cast %parallel_loop3A_660 : i32 to index
        %parallel_loop3A_673 = arith.index_cast %parallel_loop3A_671 : i32 to index
        %parallel_loop3A_674 = arith.index_cast %parallel_loop3A_662 : i32 to index
        %parallel_loop3A_675 = arith.constant 16 : index
        %parallel_loop3A_676 = tpu.vector_load %arg13[%parallel_loop3A_672, %parallel_loop3A_673, %parallel_loop3A_674, %parallel_loop3A_675] {strides = array<i32>} : memref<4x2x8x128xf32, #tpu.memory_space<vmem>>, vector<16xf32>,
        tpu.vector_store %arg13[%parallel_loop3A_672, %parallel_loop3A_673, %parallel_loop3A_674, %parallel_loop3A_675], %parallel_loop3A_670 {strides = array<i32>} : memref<4x2x8x128xf32, #tpu.memory_space<vmem>>, vector<16xf32>,
        %parallel_loop3A_677 = tpu.vector_load_idx %arg11[%parallel_loop3A_658, %get3A_417] : memref<32x1008xf32, #tpu.memory_space<vmem>>[vector<16xi32>, vector<16xi32>], vector<16xf32>,
        %parallel_loop3A_678 = arith.constant 0 : i32
        %parallel_loop3A_679 = arith.index_cast %parallel_loop3A_660 : i32 to index
        %parallel_loop3A_680 = arith.index_cast %parallel_loop3A_678 : i32 to index
        %parallel_loop3A_681 = arith.index_cast %parallel_loop3A_662 : i32 to index
        %parallel_loop3A_682 = arith.constant 32 : index
        %parallel_loop3A_683 = tpu.vector_load %arg13[%parallel_loop3A_679, %parallel_loop3A_680, %parallel_loop3A_681, %parallel_loop3A_682] {strides = array<i32>} : memref<4x2x8x128xf32, #tpu.memory_space<vmem>>, vector<16xf32>,
        tpu.vector_store %arg13[%parallel_loop3A_679, %parallel_loop3A_680, %parallel_loop3A_681, %parallel_loop3A_682], %parallel_loop3A_677 {strides = array<i32>} : memref<4x2x8x128xf32, #tpu.memory_space<vmem>>, vector<16xf32>,
        %parallel_loop3A_684 = tpu.vector_load_idx %arg11[%parallel_loop3A_658, %get3A_422] : memref<32x1008xf32, #tpu.memory_space<vmem>>[vector<16xi32>, vector<16xi32>], vector<16xf32>,
        %parallel_loop3A_685 = arith.constant 0 : i32
        %parallel_loop3A_686 = arith.index_cast %parallel_loop3A_660 : i32 to index
        %parallel_loop3A_687 = arith.index_cast %parallel_loop3A_685 : i32 to index
        %parallel_loop3A_688 = arith.index_cast %parallel_loop3A_662 : i32 to index
        %parallel_loop3A_689 = arith.constant 48 : index
        %parallel_loop3A_690 = tpu.vector_load %arg13[%parallel_loop3A_686, %parallel_loop3A_687, %parallel_loop3A_688, %parallel_loop3A_689] {strides = array<i32>} : memref<4x2x8x128xf32, #tpu.memory_space<vmem>>, vector<16xf32>,
        tpu.vector_store %arg13[%parallel_loop3A_686, %parallel_loop3A_687, %parallel_loop3A_688, %parallel_loop3A_689], %parallel_loop3A_684 {strides = array<i32>} : memref<4x2x8x128xf32, #tpu.memory_space<vmem>>, vector<16xf32>,
        %parallel_loop3A_691 = tpu.vector_load_idx %arg11[%parallel_loop3A_658, %get3A_427] : memref<32x1008xf32, #tpu.memory_space<vmem>>[vector<16xi32>, vector<16xi32>], vector<16xf32>,
        %parallel_loop3A_692 = arith.constant 0 : i32
        %parallel_loop3A_693 = arith.index_cast %parallel_loop3A_660 : i32 to index
        %parallel_loop3A_694 = arith.index_cast %parallel_loop3A_692 : i32 to index
        %parallel_loop3A_695 = arith.index_cast %parallel_loop3A_662 : i32 to index
        %parallel_loop3A_696 = arith.constant 64 : index
        %parallel_loop3A_697 = tpu.vector_load %arg13[%parallel_loop3A_693, %parallel_loop3A_694, %parallel_loop3A_695, %parallel_loop3A_696] {strides = array<i32>} : memref<4x2x8x128xf32, #tpu.memory_space<vmem>>, vector<16xf32>,
        tpu.vector_store %arg13[%parallel_loop3A_693, %parallel_loop3A_694, %parallel_loop3A_695, %parallel_loop3A_696], %parallel_loop3A_691 {strides = array<i32>} : memref<4x2x8x128xf32, #tpu.memory_space<vmem>>, vector<16xf32>,
        %parallel_loop3A_698 = tpu.vector_load_idx %arg11[%parallel_loop3A_658, %get3A_432] : memref<32x1008xf32, #tpu.memory_space<vmem>>[vector<16xi32>, vector<16xi32>], vector<16xf32>,
        %parallel_loop3A_699 = arith.constant 0 : i32
        %parallel_loop3A_700 = arith.index_cast %parallel_loop3A_660 : i32 to index
        %parallel_loop3A_701 = arith.index_cast %parallel_loop3A_699 : i32 to index
        %parallel_loop3A_702 = arith.index_cast %parallel_loop3A_662 : i32 to index
        %parallel_loop3A_703 = arith.constant 80 : index
        %parallel_loop3A_704 = tpu.vector_load %arg13[%parallel_loop3A_700, %parallel_loop3A_701, %parallel_loop3A_702, %parallel_loop3A_703] {strides = array<i32>} : memref<4x2x8x128xf32, #tpu.memory_space<vmem>>, vector<16xf32>,
        tpu.vector_store %arg13[%parallel_loop3A_700, %parallel_loop3A_701, %parallel_loop3A_702, %parallel_loop3A_703], %parallel_loop3A_698 {strides = array<i32>} : memref<4x2x8x128xf32, #tpu.memory_space<vmem>>, vector<16xf32>,
        %parallel_loop3A_705 = tpu.vector_load_idx %arg11[%parallel_loop3A_658, %get3A_437] : memref<32x1008xf32, #tpu.memory_space<vmem>>[vector<16xi32>, vector<16xi32>], vector<16xf32>,
        %parallel_loop3A_706 = arith.constant 0 : i32
        %parallel_loop3A_707 = arith.index_cast %parallel_loop3A_660 : i32 to index
        %parallel_loop3A_708 = arith.index_cast %parallel_loop3A_706 : i32 to index
        %parallel_loop3A_709 = arith.index_cast %parallel_loop3A_662 : i32 to index
        %parallel_loop3A_710 = arith.constant 96 : index
        %parallel_loop3A_711 = tpu.vector_load %arg13[%parallel_loop3A_707, %parallel_loop3A_708, %parallel_loop3A_709, %parallel_loop3A_710] {strides = array<i32>} : memref<4x2x8x128xf32, #tpu.memory_space<vmem>>, vector<16xf32>,
        tpu.vector_store %arg13[%parallel_loop3A_707, %parallel_loop3A_708, %parallel_loop3A_709, %parallel_loop3A_710], %parallel_loop3A_705 {strides = array<i32>} : memref<4x2x8x128xf32, #tpu.memory_space<vmem>>, vector<16xf32>,
        %parallel_loop3A_712 = tpu.vector_load_idx %arg11[%parallel_loop3A_658, %get3A_442] : memref<32x1008xf32, #tpu.memory_space<vmem>>[vector<16xi32>, vector<16xi32>], vector<16xf32>,
        %parallel_loop3A_713 = arith.constant 0 : i32
        %parallel_loop3A_714 = arith.index_cast %parallel_loop3A_660 : i32 to index
        %parallel_loop3A_715 = arith.index_cast %parallel_loop3A_713 : i32 to index
        %parallel_loop3A_716 = arith.index_cast %parallel_loop3A_662 : i32 to index
        %parallel_loop3A_717 = arith.constant 112 : index
        %parallel_loop3A_718 = tpu.vector_load %arg13[%parallel_loop3A_714, %parallel_loop3A_715, %parallel_loop3A_716, %parallel_loop3A_717] {strides = array<i32>} : memref<4x2x8x128xf32, #tpu.memory_space<vmem>>, vector<16xf32>,
        tpu.vector_store %arg13[%parallel_loop3A_714, %parallel_loop3A_715, %parallel_loop3A_716, %parallel_loop3A_717], %parallel_loop3A_712 {strides = array<i32>} : memref<4x2x8x128xf32, #tpu.memory_space<vmem>>, vector<16xf32>,
        %parallel_loop3A_719 = tpu.vector_load_idx %arg11[%parallel_loop3A_658, %get3A_447] : memref<32x1008xf32, #tpu.memory_space<vmem>>[vector<16xi32>, vector<16xi32>], vector<16xf32>,
        %parallel_loop3A_720 = arith.constant 1 : i32
        %parallel_loop3A_721 = arith.index_cast %parallel_loop3A_660 : i32 to index
        %parallel_loop3A_722 = arith.index_cast %parallel_loop3A_720 : i32 to index
        %parallel_loop3A_723 = arith.index_cast %parallel_loop3A_662 : i32 to index
        %parallel_loop3A_724 = arith.constant 0 : index
        %parallel_loop3A_725 = tpu.vector_load %arg13[%parallel_loop3A_721, %parallel_loop3A_722, %parallel_loop3A_723, %parallel_loop3A_724] {strides = array<i32>} : memref<4x2x8x128xf32, #tpu.memory_space<vmem>>, vector<16xf32>,
        tpu.vector_store %arg13[%parallel_loop3A_721, %parallel_loop3A_722, %parallel_loop3A_723, %parallel_loop3A_724], %parallel_loop3A_719 {strides = array<i32>} : memref<4x2x8x128xf32, #tpu.memory_space<vmem>>, vector<16xf32>,
        %parallel_loop3A_726 = tpu.vector_load_idx %arg11[%parallel_loop3A_658, %get3A_452] : memref<32x1008xf32, #tpu.memory_space<vmem>>[vector<16xi32>, vector<16xi32>], vector<16xf32>,
        %parallel_loop3A_727 = arith.constant 1 : i32
        %parallel_loop3A_728 = arith.index_cast %parallel_loop3A_660 : i32 to index
        %parallel_loop3A_729 = arith.index_cast %parallel_loop3A_727 : i32 to index
        %parallel_loop3A_730 = arith.index_cast %parallel_loop3A_662 : i32 to index
        %parallel_loop3A_731 = arith.constant 16 : index
        %parallel_loop3A_732 = tpu.vector_load %arg13[%parallel_loop3A_728, %parallel_loop3A_729, %parallel_loop3A_730, %parallel_loop3A_731] {strides = array<i32>} : memref<4x2x8x128xf32, #tpu.memory_space<vmem>>, vector<16xf32>,
        tpu.vector_store %arg13[%parallel_loop3A_728, %parallel_loop3A_729, %parallel_loop3A_730, %parallel_loop3A_731], %parallel_loop3A_726 {strides = array<i32>} : memref<4x2x8x128xf32, #tpu.memory_space<vmem>>, vector<16xf32>,
        %parallel_loop3A_733 = tpu.vector_load_idx %arg11[%parallel_loop3A_658, %get3A_457] : memref<32x1008xf32, #tpu.memory_space<vmem>>[vector<16xi32>, vector<16xi32>], vector<16xf32>,
        %parallel_loop3A_734 = arith.constant 1 : i32
        %parallel_loop3A_735 = arith.index_cast %parallel_loop3A_660 : i32 to index
        %parallel_loop3A_736 = arith.index_cast %parallel_loop3A_734 : i32 to index
        %parallel_loop3A_737 = arith.index_cast %parallel_loop3A_662 : i32 to index
        %parallel_loop3A_738 = arith.constant 32 : index
        %parallel_loop3A_739 = tpu.vector_load %arg13[%parallel_loop3A_735, %parallel_loop3A_736, %parallel_loop3A_737, %parallel_loop3A_738] {strides = array<i32>} : memref<4x2x8x128xf32, #tpu.memory_space<vmem>>, vector<16xf32>,
        tpu.vector_store %arg13[%parallel_loop3A_735, %parallel_loop3A_736, %parallel_loop3A_737, %parallel_loop3A_738], %parallel_loop3A_733 {strides = array<i32>} : memref<4x2x8x128xf32, #tpu.memory_space<vmem>>, vector<16xf32>,
        %parallel_loop3A_740 = tpu.vector_load_idx %arg11[%parallel_loop3A_658, %get3A_462] : memref<32x1008xf32, #tpu.memory_space<vmem>>[vector<16xi32>, vector<16xi32>], vector<16xf32>,
        %parallel_loop3A_741 = arith.constant 1 : i32
        %parallel_loop3A_742 = arith.index_cast %parallel_loop3A_660 : i32 to index
        %parallel_loop3A_743 = arith.index_cast %parallel_loop3A_741 : i32 to index
        %parallel_loop3A_744 = arith.index_cast %parallel_loop3A_662 : i32 to index
        %parallel_loop3A_745 = arith.constant 48 : index
        %parallel_loop3A_746 = tpu.vector_load %arg13[%parallel_loop3A_742, %parallel_loop3A_743, %parallel_loop3A_744, %parallel_loop3A_745] {strides = array<i32>} : memref<4x2x8x128xf32, #tpu.memory_space<vmem>>, vector<16xf32>,
        tpu.vector_store %arg13[%parallel_loop3A_742, %parallel_loop3A_743, %parallel_loop3A_744, %parallel_loop3A_745], %parallel_loop3A_740 {strides = array<i32>} : memref<4x2x8x128xf32, #tpu.memory_space<vmem>>, vector<16xf32>,
        %parallel_loop3A_747 = tpu.vector_load_idx %arg11[%parallel_loop3A_658, %get3A_467] : memref<32x1008xf32, #tpu.memory_space<vmem>>[vector<16xi32>, vector<16xi32>], vector<16xf32>,
        %parallel_loop3A_748 = arith.constant 1 : i32
        %parallel_loop3A_749 = arith.index_cast %parallel_loop3A_660 : i32 to index
        %parallel_loop3A_750 = arith.index_cast %parallel_loop3A_748 : i32 to index
        %parallel_loop3A_751 = arith.index_cast %parallel_loop3A_662 : i32 to index
        %parallel_loop3A_752 = arith.constant 64 : index
        %parallel_loop3A_753 = tpu.vector_load %arg13[%parallel_loop3A_749, %parallel_loop3A_750, %parallel_loop3A_751, %parallel_loop3A_752] {strides = array<i32>} : memref<4x2x8x128xf32, #tpu.memory_space<vmem>>, vector<16xf32>,
        tpu.vector_store %arg13[%parallel_loop3A_749, %parallel_loop3A_750, %parallel_loop3A_751, %parallel_loop3A_752], %parallel_loop3A_747 {strides = array<i32>} : memref<4x2x8x128xf32, #tpu.memory_space<vmem>>, vector<16xf32>,
        %parallel_loop3A_754 = tpu.vector_load_idx %arg11[%parallel_loop3A_658, %get3A_472] : memref<32x1008xf32, #tpu.memory_space<vmem>>[vector<16xi32>, vector<16xi32>], vector<16xf32>,
        %parallel_loop3A_755 = arith.constant 1 : i32
        %parallel_loop3A_756 = arith.index_cast %parallel_loop3A_660 : i32 to index
        %parallel_loop3A_757 = arith.index_cast %parallel_loop3A_755 : i32 to index
        %parallel_loop3A_758 = arith.index_cast %parallel_loop3A_662 : i32 to index
        %parallel_loop3A_759 = arith.constant 80 : index
        %parallel_loop3A_760 = tpu.vector_load %arg13[%parallel_loop3A_756, %parallel_loop3A_757, %parallel_loop3A_758, %parallel_loop3A_759] {strides = array<i32>} : memref<4x2x8x128xf32, #tpu.memory_space<vmem>>, vector<16xf32>,
        tpu.vector_store %arg13[%parallel_loop3A_756, %parallel_loop3A_757, %parallel_loop3A_758, %parallel_loop3A_759], %parallel_loop3A_754 {strides = array<i32>} : memref<4x2x8x128xf32, #tpu.memory_space<vmem>>, vector<16xf32>,
        %parallel_loop3A_761 = tpu.vector_load_idx %arg11[%parallel_loop3A_658, %get3A_477] : memref<32x1008xf32, #tpu.memory_space<vmem>>[vector<16xi32>, vector<16xi32>], vector<16xf32>,
        %parallel_loop3A_762 = arith.constant 1 : i32
        %parallel_loop3A_763 = arith.index_cast %parallel_loop3A_660 : i32 to index
        %parallel_loop3A_764 = arith.index_cast %parallel_loop3A_762 : i32 to index
        %parallel_loop3A_765 = arith.index_cast %parallel_loop3A_662 : i32 to index
        %parallel_loop3A_766 = arith.constant 96 : index
        %parallel_loop3A_767 = tpu.vector_load %arg13[%parallel_loop3A_763, %parallel_loop3A_764, %parallel_loop3A_765, %parallel_loop3A_766] {strides = array<i32>} : memref<4x2x8x128xf32, #tpu.memory_space<vmem>>, vector<16xf32>,
        tpu.vector_store %arg13[%parallel_loop3A_763, %parallel_loop3A_764, %parallel_loop3A_765, %parallel_loop3A_766], %parallel_loop3A_761 {strides = array<i32>} : memref<4x2x8x128xf32, #tpu.memory_space<vmem>>, vector<16xf32>,
        %parallel_loop3A_768 = tpu.vector_load_idx %arg11[%parallel_loop3A_658, %get3A_482] : memref<32x1008xf32, #tpu.memory_space<vmem>>[vector<16xi32>, vector<16xi32>], vector<16xf32>,
        %parallel_loop3A_769 = arith.constant 1 : i32
        %parallel_loop3A_770 = arith.index_cast %parallel_loop3A_660 : i32 to index
        %parallel_loop3A_771 = arith.index_cast %parallel_loop3A_769 : i32 to index
        %parallel_loop3A_772 = arith.index_cast %parallel_loop3A_662 : i32 to index
        %parallel_loop3A_773 = arith.constant 112 : index
        %parallel_loop3A_774 = tpu.vector_load %arg13[%parallel_loop3A_770, %parallel_loop3A_771, %parallel_loop3A_772, %parallel_loop3A_773] {strides = array<i32>} : memref<4x2x8x128xf32, #tpu.memory_space<vmem>>, vector<16xf32>,
        tpu.vector_store %arg13[%parallel_loop3A_770, %parallel_loop3A_771, %parallel_loop3A_772, %parallel_loop3A_773], %parallel_loop3A_768 {strides = array<i32>} : memref<4x2x8x128xf32, #tpu.memory_space<vmem>>, vector<16xf32>,
      } {sc.loop_unroll_factor = 4 : i64, sc.parallel_access}
      %mul3A_486 = arith.constant 4 : i32
      %mul3A_487 = arith.muli %select_n3A_339, %mul3A_486 : i32
      %dma_start3A_488 = arith.constant 0 : i32
      %dma_start3A_489 = arith.constant 0 : i32
      %dma_start3A_490 = arith.constant 0 : i32
      %dma_start3A_491 = tpu.memref_slice %arg6[%select_n3A_323, %dma_start3A_488, %mul3A_487, %dma_start3A_489, %dma_start3A_490] : memref<200x8x32x8x128xf32, #tpu.memory_space<hbm>> -> memref<1x8x2x8x128xf32, #tpu.memory_space<hbm>>
      %dma_start3A_492 = tpu.memref_squeeze %dma_start3A_491 : memref<1x8x2x8x128xf32, #tpu.memory_space<hbm>> -> memref<8x2x8x128xf32, #tpu.memory_space<hbm>>
      %dma_start3A_493 = arith.constant 0 : i32
      %dma_start3A_494 = arith.constant 0 : i32
      %dma_start3A_495 = arith.constant 0 : i32
      %dma_start3A_496 = tpu.memref_slice %arg6[%select_n3A_323, %dma_start3A_493, %mul3A_487, %dma_start3A_494, %dma_start3A_495] : memref<200x8x32x8x128xf32, #tpu.memory_space<hbm>> -> memref<1x8x2x8x128xf32, #tpu.memory_space<hbm>>
      %dma_start3A_497 = tpu.memref_squeeze %dma_start3A_496 : memref<1x8x2x8x128xf32, #tpu.memory_space<hbm>> -> memref<8x2x8x128xf32, #tpu.memory_space<hbm>>
      tpu.enqueue_dma source(%arg12 : memref<8x2x8x128xf32, #tpu.memory_space<vmem>>) target(%dma_start3A_497 : memref<8x2x8x128xf32, #tpu.memory_space<hbm>>) target_semaphore(%arg16 : memref<!tpu.dma_semaphore, #tpu.memory_space<semaphore_mem>>)
      %mul3A_498 = arith.constant 4 : i32
      %mul3A_499 = arith.muli %select_n3A_339, %mul3A_498 : i32
      %dma_start3A_500 = arith.constant 0 : i32
      %dma_start3A_501 = arith.constant 0 : i32
      %dma_start3A_502 = arith.constant 0 : i32
      %dma_start3A_503 = tpu.memref_slice %arg7[%select_n3A_323, %dma_start3A_500, %mul3A_499, %dma_start3A_501, %dma_start3A_502] : memref<200x4x32x8x128xf32, #tpu.memory_space<hbm>> -> memref<1x4x2x8x128xf32, #tpu.memory_space<hbm>>
      %dma_start3A_504 = tpu.memref_squeeze %dma_start3A_503 : memref<1x4x2x8x128xf32, #tpu.memory_space<hbm>> -> memref<4x2x8x128xf32, #tpu.memory_space<hbm>>
      %dma_start3A_505 = arith.constant 0 : i32
      %dma_start3A_506 = arith.constant 0 : i32
      %dma_start3A_507 = arith.constant 0 : i32
      %dma_start3A_508 = tpu.memref_slice %arg7[%select_n3A_323, %dma_start3A_505, %mul3A_499, %dma_start3A_506, %dma_start3A_507] : memref<200x4x32x8x128xf32, #tpu.memory_space<hbm>> -> memref<1x4x2x8x128xf32, #tpu.memory_space<hbm>>
      %dma_start3A_509 = tpu.memref_squeeze %dma_start3A_508 : memref<1x4x2x8x128xf32, #tpu.memory_space<hbm>> -> memref<4x2x8x128xf32, #tpu.memory_space<hbm>>
      tpu.enqueue_dma source(%arg13 : memref<4x2x8x128xf32, #tpu.memory_space<vmem>>) target(%dma_start3A_509 : memref<4x2x8x128xf32, #tpu.memory_space<hbm>>) target_semaphore(%arg17 : memref<!tpu.dma_semaphore, #tpu.memory_space<semaphore_mem>>)
      %dma_wait3A_510 = arith.constant 0 : i32
      %dma_wait3A_511 = arith.constant 0 : i32
      %dma_wait3A_512 = arith.constant 0 : i32
      %dma_wait3A_513 = arith.constant 0 : i32
      %dma_wait3A_514 = arith.constant 0 : i32
      %dma_wait3A_515 = tpu.memref_slice %arg6[%dma_wait3A_510, %dma_wait3A_511, %dma_wait3A_512, %dma_wait3A_513, %dma_wait3A_514] : memref<200x8x32x8x128xf32, #tpu.memory_space<hbm>> -> memref<1x8x2x8x128xf32, #tpu.memory_space<hbm>>
      %dma_wait3A_516 = tpu.memref_squeeze %dma_wait3A_515 : memref<1x8x2x8x128xf32, #tpu.memory_space<hbm>> -> memref<8x2x8x128xf32, #tpu.memory_space<hbm>>
      %dma_wait3A_517 = arith.constant 0 : i32
      %dma_wait3A_518 = arith.constant 0 : i32
      %dma_wait3A_519 = arith.constant 0 : i32
      %dma_wait3A_520 = arith.constant 0 : i32
      %dma_wait3A_521 = tpu.memref_slice %arg6[%dma_wait3A_510, %dma_wait3A_517, %dma_wait3A_518, %dma_wait3A_519, %dma_wait3A_520] : memref<200x8x32x8x128xf32, #tpu.memory_space<hbm>> -> memref<1x8x2x8x128xf32, #tpu.memory_space<hbm>>
      %dma_wait3A_522 = tpu.memref_squeeze %dma_wait3A_521 : memref<1x8x2x8x128xf32, #tpu.memory_space<hbm>> -> memref<8x2x8x128xf32, #tpu.memory_space<hbm>>
      tpu.wait_dma2 semaphore(%arg16 : memref<!tpu.dma_semaphore, #tpu.memory_space<semaphore_mem>>) src(%arg12 : memref<8x2x8x128xf32, #tpu.memory_space<vmem>>) dst(%dma_wait3A_522 : memref<8x2x8x128xf32, #tpu.memory_space<hbm>>)
      %dma_wait3A_523 = arith.constant 0 : i32
      %dma_wait3A_524 = arith.constant 0 : i32
      %dma_wait3A_525 = arith.constant 0 : i32
      %dma_wait3A_526 = arith.constant 0 : i32
      %dma_wait3A_527 = arith.constant 0 : i32
      %dma_wait3A_528 = tpu.memref_slice %arg7[%dma_wait3A_523, %dma_wait3A_524, %dma_wait3A_525, %dma_wait3A_526, %dma_wait3A_527] : memref<200x4x32x8x128xf32, #tpu.memory_space<hbm>> -> memref<1x4x2x8x128xf32, #tpu.memory_space<hbm>>
      %dma_wait3A_529 = tpu.memref_squeeze %dma_wait3A_528 : memref<1x4x2x8x128xf32, #tpu.memory_space<hbm>> -> memref<4x2x8x128xf32, #tpu.memory_space<hbm>>
      %dma_wait3A_530 = arith.constant 0 : i32
      %dma_wait3A_531 = arith.constant 0 : i32
      %dma_wait3A_532 = arith.constant 0 : i32
      %dma_wait3A_533 = arith.constant 0 : i32
      %dma_wait3A_534 = tpu.memref_slice %arg7[%dma_wait3A_523, %dma_wait3A_530, %dma_wait3A_531, %dma_wait3A_532, %dma_wait3A_533] : memref<200x4x32x8x128xf32, #tpu.memory_space<hbm>> -> memref<1x4x2x8x128xf32, #tpu.memory_space<hbm>>
      %dma_wait3A_535 = tpu.memref_squeeze %dma_wait3A_534 : memref<1x4x2x8x128xf32, #tpu.memory_space<hbm>> -> memref<4x2x8x128xf32, #tpu.memory_space<hbm>>
      tpu.wait_dma2 semaphore(%arg17 : memref<!tpu.dma_semaphore, #tpu.memory_space<semaphore_mem>>) src(%arg13 : memref<4x2x8x128xf32, #tpu.memory_space<vmem>>) dst(%dma_wait3A_535 : memref<4x2x8x128xf32, #tpu.memory_space<hbm>>)
      %parallel_loop3A_536 = arith.constant 0 : i32
      %parallel_loop3A_537 = arith.constant 64 : i32
      %parallel_loop3A_538 = arith.constant 1 : i32
      scf.for %parallel_loop3A_657 = %parallel_loop3A_536 to %parallel_loop3A_537 step %parallel_loop3A_538  : i32 {
        %parallel_loop3A_658 = vector.broadcast %parallel_loop3A_657 : i32 to vector<16xi32>
        %parallel_loop3A_659 = arith.addi %parallel_loop3A_658, %iota3A : vector<16xi32>
        %parallel_loop3A_660 = arith.constant 63 : i32
        %parallel_loop3A_661 = vector.broadcast %parallel_loop3A_660 : i32 to vector<16xi32>
        %parallel_loop3A_662 = arith.andi %parallel_loop3A_659, %parallel_loop3A_661 : vector<16xi32>
        %parallel_loop3A_663 = arith.constant 3 : i32
        %parallel_loop3A_664 = vector.broadcast %parallel_loop3A_663 : i32 to vector<16xi32>
        %parallel_loop3A_665 = arith.shrsi %parallel_loop3A_662, %parallel_loop3A_664 : vector<16xi32>
        %parallel_loop3A_666 = arith.constant 7 : i32
        %parallel_loop3A_667 = vector.broadcast %parallel_loop3A_666 : i32 to vector<16xi32>
        %parallel_loop3A_668 = arith.andi %parallel_loop3A_662, %parallel_loop3A_667 : vector<16xi32>
        %parallel_loop3A_669 = arith.constant 256 : i32
        %parallel_loop3A_670 = vector.broadcast %parallel_loop3A_669 : i32 to vector<16xi32>
        %parallel_loop3A_671 = arith.addi %parallel_loop3A_670, %add3A_3 : vector<16xi32>
        %parallel_loop3A_672 = arith.constant 0 : i32
        %parallel_loop3A_673 = arith.constant 0 : i32
        %parallel_loop3A_674 = tpu.memref_slice %arg10[%and3A_296, %parallel_loop3A_672, %parallel_loop3A_673] : memref<2x512x64xf32, #tpu.memory_space<vmem>> -> memref<1x512x64xf32, #tpu.memory_space<vmem>>
        %parallel_loop3A_675 = tpu.memref_squeeze %parallel_loop3A_674 : memref<1x512x64xf32, #tpu.memory_space<vmem>> -> memref<512x64xf32, #tpu.memory_space<vmem>>
        %parallel_loop3A_676 = tpu.vector_load_idx %parallel_loop3A_675[%parallel_loop3A_671, %parallel_loop3A_662] : memref<512x64xf32, #tpu.memory_space<vmem>>[vector<16xi32>, vector<16xi32>], vector<16xf32>,
        tpu.vector_store_idx %arg12[%parallel_loop3A_665, %broadcast_in_dim3A_25, %parallel_loop3A_668, %add3A_3], %parallel_loop3A_676 : memref<8x2x8x128xf32, #tpu.memory_space<vmem>>[vector<16xi32>, vector<16xi32>, vector<16xi32>, vector<16xi32>], vector<16xf32>,
        %parallel_loop3A_677 = arith.constant 256 : i32
        %parallel_loop3A_678 = vector.broadcast %parallel_loop3A_677 : i32 to vector<16xi32>
        %parallel_loop3A_679 = arith.addi %parallel_loop3A_678, %add3A_6 : vector<16xi32>
        %parallel_loop3A_680 = arith.constant 0 : i32
        %parallel_loop3A_681 = arith.constant 0 : i32
        %parallel_loop3A_682 = tpu.memref_slice %arg10[%and3A_296, %parallel_loop3A_680, %parallel_loop3A_681] : memref<2x512x64xf32, #tpu.memory_space<vmem>> -> memref<1x512x64xf32, #tpu.memory_space<vmem>>
        %parallel_loop3A_683 = tpu.memref_squeeze %parallel_loop3A_682 : memref<1x512x64xf32, #tpu.memory_space<vmem>> -> memref<512x64xf32, #tpu.memory_space<vmem>>
        %parallel_loop3A_684 = tpu.vector_load_idx %parallel_loop3A_683[%parallel_loop3A_679, %parallel_loop3A_662] : memref<512x64xf32, #tpu.memory_space<vmem>>[vector<16xi32>, vector<16xi32>], vector<16xf32>,
        tpu.vector_store_idx %arg12[%parallel_loop3A_665, %broadcast_in_dim3A_25, %parallel_loop3A_668, %add3A_6], %parallel_loop3A_684 : memref<8x2x8x128xf32, #tpu.memory_space<vmem>>[vector<16xi32>, vector<16xi32>, vector<16xi32>, vector<16xi32>], vector<16xf32>,
        %parallel_loop3A_685 = arith.constant 256 : i32
        %parallel_loop3A_686 = vector.broadcast %parallel_loop3A_685 : i32 to vector<16xi32>
        %parallel_loop3A_687 = arith.addi %parallel_loop3A_686, %add3A_9 : vector<16xi32>
        %parallel_loop3A_688 = arith.constant 0 : i32
        %parallel_loop3A_689 = arith.constant 0 : i32
        %parallel_loop3A_690 = tpu.memref_slice %arg10[%and3A_296, %parallel_loop3A_688, %parallel_loop3A_689] : memref<2x512x64xf32, #tpu.memory_space<vmem>> -> memref<1x512x64xf32, #tpu.memory_space<vmem>>
        %parallel_loop3A_691 = tpu.memref_squeeze %parallel_loop3A_690 : memref<1x512x64xf32, #tpu.memory_space<vmem>> -> memref<512x64xf32, #tpu.memory_space<vmem>>
        %parallel_loop3A_692 = tpu.vector_load_idx %parallel_loop3A_691[%parallel_loop3A_687, %parallel_loop3A_662] : memref<512x64xf32, #tpu.memory_space<vmem>>[vector<16xi32>, vector<16xi32>], vector<16xf32>,
        tpu.vector_store_idx %arg12[%parallel_loop3A_665, %broadcast_in_dim3A_25, %parallel_loop3A_668, %add3A_9], %parallel_loop3A_692 : memref<8x2x8x128xf32, #tpu.memory_space<vmem>>[vector<16xi32>, vector<16xi32>, vector<16xi32>, vector<16xi32>], vector<16xf32>,
        %parallel_loop3A_693 = arith.constant 256 : i32
        %parallel_loop3A_694 = vector.broadcast %parallel_loop3A_693 : i32 to vector<16xi32>
        %parallel_loop3A_695 = arith.addi %parallel_loop3A_694, %add3A_12 : vector<16xi32>
        %parallel_loop3A_696 = arith.constant 0 : i32
        %parallel_loop3A_697 = arith.constant 0 : i32
        %parallel_loop3A_698 = tpu.memref_slice %arg10[%and3A_296, %parallel_loop3A_696, %parallel_loop3A_697] : memref<2x512x64xf32, #tpu.memory_space<vmem>> -> memref<1x512x64xf32, #tpu.memory_space<vmem>>
        %parallel_loop3A_699 = tpu.memref_squeeze %parallel_loop3A_698 : memref<1x512x64xf32, #tpu.memory_space<vmem>> -> memref<512x64xf32, #tpu.memory_space<vmem>>
        %parallel_loop3A_700 = tpu.vector_load_idx %parallel_loop3A_699[%parallel_loop3A_695, %parallel_loop3A_662] : memref<512x64xf32, #tpu.memory_space<vmem>>[vector<16xi32>, vector<16xi32>], vector<16xf32>,
        tpu.vector_store_idx %arg12[%parallel_loop3A_665, %broadcast_in_dim3A_25, %parallel_loop3A_668, %add3A_12], %parallel_loop3A_700 : memref<8x2x8x128xf32, #tpu.memory_space<vmem>>[vector<16xi32>, vector<16xi32>, vector<16xi32>, vector<16xi32>], vector<16xf32>,
        %parallel_loop3A_701 = arith.constant 256 : i32
        %parallel_loop3A_702 = vector.broadcast %parallel_loop3A_701 : i32 to vector<16xi32>
        %parallel_loop3A_703 = arith.addi %parallel_loop3A_702, %add3A_15 : vector<16xi32>
        %parallel_loop3A_704 = arith.constant 0 : i32
        %parallel_loop3A_705 = arith.constant 0 : i32
        %parallel_loop3A_706 = tpu.memref_slice %arg10[%and3A_296, %parallel_loop3A_704, %parallel_loop3A_705] : memref<2x512x64xf32, #tpu.memory_space<vmem>> -> memref<1x512x64xf32, #tpu.memory_space<vmem>>
        %parallel_loop3A_707 = tpu.memref_squeeze %parallel_loop3A_706 : memref<1x512x64xf32, #tpu.memory_space<vmem>> -> memref<512x64xf32, #tpu.memory_space<vmem>>
        %parallel_loop3A_708 = tpu.vector_load_idx %parallel_loop3A_707[%parallel_loop3A_703, %parallel_loop3A_662] : memref<512x64xf32, #tpu.memory_space<vmem>>[vector<16xi32>, vector<16xi32>], vector<16xf32>,
        tpu.vector_store_idx %arg12[%parallel_loop3A_665, %broadcast_in_dim3A_25, %parallel_loop3A_668, %add3A_15], %parallel_loop3A_708 : memref<8x2x8x128xf32, #tpu.memory_space<vmem>>[vector<16xi32>, vector<16xi32>, vector<16xi32>, vector<16xi32>], vector<16xf32>,
        %parallel_loop3A_709 = arith.constant 256 : i32
        %parallel_loop3A_710 = vector.broadcast %parallel_loop3A_709 : i32 to vector<16xi32>
        %parallel_loop3A_711 = arith.addi %parallel_loop3A_710, %add3A_18 : vector<16xi32>
        %parallel_loop3A_712 = arith.constant 0 : i32
        %parallel_loop3A_713 = arith.constant 0 : i32
        %parallel_loop3A_714 = tpu.memref_slice %arg10[%and3A_296, %parallel_loop3A_712, %parallel_loop3A_713] : memref<2x512x64xf32, #tpu.memory_space<vmem>> -> memref<1x512x64xf32, #tpu.memory_space<vmem>>
        %parallel_loop3A_715 = tpu.memref_squeeze %parallel_loop3A_714 : memref<1x512x64xf32, #tpu.memory_space<vmem>> -> memref<512x64xf32, #tpu.memory_space<vmem>>
        %parallel_loop3A_716 = tpu.vector_load_idx %parallel_loop3A_715[%parallel_loop3A_711, %parallel_loop3A_662] : memref<512x64xf32, #tpu.memory_space<vmem>>[vector<16xi32>, vector<16xi32>], vector<16xf32>,
        tpu.vector_store_idx %arg12[%parallel_loop3A_665, %broadcast_in_dim3A_25, %parallel_loop3A_668, %add3A_18], %parallel_loop3A_716 : memref<8x2x8x128xf32, #tpu.memory_space<vmem>>[vector<16xi32>, vector<16xi32>, vector<16xi32>, vector<16xi32>], vector<16xf32>,
        %parallel_loop3A_717 = arith.constant 256 : i32
        %parallel_loop3A_718 = vector.broadcast %parallel_loop3A_717 : i32 to vector<16xi32>
        %parallel_loop3A_719 = arith.addi %parallel_loop3A_718, %add3A_21 : vector<16xi32>
        %parallel_loop3A_720 = arith.constant 0 : i32
        %parallel_loop3A_721 = arith.constant 0 : i32
        %parallel_loop3A_722 = tpu.memref_slice %arg10[%and3A_296, %parallel_loop3A_720, %parallel_loop3A_721] : memref<2x512x64xf32, #tpu.memory_space<vmem>> -> memref<1x512x64xf32, #tpu.memory_space<vmem>>
        %parallel_loop3A_723 = tpu.memref_squeeze %parallel_loop3A_722 : memref<1x512x64xf32, #tpu.memory_space<vmem>> -> memref<512x64xf32, #tpu.memory_space<vmem>>
        %parallel_loop3A_724 = tpu.vector_load_idx %parallel_loop3A_723[%parallel_loop3A_719, %parallel_loop3A_662] : memref<512x64xf32, #tpu.memory_space<vmem>>[vector<16xi32>, vector<16xi32>], vector<16xf32>,
        tpu.vector_store_idx %arg12[%parallel_loop3A_665, %broadcast_in_dim3A_25, %parallel_loop3A_668, %add3A_21], %parallel_loop3A_724 : memref<8x2x8x128xf32, #tpu.memory_space<vmem>>[vector<16xi32>, vector<16xi32>, vector<16xi32>, vector<16xi32>], vector<16xf32>,
        %parallel_loop3A_725 = arith.constant 256 : i32
        %parallel_loop3A_726 = vector.broadcast %parallel_loop3A_725 : i32 to vector<16xi32>
        %parallel_loop3A_727 = arith.addi %parallel_loop3A_726, %add3A_24 : vector<16xi32>
        %parallel_loop3A_728 = arith.constant 0 : i32
        %parallel_loop3A_729 = arith.constant 0 : i32
        %parallel_loop3A_730 = tpu.memref_slice %arg10[%and3A_296, %parallel_loop3A_728, %parallel_loop3A_729] : memref<2x512x64xf32, #tpu.memory_space<vmem>> -> memref<1x512x64xf32, #tpu.memory_space<vmem>>
        %parallel_loop3A_731 = tpu.memref_squeeze %parallel_loop3A_730 : memref<1x512x64xf32, #tpu.memory_space<vmem>> -> memref<512x64xf32, #tpu.memory_space<vmem>>
        %parallel_loop3A_732 = tpu.vector_load_idx %parallel_loop3A_731[%parallel_loop3A_727, %parallel_loop3A_662] : memref<512x64xf32, #tpu.memory_space<vmem>>[vector<16xi32>, vector<16xi32>], vector<16xf32>,
        tpu.vector_store_idx %arg12[%parallel_loop3A_665, %broadcast_in_dim3A_25, %parallel_loop3A_668, %add3A_24], %parallel_loop3A_732 : memref<8x2x8x128xf32, #tpu.memory_space<vmem>>[vector<16xi32>, vector<16xi32>, vector<16xi32>, vector<16xi32>], vector<16xf32>,
        %parallel_loop3A_733 = arith.constant 384 : i32
        %parallel_loop3A_734 = vector.broadcast %parallel_loop3A_733 : i32 to vector<16xi32>
        %parallel_loop3A_735 = arith.addi %parallel_loop3A_734, %add3A_3 : vector<16xi32>
        %parallel_loop3A_736 = arith.constant 0 : i32
        %parallel_loop3A_737 = arith.constant 0 : i32
        %parallel_loop3A_738 = tpu.memref_slice %arg10[%and3A_296, %parallel_loop3A_736, %parallel_loop3A_737] : memref<2x512x64xf32, #tpu.memory_space<vmem>> -> memref<1x512x64xf32, #tpu.memory_space<vmem>>
        %parallel_loop3A_739 = tpu.memref_squeeze %parallel_loop3A_738 : memref<1x512x64xf32, #tpu.memory_space<vmem>> -> memref<512x64xf32, #tpu.memory_space<vmem>>
        %parallel_loop3A_740 = tpu.vector_load_idx %parallel_loop3A_739[%parallel_loop3A_735, %parallel_loop3A_662] : memref<512x64xf32, #tpu.memory_space<vmem>>[vector<16xi32>, vector<16xi32>], vector<16xf32>,
        tpu.vector_store_idx %arg12[%parallel_loop3A_665, %broadcast_in_dim3A_27, %parallel_loop3A_668, %add3A_3], %parallel_loop3A_740 : memref<8x2x8x128xf32, #tpu.memory_space<vmem>>[vector<16xi32>, vector<16xi32>, vector<16xi32>, vector<16xi32>], vector<16xf32>,
        %parallel_loop3A_741 = arith.constant 384 : i32
        %parallel_loop3A_742 = vector.broadcast %parallel_loop3A_741 : i32 to vector<16xi32>
        %parallel_loop3A_743 = arith.addi %parallel_loop3A_742, %add3A_6 : vector<16xi32>
        %parallel_loop3A_744 = arith.constant 0 : i32
        %parallel_loop3A_745 = arith.constant 0 : i32
        %parallel_loop3A_746 = tpu.memref_slice %arg10[%and3A_296, %parallel_loop3A_744, %parallel_loop3A_745] : memref<2x512x64xf32, #tpu.memory_space<vmem>> -> memref<1x512x64xf32, #tpu.memory_space<vmem>>
        %parallel_loop3A_747 = tpu.memref_squeeze %parallel_loop3A_746 : memref<1x512x64xf32, #tpu.memory_space<vmem>> -> memref<512x64xf32, #tpu.memory_space<vmem>>
        %parallel_loop3A_748 = tpu.vector_load_idx %parallel_loop3A_747[%parallel_loop3A_743, %parallel_loop3A_662] : memref<512x64xf32, #tpu.memory_space<vmem>>[vector<16xi32>, vector<16xi32>], vector<16xf32>,
        tpu.vector_store_idx %arg12[%parallel_loop3A_665, %broadcast_in_dim3A_27, %parallel_loop3A_668, %add3A_6], %parallel_loop3A_748 : memref<8x2x8x128xf32, #tpu.memory_space<vmem>>[vector<16xi32>, vector<16xi32>, vector<16xi32>, vector<16xi32>], vector<16xf32>,
        %parallel_loop3A_749 = arith.constant 384 : i32
        %parallel_loop3A_750 = vector.broadcast %parallel_loop3A_749 : i32 to vector<16xi32>
        %parallel_loop3A_751 = arith.addi %parallel_loop3A_750, %add3A_9 : vector<16xi32>
        %parallel_loop3A_752 = arith.constant 0 : i32
        %parallel_loop3A_753 = arith.constant 0 : i32
        %parallel_loop3A_754 = tpu.memref_slice %arg10[%and3A_296, %parallel_loop3A_752, %parallel_loop3A_753] : memref<2x512x64xf32, #tpu.memory_space<vmem>> -> memref<1x512x64xf32, #tpu.memory_space<vmem>>
        %parallel_loop3A_755 = tpu.memref_squeeze %parallel_loop3A_754 : memref<1x512x64xf32, #tpu.memory_space<vmem>> -> memref<512x64xf32, #tpu.memory_space<vmem>>
        %parallel_loop3A_756 = tpu.vector_load_idx %parallel_loop3A_755[%parallel_loop3A_751, %parallel_loop3A_662] : memref<512x64xf32, #tpu.memory_space<vmem>>[vector<16xi32>, vector<16xi32>], vector<16xf32>,
        tpu.vector_store_idx %arg12[%parallel_loop3A_665, %broadcast_in_dim3A_27, %parallel_loop3A_668, %add3A_9], %parallel_loop3A_756 : memref<8x2x8x128xf32, #tpu.memory_space<vmem>>[vector<16xi32>, vector<16xi32>, vector<16xi32>, vector<16xi32>], vector<16xf32>,
        %parallel_loop3A_757 = arith.constant 384 : i32
        %parallel_loop3A_758 = vector.broadcast %parallel_loop3A_757 : i32 to vector<16xi32>
        %parallel_loop3A_759 = arith.addi %parallel_loop3A_758, %add3A_12 : vector<16xi32>
        %parallel_loop3A_760 = arith.constant 0 : i32
        %parallel_loop3A_761 = arith.constant 0 : i32
        %parallel_loop3A_762 = tpu.memref_slice %arg10[%and3A_296, %parallel_loop3A_760, %parallel_loop3A_761] : memref<2x512x64xf32, #tpu.memory_space<vmem>> -> memref<1x512x64xf32, #tpu.memory_space<vmem>>
        %parallel_loop3A_763 = tpu.memref_squeeze %parallel_loop3A_762 : memref<1x512x64xf32, #tpu.memory_space<vmem>> -> memref<512x64xf32, #tpu.memory_space<vmem>>
        %parallel_loop3A_764 = tpu.vector_load_idx %parallel_loop3A_763[%parallel_loop3A_759, %parallel_loop3A_662] : memref<512x64xf32, #tpu.memory_space<vmem>>[vector<16xi32>, vector<16xi32>], vector<16xf32>,
        tpu.vector_store_idx %arg12[%parallel_loop3A_665, %broadcast_in_dim3A_27, %parallel_loop3A_668, %add3A_12], %parallel_loop3A_764 : memref<8x2x8x128xf32, #tpu.memory_space<vmem>>[vector<16xi32>, vector<16xi32>, vector<16xi32>, vector<16xi32>], vector<16xf32>,
        %parallel_loop3A_765 = arith.constant 384 : i32
        %parallel_loop3A_766 = vector.broadcast %parallel_loop3A_765 : i32 to vector<16xi32>
        %parallel_loop3A_767 = arith.addi %parallel_loop3A_766, %add3A_15 : vector<16xi32>
        %parallel_loop3A_768 = arith.constant 0 : i32
        %parallel_loop3A_769 = arith.constant 0 : i32
        %parallel_loop3A_770 = tpu.memref_slice %arg10[%and3A_296, %parallel_loop3A_768, %parallel_loop3A_769] : memref<2x512x64xf32, #tpu.memory_space<vmem>> -> memref<1x512x64xf32, #tpu.memory_space<vmem>>
        %parallel_loop3A_771 = tpu.memref_squeeze %parallel_loop3A_770 : memref<1x512x64xf32, #tpu.memory_space<vmem>> -> memref<512x64xf32, #tpu.memory_space<vmem>>
        %parallel_loop3A_772 = tpu.vector_load_idx %parallel_loop3A_771[%parallel_loop3A_767, %parallel_loop3A_662] : memref<512x64xf32, #tpu.memory_space<vmem>>[vector<16xi32>, vector<16xi32>], vector<16xf32>,
        tpu.vector_store_idx %arg12[%parallel_loop3A_665, %broadcast_in_dim3A_27, %parallel_loop3A_668, %add3A_15], %parallel_loop3A_772 : memref<8x2x8x128xf32, #tpu.memory_space<vmem>>[vector<16xi32>, vector<16xi32>, vector<16xi32>, vector<16xi32>], vector<16xf32>,
        %parallel_loop3A_773 = arith.constant 384 : i32
        %parallel_loop3A_774 = vector.broadcast %parallel_loop3A_773 : i32 to vector<16xi32>
        %parallel_loop3A_775 = arith.addi %parallel_loop3A_774, %add3A_18 : vector<16xi32>
        %parallel_loop3A_776 = arith.constant 0 : i32
        %parallel_loop3A_777 = arith.constant 0 : i32
        %parallel_loop3A_778 = tpu.memref_slice %arg10[%and3A_296, %parallel_loop3A_776, %parallel_loop3A_777] : memref<2x512x64xf32, #tpu.memory_space<vmem>> -> memref<1x512x64xf32, #tpu.memory_space<vmem>>
        %parallel_loop3A_779 = tpu.memref_squeeze %parallel_loop3A_778 : memref<1x512x64xf32, #tpu.memory_space<vmem>> -> memref<512x64xf32, #tpu.memory_space<vmem>>
        %parallel_loop3A_780 = tpu.vector_load_idx %parallel_loop3A_779[%parallel_loop3A_775, %parallel_loop3A_662] : memref<512x64xf32, #tpu.memory_space<vmem>>[vector<16xi32>, vector<16xi32>], vector<16xf32>,
        tpu.vector_store_idx %arg12[%parallel_loop3A_665, %broadcast_in_dim3A_27, %parallel_loop3A_668, %add3A_18], %parallel_loop3A_780 : memref<8x2x8x128xf32, #tpu.memory_space<vmem>>[vector<16xi32>, vector<16xi32>, vector<16xi32>, vector<16xi32>], vector<16xf32>,
        %parallel_loop3A_781 = arith.constant 384 : i32
        %parallel_loop3A_782 = vector.broadcast %parallel_loop3A_781 : i32 to vector<16xi32>
        %parallel_loop3A_783 = arith.addi %parallel_loop3A_782, %add3A_21 : vector<16xi32>
        %parallel_loop3A_784 = arith.constant 0 : i32
        %parallel_loop3A_785 = arith.constant 0 : i32
        %parallel_loop3A_786 = tpu.memref_slice %arg10[%and3A_296, %parallel_loop3A_784, %parallel_loop3A_785] : memref<2x512x64xf32, #tpu.memory_space<vmem>> -> memref<1x512x64xf32, #tpu.memory_space<vmem>>
        %parallel_loop3A_787 = tpu.memref_squeeze %parallel_loop3A_786 : memref<1x512x64xf32, #tpu.memory_space<vmem>> -> memref<512x64xf32, #tpu.memory_space<vmem>>
        %parallel_loop3A_788 = tpu.vector_load_idx %parallel_loop3A_787[%parallel_loop3A_783, %parallel_loop3A_662] : memref<512x64xf32, #tpu.memory_space<vmem>>[vector<16xi32>, vector<16xi32>], vector<16xf32>,
        tpu.vector_store_idx %arg12[%parallel_loop3A_665, %broadcast_in_dim3A_27, %parallel_loop3A_668, %add3A_21], %parallel_loop3A_788 : memref<8x2x8x128xf32, #tpu.memory_space<vmem>>[vector<16xi32>, vector<16xi32>, vector<16xi32>, vector<16xi32>], vector<16xf32>,
        %parallel_loop3A_789 = arith.constant 384 : i32
        %parallel_loop3A_790 = vector.broadcast %parallel_loop3A_789 : i32 to vector<16xi32>
        %parallel_loop3A_791 = arith.addi %parallel_loop3A_790, %add3A_24 : vector<16xi32>
        %parallel_loop3A_792 = arith.constant 0 : i32
        %parallel_loop3A_793 = arith.constant 0 : i32
        %parallel_loop3A_794 = tpu.memref_slice %arg10[%and3A_296, %parallel_loop3A_792, %parallel_loop3A_793] : memref<2x512x64xf32, #tpu.memory_space<vmem>> -> memref<1x512x64xf32, #tpu.memory_space<vmem>>
        %parallel_loop3A_795 = tpu.memref_squeeze %parallel_loop3A_794 : memref<1x512x64xf32, #tpu.memory_space<vmem>> -> memref<512x64xf32, #tpu.memory_space<vmem>>
        %parallel_loop3A_796 = tpu.vector_load_idx %parallel_loop3A_795[%parallel_loop3A_791, %parallel_loop3A_662] : memref<512x64xf32, #tpu.memory_space<vmem>>[vector<16xi32>, vector<16xi32>], vector<16xf32>,
        tpu.vector_store_idx %arg12[%parallel_loop3A_665, %broadcast_in_dim3A_27, %parallel_loop3A_668, %add3A_24], %parallel_loop3A_796 : memref<8x2x8x128xf32, #tpu.memory_space<vmem>>[vector<16xi32>, vector<16xi32>, vector<16xi32>, vector<16xi32>], vector<16xf32>,
      } {sc.loop_unroll_factor = 4 : i64, sc.parallel_access}
      %get3A_539 = arith.constant 2 : i32
      %get3A_540 = arith.index_cast %and3A_296 : i32 to index
      %get3A_541 = arith.index_cast %get3A_539 : i32 to index
      %get3A_542 = arith.constant 0 : index
      %get3A_543 = tpu.vector_load %arg9[%get3A_540, %get3A_541, %get3A_542] {strides = array<i32>} : memref<2x4x128xi32, #tpu.memory_space<vmem>>, vector<16xi32>,
      %get3A_544 = arith.constant 2 : i32
      %get3A_545 = arith.index_cast %and3A_296 : i32 to index
      %get3A_546 = arith.index_cast %get3A_544 : i32 to index
      %get3A_547 = arith.constant 16 : index
      %get3A_548 = tpu.vector_load %arg9[%get3A_545, %get3A_546, %get3A_547] {strides = array<i32>} : memref<2x4x128xi32, #tpu.memory_space<vmem>>, vector<16xi32>,
      %get3A_549 = arith.constant 2 : i32
      %get3A_550 = arith.index_cast %and3A_296 : i32 to index
      %get3A_551 = arith.index_cast %get3A_549 : i32 to index
      %get3A_552 = arith.constant 32 : index
      %get3A_553 = tpu.vector_load %arg9[%get3A_550, %get3A_551, %get3A_552] {strides = array<i32>} : memref<2x4x128xi32, #tpu.memory_space<vmem>>, vector<16xi32>,
      %get3A_554 = arith.constant 2 : i32
      %get3A_555 = arith.index_cast %and3A_296 : i32 to index
      %get3A_556 = arith.index_cast %get3A_554 : i32 to index
      %get3A_557 = arith.constant 48 : index
      %get3A_558 = tpu.vector_load %arg9[%get3A_555, %get3A_556, %get3A_557] {strides = array<i32>} : memref<2x4x128xi32, #tpu.memory_space<vmem>>, vector<16xi32>,
      %get3A_559 = arith.constant 2 : i32
      %get3A_560 = arith.index_cast %and3A_296 : i32 to index
      %get3A_561 = arith.index_cast %get3A_559 : i32 to index
      %get3A_562 = arith.constant 64 : index
      %get3A_563 = tpu.vector_load %arg9[%get3A_560, %get3A_561, %get3A_562] {strides = array<i32>} : memref<2x4x128xi32, #tpu.memory_space<vmem>>, vector<16xi32>,
      %get3A_564 = arith.constant 2 : i32
      %get3A_565 = arith.index_cast %and3A_296 : i32 to index
      %get3A_566 = arith.index_cast %get3A_564 : i32 to index
      %get3A_567 = arith.constant 80 : index
      %get3A_568 = tpu.vector_load %arg9[%get3A_565, %get3A_566, %get3A_567] {strides = array<i32>} : memref<2x4x128xi32, #tpu.memory_space<vmem>>, vector<16xi32>,
      %get3A_569 = arith.constant 2 : i32
      %get3A_570 = arith.index_cast %and3A_296 : i32 to index
      %get3A_571 = arith.index_cast %get3A_569 : i32 to index
      %get3A_572 = arith.constant 96 : index
      %get3A_573 = tpu.vector_load %arg9[%get3A_570, %get3A_571, %get3A_572] {strides = array<i32>} : memref<2x4x128xi32, #tpu.memory_space<vmem>>, vector<16xi32>,
      %get3A_574 = arith.constant 2 : i32
      %get3A_575 = arith.index_cast %and3A_296 : i32 to index
      %get3A_576 = arith.index_cast %get3A_574 : i32 to index
      %get3A_577 = arith.constant 112 : index
      %get3A_578 = tpu.vector_load %arg9[%get3A_575, %get3A_576, %get3A_577] {strides = array<i32>} : memref<2x4x128xi32, #tpu.memory_space<vmem>>, vector<16xi32>,
      %get3A_579 = arith.constant 3 : i32
      %get3A_580 = arith.index_cast %and3A_296 : i32 to index
      %get3A_581 = arith.index_cast %get3A_579 : i32 to index
      %get3A_582 = arith.constant 0 : index
      %get3A_583 = tpu.vector_load %arg9[%get3A_580, %get3A_581, %get3A_582] {strides = array<i32>} : memref<2x4x128xi32, #tpu.memory_space<vmem>>, vector<16xi32>,
      %get3A_584 = arith.constant 3 : i32
      %get3A_585 = arith.index_cast %and3A_296 : i32 to index
      %get3A_586 = arith.index_cast %get3A_584 : i32 to index
      %get3A_587 = arith.constant 16 : index
      %get3A_588 = tpu.vector_load %arg9[%get3A_585, %get3A_586, %get3A_587] {strides = array<i32>} : memref<2x4x128xi32, #tpu.memory_space<vmem>>, vector<16xi32>,
      %get3A_589 = arith.constant 3 : i32
      %get3A_590 = arith.index_cast %and3A_296 : i32 to index
      %get3A_591 = arith.index_cast %get3A_589 : i32 to index
      %get3A_592 = arith.constant 32 : index
      %get3A_593 = tpu.vector_load %arg9[%get3A_590, %get3A_591, %get3A_592] {strides = array<i32>} : memref<2x4x128xi32, #tpu.memory_space<vmem>>, vector<16xi32>,
      %get3A_594 = arith.constant 3 : i32
      %get3A_595 = arith.index_cast %and3A_296 : i32 to index
      %get3A_596 = arith.index_cast %get3A_594 : i32 to index
      %get3A_597 = arith.constant 48 : index
      %get3A_598 = tpu.vector_load %arg9[%get3A_595, %get3A_596, %get3A_597] {strides = array<i32>} : memref<2x4x128xi32, #tpu.memory_space<vmem>>, vector<16xi32>,
      %get3A_599 = arith.constant 3 : i32
      %get3A_600 = arith.index_cast %and3A_296 : i32 to index
      %get3A_601 = arith.index_cast %get3A_599 : i32 to index
      %get3A_602 = arith.constant 64 : index
      %get3A_603 = tpu.vector_load %arg9[%get3A_600, %get3A_601, %get3A_602] {strides = array<i32>} : memref<2x4x128xi32, #tpu.memory_space<vmem>>, vector<16xi32>,
      %get3A_604 = arith.constant 3 : i32
      %get3A_605 = arith.index_cast %and3A_296 : i32 to index
      %get3A_606 = arith.index_cast %get3A_604 : i32 to index
      %get3A_607 = arith.constant 80 : index
      %get3A_608 = tpu.vector_load %arg9[%get3A_605, %get3A_606, %get3A_607] {strides = array<i32>} : memref<2x4x128xi32, #tpu.memory_space<vmem>>, vector<16xi32>,
      %get3A_609 = arith.constant 3 : i32
      %get3A_610 = arith.index_cast %and3A_296 : i32 to index
      %get3A_611 = arith.index_cast %get3A_609 : i32 to index
      %get3A_612 = arith.constant 96 : index
      %get3A_613 = tpu.vector_load %arg9[%get3A_610, %get3A_611, %get3A_612] {strides = array<i32>} : memref<2x4x128xi32, #tpu.memory_space<vmem>>, vector<16xi32>,
      %get3A_614 = arith.constant 3 : i32
      %get3A_615 = arith.index_cast %and3A_296 : i32 to index
      %get3A_616 = arith.index_cast %get3A_614 : i32 to index
      %get3A_617 = arith.constant 112 : index
      %get3A_618 = tpu.vector_load %arg9[%get3A_615, %get3A_616, %get3A_617] {strides = array<i32>} : memref<2x4x128xi32, #tpu.memory_space<vmem>>, vector<16xi32>,
      %parallel_loop3A_619 = arith.constant 0 : i32
      %parallel_loop3A_620 = arith.constant 32 : i32
      %parallel_loop3A_621 = arith.constant 1 : i32
      scf.for %parallel_loop3A_657 = %parallel_loop3A_619 to %parallel_loop3A_620 step %parallel_loop3A_621  : i32 {
        %parallel_loop3A_658 = vector.broadcast %parallel_loop3A_657 : i32 to vector<16xi32>
        %parallel_loop3A_659 = arith.constant 3 : i32
        %parallel_loop3A_660 = arith.shrsi %parallel_loop3A_657, %parallel_loop3A_659 : i32
        %parallel_loop3A_661 = arith.constant 7 : i32
        %parallel_loop3A_662 = arith.andi %parallel_loop3A_657, %parallel_loop3A_661 : i32
        %parallel_loop3A_663 = tpu.vector_load_idx %arg11[%parallel_loop3A_658, %get3A_543] : memref<32x1008xf32, #tpu.memory_space<vmem>>[vector<16xi32>, vector<16xi32>], vector<16xf32>,
        %parallel_loop3A_664 = arith.constant 0 : i32
        %parallel_loop3A_665 = arith.index_cast %parallel_loop3A_660 : i32 to index
        %parallel_loop3A_666 = arith.index_cast %parallel_loop3A_664 : i32 to index
        %parallel_loop3A_667 = arith.index_cast %parallel_loop3A_662 : i32 to index
        %parallel_loop3A_668 = arith.constant 0 : index
        %parallel_loop3A_669 = tpu.vector_load %arg13[%parallel_loop3A_665, %parallel_loop3A_666, %parallel_loop3A_667, %parallel_loop3A_668] {strides = array<i32>} : memref<4x2x8x128xf32, #tpu.memory_space<vmem>>, vector<16xf32>,
        tpu.vector_store %arg13[%parallel_loop3A_665, %parallel_loop3A_666, %parallel_loop3A_667, %parallel_loop3A_668], %parallel_loop3A_663 {strides = array<i32>} : memref<4x2x8x128xf32, #tpu.memory_space<vmem>>, vector<16xf32>,
        %parallel_loop3A_670 = tpu.vector_load_idx %arg11[%parallel_loop3A_658, %get3A_548] : memref<32x1008xf32, #tpu.memory_space<vmem>>[vector<16xi32>, vector<16xi32>], vector<16xf32>,
        %parallel_loop3A_671 = arith.constant 0 : i32
        %parallel_loop3A_672 = arith.index_cast %parallel_loop3A_660 : i32 to index
        %parallel_loop3A_673 = arith.index_cast %parallel_loop3A_671 : i32 to index
        %parallel_loop3A_674 = arith.index_cast %parallel_loop3A_662 : i32 to index
        %parallel_loop3A_675 = arith.constant 16 : index
        %parallel_loop3A_676 = tpu.vector_load %arg13[%parallel_loop3A_672, %parallel_loop3A_673, %parallel_loop3A_674, %parallel_loop3A_675] {strides = array<i32>} : memref<4x2x8x128xf32, #tpu.memory_space<vmem>>, vector<16xf32>,
        tpu.vector_store %arg13[%parallel_loop3A_672, %parallel_loop3A_673, %parallel_loop3A_674, %parallel_loop3A_675], %parallel_loop3A_670 {strides = array<i32>} : memref<4x2x8x128xf32, #tpu.memory_space<vmem>>, vector<16xf32>,
        %parallel_loop3A_677 = tpu.vector_load_idx %arg11[%parallel_loop3A_658, %get3A_553] : memref<32x1008xf32, #tpu.memory_space<vmem>>[vector<16xi32>, vector<16xi32>], vector<16xf32>,
        %parallel_loop3A_678 = arith.constant 0 : i32
        %parallel_loop3A_679 = arith.index_cast %parallel_loop3A_660 : i32 to index
        %parallel_loop3A_680 = arith.index_cast %parallel_loop3A_678 : i32 to index
        %parallel_loop3A_681 = arith.index_cast %parallel_loop3A_662 : i32 to index
        %parallel_loop3A_682 = arith.constant 32 : index
        %parallel_loop3A_683 = tpu.vector_load %arg13[%parallel_loop3A_679, %parallel_loop3A_680, %parallel_loop3A_681, %parallel_loop3A_682] {strides = array<i32>} : memref<4x2x8x128xf32, #tpu.memory_space<vmem>>, vector<16xf32>,
        tpu.vector_store %arg13[%parallel_loop3A_679, %parallel_loop3A_680, %parallel_loop3A_681, %parallel_loop3A_682], %parallel_loop3A_677 {strides = array<i32>} : memref<4x2x8x128xf32, #tpu.memory_space<vmem>>, vector<16xf32>,
        %parallel_loop3A_684 = tpu.vector_load_idx %arg11[%parallel_loop3A_658, %get3A_558] : memref<32x1008xf32, #tpu.memory_space<vmem>>[vector<16xi32>, vector<16xi32>], vector<16xf32>,
        %parallel_loop3A_685 = arith.constant 0 : i32
        %parallel_loop3A_686 = arith.index_cast %parallel_loop3A_660 : i32 to index
        %parallel_loop3A_687 = arith.index_cast %parallel_loop3A_685 : i32 to index
        %parallel_loop3A_688 = arith.index_cast %parallel_loop3A_662 : i32 to index
        %parallel_loop3A_689 = arith.constant 48 : index
        %parallel_loop3A_690 = tpu.vector_load %arg13[%parallel_loop3A_686, %parallel_loop3A_687, %parallel_loop3A_688, %parallel_loop3A_689] {strides = array<i32>} : memref<4x2x8x128xf32, #tpu.memory_space<vmem>>, vector<16xf32>,
        tpu.vector_store %arg13[%parallel_loop3A_686, %parallel_loop3A_687, %parallel_loop3A_688, %parallel_loop3A_689], %parallel_loop3A_684 {strides = array<i32>} : memref<4x2x8x128xf32, #tpu.memory_space<vmem>>, vector<16xf32>,
        %parallel_loop3A_691 = tpu.vector_load_idx %arg11[%parallel_loop3A_658, %get3A_563] : memref<32x1008xf32, #tpu.memory_space<vmem>>[vector<16xi32>, vector<16xi32>], vector<16xf32>,
        %parallel_loop3A_692 = arith.constant 0 : i32
        %parallel_loop3A_693 = arith.index_cast %parallel_loop3A_660 : i32 to index
        %parallel_loop3A_694 = arith.index_cast %parallel_loop3A_692 : i32 to index
        %parallel_loop3A_695 = arith.index_cast %parallel_loop3A_662 : i32 to index
        %parallel_loop3A_696 = arith.constant 64 : index
        %parallel_loop3A_697 = tpu.vector_load %arg13[%parallel_loop3A_693, %parallel_loop3A_694, %parallel_loop3A_695, %parallel_loop3A_696] {strides = array<i32>} : memref<4x2x8x128xf32, #tpu.memory_space<vmem>>, vector<16xf32>,
        tpu.vector_store %arg13[%parallel_loop3A_693, %parallel_loop3A_694, %parallel_loop3A_695, %parallel_loop3A_696], %parallel_loop3A_691 {strides = array<i32>} : memref<4x2x8x128xf32, #tpu.memory_space<vmem>>, vector<16xf32>,
        %parallel_loop3A_698 = tpu.vector_load_idx %arg11[%parallel_loop3A_658, %get3A_568] : memref<32x1008xf32, #tpu.memory_space<vmem>>[vector<16xi32>, vector<16xi32>], vector<16xf32>,
        %parallel_loop3A_699 = arith.constant 0 : i32
        %parallel_loop3A_700 = arith.index_cast %parallel_loop3A_660 : i32 to index
        %parallel_loop3A_701 = arith.index_cast %parallel_loop3A_699 : i32 to index
        %parallel_loop3A_702 = arith.index_cast %parallel_loop3A_662 : i32 to index
        %parallel_loop3A_703 = arith.constant 80 : index
        %parallel_loop3A_704 = tpu.vector_load %arg13[%parallel_loop3A_700, %parallel_loop3A_701, %parallel_loop3A_702, %parallel_loop3A_703] {strides = array<i32>} : memref<4x2x8x128xf32, #tpu.memory_space<vmem>>, vector<16xf32>,
        tpu.vector_store %arg13[%parallel_loop3A_700, %parallel_loop3A_701, %parallel_loop3A_702, %parallel_loop3A_703], %parallel_loop3A_698 {strides = array<i32>} : memref<4x2x8x128xf32, #tpu.memory_space<vmem>>, vector<16xf32>,
        %parallel_loop3A_705 = tpu.vector_load_idx %arg11[%parallel_loop3A_658, %get3A_573] : memref<32x1008xf32, #tpu.memory_space<vmem>>[vector<16xi32>, vector<16xi32>], vector<16xf32>,
        %parallel_loop3A_706 = arith.constant 0 : i32
        %parallel_loop3A_707 = arith.index_cast %parallel_loop3A_660 : i32 to index
        %parallel_loop3A_708 = arith.index_cast %parallel_loop3A_706 : i32 to index
        %parallel_loop3A_709 = arith.index_cast %parallel_loop3A_662 : i32 to index
        %parallel_loop3A_710 = arith.constant 96 : index
        %parallel_loop3A_711 = tpu.vector_load %arg13[%parallel_loop3A_707, %parallel_loop3A_708, %parallel_loop3A_709, %parallel_loop3A_710] {strides = array<i32>} : memref<4x2x8x128xf32, #tpu.memory_space<vmem>>, vector<16xf32>,
        tpu.vector_store %arg13[%parallel_loop3A_707, %parallel_loop3A_708, %parallel_loop3A_709, %parallel_loop3A_710], %parallel_loop3A_705 {strides = array<i32>} : memref<4x2x8x128xf32, #tpu.memory_space<vmem>>, vector<16xf32>,
        %parallel_loop3A_712 = tpu.vector_load_idx %arg11[%parallel_loop3A_658, %get3A_578] : memref<32x1008xf32, #tpu.memory_space<vmem>>[vector<16xi32>, vector<16xi32>], vector<16xf32>,
        %parallel_loop3A_713 = arith.constant 0 : i32
        %parallel_loop3A_714 = arith.index_cast %parallel_loop3A_660 : i32 to index
        %parallel_loop3A_715 = arith.index_cast %parallel_loop3A_713 : i32 to index
        %parallel_loop3A_716 = arith.index_cast %parallel_loop3A_662 : i32 to index
        %parallel_loop3A_717 = arith.constant 112 : index
        %parallel_loop3A_718 = tpu.vector_load %arg13[%parallel_loop3A_714, %parallel_loop3A_715, %parallel_loop3A_716, %parallel_loop3A_717] {strides = array<i32>} : memref<4x2x8x128xf32, #tpu.memory_space<vmem>>, vector<16xf32>,
        tpu.vector_store %arg13[%parallel_loop3A_714, %parallel_loop3A_715, %parallel_loop3A_716, %parallel_loop3A_717], %parallel_loop3A_712 {strides = array<i32>} : memref<4x2x8x128xf32, #tpu.memory_space<vmem>>, vector<16xf32>,
        %parallel_loop3A_719 = tpu.vector_load_idx %arg11[%parallel_loop3A_658, %get3A_583] : memref<32x1008xf32, #tpu.memory_space<vmem>>[vector<16xi32>, vector<16xi32>], vector<16xf32>,
        %parallel_loop3A_720 = arith.constant 1 : i32
        %parallel_loop3A_721 = arith.index_cast %parallel_loop3A_660 : i32 to index
        %parallel_loop3A_722 = arith.index_cast %parallel_loop3A_720 : i32 to index
        %parallel_loop3A_723 = arith.index_cast %parallel_loop3A_662 : i32 to index
        %parallel_loop3A_724 = arith.constant 0 : index
        %parallel_loop3A_725 = tpu.vector_load %arg13[%parallel_loop3A_721, %parallel_loop3A_722, %parallel_loop3A_723, %parallel_loop3A_724] {strides = array<i32>} : memref<4x2x8x128xf32, #tpu.memory_space<vmem>>, vector<16xf32>,
        tpu.vector_store %arg13[%parallel_loop3A_721, %parallel_loop3A_722, %parallel_loop3A_723, %parallel_loop3A_724], %parallel_loop3A_719 {strides = array<i32>} : memref<4x2x8x128xf32, #tpu.memory_space<vmem>>, vector<16xf32>,
        %parallel_loop3A_726 = tpu.vector_load_idx %arg11[%parallel_loop3A_658, %get3A_588] : memref<32x1008xf32, #tpu.memory_space<vmem>>[vector<16xi32>, vector<16xi32>], vector<16xf32>,
        %parallel_loop3A_727 = arith.constant 1 : i32
        %parallel_loop3A_728 = arith.index_cast %parallel_loop3A_660 : i32 to index
        %parallel_loop3A_729 = arith.index_cast %parallel_loop3A_727 : i32 to index
        %parallel_loop3A_730 = arith.index_cast %parallel_loop3A_662 : i32 to index
        %parallel_loop3A_731 = arith.constant 16 : index
        %parallel_loop3A_732 = tpu.vector_load %arg13[%parallel_loop3A_728, %parallel_loop3A_729, %parallel_loop3A_730, %parallel_loop3A_731] {strides = array<i32>} : memref<4x2x8x128xf32, #tpu.memory_space<vmem>>, vector<16xf32>,
        tpu.vector_store %arg13[%parallel_loop3A_728, %parallel_loop3A_729, %parallel_loop3A_730, %parallel_loop3A_731], %parallel_loop3A_726 {strides = array<i32>} : memref<4x2x8x128xf32, #tpu.memory_space<vmem>>, vector<16xf32>,
        %parallel_loop3A_733 = tpu.vector_load_idx %arg11[%parallel_loop3A_658, %get3A_593] : memref<32x1008xf32, #tpu.memory_space<vmem>>[vector<16xi32>, vector<16xi32>], vector<16xf32>,
        %parallel_loop3A_734 = arith.constant 1 : i32
        %parallel_loop3A_735 = arith.index_cast %parallel_loop3A_660 : i32 to index
        %parallel_loop3A_736 = arith.index_cast %parallel_loop3A_734 : i32 to index
        %parallel_loop3A_737 = arith.index_cast %parallel_loop3A_662 : i32 to index
        %parallel_loop3A_738 = arith.constant 32 : index
        %parallel_loop3A_739 = tpu.vector_load %arg13[%parallel_loop3A_735, %parallel_loop3A_736, %parallel_loop3A_737, %parallel_loop3A_738] {strides = array<i32>} : memref<4x2x8x128xf32, #tpu.memory_space<vmem>>, vector<16xf32>,
        tpu.vector_store %arg13[%parallel_loop3A_735, %parallel_loop3A_736, %parallel_loop3A_737, %parallel_loop3A_738], %parallel_loop3A_733 {strides = array<i32>} : memref<4x2x8x128xf32, #tpu.memory_space<vmem>>, vector<16xf32>,
        %parallel_loop3A_740 = tpu.vector_load_idx %arg11[%parallel_loop3A_658, %get3A_598] : memref<32x1008xf32, #tpu.memory_space<vmem>>[vector<16xi32>, vector<16xi32>], vector<16xf32>,
        %parallel_loop3A_741 = arith.constant 1 : i32
        %parallel_loop3A_742 = arith.index_cast %parallel_loop3A_660 : i32 to index
        %parallel_loop3A_743 = arith.index_cast %parallel_loop3A_741 : i32 to index
        %parallel_loop3A_744 = arith.index_cast %parallel_loop3A_662 : i32 to index
        %parallel_loop3A_745 = arith.constant 48 : index
        %parallel_loop3A_746 = tpu.vector_load %arg13[%parallel_loop3A_742, %parallel_loop3A_743, %parallel_loop3A_744, %parallel_loop3A_745] {strides = array<i32>} : memref<4x2x8x128xf32, #tpu.memory_space<vmem>>, vector<16xf32>,
        tpu.vector_store %arg13[%parallel_loop3A_742, %parallel_loop3A_743, %parallel_loop3A_744, %parallel_loop3A_745], %parallel_loop3A_740 {strides = array<i32>} : memref<4x2x8x128xf32, #tpu.memory_space<vmem>>, vector<16xf32>,
        %parallel_loop3A_747 = tpu.vector_load_idx %arg11[%parallel_loop3A_658, %get3A_603] : memref<32x1008xf32, #tpu.memory_space<vmem>>[vector<16xi32>, vector<16xi32>], vector<16xf32>,
        %parallel_loop3A_748 = arith.constant 1 : i32
        %parallel_loop3A_749 = arith.index_cast %parallel_loop3A_660 : i32 to index
        %parallel_loop3A_750 = arith.index_cast %parallel_loop3A_748 : i32 to index
        %parallel_loop3A_751 = arith.index_cast %parallel_loop3A_662 : i32 to index
        %parallel_loop3A_752 = arith.constant 64 : index
        %parallel_loop3A_753 = tpu.vector_load %arg13[%parallel_loop3A_749, %parallel_loop3A_750, %parallel_loop3A_751, %parallel_loop3A_752] {strides = array<i32>} : memref<4x2x8x128xf32, #tpu.memory_space<vmem>>, vector<16xf32>,
        tpu.vector_store %arg13[%parallel_loop3A_749, %parallel_loop3A_750, %parallel_loop3A_751, %parallel_loop3A_752], %parallel_loop3A_747 {strides = array<i32>} : memref<4x2x8x128xf32, #tpu.memory_space<vmem>>, vector<16xf32>,
        %parallel_loop3A_754 = tpu.vector_load_idx %arg11[%parallel_loop3A_658, %get3A_608] : memref<32x1008xf32, #tpu.memory_space<vmem>>[vector<16xi32>, vector<16xi32>], vector<16xf32>,
        %parallel_loop3A_755 = arith.constant 1 : i32
        %parallel_loop3A_756 = arith.index_cast %parallel_loop3A_660 : i32 to index
        %parallel_loop3A_757 = arith.index_cast %parallel_loop3A_755 : i32 to index
        %parallel_loop3A_758 = arith.index_cast %parallel_loop3A_662 : i32 to index
        %parallel_loop3A_759 = arith.constant 80 : index
        %parallel_loop3A_760 = tpu.vector_load %arg13[%parallel_loop3A_756, %parallel_loop3A_757, %parallel_loop3A_758, %parallel_loop3A_759] {strides = array<i32>} : memref<4x2x8x128xf32, #tpu.memory_space<vmem>>, vector<16xf32>,
        tpu.vector_store %arg13[%parallel_loop3A_756, %parallel_loop3A_757, %parallel_loop3A_758, %parallel_loop3A_759], %parallel_loop3A_754 {strides = array<i32>} : memref<4x2x8x128xf32, #tpu.memory_space<vmem>>, vector<16xf32>,
        %parallel_loop3A_761 = tpu.vector_load_idx %arg11[%parallel_loop3A_658, %get3A_613] : memref<32x1008xf32, #tpu.memory_space<vmem>>[vector<16xi32>, vector<16xi32>], vector<16xf32>,
        %parallel_loop3A_762 = arith.constant 1 : i32
        %parallel_loop3A_763 = arith.index_cast %parallel_loop3A_660 : i32 to index
        %parallel_loop3A_764 = arith.index_cast %parallel_loop3A_762 : i32 to index
        %parallel_loop3A_765 = arith.index_cast %parallel_loop3A_662 : i32 to index
        %parallel_loop3A_766 = arith.constant 96 : index
        %parallel_loop3A_767 = tpu.vector_load %arg13[%parallel_loop3A_763, %parallel_loop3A_764, %parallel_loop3A_765, %parallel_loop3A_766] {strides = array<i32>} : memref<4x2x8x128xf32, #tpu.memory_space<vmem>>, vector<16xf32>,
        tpu.vector_store %arg13[%parallel_loop3A_763, %parallel_loop3A_764, %parallel_loop3A_765, %parallel_loop3A_766], %parallel_loop3A_761 {strides = array<i32>} : memref<4x2x8x128xf32, #tpu.memory_space<vmem>>, vector<16xf32>,
        %parallel_loop3A_768 = tpu.vector_load_idx %arg11[%parallel_loop3A_658, %get3A_618] : memref<32x1008xf32, #tpu.memory_space<vmem>>[vector<16xi32>, vector<16xi32>], vector<16xf32>,
        %parallel_loop3A_769 = arith.constant 1 : i32
        %parallel_loop3A_770 = arith.index_cast %parallel_loop3A_660 : i32 to index
        %parallel_loop3A_771 = arith.index_cast %parallel_loop3A_769 : i32 to index
        %parallel_loop3A_772 = arith.index_cast %parallel_loop3A_662 : i32 to index
        %parallel_loop3A_773 = arith.constant 112 : index
        %parallel_loop3A_774 = tpu.vector_load %arg13[%parallel_loop3A_770, %parallel_loop3A_771, %parallel_loop3A_772, %parallel_loop3A_773] {strides = array<i32>} : memref<4x2x8x128xf32, #tpu.memory_space<vmem>>, vector<16xf32>,
        tpu.vector_store %arg13[%parallel_loop3A_770, %parallel_loop3A_771, %parallel_loop3A_772, %parallel_loop3A_773], %parallel_loop3A_768 {strides = array<i32>} : memref<4x2x8x128xf32, #tpu.memory_space<vmem>>, vector<16xf32>,
      } {sc.loop_unroll_factor = 4 : i64, sc.parallel_access}
      %mul3A_622 = arith.constant 4 : i32
      %mul3A_623 = arith.muli %select_n3A_339, %mul3A_622 : i32
      %add3A_624 = arith.constant 2 : i32
      %add3A_625 = arith.addi %mul3A_623, %add3A_624 : i32
      %dma_start3A_626 = arith.constant 0 : i32
      %dma_start3A_627 = arith.constant 0 : i32
      %dma_start3A_628 = arith.constant 0 : i32
      %dma_start3A_629 = tpu.memref_slice %arg6[%select_n3A_323, %dma_start3A_626, %add3A_625, %dma_start3A_627, %dma_start3A_628] : memref<200x8x32x8x128xf32, #tpu.memory_space<hbm>> -> memref<1x8x2x8x128xf32, #tpu.memory_space<hbm>>
      %dma_start3A_630 = tpu.memref_squeeze %dma_start3A_629 : memref<1x8x2x8x128xf32, #tpu.memory_space<hbm>> -> memref<8x2x8x128xf32, #tpu.memory_space<hbm>>
      %dma_start3A_631 = arith.constant 0 : i32
      %dma_start3A_632 = arith.constant 0 : i32
      %dma_start3A_633 = arith.constant 0 : i32
      %dma_start3A_634 = tpu.memref_slice %arg6[%select_n3A_323, %dma_start3A_631, %add3A_625, %dma_start3A_632, %dma_start3A_633] : memref<200x8x32x8x128xf32, #tpu.memory_space<hbm>> -> memref<1x8x2x8x128xf32, #tpu.memory_space<hbm>>
      %dma_start3A_635 = tpu.memref_squeeze %dma_start3A_634 : memref<1x8x2x8x128xf32, #tpu.memory_space<hbm>> -> memref<8x2x8x128xf32, #tpu.memory_space<hbm>>
      tpu.enqueue_dma source(%arg12 : memref<8x2x8x128xf32, #tpu.memory_space<vmem>>) target(%dma_start3A_635 : memref<8x2x8x128xf32, #tpu.memory_space<hbm>>) target_semaphore(%arg16 : memref<!tpu.dma_semaphore, #tpu.memory_space<semaphore_mem>>)
      %mul3A_636 = arith.constant 4 : i32
      %mul3A_637 = arith.muli %select_n3A_339, %mul3A_636 : i32
      %add3A_638 = arith.constant 2 : i32
      %add3A_639 = arith.addi %mul3A_637, %add3A_638 : i32
      %dma_start3A_640 = arith.constant 0 : i32
      %dma_start3A_641 = arith.constant 0 : i32
      %dma_start3A_642 = arith.constant 0 : i32
      %dma_start3A_643 = tpu.memref_slice %arg7[%select_n3A_323, %dma_start3A_640, %add3A_639, %dma_start3A_641, %dma_start3A_642] : memref<200x4x32x8x128xf32, #tpu.memory_space<hbm>> -> memref<1x4x2x8x128xf32, #tpu.memory_space<hbm>>
      %dma_start3A_644 = tpu.memref_squeeze %dma_start3A_643 : memref<1x4x2x8x128xf32, #tpu.memory_space<hbm>> -> memref<4x2x8x128xf32, #tpu.memory_space<hbm>>
      %dma_start3A_645 = arith.constant 0 : i32
      %dma_start3A_646 = arith.constant 0 : i32
      %dma_start3A_647 = arith.constant 0 : i32
      %dma_start3A_648 = tpu.memref_slice %arg7[%select_n3A_323, %dma_start3A_645, %add3A_639, %dma_start3A_646, %dma_start3A_647] : memref<200x4x32x8x128xf32, #tpu.memory_space<hbm>> -> memref<1x4x2x8x128xf32, #tpu.memory_space<hbm>>
      %dma_start3A_649 = tpu.memref_squeeze %dma_start3A_648 : memref<1x4x2x8x128xf32, #tpu.memory_space<hbm>> -> memref<4x2x8x128xf32, #tpu.memory_space<hbm>>
      tpu.enqueue_dma source(%arg13 : memref<4x2x8x128xf32, #tpu.memory_space<vmem>>) target(%dma_start3A_649 : memref<4x2x8x128xf32, #tpu.memory_space<hbm>>) target_semaphore(%arg17 : memref<!tpu.dma_semaphore, #tpu.memory_space<semaphore_mem>>)
      %add3A_650 = arith.constant 2 : i32
      %add3A_651 = arith.addi %scan3A_294, %add3A_650 : i32
      %lt3A_652 = arith.constant 50 : i32
      %lt3A_653 = arith.cmpi slt, %add3A_651, %lt3A_652 : i32
      %convert_element_type3A_654 = arith.extui %lt3A_653 : i1 to i32
      %cond3A_655 = arith.constant 0 : i32
      %cond3A_656 = arith.cmpi ne, %convert_element_type3A_654, %cond3A_655 : i32
      scf.if %cond3A_656 {
        %add3A_657 = arith.constant 2 : i32
        %add3A_658 = arith.addi %scan3A_294, %add3A_657 : i32
        %mul3A_659 = arith.constant 50 : i32
        %mul3A_660 = arith.muli %add3A, %mul3A_659 : i32
        %add3A_661 = arith.addi %mul3A_660, %add3A_658 : i32
        %jit3A_662 = arith.constant 8 : i32
        %div3A_663 = arith.divsi %add3A_661, %jit3A_662 : i32
        %sign3A_664 = arith.constant 0 : i32
        %sign3A_665 = arith.cmpi sgt, %add3A_661, %sign3A_664 : i32
        %sign3A_666 = arith.extui %sign3A_665 : i1 to i32
        %sign3A_667 = arith.constant 0 : i32
        %sign3A_668 = arith.cmpi slt, %add3A_661, %sign3A_667 : i32
        %sign3A_669 = arith.extui %sign3A_668 : i1 to i32
        %sign3A_670 = arith.subi %sign3A_666, %sign3A_669 : i32
        %sign3A_671 = arith.constant 0 : i32
        %sign3A_672 = arith.cmpi sgt, %jit3A_662, %sign3A_671 : i32
        %sign3A_673 = arith.extui %sign3A_672 : i1 to i32
        %sign3A_674 = arith.constant 0 : i32
        %sign3A_675 = arith.cmpi slt, %jit3A_662, %sign3A_674 : i32
        %sign3A_676 = arith.extui %sign3A_675 : i1 to i32
        %sign3A_677 = arith.subi %sign3A_673, %sign3A_676 : i32
        %ne3A_678 = arith.cmpi ne, %sign3A_670, %sign3A_677 : i32
        %rem3A_679 = arith.remsi %add3A_661, %jit3A_662 : i32
        %ne3A_680 = arith.constant 0 : i32
        %ne3A_681 = arith.cmpi ne, %rem3A_679, %ne3A_680 : i32
        %and3A_682 = arith.andi %ne3A_678, %ne3A_681 : i1
        %sub3A_683 = arith.constant 1 : i32
        %sub3A_684 = arith.subi %div3A_663, %sub3A_683 : i32
        %select_n3A_685 = arith.select %and3A_682, %sub3A_684, %div3A_663 : i32
        %jit3A_686 = arith.constant 8 : i32
        %eq3A_687 = arith.constant 0 : i32
        %eq3A_688 = arith.cmpi eq, %jit3A_686, %eq3A_687 : i32
        %jit3A_689 = arith.constant 1 : i32
        %select_n3A_690 = arith.select %eq3A_688, %jit3A_689, %jit3A_686 : i32
        %rem3A_691 = arith.remsi %add3A_661, %select_n3A_690 : i32
        %ne3A_692 = arith.constant 0 : i32
        %ne3A_693 = arith.cmpi ne, %rem3A_691, %ne3A_692 : i32
        %lt3A_694 = arith.constant 0 : i32
        %lt3A_695 = arith.cmpi slt, %rem3A_691, %lt3A_694 : i32
        %lt3A_696 = arith.constant 0 : i32
        %lt3A_697 = arith.cmpi slt, %select_n3A_690, %lt3A_696 : i32
        %ne3A_698 = arith.xori %lt3A_695, %lt3A_697 : i1
        %and3A_699 = arith.andi %ne3A_698, %ne3A_693 : i1
        %add3A_700 = arith.addi %rem3A_691, %select_n3A_690 : i32
        %select_n3A_701 = arith.select %and3A_699, %add3A_700, %rem3A_691 : i32
        %mul3A_702 = arith.constant 4 : i32
        %mul3A_703 = arith.muli %select_n3A_701, %mul3A_702 : i32
        %dma_start3A_704 = arith.constant 0 : i32
        %dma_start3A_705 = arith.constant 0 : i32
        %dma_start3A_706 = tpu.memref_slice %arg8[%and3A_296, %dma_start3A_704, %dma_start3A_705] : memref<2x4x128xi32, #tpu.memory_space<vmem>> -> memref<1x4x128xi32, #tpu.memory_space<vmem>>
        %dma_start3A_707 = tpu.memref_squeeze %dma_start3A_706 : memref<1x4x128xi32, #tpu.memory_space<vmem>> -> memref<4x128xi32, #tpu.memory_space<vmem>>
        %dma_start3A_708 = arith.constant 0 : i32
        %dma_start3A_709 = tpu.memref_slice %arg2[%select_n3A_685, %mul3A_703, %dma_start3A_708] : memref<200x32x128xi32, #tpu.memory_space<hbm>> -> memref<1x4x128xi32, #tpu.memory_space<hbm>>
        %dma_start3A_710 = tpu.memref_squeeze %dma_start3A_709 : memref<1x4x128xi32, #tpu.memory_space<hbm>> -> memref<4x128xi32, #tpu.memory_space<hbm>>
        %dma_start3A_711 = arith.constant 0 : i32
        %dma_start3A_712 = arith.constant 0 : i32
        %dma_start3A_713 = tpu.memref_slice %arg8[%and3A_296, %dma_start3A_711, %dma_start3A_712] : memref<2x4x128xi32, #tpu.memory_space<vmem>> -> memref<1x4x128xi32, #tpu.memory_space<vmem>>
        %dma_start3A_714 = tpu.memref_squeeze %dma_start3A_713 : memref<1x4x128xi32, #tpu.memory_space<vmem>> -> memref<4x128xi32, #tpu.memory_space<vmem>>
        %dma_start3A_715 = arith.constant 0 : i32
        %dma_start3A_716 = tpu.memref_slice %arg2[%select_n3A_685, %mul3A_703, %dma_start3A_715] : memref<200x32x128xi32, #tpu.memory_space<hbm>> -> memref<1x4x128xi32, #tpu.memory_space<hbm>>
        %dma_start3A_717 = tpu.memref_squeeze %dma_start3A_716 : memref<1x4x128xi32, #tpu.memory_space<hbm>> -> memref<4x128xi32, #tpu.memory_space<hbm>>
        tpu.enqueue_dma source(%dma_start3A_717 : memref<4x128xi32, #tpu.memory_space<hbm>>) target(%dma_start3A_714 : memref<4x128xi32, #tpu.memory_space<vmem>>) target_semaphore(%arg14 : memref<!tpu.dma_semaphore, #tpu.memory_space<semaphore_mem>>)
        %mul3A_718 = arith.constant 4 : i32
        %mul3A_719 = arith.muli %select_n3A_701, %mul3A_718 : i32
        %dma_start3A_720 = arith.constant 0 : i32
        %dma_start3A_721 = arith.constant 0 : i32
        %dma_start3A_722 = tpu.memref_slice %arg9[%and3A_296, %dma_start3A_720, %dma_start3A_721] : memref<2x4x128xi32, #tpu.memory_space<vmem>> -> memref<1x4x128xi32, #tpu.memory_space<vmem>>
        %dma_start3A_723 = tpu.memref_squeeze %dma_start3A_722 : memref<1x4x128xi32, #tpu.memory_space<vmem>> -> memref<4x128xi32, #tpu.memory_space<vmem>>
        %dma_start3A_724 = arith.constant 0 : i32
        %dma_start3A_725 = tpu.memref_slice %arg3[%select_n3A_685, %mul3A_719, %dma_start3A_724] : memref<200x32x128xi32, #tpu.memory_space<hbm>> -> memref<1x4x128xi32, #tpu.memory_space<hbm>>
        %dma_start3A_726 = tpu.memref_squeeze %dma_start3A_725 : memref<1x4x128xi32, #tpu.memory_space<hbm>> -> memref<4x128xi32, #tpu.memory_space<hbm>>
        %dma_start3A_727 = arith.constant 0 : i32
        %dma_start3A_728 = arith.constant 0 : i32
        %dma_start3A_729 = tpu.memref_slice %arg9[%and3A_296, %dma_start3A_727, %dma_start3A_728] : memref<2x4x128xi32, #tpu.memory_space<vmem>> -> memref<1x4x128xi32, #tpu.memory_space<vmem>>
        %dma_start3A_730 = tpu.memref_squeeze %dma_start3A_729 : memref<1x4x128xi32, #tpu.memory_space<vmem>> -> memref<4x128xi32, #tpu.memory_space<vmem>>
        %dma_start3A_731 = arith.constant 0 : i32
        %dma_start3A_732 = tpu.memref_slice %arg3[%select_n3A_685, %mul3A_719, %dma_start3A_731] : memref<200x32x128xi32, #tpu.memory_space<hbm>> -> memref<1x4x128xi32, #tpu.memory_space<hbm>>
        %dma_start3A_733 = tpu.memref_squeeze %dma_start3A_732 : memref<1x4x128xi32, #tpu.memory_space<hbm>> -> memref<4x128xi32, #tpu.memory_space<hbm>>
        tpu.enqueue_dma source(%dma_start3A_733 : memref<4x128xi32, #tpu.memory_space<hbm>>) target(%dma_start3A_730 : memref<4x128xi32, #tpu.memory_space<vmem>>) target_semaphore(%arg14 : memref<!tpu.dma_semaphore, #tpu.memory_space<semaphore_mem>>)
      } else {
      }
    }
    %scan3A_267 = arith.constant 50 : i32
    %dma_wait3A_268 = arith.constant 0 : i32
    %dma_wait3A_269 = arith.constant 0 : i32
    %dma_wait3A_270 = arith.constant 0 : i32
    %dma_wait3A_271 = arith.constant 0 : i32
    %dma_wait3A_272 = arith.constant 0 : i32
    %dma_wait3A_273 = tpu.memref_slice %arg6[%dma_wait3A_268, %dma_wait3A_269, %dma_wait3A_270, %dma_wait3A_271, %dma_wait3A_272] : memref<200x8x32x8x128xf32, #tpu.memory_space<hbm>> -> memref<1x8x2x8x128xf32, #tpu.memory_space<hbm>>
    %dma_wait3A_274 = tpu.memref_squeeze %dma_wait3A_273 : memref<1x8x2x8x128xf32, #tpu.memory_space<hbm>> -> memref<8x2x8x128xf32, #tpu.memory_space<hbm>>
    %dma_wait3A_275 = arith.constant 0 : i32
    %dma_wait3A_276 = arith.constant 0 : i32
    %dma_wait3A_277 = arith.constant 0 : i32
    %dma_wait3A_278 = arith.constant 0 : i32
    %dma_wait3A_279 = tpu.memref_slice %arg6[%dma_wait3A_268, %dma_wait3A_275, %dma_wait3A_276, %dma_wait3A_277, %dma_wait3A_278] : memref<200x8x32x8x128xf32, #tpu.memory_space<hbm>> -> memref<1x8x2x8x128xf32, #tpu.memory_space<hbm>>
    %dma_wait3A_280 = tpu.memref_squeeze %dma_wait3A_279 : memref<1x8x2x8x128xf32, #tpu.memory_space<hbm>> -> memref<8x2x8x128xf32, #tpu.memory_space<hbm>>
    tpu.wait_dma2 semaphore(%arg16 : memref<!tpu.dma_semaphore, #tpu.memory_space<semaphore_mem>>) src(%arg12 : memref<8x2x8x128xf32, #tpu.memory_space<vmem>>) dst(%dma_wait3A_280 : memref<8x2x8x128xf32, #tpu.memory_space<hbm>>)
    %dma_wait3A_281 = arith.constant 0 : i32
    %dma_wait3A_282 = arith.constant 0 : i32
    %dma_wait3A_283 = arith.constant 0 : i32
    %dma_wait3A_284 = arith.constant 0 : i32
    %dma_wait3A_285 = arith.constant 0 : i32
    %dma_wait3A_286 = tpu.memref_slice %arg7[%dma_wait3A_281, %dma_wait3A_282, %dma_wait3A_283, %dma_wait3A_284, %dma_wait3A_285] : memref<200x4x32x8x128xf32, #tpu.memory_space<hbm>> -> memref<1x4x2x8x128xf32, #tpu.memory_space<hbm>>
    %dma_wait3A_287 = tpu.memref_squeeze %dma_wait3A_286 : memref<1x4x2x8x128xf32, #tpu.memory_space<hbm>> -> memref<4x2x8x128xf32, #tpu.memory_space<hbm>>
    %dma_wait3A_288 = arith.constant 0 : i32
    %dma_wait3A_289 = arith.constant 0 : i32
    %dma_wait3A_290 = arith.constant 0 : i32
    %dma_wait3A_291 = arith.constant 0 : i32
    %dma_wait3A_292 = tpu.memref_slice %arg7[%dma_wait3A_281, %dma_wait3A_288, %dma_wait3A_289, %dma_wait3A_290, %dma_wait3A_291] : memref<200x4x32x8x128xf32, #tpu.memory_space<hbm>> -> memref<1x4x2x8x128xf32, #tpu.memory_space<hbm>>
    %dma_wait3A_293 = tpu.memref_squeeze %dma_wait3A_292 : memref<1x4x2x8x128xf32, #tpu.memory_space<hbm>> -> memref<4x2x8x128xf32, #tpu.memory_space<hbm>>
    tpu.wait_dma2 semaphore(%arg17 : memref<!tpu.dma_semaphore, #tpu.memory_space<semaphore_mem>>) src(%arg13 : memref<4x2x8x128xf32, #tpu.memory_space<vmem>>) dst(%dma_wait3A_293 : memref<4x2x8x128xf32, #tpu.memory_space<hbm>>)
    return
  }
}

</mosaic_0001>

<sc_bundles>
// kernel: _embed.3.cloned.1.call-start
scs
__scs_entry_jumppad:
0x0: {  	(pc) =	sbr.rel $0x88, $3  }
0x1: {  	(tag) =	ssettag $0x0;
	lr =	simm.s32 $0x1  }
0x2: {  	[smem:$0x3F9D] =	sst lr;
	_ =	strace $0xD0000000  }
0x3: {  	_ = 	snop  }
0x4: {  	_ = 	snop  }
0x5: {  	_ = 	snop  }
0x6: {  	_ = 	snop  }
0x7: {  	_ = 	snop  }
__scs_overlays_trampoline_lowered:
0x8: {  	[smem:$0x3FAC] =	sst s0  }
0x9: {  	[smem:$0x3FAD] =	sst s1  }
0xa: {  	[smem:$0x3FAE] =	sst s2  }
0xb: {  	[smem:$0x3FAF] =	sst s3  }
0xc: {  	[smem:$0x3FB0] =	sst s4  }
0xd: {  	[smem:$0x3FB1] =	sst s5  }
0xe: {  	[smem:$0x3FB2] =	sst s6  }
0xf: {  	[smem:$0x3FB3] =	sst s7  }
0x10: {  	[smem:$0x3FB4] =	sst s8  }
0x11: {  	[smem:$0x3FB5] =	sst s9;
	s0 =	simm.s32 @!p0 $0x0  }
0x12: {  	s1 =	sld [smem:$0x3F9B];
	s0 =	simm.s32 @p0 $0x1  }
0x13: {  	[smem:$0x3FB6] =	sst s0;
	s0 =	simm.s32 @!p1 $0x0  }
0x14: {  	s2 =	sld [smem:$0x3F9A];
	s0 =	simm.s32 @p1 $0x1  }
0x15: {  	[smem:$0x3FB7] =	sst s0;
	s0 =	simm.s32 @!p2 $0x0  }
0x16: {  	s3 =	sld [smem:$0x3FDB];
	s0 =	simm.s32 @p2 $0x1  }
0x17: {  	s4 =	simm.s32 $0x1BF5;
	[smem:$0x3FB9] =	sst s0  }
0x18: {  	s0 =	sld [smem:$0x3F9C];
	_ =	swait.ge [sflag:s4], $0x0  }
0x19: {  	s7 =	sld [smem:$0x3F9D]  }
0x1a: {  	s8 =	sadd.s32 $0xFFFFE003, lr  }
0x1b: {  	s9 =	sadd.s32 $0xFFFFFEF7, lr;
	s5 =	simm.s32 $0xFFFFFFFF;
	p2 =	slt.u32 s8, $0xFFFFF086  }
0x1c: {  	p1 =	slt.u32 s9, $0xF7A;
	s5 =	simm.s32 @!p2 $0x0  }
0x1d: {  	s5 =	simm.s32 @p1 $0x1;
	p0 =	seq.s32 s7, s2  }
0x1e: {  	s7 =	smul.u32 @!p0 $0xF7A, s2;
	p2 =	seq.s32 @!p0 s5, $0x0  }
0x1f: {  	s9 =	smul.u32 $0xF7A, s1;
	s8 =	simm.s32 @!p0 $0x1BF5;
	p2 =	por !p2, p0  }
0x20: {  	[sflag:s8] =	ssyncset.s32 @!p0 $0xFFFFF086;
	s6 =	sadd.s32 @!p0 s3, s7;
	s7 =	simm.s32 @!p0 $0x108  }
0x21: {  	s3 =	sadd.s32 s3, s9;
	s6 =	sadd.s32 @!p0 $0x88, s6;
	s7 =	simm.s32 @p2 $0x1082  }
0x22: {  	[simem:s7], [sflag:s8] =	dma.local @!p0 [hbm:s6], $0xF7A  }
0x23: {  	s9 =	sor.u32 $0xD0000000, s2;
	s6 =	simm.s32 $0x108;
	_ =	swait.ge @!p0 [sflag:s8], $0x0  }
0x24: {  	s3 =	sadd.s32 $0x88, s3;
	s6 =	simm.s32 @!p1 $0x1082;
	[sflag:s4] =	ssyncset.s32 $0xFFFFF086  }
0x25: {  	[simem:s6], [sflag:s4] =	dma.local [hbm:s3], $0xF7A  }
0x26: {  	[smem:$0x3F9D] =	sst s1;
	(tag) =	ssettag s2;
	_ =	strace s9  }
0x27: {  	s1 =	sld [smem:$0x3FAD]  }
0x28: {  	s2 =	sld [smem:$0x3FAE]  }
0x29: {  	s4 =	sld [smem:$0x3FB0]  }
0x2a: {  	p0 =	seq.s32 s5, $0x0;
	s5 =	sld [smem:$0x3FB1]  }
0x2b: {  	s6 =	sld [smem:$0x3FB2]  }
0x2c: {  	s7 =	sld [smem:$0x3FB3]  }
0x2d: {  	s3 =	simm.s32 $0x108;
	s8 =	sld [smem:$0x3FB4]  }
0x2e: {  	s3 =	simm.s32 @!p0 $0x1082;
	s9 =	sld [smem:$0x3FB5]  }
0x2f: {  	lr =	sadd.s32 s0, s3;
	s0 =	sld [smem:$0x3FAC]  }
0x30: {  	s3 =	sld [smem:$0x3FAF]  }
0x31: {  	[smem:$0x3FB8] =	sst s10  }
0x32: {  	s10 =	sld [smem:$0x3FB6];
	_ =	sdelay $0x3  }
0x33: {  	p0 =	seq.s32 s10, $0x1;
	s10 =	sld [smem:$0x3FB8];
	_ =	sdelay $0x3  }
0x34: {  	[smem:$0x3FB8] =	sst s10  }
0x35: {  	s10 =	sld [smem:$0x3FB7];
	_ =	sdelay $0x3  }
0x36: {  	p1 =	seq.s32 s10, $0x1;
	s10 =	sld [smem:$0x3FB8];
	_ =	sdelay $0x3  }
0x37: {  	[smem:$0x3FB8] =	sst s10  }
0x38: {  	s10 =	sld [smem:$0x3FB9]  }
0x39: {  	_ = 	snop;
	(pc) =	sbr.ind lr, $3  }
0x3a: {  	_ = 	snop  }
0x3b: {  	_ = 	snop  }
0x3c: {  	p2 =	seq.s32 s10, $0x1;
	s10 =	sld [smem:$0x3FB8]  }
0x3d: {  	_ =	shalt  }
0x3e: {  	_ =	shalt  }
0x3f: {  	_ =	shalt  }
0x40: {  	_ =	shalt  }
0x41: {  	_ =	shalt  }
0x42: {  	_ =	shalt  }
0x43: {  	_ =	shalt  }
0x44: {  	_ =	shalt  }
0x45: {  	_ =	shalt  }
0x46: {  	_ =	shalt  }
0x47: {  	_ =	shalt  }
0x48: {  	_ =	shalt  }
0x49: {  	_ =	shalt  }
0x4a: {  	_ =	shalt  }
0x4b: {  	_ =	shalt  }
0x4c: {  	_ =	shalt  }
0x4d: {  	_ =	shalt  }
0x4e: {  	_ =	shalt  }
0x4f: {  	_ =	shalt  }
0x50: {  	_ =	shalt  }
0x51: {  	_ =	shalt  }
0x52: {  	_ =	shalt  }
0x53: {  	_ =	shalt  }
0x54: {  	_ =	shalt  }
0x55: {  	_ =	shalt  }
0x56: {  	_ =	shalt  }
0x57: {  	_ =	shalt  }
0x58: {  	_ =	shalt  }
0x59: {  	_ =	shalt  }
0x5a: {  	_ =	shalt  }
0x5b: {  	_ =	shalt  }
0x5c: {  	_ =	shalt  }
0x5d: {  	_ =	shalt  }
0x5e: {  	_ =	shalt  }
0x5f: {  	_ =	shalt  }
0x60: {  	_ =	shalt  }
0x61: {  	_ =	shalt  }
0x62: {  	_ =	shalt  }
0x63: {  	_ =	shalt  }
0x64: {  	_ =	shalt  }
0x65: {  	_ =	shalt  }
0x66: {  	_ =	shalt  }
0x67: {  	_ =	shalt  }
0x68: {  	_ =	shalt  }
0x69: {  	_ =	shalt  }
0x6a: {  	_ =	shalt  }
0x6b: {  	_ =	shalt  }
0x6c: {  	_ =	shalt  }
0x6d: {  	_ =	shalt  }
0x6e: {  	_ =	shalt  }
0x6f: {  	_ =	shalt  }
0x70: {  	_ =	shalt  }
0x71: {  	_ =	shalt  }
0x72: {  	_ =	shalt  }
0x73: {  	_ =	shalt  }
0x74: {  	_ =	shalt  }
0x75: {  	_ =	shalt  }
0x76: {  	_ =	shalt  }
0x77: {  	_ =	shalt  }
0x78: {  	_ =	shalt  }
0x79: {  	_ =	shalt  }
0x7a: {  	_ =	shalt  }
0x7b: {  	_ =	shalt  }
0x7c: {  	_ =	shalt  }
0x7d: {  	_ =	shalt  }
0x7e: {  	_ =	shalt  }
0x7f: {  	_ =	shalt  }
0x80: {  	_ =	shalt  }
0x81: {  	_ =	shalt  }
0x82: {  	_ =	shalt  }
0x83: {  	_ =	shalt  }
0x84: {  	_ =	shalt  }
0x85: {  	_ =	shalt  }
0x86: {  	_ =	shalt  }
0x87: {  	_ =	shalt  }
.Lfunc_end0:
.L_simem_size_0:
called_computation_lowered:
.L_overlay_start_0:
0x88: {  	s2 =	sld [smem:$0x3FD9]  }
0x89: {  	s3 =	sld [smem:$0x3FFE];
	_ =	sdelay $0x1  }
0x8a: {  	s1 =	srdreg.scid  }
0x8b: {  	s0 =	sand.u32 $0x1, s1  }
0x8c: {  	s14 =	sshll.u32 s0, $0xA;
	s2 =	sadd.s32 s3, s2  }
0x8d: {  	s2 =	sadd.s32 s2, s14  }
0x8e: {  	[smem:$0x3FC4] =	sst s2  }
0x8f: {  	_ = 	snop  }
0x90: {  	s2 =	sld [smem:$0x3FD0];
	_ =	sdelay $0x1  }
0x91: {  	s15 =	sld [smem:$0x3FC9]  }
0x92: {  	s5 =	simm.s32 $0xA;
	s6 =	simm.s32 $0x10;
	s4 =	sld [smem:$0x3FC8]  }
0x93: {  	[smem:s6], [sflag:s5] =	dma.local [hbm:s2], $0x1  }
0x94: {  	_ =	swait.eq [sflag:s5], $0x1  }
0x95: {  	[sflag:s5] =	ssyncset.done $0x0  }
0x96: {  	s16 =	sld [smem:$0x10];
	[sflag:s5] =	ssyncadd.s32 $0xFFFFFFFF  }
0x97: {  	s17 =	sld [smem:$0x11];
	(tm) =	ssettm $0x1  }
0x98: {  	s18 =	sld [smem:$0x3FFB];
	_ =	sdelay $0x3  }
0x99: {  	_ =	strace s18  }
0x9a: {  	s6 =	sld [smem:$0x3FFC];
	_ =	sdelay $0x3  }
0x9b: {  	_ =	strace s6  }
0x9c: {  	s6 =	sld [smem:$0x3FFD];
	_ =	sdelay $0x3  }
0x9d: {  	_ =	strace s6  }
0x9e: {  	_ =	strace $0x8FFFFFFF  }
0x9f: {  	s19 =	sld [smem:$0x3FDB];
	_ =	sdelay $0x1  }
0xa0: {  	s7 =	simm.s32 $_scs_section_size  }
0xa1: {  	s8 =	simm.s32 $_size__tile_overlayer_lowered;
	s9 =	simm.s32 $_tile_overlayer_lowered  }
0xa2: {  	s22 =	simm.s32 $0x1BFF;
	s21 =	sshll.u32 s9, $0x1;
	s6 =	sadd.s32 s7, s19  }
0xa3: {  	s10 =	simm.s32 $0x0;
	s20 =	sshll.u32 s8, $0x1;
	s8 =	sadd.s32 s21, s6  }
0xa4: {  	[timem:s10], [sflag:s22] =	dma.local [hbm:s8], s20  }
0xa5: {  	_ =	swait.ge [sflag:s22], s20  }
0xa6: {  	s7 =	ssub.s32 $0x0, s20;
	[sflag:s22] =	ssyncset.done $0x0  }
0xa7: {  	[sflag:s22] =	ssyncadd.s32 s7;
	_ =	sdelay $0x1  }
0xa8: {  	s23 =	simm.s32 $0x1B8B  }
0xa9: {  	_ =	swait.ge [sflag:s23], $0x1  }
0xaa: {  	[sflag:s23] =	ssyncset.done $0x0  }
0xab: {  	s25 =	simm.s32 $0x1B8E;
	s24 =	sld [smem:$0x3FFE];
	[sflag:s23] =	ssyncadd.s32 $0xFFFFFFFF  }
0xac: {  	s26 =	simm.s32 $execute0_lowered;
	[smem:$0x3FD2] =	sst s25  }
0xad: {  	s8 =	sshll.u32 s26, $0x1;
	_ =	strace $0x80000046;
	[dreg:$0x1] =	wrdreg $0xFFFFFFFF  }
0xae: {  	s28 =	simm.s32 $_size_execute0_lowered;
	s6 =	sadd.s32 s6, s8;
	[dreg:$0x0] =	wrdreg $0x0  }
0xaf: {  	s8 =	sshll.u32 s28, $0x1;
	[dreg:$0x2] =	wrdreg s6  }
0xb0: {  	[dreg:$0x3] =	wrdreg s8  }
0xb1: {  	[dreg:$0x4] =	wrdreg $0xC0  }
0xb2: {  	_ =	task [dreg:s10], $0x5FFFF  }
0xb3: {  	[dreg:$0x1] =	wrdreg $0xFFFFFFFF  }
0xb4: {  	[dreg:$0x0] =	wrdreg $0x60  }
0xb5: {  	[dreg:$0x2] =	wrdreg s15  }
0xb6: {  	[dreg:$0x3] =	wrdreg s4  }
0xb7: {  	[dreg:$0x4] =	wrdreg s24  }
0xb8: {  	[dreg:$0x5] =	wrdreg s16  }
0xb9: {  	[dreg:$0x6] =	wrdreg s17  }
0xba: {  	[dreg:$0x7] =	wrdreg $0x9  }
0xbb: {  	_ =	task.clear_ibuf [dreg:s10], $0x8FFFF;
	_ =	strace $0x90000046  }
0xbc: {  	s29 =	simm.s32 $0x9;
	_ =	strace $0x80000048  }
0xbd: {  	_ =	swait.ge [sflag:s29], $0x1  }
0xbe: {  	[sflag:s29] =	ssyncadd.s32 $0xFFFFFFFF  }
0xbf: {  	_ =	strace $0x90000048  }
0xc0: {  	_ =	sfence  }
0xc1: {  	s30 =	sld [smem:$0x0];
	_ =	sdelay $0x2  }
0xc2: {  	s31 =	sshll.u32 s1, $0xD;
	s1 =	sshrl.u32 s1, $0x2  }
0xc3: {  	s3 =	sand.u32 $0x4000, s31;
	s1 =	sadd.s32 s1, s30  }
0xc4: {  	s0 =	sor.u32 s3, s0;
	s1 =	sshll.u32 s1, $0x11  }
0xc5: {  	s0 =	sor.u32 s1, s0  }
0xc6: {  	s0 =	sadd.s32 $0x8F2B, s0  }
0xc7: {  	[sflag:s0] =	ssyncadd.remote.s32 $0x1  }
0xc8: {  	_ =	sfence.sel $0xFFFF  }
0xc9: {  	[dreg:$0x0] =	wrdreg $0xFFFFFFFF;
	(pc) =	sbr.abs _section_cstart, $3  }
0xca: {  	[dreg:$0x1] =	wrdreg $0xFFFFFFFF  }
0xcb: {  	_ =	task.clear_ibuf [dreg:s10], $0x2FFFF;
	_ =	strace $0x9FFFFFFF  }
0xcc: {  	(tm) =	ssettm $0x7FFFFFFF  }
0xcd: {  	_ =	shalt  }
tec
execute0_lowered:
.L_overlay_start_1:
0x0: {  	(tag) =	ssettag $0x1  }
0x1: {  	s5 =	rddreg [dreg:$0x0]  }
0x2: {  	s6 =	rddreg [dreg:$0x1];
	s3 =	simm.s32 $0x0;
	v30 =	vlaneseq.u32  }
0x3: {  	[smem:$0x7FF] =	sst s3;
	v47 =	vor.u32 $0x10, v30  }
0x4: {  	s0 =	rddreg [dreg:$0x2];
	v63 =	vor.u32 $0x20, v30;
	_ =	strace $0x80000047;
	[tilespmem:$0x1FE60] =	vst v47  }
0x5: {  	v42 =	vor.u32 $0x60, v30;
	[tilespmem:$0x1FE80] =	vst v63  }
0x6: {  	v43 =	vor.u32 $0x70, v30;
	[tilespmem:$0x1FED0] =	vst v42  }
0x7: {  	v22 =	vor.u32 $0x400, v30;
	[tilespmem:$0x1FEF0] =	vst v43  }
0x8: {  	v26 =	vor.u32 $0x450, v30;
	[tilespmem:$0x1FF10] =	vst v22  }
0x9: {  	v59 =	vor.u32 $0x460, v30;
	[tilespmem:$0x1FF60] =	vst v26  }
0xa: {  	v57 =	vor.u32 $0x50, v30;
	[tilespmem:$0x1FF90] =	vst v59  }
0xb: {  	v27 =	vor.u32 $0x30, v30;
	[tilespmem:$0x1FFA0] =	vst v57  }
0xc: {  	v21 =	vor.u32 $0x40, v30;
	[tilespmem:$0x1FFB0] =	vst v27  }
0xd: {  	v19 =	vor.u32 $0x410, v30;
	[tilespmem:$0x1FFC0] =	vst v21  }
0xe: {  	v24 =	vor.u32 $0x440, v30;
	[tilespmem:$0x1FFD0] =	vst v19  }
0xf: {  	v46 =	vmul.u32 $0x40, v30;
	v25 =	vor.u32 $0x470, v30;
	[tilespmem:$0x1FFE0] =	vst v24  }
0x10: {  	[tilespmem:$0x1FFF0] =	vst v25  }
0x11: {  	v0 =	vor.u32 $0x2400, v46;
	[tilespmem:$0x1FE40] =	vst v46  }
0x12: {  	v48 =	vor.u32 $0x400, v46;
	[tilespmem:$0x1FE10] =	vst v0  }
0x13: {  	v53 =	vor.u32 $0x800, v46;
	[tilespmem:$0x1FE50] =	vst v48  }
0x14: {  	v51 =	vor.u32 $0xC00, v46;
	[tilespmem:$0x1FE70] =	vst v53  }
0x15: {  	v52 =	vor.u32 $0x1000, v46;
	[tilespmem:$0x1FE90] =	vst v51  }
0x16: {  	s1 =	srdreg.scid;
	s2 =	stileid.u32;
	v49 =	vor.u32 $0x1400, v46;
	[tilespmem:$0x1FEA0] =	vst v52  }
0x17: {  	s1 =	sand.u32 $0x1, s1;
	s2 =	sshll.u32 s2, $0x1;
	s4 =	sadd.s32 $0xF42E00, s0;
	v31 =	vor.u32 $0x1800, v46;
	[tilespmem:$0x1FEB0] =	vst v49  }
0x18: {  	s0 =	sadd.s32 $0xA00, s0;
	s2 =	sor.u32 s1, s2;
	[smem:$0x7F5] =	sst s4;
	v38 =	vor.u32 $0x1C00, v46;
	[tilespmem:$0x1FEC0] =	vst v31  }
0x19: {  	s1 =	ssub.s32 $0x2, s1;
	[smem:$0x7F6] =	sst s0;
	s22 =	smul.u32 $0x6400, s2;
	v61 =	vor.u32 $0x2000, v46;
	[tilespmem:$0x1FEE0] =	vst v38  }
0x1a: {  	s23 =	sshll.u32 s2, $0xA;
	s24 =	sshrl.u32 s1, $0x1;
	s2 =	smul.u32 $0x32, s2;
	v23 =	vor.u32 $0x2800, v46;
	[tilespmem:$0x1FF00] =	vst v61  }
0x1b: {  	v62 =	vor.u32 $0x2C00, v46;
	s4 =	sand.u32 $0xC00, s23;
	s0 =	ssub.s32 s1, s24;
	[tilespmem:$0x1FF20] =	vst v23;
	s3 =	sand.u32 $0xFF000, s22  }
0x1c: {  	v1 =	vor.u32 $0x3000, v46;
	[tilespmem:$0x1FF30] =	vst v62;
	[smem:$0x7FB] =	sst s2;
	s29 =	sadd.s32 $0x2, s2;
	s3 =	sor.u32 s4, s3  }
0x1d: {  	v40 =	vor.u32 $0x3400, v46;
	[tilespmem:$0x1FF40] =	vst v1;
	s0 =	smax.u32 s0, $0x1;
	[smem:$0x7FC] =	sst s29;
	s25 =	sshrl.u32 s3, $0x3  }
0x1e: {  	v39 =	vor.u32 $0x3800, v46;
	[tilespmem:$0x1FF50] =	vst v40;
	[smem:$0x7FD] =	sst s0;
	s3 =	sadd.s32 s5, s25  }
0x1f: {  	v45 =	vor.u32 $0x3C00, v46;
	[tilespmem:$0x1FF70] =	vst v39;
	s26 =	sadd.s32 s6, s25;
	s1 =	sor.u32 $0x40, s25;
	[smem:$0x7F7] =	sst s3  }
0x20: {  	s30 =	simm.s32 $0x18600;
	v0 =	vor.u32 $0x420, v30;
	[tilespmem:$0x1FF80] =	vst v45;
	[smem:$0x7F8] =	sst s26;
	s28 =	sadd.s32 s5, s1  }
0x21: {  	s31 =	simm.s32 $0x10800;
	[tilespmem:$0x1FE20] =	vst v0;
	v0 =	vor.u32 $0x430, v30;
	s1 =	sadd.s32 s6, s1;
	[smem:$0x7F9] =	sst s28  }
0x22: {  	s2 =	simm.s32 $0x0;
	s4 =	simm.s32 $0x800;
	[tilespmem:$0x1FE30] =	vst v0;
	[smem:$0x7FA] =	sst s1  }
.LBB2_1:
0x23: {  	s0 =	simm.s32 $0x0  }
0x24: {  	v0 =	vor.u32 s0, v30  }
0x25: {  	s1 =	sld [smem:$0x7F6];
	vm0 =	vlt.s32 v0, $0x3E7  }
0x26: {  	v0 =	vnsel vm0, $0x3E7, v0  }
0x27: {  	[smem:$0x7F4] =	sst s2;
	s22 =	simm.s32 $0x5;
	v2 =	vshll.u32 v0, $0x5  }
0x28: {  	[tilespmem:s4], [sflag:$0x5] =	stream.linear.gather [hbm4b:s1+s0], $0x7D00, $0x38;
	[tilespmem:$0x1E600] =	vst v63  }
0x29: {  	_ =	swait.ge [sflag:s22], $0x7D00  }
0x2a: {  	[sflag:s22] =	ssyncset.done $0x0  }
0x2b: {  	[sflag:s22] =	ssyncadd.s32 $0xFFFF8300  }
0x2c: {  	v0 =	vld.idx.msk [tilespmem:v2+s4+$0x0], $0xffff  }
0x2d: {  	v3 =	vor.u32 $0x1, v2;
	_ =	sdelay $0x2  }
0x2e: {  	s13 =	simm.s32 $0x0  }
0x2f: {  	[tilespmem:s13+$0x10800] =	vst v0  }
0x30: {  	v0 =	vld.idx.msk [tilespmem:v3+s4+$0x0], $0xffff  }
0x31: {  	v3 =	vor.u32 $0x2, v2;
	_ =	sdelay $0x3  }
0x32: {  	[tilespmem:s13+$0x10BF0] =	vst v0  }
0x33: {  	v0 =	vld.idx.msk [tilespmem:v3+s4+$0x0], $0xffff  }
0x34: {  	v3 =	vor.u32 $0x3, v2;
	_ =	sdelay $0x3  }
0x35: {  	[tilespmem:s13+$0x10FE0] =	vst v0  }
0x36: {  	s23 =	simm.s32 $0x10;
	v0 =	vld.idx.msk [tilespmem:v3+s4+$0x0], $0xffff  }
0x37: {  	v4 =	vor.u32 s23, v30;
	v3 =	vor.u32 $0x4, v2  }
0x38: {  	vm10 =	vlt.s32 v4, $0x3E7  }
0x39: {  	v4 =	vnsel vm10, $0x3E7, v4  }
0x3a: {  	v34 =	vshll.u32 v4, $0x5  }
0x3b: {  	[tilespmem:s13+$0x113D0] =	vst v0  }
0x3c: {  	v0 =	vld.idx.msk [tilespmem:v3+s4+$0x0], $0xffff  }
0x3d: {  	v3 =	vor.u32 $0x5, v2;
	_ =	sdelay $0x1  }
0x3e: {  	v4 =	vld.idx.msk [tilespmem:v34+s4+$0x0], $0xffff  }
0x3f: {  	v5 =	vor.u32 $0x1, v34  }
0x40: {  	[tilespmem:s13+$0x117C0] =	vst v0  }
0x41: {  	v0 =	vld.idx.msk [tilespmem:v3+s4+$0x0], $0xffff  }
0x42: {  	s8 =	simm.s32 $0x10;
	v3 =	vor.u32 $0x6, v2  }
0x43: {  	[tilespmem:s8+$0x10800] =	vst v4  }
0x44: {  	v4 =	vld.idx.msk [tilespmem:v5+s4+$0x0], $0xffff  }
0x45: {  	v5 =	vor.u32 $0x2, v34  }
0x46: {  	[tilespmem:s13+$0x11BB0] =	vst v0  }
0x47: {  	v0 =	vld.idx.msk [tilespmem:v3+s4+$0x0], $0xffff  }
0x48: {  	v3 =	vor.u32 $0x7, v2  }
0x49: {  	[tilespmem:s8+$0x10BF0] =	vst v4  }
0x4a: {  	v4 =	vld.idx.msk [tilespmem:v5+s4+$0x0], $0xffff  }
0x4b: {  	v5 =	vor.u32 $0x3, v34  }
0x4c: {  	[tilespmem:s13+$0x11FA0] =	vst v0  }
0x4d: {  	v0 =	vld.idx.msk [tilespmem:v3+s4+$0x0], $0xffff  }
0x4e: {  	v3 =	vor.u32 $0x8, v2  }
0x4f: {  	[tilespmem:s8+$0x10FE0] =	vst v4  }
0x50: {  	v4 =	vld.idx.msk [tilespmem:v5+s4+$0x0], $0xffff  }
0x51: {  	s24 =	simm.s32 $0x20;
	v5 =	vor.u32 $0x4, v34  }
0x52: {  	[tilespmem:s13+$0x12390] =	vst v0;
	v0 =	vor.u32 s24, v30  }
0x53: {  	v3 =	vld.idx.msk [tilespmem:v3+s4+$0x0], $0xffff;
	vm11 =	vlt.s32 v0, $0x3E7  }
0x54: {  	v6 =	vor.u32 $0x9, v2;
	v0 =	vnsel vm11, $0x3E7, v0  }
0x55: {  	[tilespmem:s8+$0x113D0] =	vst v4;
	v32 =	vshll.u32 v0, $0x5  }
0x56: {  	v0 =	vld.idx.msk [tilespmem:v5+s4+$0x0], $0xffff  }
0x57: {  	v4 =	vor.u32 $0x5, v34  }
0x58: {  	[tilespmem:s13+$0x12780] =	vst v3  }
0x59: {  	v3 =	vld.idx.msk [tilespmem:v6+s4+$0x0], $0xffff  }
0x5a: {  	v6 =	vor.u32 $0xA, v2;
	v5 =	vld.idx.msk [tilespmem:v32+s4+$0x0], $0xffff  }
0x5b: {  	v7 =	vor.u32 $0x1, v32;
	[tilespmem:s8+$0x117C0] =	vst v0  }
0x5c: {  	v0 =	vld.idx.msk [tilespmem:v4+s4+$0x0], $0xffff  }
0x5d: {  	v4 =	vor.u32 $0x6, v34  }
0x5e: {  	s6 =	simm.s32 $0x20;
	[tilespmem:s13+$0x12B70] =	vst v3  }
0x5f: {  	[tilespmem:s6+$0x10800] =	vst v5;
	v3 =	vld.idx.msk [tilespmem:v6+s4+$0x0], $0xffff  }
0x60: {  	v6 =	vor.u32 $0xB, v2;
	v5 =	vld.idx.msk [tilespmem:v7+s4+$0x0], $0xffff  }
0x61: {  	v7 =	vor.u32 $0x2, v32;
	[tilespmem:s8+$0x11BB0] =	vst v0  }
0x62: {  	v0 =	vld.idx.msk [tilespmem:v4+s4+$0x0], $0xffff  }
0x63: {  	v4 =	vor.u32 $0x7, v34  }
0x64: {  	[tilespmem:s13+$0x12F60] =	vst v3  }
0x65: {  	[tilespmem:s6+$0x10BF0] =	vst v5;
	v3 =	vld.idx.msk [tilespmem:v6+s4+$0x0], $0xffff  }
0x66: {  	v6 =	vor.u32 $0xC, v2;
	v5 =	vld.idx.msk [tilespmem:v7+s4+$0x0], $0xffff  }
0x67: {  	v7 =	vor.u32 $0x3, v32;
	[tilespmem:s8+$0x11FA0] =	vst v0  }
0x68: {  	v0 =	vld.idx.msk [tilespmem:v4+s4+$0x0], $0xffff  }
0x69: {  	v4 =	vor.u32 $0x8, v34  }
0x6a: {  	[tilespmem:s13+$0x13350] =	vst v3  }
0x6b: {  	[tilespmem:s6+$0x10FE0] =	vst v5;
	v3 =	vld.idx.msk [tilespmem:v6+s4+$0x0], $0xffff  }
0x6c: {  	s25 =	simm.s32 $0x30;
	v6 =	vor.u32 $0xD, v2;
	v5 =	vld.idx.msk [tilespmem:v7+s4+$0x0], $0xffff  }
0x6d: {  	v7 =	vor.u32 $0x4, v32;
	[tilespmem:s8+$0x12390] =	vst v0;
	v0 =	vor.u32 s25, v30  }
0x6e: {  	v4 =	vld.idx.msk [tilespmem:v4+s4+$0x0], $0xffff;
	vm12 =	vlt.s32 v0, $0x3E7  }
0x6f: {  	v8 =	vor.u32 $0x9, v34;
	v0 =	vnsel vm12, $0x3E7, v0  }
0x70: {  	v33 =	vshll.u32 v0, $0x5;
	[tilespmem:s13+$0x13740] =	vst v3  }
0x71: {  	[tilespmem:s6+$0x113D0] =	vst v5;
	v0 =	vld.idx.msk [tilespmem:v6+s4+$0x0], $0xffff  }
0x72: {  	v5 =	vor.u32 $0xE, v2;
	v3 =	vld.idx.msk [tilespmem:v7+s4+$0x0], $0xffff  }
0x73: {  	v6 =	vor.u32 $0x5, v32;
	[tilespmem:s8+$0x12780] =	vst v4  }
0x74: {  	v4 =	vld.idx.msk [tilespmem:v8+s4+$0x0], $0xffff  }
0x75: {  	v8 =	vor.u32 $0xA, v34;
	v7 =	vld.idx.msk [tilespmem:v33+s4+$0x0], $0xffff  }
0x76: {  	[tilespmem:s13+$0x13B30] =	vst v0;
	v0 =	vor.u32 $0x1, v33  }
0x77: {  	[tilespmem:s6+$0x117C0] =	vst v3;
	v3 =	vld.idx.msk [tilespmem:v5+s4+$0x0], $0xffff  }
0x78: {  	v5 =	vld.idx.msk [tilespmem:v6+s4+$0x0], $0xffff;
	v6 =	vor.u32 $0xF, v2  }
0x79: {  	s10 =	simm.s32 $0x30;
	v9 =	vor.u32 $0x6, v32;
	[tilespmem:s8+$0x12B70] =	vst v4  }
0x7a: {  	[tilespmem:s10+$0x10800] =	vst v7;
	v4 =	vld.idx.msk [tilespmem:v8+s4+$0x0], $0xffff  }
0x7b: {  	v7 =	vor.u32 $0xB, v34;
	v0 =	vld.idx.msk [tilespmem:v0+s4+$0x0], $0xffff  }
0x7c: {  	[tilespmem:s13+$0x13F20] =	vst v3;
	v3 =	vor.u32 $0x2, v33  }
0x7d: {  	[tilespmem:s6+$0x11BB0] =	vst v5;
	v5 =	vld.idx.msk [tilespmem:v6+s4+$0x0], $0xffff  }
0x7e: {  	v8 =	vor.u32 $0x10, v2;
	v6 =	vld.idx.msk [tilespmem:v9+s4+$0x0], $0xffff  }
0x7f: {  	v9 =	vor.u32 $0x7, v32;
	[tilespmem:s8+$0x12F60] =	vst v4  }
0x80: {  	[tilespmem:s10+$0x10BF0] =	vst v0;
	v0 =	vld.idx.msk [tilespmem:v7+s4+$0x0], $0xffff  }
0x81: {  	v4 =	vor.u32 $0xC, v34;
	v3 =	vld.idx.msk [tilespmem:v3+s4+$0x0], $0xffff  }
0x82: {  	[tilespmem:s13+$0x14310] =	vst v5;
	v5 =	vor.u32 $0x3, v33  }
0x83: {  	[tilespmem:s6+$0x11FA0] =	vst v6;
	v6 =	vld.idx.msk [tilespmem:v8+s4+$0x0], $0xffff  }
0x84: {  	v8 =	vor.u32 $0x11, v2;
	v7 =	vld.idx.msk [tilespmem:v9+s4+$0x0], $0xffff  }
0x85: {  	v9 =	vor.u32 $0x8, v32;
	[tilespmem:s8+$0x13350] =	vst v0  }
0x86: {  	[tilespmem:s10+$0x10FE0] =	vst v3;
	v0 =	vld.idx.msk [tilespmem:v4+s4+$0x0], $0xffff  }
0x87: {  	v4 =	vor.u32 $0xD, v34;
	v3 =	vld.idx.msk [tilespmem:v5+s4+$0x0], $0xffff  }
0x88: {  	s26 =	simm.s32 $0x40;
	v5 =	vor.u32 $0x4, v33;
	[tilespmem:s13+$0x14700] =	vst v6  }
0x89: {  	[tilespmem:s6+$0x12390] =	vst v7;
	v6 =	vld.idx.msk [tilespmem:v8+s4+$0x0], $0xffff;
	v7 =	vor.u32 s26, v30  }
0x8a: {  	v8 =	vld.idx.msk [tilespmem:v9+s4+$0x0], $0xffff;
	vm13 =	vlt.s32 v7, $0x3E7;
	v9 =	vor.u32 $0x12, v2  }
0x8b: {  	v10 =	vor.u32 $0x9, v32;
	v7 =	vnsel vm13, $0x3E7, v7;
	[tilespmem:s8+$0x13740] =	vst v0  }
0x8c: {  	v35 =	vshll.u32 v7, $0x5;
	[tilespmem:s10+$0x113D0] =	vst v3;
	v0 =	vld.idx.msk [tilespmem:v4+s4+$0x0], $0xffff  }
0x8d: {  	v4 =	vor.u32 $0xE, v34;
	v3 =	vld.idx.msk [tilespmem:v5+s4+$0x0], $0xffff  }
0x8e: {  	v5 =	vor.u32 $0x5, v33;
	[tilespmem:s13+$0x14AF0] =	vst v6  }
0x8f: {  	[tilespmem:s6+$0x12780] =	vst v8;
	v6 =	vld.idx.msk [tilespmem:v9+s4+$0x0], $0xffff  }
0x90: {  	v8 =	vor.u32 $0x13, v2;
	v7 =	vld.idx.msk [tilespmem:v10+s4+$0x0], $0xffff  }
0x91: {  	v10 =	vor.u32 $0xA, v32;
	v9 =	vld.idx.msk [tilespmem:v35+s4+$0x0], $0xffff;
	[tilespmem:s8+$0x13B30] =	vst v0  }
0x92: {  	v0 =	vor.u32 $0x1, v35;
	[tilespmem:s10+$0x117C0] =	vst v3;
	v3 =	vld.idx.msk [tilespmem:v4+s4+$0x0], $0xffff  }
0x93: {  	v4 =	vld.idx.msk [tilespmem:v5+s4+$0x0], $0xffff;
	v5 =	vor.u32 $0xF, v34  }
0x94: {  	[tilespmem:s13+$0x14EE0] =	vst v6;
	v6 =	vor.u32 $0x6, v33  }
0x95: {  	s11 =	simm.s32 $0x40;
	[tilespmem:s6+$0x12B70] =	vst v7;
	v7 =	vld.idx.msk [tilespmem:v8+s4+$0x0], $0xffff  }
0x96: {  	[tilespmem:s11+$0x10800] =	vst v9;
	v8 =	vld.idx.msk [tilespmem:v10+s4+$0x0], $0xffff;
	v9 =	vor.u32 $0x14, v2  }
0x97: {  	v10 =	vor.u32 $0xB, v32;
	v0 =	vld.idx.msk [tilespmem:v0+s4+$0x0], $0xffff;
	[tilespmem:s8+$0x13F20] =	vst v3  }
0x98: {  	v3 =	vor.u32 $0x2, v35;
	[tilespmem:s10+$0x11BB0] =	vst v4;
	v4 =	vld.idx.msk [tilespmem:v5+s4+$0x0], $0xffff  }
0x99: {  	v5 =	vld.idx.msk [tilespmem:v6+s4+$0x0], $0xffff;
	v6 =	vor.u32 $0x10, v34  }
0x9a: {  	[tilespmem:s13+$0x152D0] =	vst v7;
	v7 =	vor.u32 $0x7, v33  }
0x9b: {  	[tilespmem:s6+$0x12F60] =	vst v8;
	v8 =	vld.idx.msk [tilespmem:v9+s4+$0x0], $0xffff  }
0x9c: {  	v9 =	vor.u32 $0x15, v2;
	[tilespmem:s11+$0x10BF0] =	vst v0;
	v0 =	vld.idx.msk [tilespmem:v10+s4+$0x0], $0xffff  }
0x9d: {  	v10 =	vor.u32 $0xC, v32;
	v3 =	vld.idx.msk [tilespmem:v3+s4+$0x0], $0xffff;
	[tilespmem:s8+$0x14310] =	vst v4  }
0x9e: {  	v4 =	vor.u32 $0x3, v35;
	[tilespmem:s10+$0x11FA0] =	vst v5;
	v5 =	vld.idx.msk [tilespmem:v6+s4+$0x0], $0xffff  }
0x9f: {  	v6 =	vld.idx.msk [tilespmem:v7+s4+$0x0], $0xffff;
	v7 =	vor.u32 $0x11, v34  }
0xa0: {  	[tilespmem:s13+$0x156C0] =	vst v8;
	v8 =	vor.u32 $0x8, v33  }
0xa1: {  	[tilespmem:s6+$0x13350] =	vst v0;
	v0 =	vld.idx.msk [tilespmem:v9+s4+$0x0], $0xffff  }
0xa2: {  	v9 =	vor.u32 $0x16, v2;
	[tilespmem:s11+$0x10FE0] =	vst v3;
	v3 =	vld.idx.msk [tilespmem:v10+s4+$0x0], $0xffff  }
0xa3: {  	s28 =	simm.s32 $0x50;
	v10 =	vor.u32 $0xD, v32;
	v4 =	vld.idx.msk [tilespmem:v4+s4+$0x0], $0xffff;
	[tilespmem:s8+$0x14700] =	vst v5  }
0xa4: {  	v5 =	vor.u32 $0x4, v35;
	[tilespmem:s10+$0x12390] =	vst v6;
	v6 =	vld.idx.msk [tilespmem:v7+s4+$0x0], $0xffff;
	v7 =	vor.u32 s28, v30  }
0xa5: {  	v11 =	vor.u32 $0x12, v34;
	v8 =	vld.idx.msk [tilespmem:v8+s4+$0x0], $0xffff;
	vm14 =	vlt.s32 v7, $0x3E7  }
0xa6: {  	[tilespmem:s13+$0x15AB0] =	vst v0;
	v0 =	vnsel vm14, $0x3E7, v7;
	v7 =	vor.u32 $0x9, v33  }
0xa7: {  	[tilespmem:s6+$0x13740] =	vst v3;
	v3 =	vld.idx.msk [tilespmem:v9+s4+$0x0], $0xffff;
	v36 =	vshll.u32 v0, $0x5  }
0xa8: {  	[tilespmem:s11+$0x113D0] =	vst v4;
	v0 =	vld.idx.msk [tilespmem:v10+s4+$0x0], $0xffff;
	v4 =	vor.u32 $0x17, v2  }
0xa9: {  	v9 =	vor.u32 $0xE, v32;
	v5 =	vld.idx.msk [tilespmem:v5+s4+$0x0], $0xffff;
	[tilespmem:s8+$0x14AF0] =	vst v6  }
0xaa: {  	v6 =	vor.u32 $0x5, v35;
	[tilespmem:s10+$0x12780] =	vst v8;
	v8 =	vld.idx.msk [tilespmem:v11+s4+$0x0], $0xffff  }
0xab: {  	v10 =	vor.u32 $0x13, v34;
	v7 =	vld.idx.msk [tilespmem:v7+s4+$0x0], $0xffff  }
0xac: {  	v11 =	vld.idx.msk [tilespmem:v36+s4+$0x0], $0xffff;
	[tilespmem:s13+$0x15EA0] =	vst v3;
	v3 =	vor.u32 $0xA, v33  }
0xad: {  	[tilespmem:s6+$0x13B30] =	vst v0;
	v0 =	vld.idx.msk [tilespmem:v4+s4+$0x0], $0xffff;
	v4 =	vor.u32 $0x1, v36  }
0xae: {  	[tilespmem:s11+$0x117C0] =	vst v5;
	v5 =	vld.idx.msk [tilespmem:v9+s4+$0x0], $0xffff;
	v9 =	vor.u32 $0x18, v2  }
0xaf: {  	v12 =	vor.u32 $0xF, v32;
	v6 =	vld.idx.msk [tilespmem:v6+s4+$0x0], $0xffff;
	[tilespmem:s8+$0x14EE0] =	vst v8  }
0xb0: {  	s12 =	simm.s32 $0x50;
	v8 =	vor.u32 $0x6, v35;
	[tilespmem:s10+$0x12B70] =	vst v7;
	v7 =	vld.idx.msk [tilespmem:v10+s4+$0x0], $0xffff  }
0xb1: {  	v10 =	vor.u32 $0x14, v34;
	[tilespmem:s12+$0x10800] =	vst v11;
	v3 =	vld.idx.msk [tilespmem:v3+s4+$0x0], $0xffff  }
0xb2: {  	v4 =	vld.idx.msk [tilespmem:v4+s4+$0x0], $0xffff;
	[tilespmem:s13+$0x16290] =	vst v0;
	v0 =	vor.u32 $0xB, v33  }
0xb3: {  	[tilespmem:s6+$0x13F20] =	vst v5;
	v5 =	vld.idx.msk [tilespmem:v9+s4+$0x0], $0xffff;
	v9 =	vor.u32 $0x2, v36  }
0xb4: {  	v11 =	vor.u32 $0x19, v2;
	[tilespmem:s11+$0x11BB0] =	vst v6;
	v6 =	vld.idx.msk [tilespmem:v12+s4+$0x0], $0xffff  }
0xb5: {  	v12 =	vor.u32 $0x10, v32;
	v8 =	vld.idx.msk [tilespmem:v8+s4+$0x0], $0xffff;
	[tilespmem:s8+$0x152D0] =	vst v7  }
0xb6: {  	v7 =	vor.u32 $0x7, v35;
	[tilespmem:s10+$0x12F60] =	vst v3;
	v3 =	vld.idx.msk [tilespmem:v10+s4+$0x0], $0xffff  }
0xb7: {  	[tilespmem:s12+$0x10BF0] =	vst v4;
	v0 =	vld.idx.msk [tilespmem:v0+s4+$0x0], $0xffff;
	v4 =	vor.u32 $0x15, v34  }
0xb8: {  	v9 =	vld.idx.msk [tilespmem:v9+s4+$0x0], $0xffff;
	[tilespmem:s13+$0x16680] =	vst v5;
	v5 =	vor.u32 $0xC, v33  }
0xb9: {  	v10 =	vor.u32 $0x3, v36;
	[tilespmem:s6+$0x14310] =	vst v6;
	v6 =	vld.idx.msk [tilespmem:v11+s4+$0x0], $0xffff  }
0xba: {  	v11 =	vor.u32 $0x1A, v2;
	[tilespmem:s11+$0x11FA0] =	vst v8;
	v8 =	vld.idx.msk [tilespmem:v12+s4+$0x0], $0xffff  }
0xbb: {  	v12 =	vor.u32 $0x11, v32;
	v7 =	vld.idx.msk [tilespmem:v7+s4+$0x0], $0xffff;
	[tilespmem:s8+$0x156C0] =	vst v3  }
0xbc: {  	v3 =	vor.u32 $0x8, v35;
	[tilespmem:s10+$0x13350] =	vst v0;
	v0 =	vld.idx.msk [tilespmem:v4+s4+$0x0], $0xffff  }
0xbd: {  	[tilespmem:s12+$0x10FE0] =	vst v9;
	v4 =	vld.idx.msk [tilespmem:v5+s4+$0x0], $0xffff;
	v5 =	vor.u32 $0x16, v34  }
0xbe: {  	v9 =	vld.idx.msk [tilespmem:v10+s4+$0x0], $0xffff;
	[tilespmem:s13+$0x16A70] =	vst v6;
	v6 =	vor.u32 $0xD, v33  }
0xbf: {  	s29 =	simm.s32 $0x60;
	v10 =	vor.u32 $0x4, v36;
	[tilespmem:s6+$0x14700] =	vst v8;
	v8 =	vld.idx.msk [tilespmem:v11+s4+$0x0], $0xffff  }
0xc0: {  	v11 =	vor.u32 s29, v30;
	[tilespmem:s11+$0x12390] =	vst v7;
	v7 =	vld.idx.msk [tilespmem:v12+s4+$0x0], $0xffff;
	v12 =	vor.u32 $0x1B, v2  }
0xc1: {  	v13 =	vor.u32 $0x12, v32;
	vm15 =	vlt.s32 v11, $0x3E7;
	v3 =	vld.idx.msk [tilespmem:v3+s4+$0x0], $0xffff;
	[tilespmem:s8+$0x15AB0] =	vst v0  }
0xc2: {  	v0 =	vnsel vm15, $0x3E7, v11;
	v11 =	vor.u32 $0x9, v35;
	[tilespmem:s10+$0x13740] =	vst v4;
	v4 =	vld.idx.msk [tilespmem:v5+s4+$0x0], $0xffff  }
0xc3: {  	v37 =	vshll.u32 v0, $0x5;
	[tilespmem:s12+$0x113D0] =	vst v9;
	v0 =	vld.idx.msk [tilespmem:v6+s4+$0x0], $0xffff  }
0xc4: {  	v6 =	vor.u32 $0x17, v34;
	v5 =	vld.idx.msk [tilespmem:v10+s4+$0x0], $0xffff;
	[tilespmem:s13+$0x16E60] =	vst v8  }
0xc5: {  	v8 =	vor.u32 $0xE, v33;
	[tilespmem:s6+$0x14AF0] =	vst v7;
	v7 =	vld.idx.msk [tilespmem:v12+s4+$0x0], $0xffff  }
0xc6: {  	v9 =	vor.u32 $0x5, v36;
	[tilespmem:s11+$0x12780] =	vst v3;
	v3 =	vld.idx.msk [tilespmem:v13+s4+$0x0], $0xffff  }
0xc7: {  	v10 =	vld.idx.msk [tilespmem:v11+s4+$0x0], $0xffff;
	v11 =	vor.u32 $0x1C, v2  }
0xc8: {  	v13 =	vor.u32 $0x13, v32;
	v12 =	vld.idx.msk [tilespmem:v37+s4+$0x0], $0xffff;
	[tilespmem:s8+$0x15EA0] =	vst v4  }
0xc9: {  	v4 =	vor.u32 $0xA, v35;
	[tilespmem:s10+$0x13B30] =	vst v0;
	v0 =	vld.idx.msk [tilespmem:v6+s4+$0x0], $0xffff  }
0xca: {  	v6 =	vor.u32 $0x1, v37;
	[tilespmem:s12+$0x117C0] =	vst v5;
	v5 =	vld.idx.msk [tilespmem:v8+s4+$0x0], $0xffff  }
0xcb: {  	v8 =	vld.idx.msk [tilespmem:v9+s4+$0x0], $0xffff;
	v9 =	vor.u32 $0x18, v34;
	[tilespmem:s13+$0x17250] =	vst v7  }
0xcc: {  	v7 =	vor.u32 $0xF, v33;
	[tilespmem:s6+$0x14EE0] =	vst v3;
	v3 =	vld.idx.msk [tilespmem:v11+s4+$0x0], $0xffff  }
0xcd: {  	s1 =	simm.s32 $0x60;
	v11 =	vor.u32 $0x6, v36;
	[tilespmem:s11+$0x12B70] =	vst v10;
	v10 =	vld.idx.msk [tilespmem:v13+s4+$0x0], $0xffff  }
0xce: {  	[tilespmem:s1+$0x10800] =	vst v12;
	v12 =	vor.u32 $0x1D, v2;
	v4 =	vld.idx.msk [tilespmem:v4+s4+$0x0], $0xffff  }
0xcf: {  	v13 =	vor.u32 $0x14, v32;
	v6 =	vld.idx.msk [tilespmem:v6+s4+$0x0], $0xffff;
	[tilespmem:s8+$0x16290] =	vst v0  }
0xd0: {  	v0 =	vor.u32 $0xB, v35;
	[tilespmem:s10+$0x13F20] =	vst v5;
	v5 =	vld.idx.msk [tilespmem:v9+s4+$0x0], $0xffff  }
0xd1: {  	v9 =	vor.u32 $0x2, v37;
	[tilespmem:s12+$0x11BB0] =	vst v8;
	v7 =	vld.idx.msk [tilespmem:v7+s4+$0x0], $0xffff  }
0xd2: {  	v8 =	vld.idx.msk [tilespmem:v11+s4+$0x0], $0xffff;
	v11 =	vor.u32 $0x19, v34;
	[tilespmem:s13+$0x17640] =	vst v3  }
0xd3: {  	v3 =	vor.u32 $0x10, v33;
	[tilespmem:s6+$0x152D0] =	vst v10;
	v10 =	vld.idx.msk [tilespmem:v12+s4+$0x0], $0xffff  }
0xd4: {  	v12 =	vor.u32 $0x7, v36;
	[tilespmem:s11+$0x12F60] =	vst v4;
	v4 =	vld.idx.msk [tilespmem:v13+s4+$0x0], $0xffff  }
0xd5: {  	[tilespmem:s1+$0x10BF0] =	vst v6;
	v6 =	vor.u32 $0x1E, v2;
	v0 =	vld.idx.msk [tilespmem:v0+s4+$0x0], $0xffff  }
0xd6: {  	v13 =	vor.u32 $0x15, v32;
	v9 =	vld.idx.msk [tilespmem:v9+s4+$0x0], $0xffff;
	[tilespmem:s8+$0x16680] =	vst v5  }
0xd7: {  	v5 =	vor.u32 $0xC, v35;
	[tilespmem:s10+$0x14310] =	vst v7;
	v11 =	vld.idx.msk [tilespmem:v11+s4+$0x0], $0xffff  }
0xd8: {  	v7 =	vor.u32 $0x3, v37;
	[tilespmem:s12+$0x11FA0] =	vst v8;
	v3 =	vld.idx.msk [tilespmem:v3+s4+$0x0], $0xffff  }
0xd9: {  	v8 =	vld.idx.msk [tilespmem:v12+s4+$0x0], $0xffff;
	v12 =	vor.u32 $0x1A, v34;
	[tilespmem:s13+$0x17A30] =	vst v10  }
0xda: {  	v15 =	vor.u32 $0x11, v33;
	[tilespmem:s6+$0x156C0] =	vst v4;
	v16 =	vld.idx.msk [tilespmem:v6+s4+$0x0], $0xffff  }
0xdb: {  	v18 =	vor.u32 $0x8, v36;
	[tilespmem:s11+$0x13350] =	vst v0;
	v10 =	vld.idx.msk [tilespmem:v13+s4+$0x0], $0xffff  }
0xdc: {  	v4 =	vor.u32 $0x1F, v2;
	[tilespmem:s1+$0x10FE0] =	vst v9;
	v14 =	vld.idx.msk [tilespmem:v5+s4+$0x0], $0xffff  }
0xdd: {  	v6 =	vor.u32 $0x16, v32;
	v7 =	vld.idx.msk [tilespmem:v7+s4+$0x0], $0xffff;
	[tilespmem:s8+$0x16A70] =	vst v11  }
0xde: {  	[tilespmem:s10+$0x14700] =	vst v3;
	v3 =	vor.u32 $0xD, v35;
	v0 =	vld.idx.msk [tilespmem:v12+s4+$0x0], $0xffff  }
0xdf: {  	s0 =	simm.s32 $0x70;
	v9 =	vor.u32 $0x4, v37;
	[tilespmem:s12+$0x12390] =	vst v8;
	v12 =	vld.idx.msk [tilespmem:v15+s4+$0x0], $0xffff  }
0xe0: {  	s2 =	simm.s32 $0x1C0;
	s3 =	simm.s32 $0x200;
	v2 =	vor.u32 s0, v30;
	v8 =	vor.u32 $0x1B, v34;
	v5 =	vld.idx.msk [tilespmem:v18+s4+$0x0], $0xffff;
	[tilespmem:s13+$0x17E20] =	vst v16  }
.LBB2_2:
0xe1: {  	p0 =	sne.s32 s3, $0xF80;
	vm0 =	vlt.s32 v2, $0x3E7;
	v11 =	vor.u32 $0x12, v33;
	[tilespmem:s6+$0x15AB0] =	vst v10;
	v4 =	vld.idx.msk [tilespmem:v4+s4+$0x0], $0xffff  }
0xe2: {  	v10 =	vor.u32 $0x9, v36;
	v2 =	vnsel vm0, $0x3E7, v2;
	[tilespmem:s11+$0x13740] =	vst v14;
	v6 =	vld.idx.msk [tilespmem:v6+s4+$0x0], $0xffff  }
0xe3: {  	v2 =	vshll.u32 v2, $0x5;
	[tilespmem:s1+$0x113D0] =	vst v7;
	v3 =	vld.idx.msk [tilespmem:v3+s4+$0x0], $0xffff  }
0xe4: {  	v7 =	vld.idx.msk [tilespmem:v9+s4+$0x0], $0xffff;
	v9 =	vor.u32 $0x17, v32;
	[tilespmem:s8+$0x16E60] =	vst v0  }
0xe5: {  	v0 =	vor.u32 $0xE, v35;
	[tilespmem:s10+$0x14AF0] =	vst v12;
	v8 =	vld.idx.msk [tilespmem:v8+s4+$0x0], $0xffff  }
0xe6: {  	v12 =	vor.u32 $0x5, v37;
	[tilespmem:s12+$0x12780] =	vst v5;
	v5 =	vld.idx.msk [tilespmem:v11+s4+$0x0], $0xffff  }
0xe7: {  	v11 =	vor.u32 $0x1C, v34;
	v10 =	vld.idx.msk [tilespmem:v10+s4+$0x0], $0xffff;
	[tilespmem:s13+$0x18210] =	vst v4;
	s13 =	smov.u32 s8;
	s8 =	smov.u32 s6;
	s6 =	smov.u32 s10  }
0xe8: {  	v13 =	vor.u32 $0x13, v33;
	s10 =	smov.u32 s11;
	s11 =	smov.u32 s12;
	s12 =	smov.u32 s1;
	v4 =	vld.idx.msk [tilespmem:v2+s4+$0x0], $0xffff;
	[tilespmem:s8+$0x15EA0] =	vst v6  }
0xe9: {  	v6 =	vor.u32 $0xA, v36;
	[tilespmem:s10+$0x13B30] =	vst v3;
	v3 =	vld.idx.msk [tilespmem:v9+s4+$0x0], $0xffff  }
0xea: {  	v9 =	vor.u32 $0x1, v2;
	[tilespmem:s12+$0x117C0] =	vst v7;
	v0 =	vld.idx.msk [tilespmem:v0+s4+$0x0], $0xffff  }
0xeb: {  	v7 =	vld.idx.msk [tilespmem:v12+s4+$0x0], $0xffff;
	v12 =	vor.u32 $0x18, v32;
	[tilespmem:s13+$0x17250] =	vst v8  }
0xec: {  	v8 =	vor.u32 $0xF, v35;
	[tilespmem:s6+$0x14EE0] =	vst v5;
	v5 =	vld.idx.msk [tilespmem:v11+s4+$0x0], $0xffff  }
0xed: {  	s1 =	sshra.s32 s2, $0x2;
	s2 =	smov.u32 s3;
	v11 =	vor.u32 $0x6, v37;
	[tilespmem:s11+$0x12B70] =	vst v10;
	v10 =	vld.idx.msk [tilespmem:v13+s4+$0x0], $0xffff  }
0xee: {  	[tilespmem:s1+$0x10800] =	vst v4;
	v4 =	vld.idx.msk [tilespmem:v6+s4+$0x0], $0xffff;
	v6 =	vor.u32 $0x1D, v34  }
0xef: {  	v13 =	vor.u32 $0x14, v33;
	v9 =	vld.idx.msk [tilespmem:v9+s4+$0x0], $0xffff;
	[tilespmem:s8+$0x16290] =	vst v3  }
0xf0: {  	v3 =	vor.u32 $0xB, v36;
	[tilespmem:s10+$0x13F20] =	vst v0;
	v0 =	vld.idx.msk [tilespmem:v12+s4+$0x0], $0xffff  }
0xf1: {  	v12 =	vor.u32 $0x2, v2;
	[tilespmem:s12+$0x11BB0] =	vst v7;
	v7 =	vld.idx.msk [tilespmem:v8+s4+$0x0], $0xffff  }
0xf2: {  	v8 =	vld.idx.msk [tilespmem:v11+s4+$0x0], $0xffff;
	v11 =	vor.u32 $0x19, v32;
	[tilespmem:s13+$0x17640] =	vst v5  }
0xf3: {  	v5 =	vor.u32 $0x10, v35;
	[tilespmem:s6+$0x152D0] =	vst v10;
	v6 =	vld.idx.msk [tilespmem:v6+s4+$0x0], $0xffff  }
0xf4: {  	v10 =	vor.u32 $0x7, v37;
	[tilespmem:s11+$0x12F60] =	vst v4;
	v4 =	vld.idx.msk [tilespmem:v13+s4+$0x0], $0xffff  }
0xf5: {  	[tilespmem:s1+$0x10BF0] =	vst v9;
	v3 =	vld.idx.msk [tilespmem:v3+s4+$0x0], $0xffff;
	v9 =	vor.u32 $0x1E, v34  }
0xf6: {  	v13 =	vor.u32 $0x15, v33;
	v12 =	vld.idx.msk [tilespmem:v12+s4+$0x0], $0xffff;
	[tilespmem:s8+$0x16680] =	vst v0  }
0xf7: {  	v0 =	vor.u32 $0xC, v36;
	[tilespmem:s10+$0x14310] =	vst v7;
	v11 =	vld.idx.msk [tilespmem:v11+s4+$0x0], $0xffff  }
0xf8: {  	v7 =	vor.u32 $0x3, v2;
	[tilespmem:s12+$0x11FA0] =	vst v8;
	v5 =	vld.idx.msk [tilespmem:v5+s4+$0x0], $0xffff  }
0xf9: {  	v15 =	vor.u32 $0x1A, v32;
	v8 =	vld.idx.msk [tilespmem:v10+s4+$0x0], $0xffff;
	[tilespmem:s13+$0x17A30] =	vst v6  }
0xfa: {  	v16 =	vor.u32 $0x11, v35;
	[tilespmem:s6+$0x156C0] =	vst v4;
	v18 =	vld.idx.msk [tilespmem:v9+s4+$0x0], $0xffff  }
0xfb: {  	v20 =	vor.u32 $0x8, v37;
	[tilespmem:s11+$0x13350] =	vst v3;
	v10 =	vld.idx.msk [tilespmem:v13+s4+$0x0], $0xffff  }
.Ltmp0:
0xfc: {  	v4 =	vor.u32 $0x1F, v34;
	v34 =	vmovc v32;
	v32 =	vmovc v33;
	v33 =	vmov v35;
	v35 =	vmov v36;
	[tilespmem:s1+$0x10FE0] =	vst v12;
	v14 =	vld.idx.msk [tilespmem:v0+s4+$0x0], $0xffff;
	(pc) =	sbr.rel @p0 .LBB2_2-.Ltmp0, $4  }
0xfd: {  	v36 =	vmov v37;
	v37 =	vmov v2;
	v6 =	vor.u32 $0x16, v32;
	v7 =	vld.idx.msk [tilespmem:v7+s4+$0x0], $0xffff;
	[tilespmem:s8+$0x16A70] =	vst v11  }
0xfe: {  	v3 =	vor.u32 $0xD, v35;
	[tilespmem:s10+$0x14700] =	vst v5;
	v0 =	vld.idx.msk [tilespmem:v15+s4+$0x0], $0xffff  }
0xff: {  	s0 =	sadd.s32 $0x10, s0;
	v9 =	vor.u32 $0x4, v37;
	[tilespmem:s12+$0x12390] =	vst v8;
	v12 =	vld.idx.msk [tilespmem:v16+s4+$0x0], $0xffff  }
0x100: {  	s3 =	sadd.s32 $0x40, s3;
	v2 =	vor.u32 s0, v30;
	v8 =	vor.u32 $0x1B, v34;
	v5 =	vld.idx.msk [tilespmem:v20+s4+$0x0], $0xffff;
	[tilespmem:s13+$0x17E20] =	vst v18  }
0x101: {  	vm0 =	vlt.s32 v2, $0x3E7  }
0x102: {  	v2 =	vnsel vm0, $0x3E7, v2  }
0x103: {  	v2 =	vshll.u32 v2, $0x5;
	_ =	sdelay $0x4  }
0x104: {  	v11 =	vld.idx.msk [tilespmem:v2+s4+$0x0], $0xffff  }
0x105: {  	v13 =	vor.u32 $0x1, v2;
	_ =	sdelay $0x2  }
0x106: {  	s0 =	sshra.s32 s2, $0x2  }
0x107: {  	[tilespmem:s0+$0x10800] =	vst v11  }
0x108: {  	v11 =	vld.idx.msk [tilespmem:v13+s4+$0x0], $0xffff  }
0x109: {  	v44 =	vor.u32 $0x2, v2;
	_ =	sdelay $0x3  }
0x10a: {  	[tilespmem:s0+$0x10BF0] =	vst v11  }
0x10b: {  	v11 =	vld.idx.msk [tilespmem:v44+s4+$0x0], $0xffff  }
0x10c: {  	v50 =	vor.u32 $0x3, v2;
	_ =	sdelay $0x3  }
0x10d: {  	[tilespmem:s0+$0x10FE0] =	vst v11  }
0x10e: {  	v11 =	vld.idx.msk [tilespmem:v50+s4+$0x0], $0xffff  }
0x10f: {  	v54 =	vor.u32 $0x4, v2;
	_ =	sdelay $0x2  }
0x110: {  	[tilespmem:s1+$0x113D0] =	vst v7  }
0x111: {  	v7 =	vld.idx.msk [tilespmem:v9+s4+$0x0], $0xffff;
	[tilespmem:s0+$0x113D0] =	vst v11  }
0x112: {  	v55 =	vor.u32 $0x5, v37;
	v11 =	vld.idx.msk [tilespmem:v54+s4+$0x0], $0xffff  }
0x113: {  	v56 =	vor.u32 $0x5, v2;
	_ =	sdelay $0x2  }
0x114: {  	[tilespmem:s1+$0x117C0] =	vst v7  }
0x115: {  	v7 =	vld.idx.msk [tilespmem:v55+s4+$0x0], $0xffff;
	[tilespmem:s0+$0x117C0] =	vst v11  }
0x116: {  	v58 =	vor.u32 $0x6, v37;
	v11 =	vld.idx.msk [tilespmem:v56+s4+$0x0], $0xffff  }
0x117: {  	v59 =	vor.u32 $0x6, v2;
	_ =	sdelay $0x2  }
0x118: {  	[tilespmem:s1+$0x11BB0] =	vst v7  }
0x119: {  	v7 =	vld.idx.msk [tilespmem:v58+s4+$0x0], $0xffff;
	[tilespmem:s0+$0x11BB0] =	vst v11  }
0x11a: {  	v60 =	vor.u32 $0x7, v37;
	v11 =	vld.idx.msk [tilespmem:v59+s4+$0x0], $0xffff  }
0x11b: {  	v41 =	vor.u32 $0x7, v2;
	_ =	sdelay $0x2  }
0x11c: {  	[tilespmem:s1+$0x11FA0] =	vst v7  }
0x11d: {  	v7 =	vld.idx.msk [tilespmem:v60+s4+$0x0], $0xffff;
	[tilespmem:s0+$0x11FA0] =	vst v11  }
0x11e: {  	v44 =	vor.u32 $0x8, v37;
	v11 =	vld.idx.msk [tilespmem:v41+s4+$0x0], $0xffff  }
0x11f: {  	v50 =	vor.u32 $0x8, v2;
	_ =	sdelay $0x2  }
0x120: {  	[tilespmem:s1+$0x12390] =	vst v7  }
0x121: {  	v9 =	vld.idx.msk [tilespmem:v44+s4+$0x0], $0xffff;
	v54 =	vor.u32 $0x9, v36;
	[tilespmem:s0+$0x12390] =	vst v11  }
0x122: {  	v55 =	vor.u32 $0x9, v37;
	v13 =	vld.idx.msk [tilespmem:v50+s4+$0x0], $0xffff  }
0x123: {  	v15 =	vor.u32 $0x9, v2;
	_ =	sdelay $0x1  }
0x124: {  	[tilespmem:s12+$0x12780] =	vst v5  }
0x125: {  	[tilespmem:s1+$0x12780] =	vst v9;
	v5 =	vld.idx.msk [tilespmem:v54+s4+$0x0], $0xffff  }
0x126: {  	v9 =	vld.idx.msk [tilespmem:v55+s4+$0x0], $0xffff;
	v56 =	vor.u32 $0xA, v36;
	[tilespmem:s0+$0x12780] =	vst v13  }
0x127: {  	v58 =	vor.u32 $0xA, v37;
	v13 =	vld.idx.msk [tilespmem:v15+s4+$0x0], $0xffff  }
0x128: {  	v59 =	vor.u32 $0xA, v2;
	_ =	sdelay $0x1  }
0x129: {  	[tilespmem:s12+$0x12B70] =	vst v5  }
0x12a: {  	[tilespmem:s1+$0x12B70] =	vst v9;
	v5 =	vld.idx.msk [tilespmem:v56+s4+$0x0], $0xffff  }
0x12b: {  	v60 =	vor.u32 $0xB, v36;
	v9 =	vld.idx.msk [tilespmem:v58+s4+$0x0], $0xffff;
	[tilespmem:s0+$0x12B70] =	vst v13  }
0x12c: {  	v41 =	vor.u32 $0xB, v37;
	v13 =	vld.idx.msk [tilespmem:v59+s4+$0x0], $0xffff  }
0x12d: {  	v44 =	vor.u32 $0xB, v2;
	_ =	sdelay $0x1  }
0x12e: {  	[tilespmem:s12+$0x12F60] =	vst v5  }
0x12f: {  	[tilespmem:s1+$0x12F60] =	vst v9;
	v5 =	vld.idx.msk [tilespmem:v60+s4+$0x0], $0xffff  }
0x130: {  	v9 =	vld.idx.msk [tilespmem:v41+s4+$0x0], $0xffff;
	v50 =	vor.u32 $0xC, v36;
	[tilespmem:s0+$0x12F60] =	vst v13  }
0x131: {  	v54 =	vor.u32 $0xC, v37;
	v13 =	vld.idx.msk [tilespmem:v44+s4+$0x0], $0xffff  }
0x132: {  	v55 =	vor.u32 $0xC, v2;
	_ =	sdelay $0x1  }
0x133: {  	[tilespmem:s12+$0x13350] =	vst v5  }
0x134: {  	[tilespmem:s1+$0x13350] =	vst v9;
	v5 =	vld.idx.msk [tilespmem:v50+s4+$0x0], $0xffff  }
0x135: {  	v56 =	vor.u32 $0xD, v36;
	v9 =	vld.idx.msk [tilespmem:v54+s4+$0x0], $0xffff;
	[tilespmem:s0+$0x13350] =	vst v13  }
0x136: {  	v58 =	vor.u32 $0xD, v37;
	v13 =	vld.idx.msk [tilespmem:v55+s4+$0x0], $0xffff  }
0x137: {  	[tilespmem:s11+$0x13740] =	vst v14;
	v59 =	vor.u32 $0xD, v2  }
0x138: {  	v3 =	vld.idx.msk [tilespmem:v3+s4+$0x0], $0xffff  }
0x139: {  	v60 =	vor.u32 $0xE, v35;
	[tilespmem:s12+$0x13740] =	vst v5  }
0x13a: {  	[tilespmem:s1+$0x13740] =	vst v9;
	v7 =	vld.idx.msk [tilespmem:v56+s4+$0x0], $0xffff  }
0x13b: {  	v41 =	vor.u32 $0xE, v36;
	v11 =	vld.idx.msk [tilespmem:v58+s4+$0x0], $0xffff;
	[tilespmem:s0+$0x13740] =	vst v13  }
0x13c: {  	v44 =	vor.u32 $0xE, v37;
	v50 =	vld.idx.msk [tilespmem:v59+s4+$0x0], $0xffff  }
0x13d: {  	[tilespmem:s11+$0x13B30] =	vst v3;
	v54 =	vor.u32 $0xE, v2  }
0x13e: {  	v3 =	vld.idx.msk [tilespmem:v60+s4+$0x0], $0xffff  }
0x13f: {  	[tilespmem:s12+$0x13B30] =	vst v7;
	v55 =	vor.u32 $0xF, v35  }
0x140: {  	[tilespmem:s1+$0x13B30] =	vst v11;
	v7 =	vld.idx.msk [tilespmem:v41+s4+$0x0], $0xffff  }
0x141: {  	v56 =	vor.u32 $0xF, v36;
	v11 =	vld.idx.msk [tilespmem:v44+s4+$0x0], $0xffff;
	[tilespmem:s0+$0x13B30] =	vst v50  }
0x142: {  	v58 =	vor.u32 $0xF, v37;
	v14 =	vld.idx.msk [tilespmem:v54+s4+$0x0], $0xffff  }
0x143: {  	[tilespmem:s11+$0x13F20] =	vst v3;
	v59 =	vor.u32 $0xF, v2  }
0x144: {  	v3 =	vld.idx.msk [tilespmem:v55+s4+$0x0], $0xffff  }
0x145: {  	v60 =	vor.u32 $0x10, v35;
	[tilespmem:s12+$0x13F20] =	vst v7  }
0x146: {  	v7 =	vld.idx.msk [tilespmem:v56+s4+$0x0], $0xffff;
	[tilespmem:s1+$0x13F20] =	vst v11  }
0x147: {  	v41 =	vor.u32 $0x10, v36;
	v11 =	vld.idx.msk [tilespmem:v58+s4+$0x0], $0xffff;
	[tilespmem:s0+$0x13F20] =	vst v14  }
0x148: {  	v44 =	vor.u32 $0x10, v37;
	v14 =	vld.idx.msk [tilespmem:v59+s4+$0x0], $0xffff  }
0x149: {  	[tilespmem:s11+$0x14310] =	vst v3;
	v50 =	vor.u32 $0x10, v2  }
0x14a: {  	[tilespmem:s6+$0x15AB0] =	vst v10;
	v3 =	vld.idx.msk [tilespmem:v60+s4+$0x0], $0xffff  }
0x14b: {  	[tilespmem:s12+$0x14310] =	vst v7;
	v54 =	vor.u32 $0x11, v35  }
0x14c: {  	v7 =	vld.idx.msk [tilespmem:v41+s4+$0x0], $0xffff;
	[tilespmem:s1+$0x14310] =	vst v11  }
0x14d: {  	v55 =	vor.u32 $0x11, v36;
	v11 =	vld.idx.msk [tilespmem:v44+s4+$0x0], $0xffff;
	[tilespmem:s0+$0x14310] =	vst v14  }
0x14e: {  	[tilespmem:s8+$0x16E60] =	vst v0;
	v0 =	vor.u32 $0x11, v37;
	v10 =	vld.idx.msk [tilespmem:v50+s4+$0x0], $0xffff  }
0x14f: {  	v4 =	vld.idx.msk [tilespmem:v4+s4+$0x0], $0xffff;
	v56 =	vor.u32 $0x11, v2;
	[tilespmem:s11+$0x14700] =	vst v3  }
0x150: {  	[tilespmem:s10+$0x14AF0] =	vst v12;
	v3 =	vor.u32 $0x12, v33;
	v5 =	vld.idx.msk [tilespmem:v54+s4+$0x0], $0xffff  }
0x151: {  	v6 =	vld.idx.msk [tilespmem:v6+s4+$0x0], $0xffff;
	v58 =	vor.u32 $0x12, v35;
	[tilespmem:s12+$0x14700] =	vst v7  }
0x152: {  	v9 =	vld.idx.msk [tilespmem:v55+s4+$0x0], $0xffff;
	[tilespmem:s1+$0x14700] =	vst v11  }
0x153: {  	v0 =	vld.idx.msk [tilespmem:v0+s4+$0x0], $0xffff;
	v59 =	vor.u32 $0x12, v36;
	[tilespmem:s0+$0x14700] =	vst v10  }
0x154: {  	[tilespmem:s13+$0x18210] =	vst v4;
	v60 =	vor.u32 $0x12, v37;
	v10 =	vld.idx.msk [tilespmem:v56+s4+$0x0], $0xffff  }
0x155: {  	v41 =	vor.u32 $0x12, v2;
	v3 =	vld.idx.msk [tilespmem:v3+s4+$0x0], $0xffff;
	[tilespmem:s11+$0x14AF0] =	vst v5  }
0x156: {  	[tilespmem:s6+$0x15EA0] =	vst v6;
	v7 =	vld.idx.msk [tilespmem:v58+s4+$0x0], $0xffff;
	v50 =	vor.u32 $0x13, v33  }
0x157: {  	v8 =	vld.idx.msk [tilespmem:v8+s4+$0x0], $0xffff;
	[tilespmem:s12+$0x14AF0] =	vst v9;
	v54 =	vor.u32 $0x13, v35  }
0x158: {  	v44 =	vor.u32 $0x17, v32;
	[tilespmem:s1+$0x14AF0] =	vst v0;
	v11 =	vld.idx.msk [tilespmem:v59+s4+$0x0], $0xffff  }
0x159: {  	v0 =	vor.u32 $0x13, v36;
	v4 =	vld.idx.msk [tilespmem:v60+s4+$0x0], $0xffff;
	[tilespmem:s0+$0x14AF0] =	vst v10  }
0x15a: {  	v55 =	vor.u32 $0x13, v37;
	[tilespmem:s10+$0x14EE0] =	vst v3;
	v6 =	vld.idx.msk [tilespmem:v41+s4+$0x0], $0xffff  }
0x15b: {  	v3 =	vor.u32 $0x13, v2;
	[tilespmem:s11+$0x14EE0] =	vst v7;
	v5 =	vld.idx.msk [tilespmem:v50+s4+$0x0], $0xffff  }
0x15c: {  	[tilespmem:s8+$0x17250] =	vst v8;
	v59 =	vor.u32 $0x14, v33;
	v9 =	vld.idx.msk [tilespmem:v54+s4+$0x0], $0xffff  }
0x15d: {  	v58 =	vor.u32 $0x1C, v34;
	[tilespmem:s12+$0x14EE0] =	vst v11;
	v56 =	vld.idx.msk [tilespmem:v44+s4+$0x0], $0xffff  }
0x15e: {  	v60 =	vor.u32 $0x14, v35;
	[tilespmem:s1+$0x14EE0] =	vst v4;
	v0 =	vld.idx.msk [tilespmem:v0+s4+$0x0], $0xffff  }
0x15f: {  	v8 =	vld.idx.msk [tilespmem:v55+s4+$0x0], $0xffff;
	v41 =	vor.u32 $0x14, v36;
	[tilespmem:s0+$0x14EE0] =	vst v6  }
0x160: {  	v44 =	vor.u32 $0x14, v37;
	[tilespmem:s10+$0x152D0] =	vst v5;
	v3 =	vld.idx.msk [tilespmem:v3+s4+$0x0], $0xffff  }
0x161: {  	v54 =	vor.u32 $0x14, v2;
	[tilespmem:s11+$0x152D0] =	vst v9;
	v7 =	vld.idx.msk [tilespmem:v59+s4+$0x0], $0xffff  }
0x162: {  	v50 =	vld.idx.msk [tilespmem:v58+s4+$0x0], $0xffff;
	[tilespmem:s6+$0x16290] =	vst v56;
	v56 =	vor.u32 $0x15, v33  }
0x163: {  	v55 =	vor.u32 $0x18, v32;
	[tilespmem:s12+$0x152D0] =	vst v0;
	v11 =	vld.idx.msk [tilespmem:v60+s4+$0x0], $0xffff  }
0x164: {  	v0 =	vor.u32 $0x15, v35;
	[tilespmem:s1+$0x152D0] =	vst v8;
	v4 =	vld.idx.msk [tilespmem:v41+s4+$0x0], $0xffff  }
0x165: {  	v58 =	vor.u32 $0x15, v36;
	v6 =	vld.idx.msk [tilespmem:v44+s4+$0x0], $0xffff;
	[tilespmem:s0+$0x152D0] =	vst v3  }
0x166: {  	[tilespmem:s10+$0x156C0] =	vst v7;
	v3 =	vor.u32 $0x15, v37;
	v5 =	vld.idx.msk [tilespmem:v54+s4+$0x0], $0xffff  }
0x167: {  	[tilespmem:s8+$0x17640] =	vst v50;
	v60 =	vor.u32 $0x15, v2;
	v9 =	vld.idx.msk [tilespmem:v56+s4+$0x0], $0xffff  }
0x168: {  	v59 =	vld.idx.msk [tilespmem:v55+s4+$0x0], $0xffff;
	[tilespmem:s11+$0x156C0] =	vst v11;
	v44 =	vor.u32 $0x16, v33  }
0x169: {  	v41 =	vor.u32 $0x1D, v34;
	v0 =	vld.idx.msk [tilespmem:v0+s4+$0x0], $0xffff;
	[tilespmem:s12+$0x156C0] =	vst v4  }
0x16a: {  	v50 =	vor.u32 $0x16, v35;
	[tilespmem:s1+$0x156C0] =	vst v6;
	v8 =	vld.idx.msk [tilespmem:v58+s4+$0x0], $0xffff  }
0x16b: {  	v54 =	vor.u32 $0x16, v36;
	v3 =	vld.idx.msk [tilespmem:v3+s4+$0x0], $0xffff;
	[tilespmem:s0+$0x156C0] =	vst v5  }
0x16c: {  	v55 =	vor.u32 $0x16, v37;
	[tilespmem:s10+$0x15AB0] =	vst v9;
	v7 =	vld.idx.msk [tilespmem:v60+s4+$0x0], $0xffff  }
0x16d: {  	[tilespmem:s6+$0x16680] =	vst v59;
	v58 =	vor.u32 $0x16, v2;
	v11 =	vld.idx.msk [tilespmem:v44+s4+$0x0], $0xffff  }
0x16e: {  	v56 =	vld.idx.msk [tilespmem:v41+s4+$0x0], $0xffff;
	[tilespmem:s11+$0x15AB0] =	vst v0;
	v0 =	vor.u32 $0x17, v33  }
0x16f: {  	v59 =	vor.u32 $0x19, v32;
	v4 =	vld.idx.msk [tilespmem:v50+s4+$0x0], $0xffff;
	[tilespmem:s12+$0x15AB0] =	vst v8  }
0x170: {  	v6 =	vld.idx.msk [tilespmem:v54+s4+$0x0], $0xffff;
	v60 =	vor.u32 $0x17, v35;
	[tilespmem:s1+$0x15AB0] =	vst v3  }
0x171: {  	v3 =	vor.u32 $0x17, v36;
	v5 =	vld.idx.msk [tilespmem:v55+s4+$0x0], $0xffff;
	[tilespmem:s0+$0x15AB0] =	vst v7  }
0x172: {  	v41 =	vor.u32 $0x17, v37;
	[tilespmem:s10+$0x15EA0] =	vst v11;
	v9 =	vld.idx.msk [tilespmem:v58+s4+$0x0], $0xffff  }
0x173: {  	v50 =	vor.u32 $0x17, v2;
	[tilespmem:s8+$0x17A30] =	vst v56;
	v0 =	vld.idx.msk [tilespmem:v0+s4+$0x0], $0xffff  }
0x174: {  	v44 =	vld.idx.msk [tilespmem:v59+s4+$0x0], $0xffff;
	[tilespmem:s11+$0x15EA0] =	vst v4;
	v55 =	vor.u32 $0x18, v33  }
0x175: {  	v54 =	vor.u32 $0x1E, v34;
	[tilespmem:s12+$0x15EA0] =	vst v6;
	v8 =	vld.idx.msk [tilespmem:v60+s4+$0x0], $0xffff  }
0x176: {  	v56 =	vor.u32 $0x18, v35;
	v3 =	vld.idx.msk [tilespmem:v3+s4+$0x0], $0xffff;
	[tilespmem:s1+$0x15EA0] =	vst v5  }
0x177: {  	v58 =	vor.u32 $0x18, v36;
	v7 =	vld.idx.msk [tilespmem:v41+s4+$0x0], $0xffff;
	[tilespmem:s0+$0x15EA0] =	vst v9  }
0x178: {  	v59 =	vor.u32 $0x18, v37;
	[tilespmem:s10+$0x16290] =	vst v0;
	v60 =	vld.idx.msk [tilespmem:v50+s4+$0x0], $0xffff  }
0x179: {  	[tilespmem:s6+$0x16A70] =	vst v44;
	v0 =	vor.u32 $0x18, v2;
	v4 =	vld.idx.msk [tilespmem:v55+s4+$0x0], $0xffff  }
0x17a: {  	v44 =	vor.u32 $0x1A, v32;
	v41 =	vld.idx.msk [tilespmem:v54+s4+$0x0], $0xffff;
	[tilespmem:s11+$0x16290] =	vst v8  }
0x17b: {  	v6 =	vld.idx.msk [tilespmem:v56+s4+$0x0], $0xffff;
	v50 =	vor.u32 $0x19, v33;
	[tilespmem:s12+$0x16290] =	vst v3  }
0x17c: {  	v3 =	vor.u32 $0x19, v35;
	v5 =	vld.idx.msk [tilespmem:v58+s4+$0x0], $0xffff;
	[tilespmem:s1+$0x16290] =	vst v7  }
0x17d: {  	v54 =	vor.u32 $0x19, v36;
	v9 =	vld.idx.msk [tilespmem:v59+s4+$0x0], $0xffff;
	[tilespmem:s0+$0x16290] =	vst v60  }
0x17e: {  	v55 =	vor.u32 $0x19, v37;
	[tilespmem:s10+$0x16680] =	vst v4;
	v0 =	vld.idx.msk [tilespmem:v0+s4+$0x0], $0xffff  }
0x17f: {  	v56 =	vld.idx.msk [tilespmem:v44+s4+$0x0], $0xffff;
	v58 =	vor.u32 $0x19, v2;
	[tilespmem:s8+$0x17E20] =	vst v41  }
0x180: {  	v59 =	vor.u32 $0x1F, v34;
	[tilespmem:s11+$0x16680] =	vst v6;
	v8 =	vld.idx.msk [tilespmem:v50+s4+$0x0], $0xffff  }
0x181: {  	v60 =	vor.u32 $0x1A, v33;
	v3 =	vld.idx.msk [tilespmem:v3+s4+$0x0], $0xffff;
	[tilespmem:s12+$0x16680] =	vst v5  }
0x182: {  	v34 =	vor.u32 $0x1A, v35;
	v7 =	vld.idx.msk [tilespmem:v54+s4+$0x0], $0xffff;
	[tilespmem:s1+$0x16680] =	vst v9  }
0x183: {  	v41 =	vor.u32 $0x1A, v36;
	v10 =	vld.idx.msk [tilespmem:v55+s4+$0x0], $0xffff;
	[tilespmem:s0+$0x16680] =	vst v0  }
0x184: {  	[tilespmem:s6+$0x16E60] =	vst v56;
	v0 =	vor.u32 $0x1A, v37;
	v4 =	vld.idx.msk [tilespmem:v58+s4+$0x0], $0xffff  }
0x185: {  	v50 =	vor.u32 $0x1A, v2;
	v44 =	vld.idx.msk [tilespmem:v59+s4+$0x0], $0xffff;
	[tilespmem:s10+$0x16A70] =	vst v8  }
0x186: {  	v54 =	vor.u32 $0x1B, v32;
	v6 =	vld.idx.msk [tilespmem:v60+s4+$0x0], $0xffff;
	[tilespmem:s11+$0x16A70] =	vst v3  }
0x187: {  	v3 =	vor.u32 $0x1B, v33;
	v5 =	vld.idx.msk [tilespmem:v34+s4+$0x0], $0xffff;
	[tilespmem:s12+$0x16A70] =	vst v7  }
0x188: {  	v55 =	vor.u32 $0x1B, v35;
	v9 =	vld.idx.msk [tilespmem:v41+s4+$0x0], $0xffff;
	[tilespmem:s1+$0x16A70] =	vst v10  }
0x189: {  	v56 =	vor.u32 $0x1B, v36;
	v0 =	vld.idx.msk [tilespmem:v0+s4+$0x0], $0xffff;
	[tilespmem:s0+$0x16A70] =	vst v4  }
0x18a: {  	v58 =	vor.u32 $0x1B, v37;
	[tilespmem:s8+$0x18210] =	vst v44;
	v8 =	vld.idx.msk [tilespmem:v50+s4+$0x0], $0xffff  }
0x18b: {  	v60 =	vor.u32 $0x1B, v2;
	v59 =	vld.idx.msk [tilespmem:v54+s4+$0x0], $0xffff;
	[tilespmem:s10+$0x16E60] =	vst v6  }
0x18c: {  	v34 =	vor.u32 $0x1C, v32;
	v3 =	vld.idx.msk [tilespmem:v3+s4+$0x0], $0xffff;
	[tilespmem:s11+$0x16E60] =	vst v5  }
0x18d: {  	v41 =	vor.u32 $0x1C, v33;
	v7 =	vld.idx.msk [tilespmem:v55+s4+$0x0], $0xffff;
	[tilespmem:s12+$0x16E60] =	vst v9  }
0x18e: {  	v44 =	vor.u32 $0x1C, v35;
	v10 =	vld.idx.msk [tilespmem:v56+s4+$0x0], $0xffff;
	[tilespmem:s1+$0x16E60] =	vst v0  }
0x18f: {  	v0 =	vor.u32 $0x1C, v36;
	v4 =	vld.idx.msk [tilespmem:v58+s4+$0x0], $0xffff;
	[tilespmem:s0+$0x16E60] =	vst v8  }
0x190: {  	[tilespmem:s6+$0x17250] =	vst v59;
	v50 =	vor.u32 $0x1C, v37;
	v6 =	vld.idx.msk [tilespmem:v60+s4+$0x0], $0xffff  }
0x191: {  	v11 =	vld.idx.msk [tilespmem:v34+s4+$0x0], $0xffff;
	[tilespmem:s10+$0x17250] =	vst v3;
	v3 =	vor.u32 $0x1C, v2  }
0x192: {  	v54 =	vor.u32 $0x1D, v32;
	v5 =	vld.idx.msk [tilespmem:v41+s4+$0x0], $0xffff;
	[tilespmem:s11+$0x17250] =	vst v7  }
0x193: {  	v55 =	vor.u32 $0x1D, v33;
	v9 =	vld.idx.msk [tilespmem:v44+s4+$0x0], $0xffff;
	[tilespmem:s12+$0x17250] =	vst v10  }
0x194: {  	v56 =	vor.u32 $0x1D, v35;
	v0 =	vld.idx.msk [tilespmem:v0+s4+$0x0], $0xffff;
	[tilespmem:s1+$0x17250] =	vst v4  }
0x195: {  	v58 =	vor.u32 $0x1D, v36;
	v8 =	vld.idx.msk [tilespmem:v50+s4+$0x0], $0xffff;
	[tilespmem:s0+$0x17250] =	vst v6  }
0x196: {  	v59 =	vor.u32 $0x1D, v37;
	[tilespmem:s6+$0x17640] =	vst v11;
	v3 =	vld.idx.msk [tilespmem:v3+s4+$0x0], $0xffff  }
0x197: {  	v60 =	vor.u32 $0x1D, v2;
	v11 =	vld.idx.msk [tilespmem:v54+s4+$0x0], $0xffff;
	[tilespmem:s10+$0x17640] =	vst v5  }
0x198: {  	v34 =	vor.u32 $0x1E, v32;
	v7 =	vld.idx.msk [tilespmem:v55+s4+$0x0], $0xffff;
	[tilespmem:s11+$0x17640] =	vst v9  }
0x199: {  	v41 =	vor.u32 $0x1E, v33;
	v10 =	vld.idx.msk [tilespmem:v56+s4+$0x0], $0xffff;
	[tilespmem:s12+$0x17640] =	vst v0  }
0x19a: {  	v0 =	vor.u32 $0x1E, v35;
	v4 =	vld.idx.msk [tilespmem:v58+s4+$0x0], $0xffff;
	[tilespmem:s1+$0x17640] =	vst v8  }
0x19b: {  	v44 =	vor.u32 $0x1E, v36;
	v6 =	vld.idx.msk [tilespmem:v59+s4+$0x0], $0xffff;
	[tilespmem:s0+$0x17640] =	vst v3  }
0x19c: {  	[tilespmem:s6+$0x17A30] =	vst v11;
	v3 =	vor.u32 $0x1E, v37;
	v5 =	vld.idx.msk [tilespmem:v60+s4+$0x0], $0xffff  }
0x19d: {  	v50 =	vor.u32 $0x1E, v2;
	v11 =	vld.idx.msk [tilespmem:v34+s4+$0x0], $0xffff;
	[tilespmem:s10+$0x17A30] =	vst v7  }
0x19e: {  	v54 =	vor.u32 $0x1F, v32;
	v9 =	vld.idx.msk [tilespmem:v41+s4+$0x0], $0xffff;
	[tilespmem:s11+$0x17A30] =	vst v10  }
0x19f: {  	v55 =	vor.u32 $0x1F, v33;
	v0 =	vld.idx.msk [tilespmem:v0+s4+$0x0], $0xffff;
	[tilespmem:s12+$0x17A30] =	vst v4  }
0x1a0: {  	v56 =	vor.u32 $0x1F, v35;
	v8 =	vld.idx.msk [tilespmem:v44+s4+$0x0], $0xffff;
	[tilespmem:s1+$0x17A30] =	vst v6  }
0x1a1: {  	v58 =	vor.u32 $0x1F, v36;
	v3 =	vld.idx.msk [tilespmem:v3+s4+$0x0], $0xffff;
	[tilespmem:s0+$0x17A30] =	vst v5  }
0x1a2: {  	v59 =	vor.u32 $0x1F, v37;
	[tilespmem:s6+$0x17E20] =	vst v11;
	v7 =	vld.idx.msk [tilespmem:v50+s4+$0x0], $0xffff  }
0x1a3: {  	v2 =	vor.u32 $0x1F, v2;
	v11 =	vld.idx.msk [tilespmem:v54+s4+$0x0], $0xffff;
	[tilespmem:s10+$0x17E20] =	vst v9  }
0x1a4: {  	v9 =	vld.idx.msk [tilespmem:v55+s4+$0x0], $0xffff;
	[tilespmem:s11+$0x17E20] =	vst v0  }
0x1a5: {  	v0 =	vld.idx.msk [tilespmem:v56+s4+$0x0], $0xffff;
	[tilespmem:s12+$0x17E20] =	vst v8  }
0x1a6: {  	v60 =	vld.idx.msk [tilespmem:v58+s4+$0x0], $0xffff;
	[tilespmem:s1+$0x17E20] =	vst v3  }
0x1a7: {  	v3 =	vld.idx.msk [tilespmem:v59+s4+$0x0], $0xffff;
	[tilespmem:s0+$0x17E20] =	vst v7  }
0x1a8: {  	[tilespmem:s6+$0x18210] =	vst v11;
	v2 =	vld.idx.msk [tilespmem:v2+s4+$0x0], $0xffff  }
0x1a9: {  	[tilespmem:s10+$0x18210] =	vst v9  }
0x1aa: {  	[tilespmem:s11+$0x18210] =	vst v0  }
0x1ab: {  	[tilespmem:s12+$0x18210] =	vst v60  }
0x1ac: {  	[tilespmem:s1+$0x18210] =	vst v3  }
0x1ad: {  	[tilespmem:s0+$0x18210] =	vst v2  }
0x1ae: {  	s0 =	sld [smem:$0x7F7];
	_ =	sdelay $0x1  }
0x1af: {  	s6 =	simm.s32 $0x0;
	s16 =	sld [smem:$0x7F8]  }
0x1b0: {  	[tilespmem:s6], [sflag:$0x1] =	stream.linear.gather [hbm4b:s0+s6], $0x200, $0x38;
	[tilespmem:$0x1E600] =	vst v63  }
0x1b1: {  	s17 =	simm.s32 $0x400;
	s18 =	simm.s32 $0x1  }
0x1b2: {  	[tilespmem:s17], [sflag:$0x1] =	stream.linear.gather [hbm4b:s16+s6], $0x200, $0x38;
	[tilespmem:$0x1E600] =	vst v63  }
0x1b3: {  	_ =	swait.ge [sflag:s18], $0x200  }
0x1b4: {  	[sflag:s18] =	ssyncset.done $0x0  }
0x1b5: {  	[sflag:s18] =	ssyncadd.s32 $0xFFFFFE00  }
0x1b6: {  	_ =	swait.ge [sflag:s18], $0x200  }
0x1b7: {  	s19 =	sld [smem:$0x7F5]  }
0x1b8: {  	[sflag:s18] =	ssyncset.done $0x0  }
0x1b9: {  	s20 =	simm.s32 $0x80;
	[sflag:s18] =	ssyncadd.s32 $0xFFFFFE00  }
0x1ba: {  	[tilespmem:s4], [sflag:$0x2] =	stream.indirect.gather [hbm4b:s19+s20], $0x40, s6, s20, $0xb8;
	[tilespmem:$0x1E600] =	vst v63  }
0x1bb: {  	s21 =	simm.s32 $0x2800  }
0x1bc: {  	[tilespmem:s21], [sflag:$0x2] =	stream.indirect.gather [hbm4b:s19+s20], $0x40, s20, s20, $0xb8;
	[tilespmem:$0x1E600] =	vst v63  }
0x1bd: {  	s22 =	simm.s32 $0x100;
	s3 =	simm.s32 $0x4800  }
0x1be: {  	[tilespmem:s3], [sflag:$0x2] =	stream.indirect.gather [hbm4b:s19+s20], $0x40, s22, s20, $0xb8;
	[tilespmem:$0x1E600] =	vst v63  }
0x1bf: {  	s23 =	simm.s32 $0x180;
	s24 =	simm.s32 $0x6800;
	s25 =	sld [smem:$0x7F9]  }
0x1c0: {  	[tilespmem:s24], [sflag:$0x2] =	stream.indirect.gather [hbm4b:s19+s20], $0x40, s23, s20, $0xb8;
	[tilespmem:$0x1E600] =	vst v63  }
0x1c1: {  	s26 =	simm.s32 $0x200;
	s28 =	sld [smem:$0x7FA]  }
0x1c2: {  	[tilespmem:s26], [sflag:$0x1] =	stream.linear.gather [hbm4b:s25+s6], $0x200, $0x38;
	[tilespmem:$0x1E600] =	vst v63  }
0x1c3: {  	s29 =	simm.s32 $0x600  }
0x1c4: {  	[tilespmem:s29], [sflag:$0x1] =	stream.linear.gather [hbm4b:s28+s6], $0x200, $0x38;
	[tilespmem:$0x1E600] =	vst v63  }
.LBB2_4:
0x1c5: {  	s0 =	simm.s32 $0x2  }
0x1c6: {  	_ =	swait.ge [sflag:s0], $0x2000  }
0x1c7: {  	[sflag:s0] =	ssyncset.done $0x0  }
0x1c8: {  	[sflag:s0] =	ssyncadd.s32 $0xFFFFE000  }
0x1c9: {  	_ =	swait.ge [sflag:s0], $0x2000  }
0x1ca: {  	[sflag:s0] =	ssyncset.done $0x0  }
0x1cb: {  	[sflag:s0] =	ssyncadd.s32 $0xFFFFE000  }
0x1cc: {  	_ =	swait.ge [sflag:s0], $0x2000  }
0x1cd: {  	[sflag:s0] =	ssyncset.done $0x0  }
0x1ce: {  	[sflag:s0] =	ssyncadd.s32 $0xFFFFE000  }
0x1cf: {  	_ =	swait.ge [sflag:s0], $0x2000  }
0x1d0: {  	p0 =	seq.s32 s6, $0x31;
	[sflag:s0] =	ssyncset.done $0x0  }
0x1d1: {  	[sflag:s0] =	ssyncadd.s32 $0xFFFFE000;
	s0 =	simm.s32 @!p0 $0x1  }
0x1d2: {  	_ =	swait.ge @!p0 [sflag:s0], $0x200  }
0x1d3: {  	[sflag:s0] =	ssyncset.done @!p0 $0x0  }
0x1d4: {  	[sflag:s0] =	ssyncadd.s32 @!p0 $0xFFFFFE00  }
0x1d5: {  	s8 =	sand.u32 $0x1, s6;
	_ =	swait.ge @!p0 [sflag:s0], $0x200  }
0x1d6: {  	s1 =	sxor.u32 @!p0 $0x1, s8;
	[sflag:s0] =	ssyncset.done @!p0 $0x0;
	s5 =	sld [smem:$0x7F5]  }
0x1d7: {  	[sflag:s0] =	ssyncadd.s32 @!p0 $0xFFFFFE00;
	s0 =	sshll.u32 @!p0 s1, $0xF  }
0x1d8: {  	s3 =	simm.s32 @!p0 $0x80;
	s1 =	sshll.u32 @!p0 s1, $0x9;
	s2 =	sor.u32 @!p0 $0x800, s0  }
0x1d9: {  	[tilespmem:s2], [sflag:$0x2] =	stream.indirect.gather @!p0 [hbm4b:s5+s3], $0x40, s1, s3, $0xb8;
	[tilespmem:$0x1E600] =	vst v63  }
0x1da: {  	s4 =	sor.u32 @!p0 $0x80, s1;
	s2 =	sor.u32 @!p0 $0x2800, s0  }
0x1db: {  	[tilespmem:s2], [sflag:$0x2] =	stream.indirect.gather @!p0 [hbm4b:s5+s3], $0x40, s4, s3, $0xb8;
	[tilespmem:$0x1E600] =	vst v63  }
0x1dc: {  	s2 =	sor.u32 @!p0 $0x4800, s0;
	s4 =	sor.u32 @!p0 $0x100, s1  }
0x1dd: {  	[tilespmem:s2], [sflag:$0x2] =	stream.indirect.gather @!p0 [hbm4b:s5+s3], $0x40, s4, s3, $0xb8;
	[tilespmem:$0x1E600] =	vst v63  }
0x1de: {  	p1 =	seq.s32 @!p0 s6, $0x0;
	s0 =	sor.u32 @!p0 $0x6800, s0;
	s1 =	sor.u32 @!p0 $0x180, s1  }
0x1df: {  	[tilespmem:s0], [sflag:$0x2] =	stream.indirect.gather @!p0 [hbm4b:s5+s3], $0x40, s1, s3, $0xb8;
	[tilespmem:$0x1E600] =	vst v63  }
0x1e0: {  	s17 =	simm.s32 $0x1;
	v59 =	vlaneseq.u32;
	p0 =	por p0, !p1  }
0x1e1: {  	v0 =	vadd.s32 s17, v59;
	s0 =	simm.s32 @p0 $0x3  }
0x1e2: {  	v2 =	vand.u32 $0x3F, v0;
	_ =	swait.ge @p0 [sflag:s0], $0x4000  }
0x1e3: {  	s18 =	simm.s32 $0x3;
	v3 =	vor.u32 v46, v2;
	[sflag:s0] =	ssyncset.done @p0 $0x0  }
0x1e4: {  	s19 =	simm.s32 $0x2;
	v5 =	vadd.s32 s18, v59;
	[sflag:s0] =	ssyncadd.s32 @p0 $0xFFFFC000;
	s0 =	simm.s32 @p0 $0x4  }
0x1e5: {  	v6 =	vadd.s32 s19, v59;
	v4 =	vshll.u32 v0, $0x7;
	v0 =	vshll.u32 v0, $0x8;
	_ =	swait.ge @p0 [sflag:s0], $0x2000  }
0x1e6: {  	s20 =	sshll.u32 s8, $0xF;
	v8 =	vand.u32 $0x3F, v6;
	v0 =	vand.u32 $0x3800, v0;
	v4 =	vand.u32 $0x380, v4;
	[sflag:s0] =	ssyncset.done @p0 $0x0  }
0x1e7: {  	s26 =	sor.u32 $0x800, s20;
	v14 =	vand.u32 $0x3F, v5;
	v7 =	vor.u32 v46, v8;
	v4 =	vor.u32 v4, v0;
	[sflag:s0] =	ssyncadd.s32 @p0 $0xFFFFE000  }
0x1e8: {  	v0 =	vshll.u32 v6, $0x7;
	v6 =	vshll.u32 v6, $0x8;
	v9 =	vor.u32 v59, v4;
	v3 =	vld.idx.msk [tilespmem:v3+s26+$0x0], $0xffff  }
0x1e9: {  	s21 =	simm.s32 $0x0;
	v11 =	vor.u32 v48, v2;
	v0 =	vand.u32 $0x380, v0;
	v6 =	vand.u32 $0x3800, v6  }
0x1ea: {  	v13 =	vadd.s32 s21, v59;
	v60 =	vor.u32 v0, v6;
	v0 =	vor.u32 v46, v14  }
0x1eb: {  	v22 =	vand.u32 $0x3F, v13;
	v10 =	vshll.u32 v5, $0x8  }
0x1ec: {  	v5 =	vshll.u32 v5, $0x7;
	v15 =	vor.u32 v48, v8;
	v6 =	vld.idx.msk [tilespmem:v7+s26+$0x0], $0xffff;
	v7 =	vor.u32 v59, v60  }
0x1ed: {  	v10 =	vand.u32 $0x3800, v10;
	v5 =	vand.u32 $0x380, v5;
	v16 =	vor.u32 v46, v22;
	[tilespmem:v9+s30+$0x0] =	vst.idx.msk $0xffff, v3  }
0x1ee: {  	v18 =	vor.u32 v53, v2;
	v10 =	vor.u32 v5, v10;
	v9 =	vor.u32 v47, v4;
	v5 =	vld.idx.msk [tilespmem:v11+s26+$0x0], $0xffff  }
0x1ef: {  	v0 =	vld.idx.msk [tilespmem:v0+s26+$0x0], $0xffff;
	v3 =	vshll.u32 v13, $0x7;
	v11 =	vshll.u32 v13, $0x8;
	v13 =	vor.u32 v59, v10;
	_ =	sdelay $0x1  }
0x1f0: {  	v20 =	vor.u32 v48, v14;
	[tilespmem:v7+s30+$0x0] =	vst.idx.msk $0xffff, v6;
	v3 =	vand.u32 $0x380, v3;
	v11 =	vand.u32 $0x3800, v11  }
0x1f1: {  	v7 =	vor.u32 v47, v60;
	v6 =	vor.u32 v3, v11;
	v3 =	vld.idx.msk [tilespmem:v15+s26+$0x0], $0xffff  }
0x1f2: {  	v15 =	vld.idx.msk [tilespmem:v16+s26+$0x0], $0xffff;
	v16 =	vor.u32 v53, v8;
	v11 =	vor.u32 v59, v6;
	[tilespmem:v9+s30+$0x0] =	vst.idx.msk $0xffff, v5  }
0x1f3: {  	v24 =	vor.u32 v48, v22;
	[tilespmem:v13+s30+$0x0] =	vst.idx.msk $0xffff, v0;
	v5 =	vor.u32 v63, v4;
	v0 =	vld.idx.msk [tilespmem:v18+s26+$0x0], $0xffff  }
0x1f4: {  	v18 =	vor.u32 v51, v2  }
0x1f5: {  	v9 =	vor.u32 v47, v10;
	v13 =	vld.idx.msk [tilespmem:v20+s26+$0x0], $0xffff  }
0x1f6: {  	[tilespmem:v7+s30+$0x0] =	vst.idx.msk $0xffff, v3;
	v3 =	vor.u32 v53, v14  }
0x1f7: {  	[tilespmem:v11+s30+$0x0] =	vst.idx.msk $0xffff, v15;
	v7 =	vld.idx.msk [tilespmem:v16+s26+$0x0], $0xffff;
	v11 =	vor.u32 v63, v60  }
0x1f8: {  	v20 =	vor.u32 v51, v8;
	v15 =	vor.u32 v47, v6;
	v16 =	vld.idx.msk [tilespmem:v24+s26+$0x0], $0xffff;
	[tilespmem:v5+s30+$0x0] =	vst.idx.msk $0xffff, v0  }
0x1f9: {  	v24 =	vor.u32 v53, v22;
	v5 =	vor.u32 v27, v4;
	v0 =	vld.idx.msk [tilespmem:v18+s26+$0x0], $0xffff  }
0x1fa: {  	[tilespmem:v9+s30+$0x0] =	vst.idx.msk $0xffff, v13;
	v13 =	vor.u32 v52, v2  }
0x1fb: {  	v9 =	vor.u32 v63, v10;
	v3 =	vld.idx.msk [tilespmem:v3+s26+$0x0], $0xffff  }
0x1fc: {  	[tilespmem:v11+s30+$0x0] =	vst.idx.msk $0xffff, v7;
	v7 =	vor.u32 v51, v14  }
0x1fd: {  	[tilespmem:v15+s30+$0x0] =	vst.idx.msk $0xffff, v16;
	v11 =	vld.idx.msk [tilespmem:v20+s26+$0x0], $0xffff;
	v15 =	vor.u32 v27, v60  }
0x1fe: {  	v16 =	vor.u32 v63, v6;
	v18 =	vld.idx.msk [tilespmem:v24+s26+$0x0], $0xffff;
	[tilespmem:v5+s30+$0x0] =	vst.idx.msk $0xffff, v0  }
0x1ff: {  	v20 =	vor.u32 v52, v8;
	v5 =	vor.u32 v21, v4;
	v0 =	vld.idx.msk [tilespmem:v13+s26+$0x0], $0xffff  }
0x200: {  	v24 =	vor.u32 v51, v22;
	[tilespmem:v9+s30+$0x0] =	vst.idx.msk $0xffff, v3  }
0x201: {  	v3 =	vor.u32 v27, v10;
	v7 =	vld.idx.msk [tilespmem:v7+s26+$0x0], $0xffff  }
0x202: {  	v9 =	vor.u32 v49, v2;
	[tilespmem:v15+s30+$0x0] =	vst.idx.msk $0xffff, v11  }
0x203: {  	v11 =	vor.u32 v52, v14;
	[tilespmem:v16+s30+$0x0] =	vst.idx.msk $0xffff, v18  }
0x204: {  	v15 =	vor.u32 v21, v60;
	v13 =	vld.idx.msk [tilespmem:v20+s26+$0x0], $0xffff;
	[tilespmem:v5+s30+$0x0] =	vst.idx.msk $0xffff, v0;
	v0 =	vor.u32 v1, v22  }
0x205: {  	v16 =	vor.u32 v27, v6;
	v20 =	vld.idx.msk [tilespmem:v24+s26+$0x0], $0xffff;
	v24 =	vor.u32 v49, v8;
	[tilespmem:$0x1FDD0] =	vst v0  }
0x206: {  	[tilespmem:v3+s30+$0x0] =	vst.idx.msk $0xffff, v7;
	v7 =	vor.u32 v25, v60  }
0x207: {  	v26 =	vor.u32 v52, v22;
	v5 =	vor.u32 v57, v4;
	v0 =	vld.idx.msk [tilespmem:v9+s26+$0x0], $0xffff;
	[tilespmem:$0x1FD30] =	vst v7  }
0x208: {  	v7 =	vor.u32 v21, v10;
	v9 =	vld.idx.msk [tilespmem:v11+s26+$0x0], $0xffff  }
0x209: {  	v17 =	vmov v19;
	v19 =	vld [tilespmem:$0x1FF10];
	[tilespmem:v15+s30+$0x0] =	vst.idx.msk $0xffff, v13  }
0x20a: {  	[tilespmem:v16+s30+$0x0] =	vst.idx.msk $0xffff, v20;
	v20 =	vld.idx.msk [tilespmem:v24+s26+$0x0], $0xffff;
	v24 =	vor.u32 v57, v60  }
0x20b: {  	v13 =	vor.u32 v49, v14  }
0x20c: {  	v33 =	vor.u32 v31, v8;
	v11 =	vor.u32 v21, v6;
	v26 =	vld.idx.msk [tilespmem:v26+s26+$0x0], $0xffff;
	[tilespmem:v5+s30+$0x0] =	vst.idx.msk $0xffff, v0  }
0x20d: {  	v34 =	vor.u32 v31, v22;
	v0 =	vor.u32 v39, v22;
	[tilespmem:v7+s30+$0x0] =	vst.idx.msk $0xffff, v9  }
0x20e: {  	v35 =	vor.u32 v31, v2;
	v36 =	vor.u32 v38, v2;
	v15 =	vor.u32 v49, v22;
	[tilespmem:$0x1FDF0] =	vst v0  }
0x20f: {  	v32 =	vor.u32 v45, v14;
	v0 =	vor.u32 v62, v22;
	[tilespmem:v24+s30+$0x0] =	vst.idx.msk $0xffff, v20  }
0x210: {  	v58 =	vor.u32 v61, v2;
	v28 =	vor.u32 v57, v10;
	v13 =	vld.idx.msk [tilespmem:v13+s26+$0x0], $0xffff;
	[tilespmem:$0x1FDC0] =	vst v0  }
0x211: {  	v24 =	vor.u32 v31, v14;
	v0 =	vor.u32 v40, v22;
	[tilespmem:v11+s30+$0x0] =	vst.idx.msk $0xffff, v26  }
0x212: {  	v29 =	vmov v27;
	v54 =	vor.u32 v42, v60;
	v55 =	vld.idx.msk [tilespmem:v33+s26+$0x0], $0xffff;
	[tilespmem:$0x1FDE0] =	vst v0;
	v0 =	vor.u32 v23, v22  }
0x213: {  	v12 =	vmov v21;
	v41 =	vor.u32 v43, v4;
	v30 =	vor.u32 v57, v6;
	v15 =	vld.idx.msk [tilespmem:v15+s26+$0x0], $0xffff;
	[tilespmem:$0x1FD90] =	vst v0  }
0x214: {  	v37 =	vor.u32 v42, v6;
	v50 =	vor.u32 v17, v6;
	v18 =	vmovc v1;
	v21 =	vmov v38;
	[tilespmem:$0x1FD40] =	vst v32  }
0x215: {  	v27 =	vmov v43;
	v1 =	vor.u32 v17, v60;
	v11 =	vor.u32 v21, v8;
	[tilespmem:v28+s30+$0x0] =	vst.idx.msk $0xffff, v13  }
0x216: {  	s22 =	simm.s32 $0x4;
	v56 =	vor.u32 v21, v14;
	v5 =	vor.u32 v43, v60;
	v26 =	vor.u32 v42, v10;
	v24 =	vld.idx.msk [tilespmem:v24+s26+$0x0], $0xffff  }
0x217: {  	v57 =	vadd.s32 s22, v59;
	v7 =	vor.u32 v38, v22;
	v9 =	vor.u32 v42, v4;
	v44 =	vld [tilespmem:$0x1FE10];
	[tilespmem:v54+s30+$0x0] =	vst.idx.msk $0xffff, v55  }
0x218: {  	v20 =	vmov v40;
	v31 =	vmov v17;
	v40 =	vor.u32 v43, v6;
	v35 =	vld.idx.msk [tilespmem:v35+s26+$0x0], $0xffff;
	[tilespmem:v30+s30+$0x0] =	vst.idx.msk $0xffff, v15  }
0x219: {  	v43 =	vor.u32 v43, v10;
	v33 =	vmov v19;
	v42 =	vor.u32 v61, v8;
	v30 =	vld.idx.msk [tilespmem:v34+s26+$0x0], $0xffff;
	[tilespmem:$0x1FDB0] =	vst v1  }
0x21a: {  	s23 =	simm.s32 $0x5;
	v17 =	vmovc v53;
	v49 =	vor.u32 v33, v10;
	v32 =	vor.u32 v61, v22;
	v34 =	vand.u32 $0x3F, v57;
	v11 =	vld.idx.msk [tilespmem:v11+s26+$0x0], $0xffff  }
0x21b: {  	v53 =	vadd.s32 s23, v59;
	v0 =	vmovc v23;
	v23 =	vmov v52;
	[tilespmem:v26+s30+$0x0] =	vst.idx.msk $0xffff, v24;
	v26 =	vor.u32 v18, v34  }
0x21c: {  	s24 =	simm.s32 $0x7;
	v52 =	vshll.u32 v57, $0x7;
	v54 =	vor.u32 v61, v14;
	v1 =	vmovc v45;
	v45 =	vor.u32 v33, v60;
	[tilespmem:$0x1FD50] =	vst v26  }
0x21d: {  	v16 =	vmovc v39;
	v24 =	vshll.u32 v57, $0x8;
	v57 =	vshll.u32 v53, $0x8;
	v26 =	vadd.s32 s24, v59;
	v39 =	vld.idx.msk [tilespmem:v56+s26+$0x0], $0xffff;
	[tilespmem:v9+s30+$0x0] =	vst.idx.msk $0xffff, v35  }
0x21e: {  	v9 =	vand.u32 $0x3800, v24;
	v24 =	vshll.u32 v53, $0x7;
	v56 =	vshll.u32 v26, $0x8;
	v55 =	vld.idx.msk [tilespmem:v36+s26+$0x0], $0xffff;
	[tilespmem:v37+s30+$0x0] =	vst.idx.msk $0xffff, v30  }
0x21f: {  	s25 =	simm.s32 $0x6;
	v35 =	vmovc v12;
	v12 =	vand.u32 $0x3F, v53;
	v36 =	vand.u32 $0x3F, v26;
	v53 =	vand.u32 $0x3800, v56;
	[tilespmem:v5+s30+$0x0] =	vst.idx.msk $0xffff, v11;
	v7 =	vld.idx.msk [tilespmem:v7+s26+$0x0], $0xffff  }
0x220: {  	v30 =	vand.u32 $0x380, v52;
	v52 =	vadd.s32 s25, v59;
	v11 =	vshll.u32 v26, $0x7;
	v26 =	vld.idx.msk [tilespmem:v42+s26+$0x0], $0xffff  }
0x221: {  	v37 =	vor.u32 v30, v9;
	v9 =	vand.u32 $0x380, v24;
	v24 =	vor.u32 v46, v12  }
0x222: {  	v5 =	vand.u32 $0x3800, v57;
	v11 =	vand.u32 $0x380, v11;
	v42 =	vand.u32 $0x3F, v52;
	[tilespmem:v43+s30+$0x0] =	vst.idx.msk $0xffff, v39  }
0x223: {  	v43 =	vor.u32 v9, v5;
	v5 =	vshll.u32 v52, $0x7;
	v9 =	vshll.u32 v52, $0x8;
	[tilespmem:v41+s30+$0x0] =	vst.idx.msk $0xffff, v55  }
0x224: {  	v39 =	vld.idx.msk [tilespmem:v54+s26+$0x0], $0xffff;
	v41 =	vor.u32 v11, v53;
	v11 =	vor.u32 v46, v42;
	[tilespmem:v40+s30+$0x0] =	vst.idx.msk $0xffff, v7  }
0x225: {  	v28 =	vor.u32 v44, v14;
	v5 =	vand.u32 $0x380, v5;
	v7 =	vand.u32 $0x3800, v9;
	[tilespmem:v45+s30+$0x0] =	vst.idx.msk $0xffff, v26;
	v26 =	vld.idx.msk [tilespmem:v32+s26+$0x0], $0xffff  }
0x226: {  	v3 =	vor.u32 v19, v6;
	v45 =	vor.u32 v5, v7;
	v5 =	vld.idx.msk [tilespmem:v24+s26+$0x0], $0xffff  }
0x227: {  	v9 =	vor.u32 v46, v36;
	v7 =	vor.u32 v59, v43;
	v24 =	vld.idx.msk [tilespmem:v58+s26+$0x0], $0xffff;
	v58 =	vor.u32 v33, v37  }
0x228: {  	v15 =	vor.u32 v44, v22;
	[tilespmem:$0x1FD60] =	vst v58  }
0x229: {  	v13 =	vor.u32 v19, v4;
	v22 =	vor.u32 v1, v22;
	[tilespmem:v49+s30+$0x0] =	vst.idx.msk $0xffff, v39;
	v11 =	vld.idx.msk [tilespmem:v11+s26+$0x0], $0xffff  }
0x22a: {  	v53 =	vor.u32 v31, v10;
	v28 =	vld.idx.msk [tilespmem:v28+s26+$0x0], $0xffff;
	[tilespmem:$0x1FE00] =	vst v22  }
0x22b: {  	v30 =	vor.u32 v46, v34;
	v46 =	vmov v25;
	v40 =	vor.u32 v25, v45;
	v25 =	vld [tilespmem:$0x1FE20];
	[tilespmem:v3+s30+$0x0] =	vst.idx.msk $0xffff, v26  }
0x22c: {  	v9 =	vld.idx.msk [tilespmem:v9+s26+$0x0], $0xffff;
	[tilespmem:v7+s30+$0x0] =	vst.idx.msk $0xffff, v5;
	v7 =	vor.u32 v46, v10  }
0x22d: {  	v5 =	vld.idx.msk [tilespmem:v15+s26+$0x0], $0xffff;
	[tilespmem:$0x1FD70] =	vst v7  }
0x22e: {  	[tilespmem:v13+s30+$0x0] =	vst.idx.msk $0xffff, v24  }
0x22f: {  	[tilespmem:v53+s30+$0x0] =	vst.idx.msk $0xffff, v28  }
0x230: {  	v32 =	vor.u32 v48, v12;
	v39 =	vld [tilespmem:$0x1FF90]  }
0x231: {  	v49 =	vor.u32 v44, v2  }
0x232: {  	v57 =	vor.u32 v59, v45  }
0x233: {  	v52 =	vor.u32 v59, v41;
	_ =	sdelay $0x1  }
0x234: {  	v3 =	vor.u32 v0, v14;
	v7 =	vld.idx.msk [tilespmem:v32+s26+$0x0], $0xffff;
	v13 =	vor.u32 v47, v43;
	v28 =	vor.u32 v39, v60  }
0x235: {  	v15 =	vld.idx.msk [tilespmem:v49+s26+$0x0], $0xffff;
	[tilespmem:$0x1FD80] =	vst v28  }
0x236: {  	[tilespmem:v57+s30+$0x0] =	vst.idx.msk $0xffff, v11  }
0x237: {  	v19 =	vmov v51;
	v51 =	vor.u32 v44, v8;
	[tilespmem:v52+s30+$0x0] =	vst.idx.msk $0xffff, v9  }
0x238: {  	v58 =	vor.u32 v48, v42;
	v49 =	vor.u32 v31, v4;
	v28 =	vld.idx.msk [tilespmem:v30+s26+$0x0], $0xffff;
	[tilespmem:v50+s30+$0x0] =	vst.idx.msk $0xffff, v5  }
0x239: {  	v56 =	vor.u32 v59, v37;
	v30 =	vor.u32 v17, v12;
	v3 =	vld.idx.msk [tilespmem:v3+s26+$0x0], $0xffff;
	[tilespmem:v13+s30+$0x0] =	vst.idx.msk $0xffff, v7  }
0x23a: {  	v54 =	vor.u32 v0, v8;
	v33 =	vmovc v0;
	v11 =	vor.u32 v0, v2;
	v9 =	vor.u32 v25, v10;
	v0 =	vld [tilespmem:$0x1FD90];
	_ =	sdelay $0x1  }
0x23b: {  	v26 =	vor.u32 v48, v34;
	v5 =	vld.idx.msk [tilespmem:v51+s26+$0x0], $0xffff  }
0x23c: {  	v57 =	vor.u32 v47, v45;
	v53 =	vld.idx.msk [tilespmem:v58+s26+$0x0], $0xffff;
	[tilespmem:v49+s30+$0x0] =	vst.idx.msk $0xffff, v15  }
0x23d: {  	v30 =	vld.idx.msk [tilespmem:v30+s26+$0x0], $0xffff;
	[tilespmem:v56+s30+$0x0] =	vst.idx.msk $0xffff, v28  }
0x23e: {  	v11 =	vld.idx.msk [tilespmem:v11+s26+$0x0], $0xffff;
	[tilespmem:v9+s30+$0x0] =	vst.idx.msk $0xffff, v3  }
0x23f: {  	v22 =	vmov v16;
	v24 =	vor.u32 v16, v14;
	v16 =	vld [tilespmem:$0x1FF60]  }
0x240: {  	v9 =	vld.idx.msk [tilespmem:v26+s26+$0x0], $0xffff  }
0x241: {  	[tilespmem:v57+s30+$0x0] =	vst.idx.msk $0xffff, v53;
	v51 =	vld.idx.msk [tilespmem:v0+s26+$0x0], $0xffff;
	v0 =	vor.u32 v46, v4  }
0x242: {  	[tilespmem:$0x1FDA0] =	vst v0;
	v0 =	vld [tilespmem:$0x1FDB0]  }
0x243: {  	v28 =	vor.u32 v63, v43  }
0x244: {  	v55 =	vor.u32 v25, v6;
	_ =	sdelay $0x1  }
0x245: {  	v59 =	vor.u32 v25, v4;
	_ =	sdelay $0x1  }
0x246: {  	[tilespmem:v28+s30+$0x0] =	vst.idx.msk $0xffff, v30  }
0x247: {  	[tilespmem:v55+s30+$0x0] =	vst.idx.msk $0xffff, v51  }
0x248: {  	v15 =	vor.u32 v17, v42;
	[tilespmem:v0+s30+$0x0] =	vst.idx.msk $0xffff, v5  }
0x249: {  	v13 =	vor.u32 v48, v36;
	v46 =	vld [tilespmem:$0x1FE30];
	[tilespmem:v59+s30+$0x0] =	vst.idx.msk $0xffff, v11  }
0x24a: {  	v7 =	vor.u32 v47, v37;
	v26 =	vor.u32 v19, v12;
	v0 =	vld [tilespmem:$0x1FDC0]  }
0x24b: {  	v56 =	vor.u32 v62, v14  }
0x24c: {  	v50 =	vor.u32 v62, v2  }
0x24d: {  	v15 =	vld.idx.msk [tilespmem:v15+s26+$0x0], $0xffff;
	v51 =	vor.u32 v63, v45  }
0x24e: {  	v32 =	vor.u32 v47, v41;
	v52 =	vor.u32 v20, v14;
	v5 =	vld.idx.msk [tilespmem:v13+s26+$0x0], $0xffff  }
0x24f: {  	[tilespmem:v7+s30+$0x0] =	vst.idx.msk $0xffff, v9;
	v9 =	vor.u32 v18, v14;
	v14 =	vld.idx.msk [tilespmem:v26+s26+$0x0], $0xffff;
	v26 =	vor.u32 v29, v43  }
0x250: {  	v28 =	vld.idx.msk [tilespmem:v56+s26+$0x0], $0xffff;
	v30 =	vor.u32 v46, v10  }
0x251: {  	v48 =	vld.idx.msk [tilespmem:v50+s26+$0x0], $0xffff;
	v59 =	vor.u32 v46, v4  }
0x252: {  	[tilespmem:v51+s30+$0x0] =	vst.idx.msk $0xffff, v15;
	v56 =	vor.u32 v46, v6;
	v0 =	vld.idx.msk [tilespmem:v0+s26+$0x0], $0xffff  }
0x253: {  	[tilespmem:v32+s30+$0x0] =	vst.idx.msk $0xffff, v5  }
0x254: {  	v38 =	vmov v63;
	v13 =	vor.u32 v63, v41;
	v7 =	vor.u32 v63, v37;
	v63 =	vld [tilespmem:$0x1FFE0];
	[tilespmem:v26+s30+$0x0] =	vst.idx.msk $0xffff, v14  }
0x255: {  	v3 =	vor.u32 v17, v34;
	[tilespmem:v30+s30+$0x0] =	vst.idx.msk $0xffff, v28  }
0x256: {  	[tilespmem:v59+s30+$0x0] =	vst.idx.msk $0xffff, v48  }
0x257: {  	v55 =	vor.u32 v17, v36;
	[tilespmem:v56+s30+$0x0] =	vst.idx.msk $0xffff, v0  }
0x258: {  	v11 =	vor.u32 v19, v42;
	v1 =	vld [tilespmem:$0x1FDD0];
	_ =	sdelay $0x1  }
0x259: {  	v57 =	vor.u32 v23, v12;
	v3 =	vld.idx.msk [tilespmem:v3+s26+$0x0], $0xffff;
	_ =	sdelay $0x1  }
0x25a: {  	v30 =	vld.idx.msk [tilespmem:v55+s26+$0x0], $0xffff  }
0x25b: {  	v0 =	vld.idx.msk [tilespmem:v11+s26+$0x0], $0xffff;
	v11 =	vor.u32 v29, v45  }
0x25c: {  	v14 =	vor.u32 v63, v10;
	v9 =	vld.idx.msk [tilespmem:v9+s26+$0x0], $0xffff  }
0x25d: {  	v55 =	vor.u32 v18, v2;
	v56 =	vor.u32 v35, v43;
	[tilespmem:v7+s30+$0x0] =	vst.idx.msk $0xffff, v3;
	v7 =	vld.idx.msk [tilespmem:v57+s26+$0x0], $0xffff  }
0x25e: {  	v53 =	vor.u32 v18, v8;
	v5 =	vor.u32 v19, v34;
	v50 =	vor.u32 v63, v6;
	v18 =	vld.idx.msk [tilespmem:v1+s26+$0x0], $0xffff  }
0x25f: {  	[tilespmem:v13+s30+$0x0] =	vst.idx.msk $0xffff, v30  }
0x260: {  	v26 =	vor.u32 v19, v36;
	[tilespmem:v11+s30+$0x0] =	vst.idx.msk $0xffff, v0  }
0x261: {  	v28 =	vor.u32 v29, v41;
	v3 =	vor.u32 v29, v37;
	v29 =	vld [tilespmem:$0x1FEB0];
	[tilespmem:v14+s30+$0x0] =	vst.idx.msk $0xffff, v9  }
0x262: {  	v48 =	vor.u32 v23, v42;
	v30 =	vld.idx.msk [tilespmem:v55+s26+$0x0], $0xffff;
	[tilespmem:v56+s30+$0x0] =	vst.idx.msk $0xffff, v7  }
0x263: {  	v59 =	vor.u32 v63, v4;
	v0 =	vld.idx.msk [tilespmem:v5+s26+$0x0], $0xffff;
	[tilespmem:v50+s30+$0x0] =	vst.idx.msk $0xffff, v18  }
0x264: {  	v19 =	vld [tilespmem:$0x1FDE0];
	_ =	sdelay $0x1  }
0x265: {  	v14 =	vld.idx.msk [tilespmem:v26+s26+$0x0], $0xffff  }
0x266: {  	v18 =	vld.idx.msk [tilespmem:v48+s26+$0x0], $0xffff;
	v48 =	vor.u32 v35, v45  }
0x267: {  	[tilespmem:v59+s30+$0x0] =	vst.idx.msk $0xffff, v30  }
0x268: {  	[tilespmem:v3+s30+$0x0] =	vst.idx.msk $0xffff, v0  }
0x269: {  	v51 =	vor.u32 v22, v8;
	v11 =	vor.u32 v46, v60;
	v46 =	vmovc v22;
	v5 =	vor.u32 v29, v12;
	v22 =	vld [tilespmem:$0x1FFA0]  }
0x26a: {  	v15 =	vor.u32 v63, v60;
	v63 =	vld.idx.msk [tilespmem:v54+s26+$0x0], $0xffff;
	v26 =	vor.u32 v20, v2;
	[tilespmem:v28+s30+$0x0] =	vst.idx.msk $0xffff, v14  }
0x26b: {  	v17 =	vmov v20;
	v32 =	vor.u32 v20, v8;
	[tilespmem:v48+s30+$0x0] =	vst.idx.msk $0xffff, v18;
	v20 =	vld.idx.msk [tilespmem:v19+s26+$0x0], $0xffff  }
0x26c: {  	v1 =	vor.u32 v25, v60;
	v19 =	vld [tilespmem:$0x1FF80]  }
0x26d: {  	v30 =	vor.u32 v16, v6  }
0x26e: {  	v5 =	vld.idx.msk [tilespmem:v5+s26+$0x0], $0xffff;
	v0 =	vor.u32 v22, v43  }
0x26f: {  	v13 =	vor.u32 v23, v34;
	v26 =	vld.idx.msk [tilespmem:v26+s26+$0x0], $0xffff;
	v14 =	vor.u32 v16, v4  }
0x270: {  	v56 =	vor.u32 v16, v10;
	v57 =	vld.idx.msk [tilespmem:v52+s26+$0x0], $0xffff  }
0x271: {  	v58 =	vor.u32 v62, v8;
	v52 =	vor.u32 v19, v8;
	v8 =	vld [tilespmem:$0x1FEC0];
	[tilespmem:v1+s30+$0x0] =	vst.idx.msk $0xffff, v63  }
0x272: {  	v49 =	vor.u32 v23, v36;
	[tilespmem:v30+s30+$0x0] =	vst.idx.msk $0xffff, v20  }
0x273: {  	[tilespmem:v0+s30+$0x0] =	vst.idx.msk $0xffff, v5  }
0x274: {  	v9 =	vor.u32 v35, v41;
	v55 =	vor.u32 v29, v42;
	v13 =	vld.idx.msk [tilespmem:v13+s26+$0x0], $0xffff;
	[tilespmem:v14+s30+$0x0] =	vst.idx.msk $0xffff, v26  }
0x275: {  	v7 =	vor.u32 v35, v37;
	v35 =	vor.u32 v46, v2;
	v0 =	vld [tilespmem:$0x1FDF0];
	[tilespmem:v56+s30+$0x0] =	vst.idx.msk $0xffff, v57  }
0x276: {  	v26 =	vor.u32 v19, v2;
	v2 =	vld [tilespmem:$0x1FED0];
	v18 =	vor.u32 v8, v12  }
0x277: {  	v1 =	vld.idx.msk [tilespmem:v49+s26+$0x0], $0xffff  }
0x278: {  	v3 =	vor.u32 v29, v34;
	v50 =	vld.idx.msk [tilespmem:v58+s26+$0x0], $0xffff  }
0x279: {  	v20 =	vld.idx.msk [tilespmem:v55+s26+$0x0], $0xffff;
	v30 =	vor.u32 v22, v45  }
0x27a: {  	v4 =	vor.u32 v39, v4;
	v58 =	vld.idx.msk [tilespmem:v35+s26+$0x0], $0xffff  }
0x27b: {  	v5 =	vor.u32 v29, v36;
	[tilespmem:v7+s30+$0x0] =	vst.idx.msk $0xffff, v13;
	v56 =	vor.u32 v2, v43;
	v55 =	vld.idx.msk [tilespmem:v18+s26+$0x0], $0xffff  }
0x27c: {  	[tilespmem:v9+s30+$0x0] =	vst.idx.msk $0xffff, v1  }
0x27d: {  	[tilespmem:v11+s30+$0x0] =	vst.idx.msk $0xffff, v50;
	v50 =	vld.idx.msk [tilespmem:v3+s26+$0x0], $0xffff  }
0x27e: {  	v14 =	vor.u32 v8, v42;
	[tilespmem:v30+s30+$0x0] =	vst.idx.msk $0xffff, v20;
	v59 =	vld.idx.msk [tilespmem:v0+s26+$0x0], $0xffff  }
0x27f: {  	v47 =	vor.u32 v16, v60;
	v16 =	vor.u32 v39, v6;
	[tilespmem:v4+s30+$0x0] =	vst.idx.msk $0xffff, v58;
	v18 =	vld.idx.msk [tilespmem:v24+s26+$0x0], $0xffff  }
0x280: {  	v25 =	vmov v38;
	v38 =	vor.u32 v22, v41;
	v24 =	vld.idx.msk [tilespmem:v5+s26+$0x0], $0xffff;
	[tilespmem:v56+s30+$0x0] =	vst.idx.msk $0xffff, v55  }
0x281: {  	v1 =	vld [tilespmem:$0x1FFF0]  }
0x282: {  	v7 =	vld.idx.msk [tilespmem:v53+s26+$0x0], $0xffff  }
0x283: {  	v11 =	vor.u32 v2, v45;
	v48 =	vld.idx.msk [tilespmem:v14+s26+$0x0], $0xffff  }
0x284: {  	v3 =	vld.idx.msk [tilespmem:v26+s26+$0x0], $0xffff;
	[tilespmem:v16+s30+$0x0] =	vst.idx.msk $0xffff, v59  }
0x285: {  	v29 =	vmov v8;
	v9 =	vor.u32 v21, v12;
	v26 =	vld [tilespmem:$0x1FF10];
	[tilespmem:v38+s30+$0x0] =	vst.idx.msk $0xffff, v24  }
0x286: {  	v13 =	vor.u32 v29, v36;
	v14 =	vor.u32 v1, v6;
	v1 =	vld [tilespmem:$0x1FE00]  }
0x287: {  	v54 =	vor.u32 v8, v34;
	v8 =	vor.u32 v39, v10;
	v10 =	vor.u32 v21, v42  }
0x288: {  	v63 =	vor.u32 v22, v37;
	[tilespmem:v11+s30+$0x0] =	vst.idx.msk $0xffff, v48  }
0x289: {  	[tilespmem:v15+s30+$0x0] =	vst.idx.msk $0xffff, v7  }
0x28a: {  	v28 =	vor.u32 v27, v45;
	v4 =	vld.idx.msk [tilespmem:v9+s26+$0x0], $0xffff;
	s28 =	sld [smem:$0x7FB]  }
0x28b: {  	v49 =	vor.u32 v46, v34;
	v22 =	vor.u32 v31, v45;
	v57 =	vor.u32 v21, v34;
	v13 =	vld.idx.msk [tilespmem:v13+s26+$0x0], $0xffff  }
0x28c: {  	v35 =	vor.u32 v62, v34;
	v62 =	vor.u32 v61, v12;
	v39 =	vor.u32 v17, v34;
	v11 =	vld.idx.msk [tilespmem:v10+s26+$0x0], $0xffff  }
0x28d: {  	v20 =	vor.u32 v19, v36;
	v6 =	vor.u32 v27, v43;
	[tilespmem:v63+s30+$0x0] =	vst.idx.msk $0xffff, v50;
	v16 =	vld.idx.msk [tilespmem:v32+s26+$0x0], $0xffff;
	s0 =	sadd.s32 s28, s6  }
0x28e: {  	v30 =	vor.u32 v44, v36;
	v58 =	vor.u32 v27, v37;
	v0 =	vor.u32 v2, v37;
	v53 =	vld.idx.msk [tilespmem:v1+s26+$0x0], $0xffff;
	[smem:$0x7F0] =	sst s0  }
0x28f: {  	s29 =	sadd.s32 $0x1, s6;
	v5 =	vor.u32 v2, v41;
	v2 =	vor.u32 v33, v34;
	v56 =	vor.u32 v44, v34;
	[smem:$0x7F2] =	sst s6  }
0x290: {  	v59 =	vor.u32 v61, v34;
	v9 =	vor.u32 v61, v42;
	v24 =	vor.u32 v31, v37;
	s0 =	sshrl.u32 s0, $0x3;
	[smem:$0x7F3] =	sst s29  }
0x291: {  	v7 =	vor.u32 v27, v41;
	v15 =	vor.u32 v21, v36;
	v55 =	vor.u32 v26, v43;
	[smem:$0x7F1] =	sst s0  }
0x292: {  	s1 =	simm.s32 $0x8;
	v10 =	vmov v44;
	v61 =	vor.u32 v26, v41;
	v63 =	vld.idx.msk [tilespmem:v54+s26+$0x0], $0xffff;
	[tilespmem:v6+s30+$0x0] =	vst.idx.msk $0xffff, v4  }
.LBB2_5:
0x293: {  	v1 =	vld [tilespmem:$0x1FDA0];
	_ =	sdelay $0x1  }
0x294: {  	v50 =	vld [tilespmem:$0x1FF40]  }
0x295: {  	v27 =	vld [tilespmem:$0x1FF00]  }
0x296: {  	v44 =	vld [tilespmem:$0x1FF70]  }
0x297: {  	[tilespmem:$0x1FCF0] =	vst v49;
	v38 =	vld [tilespmem:$0x1FF90]  }
0x298: {  	[tilespmem:v5+s30+$0x0] =	vst.idx.msk $0xffff, v13;
	v31 =	vld [tilespmem:$0x1FF50]  }
0x299: {  	v23 =	vlaneseq.u32;
	s3 =	sadd.s32 $0x3, s1;
	[tilespmem:v28+s30+$0x0] =	vst.idx.msk $0xffff, v11;
	v11 =	vld.idx.msk [tilespmem:v15+s26+$0x0], $0xffff  }
0x29a: {  	v17 =	vor.u32 v26, v45;
	v21 =	vadd.s32 s1, v23;
	v48 =	vadd.s32 s3, v23;
	[tilespmem:v1+s30+$0x0] =	vst.idx.msk $0xffff, v3;
	v1 =	vld [tilespmem:$0x1FD50]  }
0x29b: {  	s2 =	sadd.s32 $0x1, s1;
	v60 =	vmovc v36;
	v4 =	vmovc v37;
	v49 =	vshll.u32 v48, $0x8;
	v36 =	vand.u32 $0x3F, v48;
	[tilespmem:v8+s30+$0x0] =	vst.idx.msk $0xffff, v18;
	v18 =	vshll.u32 v48, $0x7;
	v48 =	vld [tilespmem:$0x1FFF0]  }
0x29c: {  	v26 =	vmovc v35;
	[tilespmem:v14+s30+$0x0] =	vst.idx.msk $0xffff, v53;
	v35 =	vadd.s32 s2, v23;
	v37 =	vshll.u32 v21, $0x7;
	v46 =	vshll.u32 v21, $0x8;
	v9 =	vld.idx.msk [tilespmem:v9+s26+$0x0], $0xffff  }
0x29d: {  	v13 =	vshll.u32 v35, $0x7;
	v5 =	vand.u32 $0x3800, v46;
	v33 =	vand.u32 $0x380, v37;
	[tilespmem:v0+s30+$0x0] =	vst.idx.msk $0xffff, v63;
	v0 =	vld [tilespmem:$0x1FD40]  }
0x29e: {  	v37 =	vor.u32 v33, v5;
	v5 =	vand.u32 $0x380, v13;
	v13 =	vand.u32 $0x380, v18;
	v18 =	vld [tilespmem:$0x1FE40]  }
0x29f: {  	[tilespmem:v47+s30+$0x0] =	vst.idx.msk $0xffff, v16;
	v33 =	vld [tilespmem:$0x1FFD0];
	v3 =	vmov v1  }
0x2a0: {  	v47 =	vld [tilespmem:$0x1FE60];
	[tilespmem:$0x1FCE0] =	vst v3;
	v3 =	vand.u32 $0x3F, v21  }
0x2a1: {  	v29 =	vshll.u32 v35, $0x8;
	v32 =	vld.idx.msk [tilespmem:v57+s26+$0x0], $0xffff;
	v1 =	vor.u32 v50, v3  }
0x2a2: {  	v8 =	vand.u32 $0x3800, v29;
	[tilespmem:$0x1FD50] =	vst v1;
	v1 =	vld [tilespmem:$0x1FD60]  }
0x2a3: {  	v6 =	vmov v43;
	v46 =	vand.u32 $0x3800, v49;
	v43 =	vor.u32 v5, v8;
	v5 =	vld.idx.msk [tilespmem:v51+s26+$0x0], $0xffff  }
0x2a4: {  	v19 =	vor.u32 v10, v42;
	v14 =	vmov v41;
	v41 =	vor.u32 v13, v46;
	v46 =	vld [tilespmem:$0x1FE20]  }
0x2a5: {  	v10 =	vmovc v12;
	v54 =	vmov v45;
	v12 =	vand.u32 $0x3F, v35;
	v45 =	vor.u32 v27, v60;
	v35 =	vld.idx.msk [tilespmem:v62+s26+$0x0], $0xffff  }
0x2a6: {  	s4 =	smov.u32 s1;
	v16 =	vmov v20;
	v21 =	vld [tilespmem:$0x1FD30]  }
0x2a7: {  	s29 =	sadd.s32 $0x2, s4;
	[tilespmem:$0x1FD40] =	vst v16;
	v15 =	vmov v1;
	v1 =	vmov v40;
	v40 =	vld [tilespmem:$0x1FF80]  }
0x2a8: {  	v63 =	vadd.s32 s29, v23;
	v8 =	vor.u32 v18, v12;
	[tilespmem:$0x1FD30] =	vst v1;
	v1 =	vld [tilespmem:$0x1FD70]  }
0x2a9: {  	v16 =	vshll.u32 v63, $0x7;
	v0 =	vld.idx.msk [tilespmem:v0+s26+$0x0], $0xffff;
	[tilespmem:v7+s30+$0x0] =	vst.idx.msk $0xffff, v11;
	v7 =	vshll.u32 v63, $0x8  }
0x2aa: {  	[tilespmem:v17+s30+$0x0] =	vst.idx.msk $0xffff, v9;
	v11 =	vand.u32 $0x380, v16;
	v9 =	vld.idx.msk [tilespmem:v45+s26+$0x0], $0xffff;
	v7 =	vand.u32 $0x3800, v7  }
0x2ab: {  	v45 =	vor.u32 v11, v7;
	v11 =	vld [tilespmem:$0x1FF10]  }
0x2ac: {  	v29 =	vmov v39;
	v39 =	vld [tilespmem:$0x1FF30]  }
0x2ad: {  	[tilespmem:v58+s30+$0x0] =	vst.idx.msk $0xffff, v32;
	v49 =	vld.idx.msk [tilespmem:v8+s26+$0x0], $0xffff;
	v8 =	vor.u32 v40, v34  }
0x2ae: {  	[tilespmem:$0x1FD10] =	vst v8;
	v8 =	vld [tilespmem:$0x1FD80]  }
0x2af: {  	v7 =	vld.idx.msk [tilespmem:v19+s26+$0x0], $0xffff;
	[tilespmem:v55+s30+$0x0] =	vst.idx.msk $0xffff, v35  }
0x2b0: {  	v35 =	vld [tilespmem:$0x1FE90];
	[tilespmem:v1+s30+$0x0] =	vst.idx.msk $0xffff, v0;
	v0 =	vor.u32 v18, v36;
	v1 =	vor.u32 v11, v37  }
0x2b1: {  	v28 =	vmov v21;
	v21 =	vld [tilespmem:$0x1FE50];
	[tilespmem:$0x1FD60] =	vst v1  }
0x2b2: {  	v53 =	vmov v42;
	v42 =	vand.u32 $0x3F, v63;
	v11 =	vld.idx.msk [tilespmem:v59+s26+$0x0], $0xffff;
	v1 =	vor.u32 v48, v45;
	[tilespmem:v61+s30+$0x0] =	vst.idx.msk $0xffff, v9  }
0x2b3: {  	v13 =	vor.u32 v18, v42;
	v58 =	vor.u32 v23, v43;
	[tilespmem:$0x1FD00] =	vst v1;
	v1 =	vld [tilespmem:$0x1FF20]  }
0x2b4: {  	v30 =	vld.idx.msk [tilespmem:v30+s26+$0x0], $0xffff  }
0x2b5: {  	v62 =	vld.idx.msk [tilespmem:v0+s26+$0x0], $0xffff  }
0x2b6: {  	v59 =	vor.u32 v21, v12;
	[tilespmem:v8+s30+$0x0] =	vst.idx.msk $0xffff, v5;
	v0 =	vld [tilespmem:$0x1FE70]  }
0x2b7: {  	v55 =	vor.u32 v33, v14;
	v52 =	vld.idx.msk [tilespmem:v52+s26+$0x0], $0xffff  }
0x2b8: {  	v20 =	vor.u32 v18, v3;
	[tilespmem:v58+s30+$0x0] =	vst.idx.msk $0xffff, v49;
	v8 =	vor.u32 v48, v14;
	v13 =	vld.idx.msk [tilespmem:v13+s26+$0x0], $0xffff  }
0x2b9: {  	v34 =	vmov v3;
	v5 =	vor.u32 v21, v3;
	v3 =	vor.u32 v23, v45;
	[tilespmem:$0x1FD70] =	vst v8;
	v8 =	vld [tilespmem:$0x1FE10]  }
0x2ba: {  	v17 =	vor.u32 v23, v41;
	v49 =	vld [tilespmem:$0x1FF60];
	[tilespmem:v15+s30+$0x0] =	vst.idx.msk $0xffff, v11;
	v11 =	vor.u32 v1, v60  }
0x2bb: {  	v61 =	vor.u32 v21, v42;
	v59 =	vld.idx.msk [tilespmem:v59+s26+$0x0], $0xffff  }
0x2bc: {  	v63 =	vor.u32 v21, v36;
	v56 =	vld.idx.msk [tilespmem:v56+s26+$0x0], $0xffff;
	[tilespmem:v55+s30+$0x0] =	vst.idx.msk $0xffff, v30;
	v21 =	vor.u32 v0, v12  }
0x2bd: {  	v20 =	vld.idx.msk [tilespmem:v20+s26+$0x0], $0xffff;
	v30 =	vor.u32 v0, v42;
	v55 =	vor.u32 v0, v36;
	[tilespmem:v28+s30+$0x0] =	vst.idx.msk $0xffff, v52  }
0x2be: {  	v9 =	vor.u32 v8, v10;
	v28 =	vor.u32 v0, v34;
	v0 =	vld [tilespmem:$0x1FFB0];
	[tilespmem:v3+s30+$0x0] =	vst.idx.msk $0xffff, v13  }
0x2bf: {  	v52 =	vor.u32 v47, v43;
	v13 =	vor.u32 v48, v6;
	v11 =	vld.idx.msk [tilespmem:v11+s26+$0x0], $0xffff;
	[tilespmem:v17+s30+$0x0] =	vst.idx.msk $0xffff, v62  }
0x2c0: {  	v57 =	vor.u32 v23, v37;
	[tilespmem:$0x1FDA0] =	vst v13;
	v13 =	vld.idx.msk [tilespmem:v61+s26+$0x0], $0xffff  }
0x2c1: {  	v58 =	vor.u32 v47, v37;
	v15 =	vor.u32 v47, v41;
	v17 =	vor.u32 v46, v14;
	v61 =	vld.idx.msk [tilespmem:v63+s26+$0x0], $0xffff  }
0x2c2: {  	v8 =	vor.u32 v38, v54;
	v47 =	vor.u32 v47, v45;
	[tilespmem:v24+s30+$0x0] =	vst.idx.msk $0xffff, v56;
	v63 =	vld [tilespmem:$0x1FFE0]  }
0x2c3: {  	v24 =	vor.u32 v39, v60;
	[tilespmem:$0x1FD80] =	vst v8;
	v9 =	vld.idx.msk [tilespmem:v9+s26+$0x0], $0xffff  }
0x2c4: {  	[tilespmem:v52+s30+$0x0] =	vst.idx.msk $0xffff, v59;
	v59 =	vld.idx.msk [tilespmem:v2+s26+$0x0], $0xffff  }
0x2c5: {  	v23 =	vor.u32 v33, v6;
	v19 =	vor.u32 v1, v53;
	[tilespmem:v57+s30+$0x0] =	vst.idx.msk $0xffff, v20;
	v21 =	vld.idx.msk [tilespmem:v21+s26+$0x0], $0xffff  }
0x2c6: {  	v5 =	vld.idx.msk [tilespmem:v5+s26+$0x0], $0xffff;
	[tilespmem:v17+s30+$0x0] =	vst.idx.msk $0xffff, v11  }
0x2c7: {  	v51 =	vor.u32 v46, v4;
	v3 =	vor.u32 v1, v10;
	[tilespmem:v47+s30+$0x0] =	vst.idx.msk $0xffff, v13;
	v47 =	vld [tilespmem:$0x1FE30]  }
0x2c8: {  	v13 =	vld.idx.msk [tilespmem:v24+s26+$0x0], $0xffff;
	[tilespmem:v15+s30+$0x0] =	vst.idx.msk $0xffff, v61  }
0x2c9: {  	v18 =	vor.u32 v44, v60;
	v17 =	vld.idx.msk [tilespmem:v30+s26+$0x0], $0xffff;
	[tilespmem:v22+s30+$0x0] =	vst.idx.msk $0xffff, v7;
	v30 =	vor.u32 v25, v45  }
0x2ca: {  	v2 =	vor.u32 v63, v54;
	v19 =	vld.idx.msk [tilespmem:v19+s26+$0x0], $0xffff;
	[tilespmem:v23+s30+$0x0] =	vst.idx.msk $0xffff, v9;
	v23 =	vor.u32 v25, v43  }
0x2cb: {  	v62 =	vor.u32 v25, v37;
	v52 =	vor.u32 v25, v41;
	v57 =	vor.u32 v35, v12;
	[tilespmem:$0x1FD20] =	vst v2;
	v25 =	vld [tilespmem:$0x1FEA0]  }
0x2cc: {  	v8 =	vor.u32 v31, v60;
	[tilespmem:v51+s30+$0x0] =	vst.idx.msk $0xffff, v59;
	v3 =	vld.idx.msk [tilespmem:v3+s26+$0x0], $0xffff;
	v7 =	vor.u32 v47, v14  }
0x2cd: {  	v9 =	vor.u32 v50, v60;
	v60 =	vor.u32 v46, v6;
	v2 =	vld.idx.msk [tilespmem:v26+s26+$0x0], $0xffff;
	[tilespmem:v58+s30+$0x0] =	vst.idx.msk $0xffff, v5  }
0x2ce: {  	v11 =	vor.u32 v39, v10;
	v28 =	vld.idx.msk [tilespmem:v28+s26+$0x0], $0xffff;
	[tilespmem:v30+s30+$0x0] =	vst.idx.msk $0xffff, v17  }
0x2cf: {  	v32 =	vor.u32 v49, v54;
	v24 =	vor.u32 v35, v42;
	v17 =	vld.idx.msk [tilespmem:v55+s26+$0x0], $0xffff;
	[tilespmem:v23+s30+$0x0] =	vst.idx.msk $0xffff, v21  }
0x2d0: {  	v5 =	vor.u32 v0, v43;
	v21 =	vor.u32 v0, v41;
	v23 =	vor.u32 v0, v37;
	v51 =	vld.idx.msk [tilespmem:v57+s26+$0x0], $0xffff  }
0x2d1: {  	v57 =	vor.u32 v47, v4;
	[tilespmem:v7+s30+$0x0] =	vst.idx.msk $0xffff, v13;
	v13 =	vor.u32 v0, v45;
	v0 =	vld [tilespmem:$0x1FCE0]  }
0x2d2: {  	v15 =	vor.u32 v47, v6;
	v55 =	vor.u32 v47, v54;
	[tilespmem:v60+s30+$0x0] =	vst.idx.msk $0xffff, v3;
	v47 =	vmov v32;
	v32 =	vld [tilespmem:$0x1FFC0]  }
0x2d3: {  	v58 =	vor.u32 v25, v12;
	v11 =	vld.idx.msk [tilespmem:v11+s26+$0x0], $0xffff  }
0x2d4: {  	v54 =	vor.u32 v46, v54;
	v46 =	vld [tilespmem:$0x1FEF0]  }
0x2d5: {  	v24 =	vld.idx.msk [tilespmem:v24+s26+$0x0], $0xffff;
	v59 =	vor.u32 v25, v42;
	v60 =	vor.u32 v35, v36  }
0x2d6: {  	v61 =	vor.u32 v25, v36;
	v3 =	vor.u32 v25, v34;
	v25 =	vld [tilespmem:$0x1FFA0];
	[tilespmem:v57+s30+$0x0] =	vst.idx.msk $0xffff, v2  }
0x2d7: {  	v20 =	vor.u32 v35, v34;
	v7 =	vor.u32 v63, v14;
	v2 =	vld.idx.msk [tilespmem:v9+s26+$0x0], $0xffff;
	[tilespmem:v5+s30+$0x0] =	vst.idx.msk $0xffff, v51  }
0x2d8: {  	v30 =	vor.u32 v50, v10;
	v35 =	vld.idx.msk [tilespmem:v58+s26+$0x0], $0xffff;
	[tilespmem:v15+s30+$0x0] =	vst.idx.msk $0xffff, v11;
	v15 =	vor.u32 v32, v43  }
0x2d9: {  	v56 =	vor.u32 v50, v53;
	v50 =	vor.u32 v63, v4;
	[tilespmem:v52+s30+$0x0] =	vst.idx.msk $0xffff, v17;
	v9 =	vld.idx.msk [tilespmem:v0+s26+$0x0], $0xffff  }
0x2da: {  	[tilespmem:v13+s30+$0x0] =	vst.idx.msk $0xffff, v24;
	v13 =	vld.idx.msk [tilespmem:v60+s26+$0x0], $0xffff  }
0x2db: {  	v59 =	vld.idx.msk [tilespmem:v59+s26+$0x0], $0xffff;
	[tilespmem:v62+s30+$0x0] =	vst.idx.msk $0xffff, v28  }
0x2dc: {  	v0 =	vld [tilespmem:$0x1FEB0];
	[tilespmem:v7+s30+$0x0] =	vst.idx.msk $0xffff, v2  }
0x2dd: {  	v28 =	vld.idx.msk [tilespmem:v30+s26+$0x0], $0xffff;
	[tilespmem:v15+s30+$0x0] =	vst.idx.msk $0xffff, v35  }
0x2de: {  	v51 =	vor.u32 v44, v53;
	v20 =	vld.idx.msk [tilespmem:v20+s26+$0x0], $0xffff;
	v7 =	vor.u32 v32, v45;
	[tilespmem:v50+s30+$0x0] =	vst.idx.msk $0xffff, v9  }
0x2df: {  	v2 =	vor.u32 v49, v14;
	v35 =	vor.u32 v49, v4;
	v9 =	vld.idx.msk [tilespmem:v8+s26+$0x0], $0xffff;
	[tilespmem:v21+s30+$0x0] =	vst.idx.msk $0xffff, v13  }
0x2e0: {  	v13 =	vor.u32 v49, v6;
	v21 =	vor.u32 v44, v10;
	v49 =	vor.u32 v44, v34;
	v44 =	vld [tilespmem:$0x1FEE0]  }
0x2e1: {  	v17 =	vor.u32 v63, v6;
	v30 =	vor.u32 v0, v12;
	v50 =	vld.idx.msk [tilespmem:v29+s26+$0x0], $0xffff  }
0x2e2: {  	v63 =	vor.u32 v25, v37;
	v24 =	vor.u32 v31, v10;
	v60 =	vor.u32 v0, v42;
	v29 =	vld [tilespmem:$0x1FEC0]  }
0x2e3: {  	v15 =	vor.u32 v25, v41;
	v8 =	vor.u32 v38, v14;
	[tilespmem:v7+s30+$0x0] =	vst.idx.msk $0xffff, v59;
	v7 =	vld.idx.msk [tilespmem:v61+s26+$0x0], $0xffff  }
0x2e4: {  	v14 =	vor.u32 v25, v45;
	[tilespmem:v23+s30+$0x0] =	vst.idx.msk $0xffff, v20;
	v20 =	vor.u32 v25, v43;
	v25 =	vld [tilespmem:$0x1FED0]  }
0x2e5: {  	v3 =	vld.idx.msk [tilespmem:v3+s26+$0x0], $0xffff  }
0x2e6: {  	v16 =	vor.u32 v39, v53;
	v5 =	vor.u32 v32, v41;
	v30 =	vld.idx.msk [tilespmem:v30+s26+$0x0], $0xffff  }
0x2e7: {  	[tilespmem:v17+s30+$0x0] =	vst.idx.msk $0xffff, v28;
	v60 =	vld.idx.msk [tilespmem:v60+s26+$0x0], $0xffff  }
0x2e8: {  	v11 =	vor.u32 v0, v34;
	[tilespmem:v54+s30+$0x0] =	vst.idx.msk $0xffff, v19;
	v19 =	vor.u32 v0, v36;
	v0 =	vld [tilespmem:$0x1FCF0]  }
0x2e9: {  	v23 =	vld.idx.msk [tilespmem:v24+s26+$0x0], $0xffff;
	v24 =	vor.u32 v29, v12  }
0x2ea: {  	[tilespmem:v2+s30+$0x0] =	vst.idx.msk $0xffff, v9;
	v2 =	vor.u32 v1, v34;
	v1 =	vld [tilespmem:$0x1FD10]  }
0x2eb: {  	v62 =	vld.idx.msk [tilespmem:v16+s26+$0x0], $0xffff;
	[tilespmem:v5+s30+$0x0] =	vst.idx.msk $0xffff, v7  }
0x2ec: {  	v61 =	vor.u32 v29, v42;
	v18 =	vld.idx.msk [tilespmem:v18+s26+$0x0], $0xffff  }
0x2ed: {  	v26 =	vor.u32 v32, v37;
	[tilespmem:v20+s30+$0x0] =	vst.idx.msk $0xffff, v30;
	v19 =	vld.idx.msk [tilespmem:v19+s26+$0x0], $0xffff  }
0x2ee: {  	v22 =	vor.u32 v31, v53;
	v20 =	vld.idx.msk [tilespmem:v24+s26+$0x0], $0xffff;
	[tilespmem:v13+s30+$0x0] =	vst.idx.msk $0xffff, v23;
	v13 =	vor.u32 v25, v43  }
0x2ef: {  	v6 =	vor.u32 v38, v6;
	v9 =	vor.u32 v44, v12;
	[tilespmem:v35+s30+$0x0] =	vst.idx.msk $0xffff, v50;
	v21 =	vld.idx.msk [tilespmem:v21+s26+$0x0], $0xffff  }
0x2f0: {  	v52 =	vor.u32 v40, v53;
	v53 =	vor.u32 v38, v4;
	[tilespmem:v14+s30+$0x0] =	vst.idx.msk $0xffff, v60;
	v30 =	vld.idx.msk [tilespmem:v0+s26+$0x0], $0xffff  }
0x2f1: {  	v23 =	vld.idx.msk [tilespmem:v61+s26+$0x0], $0xffff;
	[tilespmem:v55+s30+$0x0] =	vst.idx.msk $0xffff, v62  }
0x2f2: {  	v38 =	vld.idx.msk [tilespmem:v56+s26+$0x0], $0xffff;
	[tilespmem:v26+s30+$0x0] =	vst.idx.msk $0xffff, v3  }
0x2f3: {  	v10 =	vor.u32 v40, v10;
	v7 =	vor.u32 v25, v45;
	v50 =	vld.idx.msk [tilespmem:v11+s26+$0x0], $0xffff;
	[tilespmem:v13+s30+$0x0] =	vst.idx.msk $0xffff, v20  }
0x2f4: {  	v5 =	vor.u32 v25, v41;
	v0 =	vor.u32 v25, v37;
	v25 =	vld.idx.msk [tilespmem:v9+s26+$0x0], $0xffff;
	[tilespmem:v6+s30+$0x0] =	vst.idx.msk $0xffff, v21  }
0x2f5: {  	v26 =	vor.u32 v29, v36;
	v6 =	vld [tilespmem:$0x1FF10];
	[tilespmem:v53+s30+$0x0] =	vst.idx.msk $0xffff, v30  }
0x2f6: {  	v53 =	vld.idx.msk [tilespmem:v1+s26+$0x0], $0xffff  }
0x2f7: {  	v1 =	vld [tilespmem:$0x1FD20]  }
0x2f8: {  	v54 =	vor.u32 v44, v42;
	v17 =	vor.u32 v29, v34;
	v3 =	vld.idx.msk [tilespmem:v10+s26+$0x0], $0xffff  }
0x2f9: {  	v14 =	vor.u32 v48, v4;
	v4 =	vor.u32 v46, v43;
	[tilespmem:v15+s30+$0x0] =	vst.idx.msk $0xffff, v19;
	v10 =	vld [tilespmem:$0x1FE10]  }
0x2fa: {  	v58 =	vor.u32 v46, v37;
	v59 =	vor.u32 v27, v34;
	v28 =	vor.u32 v46, v45;
	v13 =	vld.idx.msk [tilespmem:v26+s26+$0x0], $0xffff  }
0x2fb: {  	p0 =	slt.u32 s1, $0x3C;
	v57 =	vor.u32 v44, v34;
	v35 =	vor.u32 v39, v34;
	v39 =	vor.u32 v31, v34;
	v26 =	vld [tilespmem:$0x1FF10]  }
.Ltmp1:
0x2fc: {  	v24 =	vor.u32 v33, v37;
	v20 =	vor.u32 v40, v36;
	v40 =	vld [tilespmem:$0x1FD00];
	[tilespmem:v7+s30+$0x0] =	vst.idx.msk $0xffff, v23;
	(pc) =	sbr.rel @p0 .LBB2_5-.Ltmp1, $4  }
0x2fd: {  	v62 =	vor.u32 v27, v12;
	v15 =	vor.u32 v44, v36;
	v11 =	vld.idx.msk [tilespmem:v54+s26+$0x0], $0xffff;
	[tilespmem:v63+s30+$0x0] =	vst.idx.msk $0xffff, v50  }
0x2fe: {  	v7 =	vor.u32 v46, v41;
	v9 =	vor.u32 v27, v42;
	v63 =	vld.idx.msk [tilespmem:v17+s26+$0x0], $0xffff;
	[tilespmem:v4+s30+$0x0] =	vst.idx.msk $0xffff, v25  }
0x2ff: {  	s0 =	sadd.s32 $0x4, s1;
	v55 =	vor.u32 v6, v43;
	v25 =	vld [tilespmem:$0x1FE80];
	v30 =	vor.u32 v10, v36;
	[tilespmem:v1+s30+$0x0] =	vst.idx.msk $0xffff, v38  }
0x300: {  	s1 =	smov.u32 s0;
	v56 =	vor.u32 v10, v34;
	v61 =	vor.u32 v26, v41;
	v16 =	vld.idx.msk [tilespmem:v22+s26+$0x0], $0xffff;
	v22 =	vor.u32 v33, v45  }
0x301: {  	_ = 	snop  }
0x302: {  	v23 =	vld [tilespmem:$0x1FE60]  }
0x303: {  	v60 =	vld [tilespmem:$0x1FE40]  }
0x304: {  	v21 =	vld [tilespmem:$0x1FFC0]  }
0x305: {  	v19 =	vld [tilespmem:$0x1FFB0];
	[tilespmem:v0+s30+$0x0] =	vst.idx.msk $0xffff, v63  }
0x306: {  	v0 =	vld.idx.msk [tilespmem:v57+s26+$0x0], $0xffff;
	_ =	sdelay $0x1  }
0x307: {  	[tilespmem:v5+s30+$0x0] =	vst.idx.msk $0xffff, v13  }
0x308: {  	v4 =	vld.idx.msk [tilespmem:v15+s26+$0x0], $0xffff  }
0x309: {  	v1 =	vld [tilespmem:$0x1FF00]  }
0x30a: {  	[tilespmem:v58+s30+$0x0] =	vst.idx.msk $0xffff, v0;
	v0 =	vld.idx.msk [tilespmem:v62+s26+$0x0], $0xffff;
	_ =	sdelay $0x2  }
0x30b: {  	[tilespmem:v28+s30+$0x0] =	vst.idx.msk $0xffff, v11  }
0x30c: {  	[tilespmem:v7+s30+$0x0] =	vst.idx.msk $0xffff, v4  }
0x30d: {  	[tilespmem:v55+s30+$0x0] =	vst.idx.msk $0xffff, v0  }
0x30e: {  	v0 =	vld [tilespmem:$0x1FD60];
	_ =	sdelay $0x2  }
0x30f: {  	v5 =	vor.u32 v1, v36;
	v4 =	vld.idx.msk [tilespmem:v59+s26+$0x0], $0xffff;
	_ =	sdelay $0x4  }
0x310: {  	v5 =	vld.idx.msk [tilespmem:v5+s26+$0x0], $0xffff;
	[tilespmem:v0+s30+$0x0] =	vst.idx.msk $0xffff, v4  }
0x311: {  	v6 =	vor.u32 v10, v12;
	v27 =	vld [tilespmem:$0x1FFD0];
	_ =	sdelay $0x2  }
0x312: {  	v9 =	vld.idx.msk [tilespmem:v9+s26+$0x0], $0xffff;
	v7 =	vor.u32 v26, v45  }
0x313: {  	[tilespmem:v61+s30+$0x0] =	vst.idx.msk $0xffff, v5;
	v5 =	vld.idx.msk [tilespmem:v56+s26+$0x0], $0xffff  }
0x314: {  	v0 =	vld.idx.msk [tilespmem:v6+s26+$0x0], $0xffff;
	v4 =	vor.u32 v27, v43  }
0x315: {  	v1 =	vld [tilespmem:$0x1FF20];
	_ =	sdelay $0x1  }
0x316: {  	[tilespmem:v7+s30+$0x0] =	vst.idx.msk $0xffff, v9  }
0x317: {  	[tilespmem:v24+s30+$0x0] =	vst.idx.msk $0xffff, v5  }
0x318: {  	v10 =	vor.u32 v10, v42;
	[tilespmem:v4+s30+$0x0] =	vst.idx.msk $0xffff, v0  }
0x319: {  	v6 =	vor.u32 v1, v12;
	v29 =	vld [tilespmem:$0x1FE20]  }
0x31a: {  	v7 =	vld.idx.msk [tilespmem:v30+s26+$0x0], $0xffff;
	v9 =	vor.u32 v27, v41;
	_ =	sdelay $0x2  }
0x31b: {  	v10 =	vld.idx.msk [tilespmem:v10+s26+$0x0], $0xffff  }
0x31c: {  	v0 =	vld.idx.msk [tilespmem:v6+s26+$0x0], $0xffff;
	v4 =	vor.u32 v29, v43  }
0x31d: {  	[tilespmem:v9+s30+$0x0] =	vst.idx.msk $0xffff, v7;
	v6 =	vld.idx.msk [tilespmem:v2+s26+$0x0], $0xffff;
	v5 =	vor.u32 v29, v37  }
0x31e: {  	v11 =	vor.u32 v1, v36;
	v13 =	vor.u32 v1, v42;
	v1 =	vld [tilespmem:$0x1FF30];
	_ =	sdelay $0x1  }
0x31f: {  	[tilespmem:v22+s30+$0x0] =	vst.idx.msk $0xffff, v10  }
0x320: {  	[tilespmem:v4+s30+$0x0] =	vst.idx.msk $0xffff, v0  }
0x321: {  	[tilespmem:v5+s30+$0x0] =	vst.idx.msk $0xffff, v6  }
0x322: {  	v7 =	vor.u32 v1, v12;
	v10 =	vor.u32 v1, v36;
	v15 =	vor.u32 v1, v42;
	v1 =	vld [tilespmem:$0x1FE30]  }
0x323: {  	v9 =	vld.idx.msk [tilespmem:v11+s26+$0x0], $0xffff;
	v11 =	vor.u32 v29, v41;
	_ =	sdelay $0x2  }
0x324: {  	v22 =	vld.idx.msk [tilespmem:v13+s26+$0x0], $0xffff;
	v13 =	vor.u32 v29, v45  }
0x325: {  	v0 =	vld.idx.msk [tilespmem:v7+s26+$0x0], $0xffff;
	v4 =	vor.u32 v1, v43  }
0x326: {  	[tilespmem:v11+s30+$0x0] =	vst.idx.msk $0xffff, v9;
	v2 =	vld.idx.msk [tilespmem:v35+s26+$0x0], $0xffff;
	v5 =	vor.u32 v1, v37  }
0x327: {  	v7 =	vld.idx.msk [tilespmem:v10+s26+$0x0], $0xffff;
	v9 =	vor.u32 v1, v41;
	_ =	sdelay $0x1  }
0x328: {  	v17 =	vld [tilespmem:$0x1FF40];
	[tilespmem:v13+s30+$0x0] =	vst.idx.msk $0xffff, v22  }
0x329: {  	[tilespmem:v4+s30+$0x0] =	vst.idx.msk $0xffff, v0  }
0x32a: {  	[tilespmem:v5+s30+$0x0] =	vst.idx.msk $0xffff, v2  }
0x32b: {  	v30 =	vld [tilespmem:$0x1FFE0];
	[tilespmem:v9+s30+$0x0] =	vst.idx.msk $0xffff, v7  }
0x32c: {  	v11 =	vor.u32 v1, v45;
	v1 =	vld [tilespmem:$0x1FD50];
	_ =	sdelay $0x3  }
0x32d: {  	v15 =	vld.idx.msk [tilespmem:v15+s26+$0x0], $0xffff  }
0x32e: {  	v13 =	vor.u32 v17, v42;
	_ =	sdelay $0x1  }
0x32f: {  	v6 =	vor.u32 v17, v12  }
0x330: {  	v4 =	vld.idx.msk [tilespmem:v1+s26+$0x0], $0xffff  }
0x331: {  	v1 =	vld [tilespmem:$0x1FF50];
	[tilespmem:v11+s30+$0x0] =	vst.idx.msk $0xffff, v15  }
0x332: {  	v15 =	vld.idx.msk [tilespmem:v13+s26+$0x0], $0xffff  }
0x333: {  	v13 =	vld [tilespmem:$0x1FDA0]  }
0x334: {  	v0 =	vld.idx.msk [tilespmem:v6+s26+$0x0], $0xffff;
	v2 =	vor.u32 v30, v43  }
0x335: {  	v5 =	vor.u32 v30, v37;
	_ =	sdelay $0x2  }
0x336: {  	v10 =	vor.u32 v17, v36  }
0x337: {  	[tilespmem:v2+s30+$0x0] =	vst.idx.msk $0xffff, v0  }
0x338: {  	[tilespmem:v5+s30+$0x0] =	vst.idx.msk $0xffff, v4  }
0x339: {  	[tilespmem:v13+s30+$0x0] =	vst.idx.msk $0xffff, v3  }
0x33a: {  	v6 =	vor.u32 v1, v12;
	v13 =	vld [tilespmem:$0x1FF60]  }
0x33b: {  	v9 =	vld.idx.msk [tilespmem:v10+s26+$0x0], $0xffff;
	v7 =	vor.u32 v30, v41  }
0x33c: {  	v11 =	vor.u32 v30, v45;
	_ =	sdelay $0x2  }
0x33d: {  	v10 =	vor.u32 v1, v36;
	v0 =	vld.idx.msk [tilespmem:v6+s26+$0x0], $0xffff;
	v2 =	vor.u32 v13, v43  }
0x33e: {  	v4 =	vld.idx.msk [tilespmem:v39+s26+$0x0], $0xffff;
	v3 =	vor.u32 v1, v42;
	[tilespmem:v7+s30+$0x0] =	vst.idx.msk $0xffff, v9;
	v5 =	vor.u32 v13, v37  }
0x33f: {  	v1 =	vld [tilespmem:$0x1FF70];
	[tilespmem:v11+s30+$0x0] =	vst.idx.msk $0xffff, v15  }
0x340: {  	[tilespmem:v14+s30+$0x0] =	vst.idx.msk $0xffff, v53  }
0x341: {  	[tilespmem:v47+s30+$0x0] =	vst.idx.msk $0xffff, v16  }
0x342: {  	v9 =	vld.idx.msk [tilespmem:v10+s26+$0x0], $0xffff;
	v7 =	vor.u32 v13, v41;
	[tilespmem:v2+s30+$0x0] =	vst.idx.msk $0xffff, v0  }
0x343: {  	v3 =	vld.idx.msk [tilespmem:v3+s26+$0x0], $0xffff;
	v11 =	vor.u32 v13, v45;
	[tilespmem:v5+s30+$0x0] =	vst.idx.msk $0xffff, v4  }
0x344: {  	v6 =	vor.u32 v1, v12;
	v10 =	vor.u32 v1, v36;
	v15 =	vor.u32 v1, v42;
	v1 =	vld [tilespmem:$0x1FF90];
	_ =	sdelay $0x2  }
0x345: {  	v14 =	vld [tilespmem:$0x1FF80];
	[tilespmem:v7+s30+$0x0] =	vst.idx.msk $0xffff, v9  }
0x346: {  	[tilespmem:v11+s30+$0x0] =	vst.idx.msk $0xffff, v3  }
0x347: {  	[tilespmem:v8+s30+$0x0] =	vst.idx.msk $0xffff, v18;
	v2 =	vor.u32 v1, v43  }
0x348: {  	v5 =	vor.u32 v1, v37;
	v9 =	vor.u32 v1, v41;
	v3 =	vor.u32 v1, v45;
	v1 =	vld [tilespmem:$0x1FD40];
	_ =	sdelay $0x7  }
0x349: {  	v11 =	vld.idx.msk [tilespmem:v1+s26+$0x0], $0xffff  }
0x34a: {  	v1 =	vld [tilespmem:$0x1FD80];
	_ =	sdelay $0x1  }
0x34b: {  	v0 =	vld.idx.msk [tilespmem:v6+s26+$0x0], $0xffff  }
0x34c: {  	v13 =	vld.idx.msk [tilespmem:v51+s26+$0x0], $0xffff;
	_ =	sdelay $0x2  }
0x34d: {  	v4 =	vld.idx.msk [tilespmem:v49+s26+$0x0], $0xffff  }
0x34e: {  	v10 =	vld.idx.msk [tilespmem:v10+s26+$0x0], $0xffff;
	[tilespmem:v2+s30+$0x0] =	vst.idx.msk $0xffff, v0  }
0x34f: {  	v8 =	vld.idx.msk [tilespmem:v15+s26+$0x0], $0xffff;
	v6 =	vor.u32 v14, v12;
	[tilespmem:v1+s30+$0x0] =	vst.idx.msk $0xffff, v13  }
0x350: {  	v1 =	vld [tilespmem:$0x1FFF0];
	_ =	sdelay $0x1  }
0x351: {  	[tilespmem:v5+s30+$0x0] =	vst.idx.msk $0xffff, v4  }
0x352: {  	[tilespmem:v9+s30+$0x0] =	vst.idx.msk $0xffff, v10  }
0x353: {  	v2 =	vld.idx.msk [tilespmem:v6+s26+$0x0], $0xffff;
	[tilespmem:v3+s30+$0x0] =	vst.idx.msk $0xffff, v8  }
0x354: {  	v0 =	vor.u32 v1, v43;
	v4 =	vor.u32 v1, v37;
	v6 =	vor.u32 v1, v41;
	v1 =	vld [tilespmem:$0x1FD70];
	_ =	sdelay $0x2  }
0x355: {  	v7 =	vor.u32 v14, v34;
	_ =	sdelay $0x2  }
0x356: {  	v12 =	vor.u32 v14, v42;
	_ =	sdelay $0x1  }
0x357: {  	v5 =	vld.idx.msk [tilespmem:v7+s26+$0x0], $0xffff;
	[tilespmem:v1+s30+$0x0] =	vst.idx.msk $0xffff, v11  }
0x358: {  	v1 =	vld [tilespmem:$0x1FD30]  }
0x359: {  	v7 =	vld.idx.msk [tilespmem:v20+s26+$0x0], $0xffff  }
0x35a: {  	v3 =	vld.idx.msk [tilespmem:v12+s26+$0x0], $0xffff  }
0x35b: {  	v13 =	vld.idx.msk [tilespmem:v52+s26+$0x0], $0xffff  }
0x35c: {  	[tilespmem:v0+s30+$0x0] =	vst.idx.msk $0xffff, v2  }
0x35d: {  	[tilespmem:v4+s30+$0x0] =	vst.idx.msk $0xffff, v5  }
0x35e: {  	[tilespmem:v6+s30+$0x0] =	vst.idx.msk $0xffff, v7  }
0x35f: {  	[tilespmem:v40+s30+$0x0] =	vst.idx.msk $0xffff, v3  }
0x360: {  	s10 =	sshll.u32 s8, $0x9;
	[tilespmem:v1+s30+$0x0] =	vst.idx.msk $0xffff, v13  }
0x361: {  	v52 =	vld [tilespmem:s10+$0x400]  }
0x362: {  	v51 =	vld [tilespmem:s10+$0x410]  }
0x363: {  	v50 =	vld [tilespmem:s10+$0x420]  }
0x364: {  	s0 =	simm.s32 $0x3;
	v49 =	vld [tilespmem:s10+$0x430]  }
0x365: {  	s5 =	simm.s32 $0x1;
	v0 =	vmov s0;
	v47 =	vld [tilespmem:s10+$0x440]  }
0x366: {  	s11 =	simm.s32 $0x2;
	v2 =	vmov s5;
	v0 =	vmul.u32 $0x3F0, v0;
	v46 =	vld [tilespmem:s10+$0x450]  }
0x367: {  	s14 =	simm.s32 $0x0;
	v4 =	vmov s11;
	v3 =	vmul.u32 $0x3F0, v2;
	v44 =	vld [tilespmem:s10+$0x460]  }
0x368: {  	v2 =	vbroadcast v0, $0x0;
	v0 =	vmul.u32 $0x3F0, v4;
	v4 =	vmov s14;
	v43 =	vld [tilespmem:s10+$0x470]  }
0x369: {  	v63 =	vbroadcast v3, $0x0;
	v3 =	vmul.u32 $0x3F0, v4;
	v41 =	vld [tilespmem:s10+$0x480]  }
0x36a: {  	v54 =	vbroadcast v0, $0x0;
	v38 =	vld [tilespmem:s10+$0x490];
	v4 =	vadd.s32 v52, v2  }
0x36b: {  	v53 =	vbroadcast v3, $0x0;
	v37 =	vld [tilespmem:s10+$0x4A0];
	v0 =	vadd.s32 v52, v63  }
0x36c: {  	v36 =	vld [tilespmem:s10+$0x4B0];
	v3 =	vadd.s32 v52, v54  }
0x36d: {  	v35 =	vld [tilespmem:s10+$0x4C0];
	v5 =	vadd.s32 v52, v53  }
0x36e: {  	v34 =	vld [tilespmem:s10+$0x4D0]  }
0x36f: {  	v4 =	vld.idx.msk [tilespmem:v4+s31+$0x0], $0xffff  }
0x370: {  	v6 =	vadd.s32 v51, v2;
	v0 =	vld.idx.msk [tilespmem:v0+s31+$0x0], $0xffff  }
0x371: {  	s6 =	simm.s32 $0x180;
	s1 =	sand.u32 $0x1800, s14;
	v7 =	vadd.s32 v51, v63;
	v3 =	vld.idx.msk [tilespmem:v3+s31+$0x0], $0xffff  }
0x372: {  	s7 =	simm.s32 $0x80;
	s4 =	sor.u32 $0x1C600, s1;
	s0 =	sand.u32 $0x380, s6;
	v8 =	vadd.s32 v51, v54;
	v5 =	vld.idx.msk [tilespmem:v5+s31+$0x0], $0xffff  }
0x373: {  	s9 =	simm.s32 $0x100;
	s8 =	sand.u32 $0x280, s7;
	s3 =	sadd.s32 s0, s4;
	v33 =	vld [tilespmem:s10+$0x4E0];
	v9 =	vadd.s32 v51, v53  }
0x374: {  	s12 =	sand.u32 $0x300, s9;
	s2 =	sadd.s32 s8, s4;
	s5 =	simm.s32 $0x0;
	v32 =	vld [tilespmem:s10+$0x4F0];
	[tilespmem:s3+$0x0] =	vst v4  }
0x375: {  	s1 =	sadd.s32 s12, s4;
	s5 =	sand.u32 $0x200, s5;
	[tilespmem:s2+$0x0] =	vst v0;
	v4 =	vld.idx.msk [tilespmem:v6+s31+$0x0], $0xffff  }
0x376: {  	s13 =	sadd.s32 s5, s4;
	v0 =	vadd.s32 v50, v2;
	[tilespmem:s1+$0x0] =	vst v3;
	v6 =	vld.idx.msk [tilespmem:v7+s31+$0x0], $0xffff  }
0x377: {  	[tilespmem:s13+$0x0] =	vst v5;
	v5 =	vadd.s32 v50, v63;
	v3 =	vld.idx.msk [tilespmem:v8+s31+$0x0], $0xffff  }
0x378: {  	v7 =	vld.idx.msk [tilespmem:v9+s31+$0x0], $0xffff;
	v8 =	vadd.s32 v50, v54  }
0x379: {  	v9 =	vadd.s32 v50, v53  }
0x37a: {  	[tilespmem:s3+$0x10] =	vst v4  }
0x37b: {  	[tilespmem:s2+$0x10] =	vst v6;
	v0 =	vld.idx.msk [tilespmem:v0+s31+$0x0], $0xffff  }
0x37c: {  	v4 =	vadd.s32 v49, v2;
	[tilespmem:s1+$0x10] =	vst v3;
	v5 =	vld.idx.msk [tilespmem:v5+s31+$0x0], $0xffff  }
0x37d: {  	[tilespmem:s13+$0x10] =	vst v7;
	v6 =	vadd.s32 v49, v63;
	v3 =	vld.idx.msk [tilespmem:v8+s31+$0x0], $0xffff  }
0x37e: {  	v7 =	vld.idx.msk [tilespmem:v9+s31+$0x0], $0xffff;
	v8 =	vadd.s32 v49, v54  }
0x37f: {  	v9 =	vadd.s32 v49, v53  }
0x380: {  	[tilespmem:s3+$0x20] =	vst v0  }
0x381: {  	[tilespmem:s2+$0x20] =	vst v5;
	v0 =	vld.idx.msk [tilespmem:v4+s31+$0x0], $0xffff  }
0x382: {  	[tilespmem:s1+$0x20] =	vst v3;
	v4 =	vadd.s32 v47, v2;
	v5 =	vld.idx.msk [tilespmem:v6+s31+$0x0], $0xffff  }
0x383: {  	[tilespmem:s13+$0x20] =	vst v7;
	v3 =	vld.idx.msk [tilespmem:v8+s31+$0x0], $0xffff;
	v6 =	vadd.s32 v47, v63  }
0x384: {  	v7 =	vld.idx.msk [tilespmem:v9+s31+$0x0], $0xffff;
	v8 =	vadd.s32 v47, v54  }
0x385: {  	v9 =	vadd.s32 v47, v53  }
0x386: {  	[tilespmem:s3+$0x30] =	vst v0  }
0x387: {  	[tilespmem:s2+$0x30] =	vst v5;
	v0 =	vld.idx.msk [tilespmem:v4+s31+$0x0], $0xffff  }
0x388: {  	[tilespmem:s1+$0x30] =	vst v3;
	v4 =	vadd.s32 v46, v2;
	v5 =	vld.idx.msk [tilespmem:v6+s31+$0x0], $0xffff  }
0x389: {  	[tilespmem:s13+$0x30] =	vst v7;
	v3 =	vld.idx.msk [tilespmem:v8+s31+$0x0], $0xffff;
	v6 =	vadd.s32 v46, v63  }
0x38a: {  	v7 =	vld.idx.msk [tilespmem:v9+s31+$0x0], $0xffff;
	v8 =	vadd.s32 v46, v54  }
0x38b: {  	v9 =	vadd.s32 v46, v53  }
0x38c: {  	[tilespmem:s3+$0x40] =	vst v0  }
0x38d: {  	[tilespmem:s2+$0x40] =	vst v5;
	v0 =	vld.idx.msk [tilespmem:v4+s31+$0x0], $0xffff  }
0x38e: {  	[tilespmem:s1+$0x40] =	vst v3;
	v4 =	vadd.s32 v44, v2;
	v5 =	vld.idx.msk [tilespmem:v6+s31+$0x0], $0xffff  }
0x38f: {  	[tilespmem:s13+$0x40] =	vst v7;
	v3 =	vld.idx.msk [tilespmem:v8+s31+$0x0], $0xffff;
	v6 =	vadd.s32 v44, v63  }
0x390: {  	v7 =	vld.idx.msk [tilespmem:v9+s31+$0x0], $0xffff;
	v8 =	vadd.s32 v44, v54  }
0x391: {  	v9 =	vadd.s32 v44, v53  }
0x392: {  	[tilespmem:s3+$0x50] =	vst v0  }
0x393: {  	[tilespmem:s2+$0x50] =	vst v5;
	v0 =	vld.idx.msk [tilespmem:v4+s31+$0x0], $0xffff  }
0x394: {  	[tilespmem:s1+$0x50] =	vst v3;
	v4 =	vadd.s32 v43, v2;
	v5 =	vld.idx.msk [tilespmem:v6+s31+$0x0], $0xffff  }
0x395: {  	[tilespmem:s13+$0x50] =	vst v7;
	v7 =	vadd.s32 v43, v63;
	v6 =	vld.idx.msk [tilespmem:v8+s31+$0x0], $0xffff  }
0x396: {  	s15 =	simm.s32 $0x5;
	v8 =	vld.idx.msk [tilespmem:v9+s31+$0x0], $0xffff;
	v9 =	vadd.s32 v43, v54  }
0x397: {  	v3 =	vmov s15  }
0x398: {  	v10 =	vadd.s32 v43, v53;
	v3 =	vmul.u32 $0x3F0, v3;
	[tilespmem:s3+$0x60] =	vst v0  }
0x399: {  	s16 =	simm.s32 $0x6;
	[tilespmem:s2+$0x60] =	vst v5;
	v0 =	vld.idx.msk [tilespmem:v4+s31+$0x0], $0xffff  }
0x39a: {  	s17 =	simm.s32 $0x7;
	v40 =	vbroadcast v3, $0x0;
	v3 =	vmov s16;
	[tilespmem:s1+$0x60] =	vst v6;
	v7 =	vld.idx.msk [tilespmem:v7+s31+$0x0], $0xffff  }
0x39b: {  	v3 =	vmul.u32 $0x3F0, v3;
	v4 =	vadd.s32 v41, v2;
	v6 =	vld.idx.msk [tilespmem:v9+s31+$0x0], $0xffff;
	v9 =	vmov s17  }
0x39c: {  	[tilespmem:s13+$0x60] =	vst v8;
	v8 =	vadd.s32 v41, v63;
	v9 =	vmul.u32 $0x3F0, v9  }
0x39d: {  	v39 =	vbroadcast v3, $0x0;
	v3 =	vld.idx.msk [tilespmem:v10+s31+$0x0], $0xffff;
	v10 =	vadd.s32 v41, v54  }
0x39e: {  	v5 =	vadd.s32 v52, v40;
	v48 =	vbroadcast v9, $0x0  }
0x39f: {  	s18 =	simm.s32 $0x4;
	s19 =	sand.u32 $0x7, s14;
	v11 =	vadd.s32 v41, v53;
	[tilespmem:s3+$0x70] =	vst v0  }
0x3a0: {  	s21 =	sshll.u32 s19, $0x7;
	[tilespmem:s2+$0x70] =	vst v7;
	v7 =	vmov s18;
	v12 =	vadd.s32 v52, v48;
	v4 =	vld.idx.msk [tilespmem:v4+s31+$0x0], $0xffff  }
0x3a1: {  	s20 =	simm.s32 $0x9;
	s22 =	sadd.s32 $0x0, s21;
	v9 =	vadd.s32 v38, v2;
	[tilespmem:s1+$0x70] =	vst v6;
	v8 =	vld.idx.msk [tilespmem:v8+s31+$0x0], $0xffff;
	v7 =	vmul.u32 $0x3F0, v7  }
0x3a2: {  	p0 =	por $0x0, $0x0;
	s23 =	sand.u32 $0x3, s14;
	s0 =	sadd.s32 $0x180, s22;
	v6 =	vmov s20;
	[tilespmem:s13+$0x70] =	vst v3;
	v3 =	vld.idx.msk [tilespmem:v10+s31+$0x0], $0xffff;
	v10 =	vadd.s32 v38, v63  }
0x3a3: {  	s24 =	sor.u32 $0x400, s0;
	v5 =	vld.idx.msk [tilespmem:v5+s31+$0x0], $0xffff;
	s3 =	simm.s32 $0x1;
	s2 =	sshll.u32 s23, $0x8;
	v6 =	vmul.u32 $0x3F0, v6;
	v45 =	vbroadcast v7, $0x0;
	v7 =	vadd.s32 v38, v54  }
0x3a4: {  	v0 =	vadd.s32 v52, v39;
	v11 =	vld.idx.msk [tilespmem:v11+s31+$0x0], $0xffff;
	s3 =	simm.s32 @!p0 $0x0;
	s25 =	sadd.s32 $0x0, s2;
	s2 =	sadd.s32 $0x80, s22  }
0x3a5: {  	s6 =	sshll.u32 s3, $0x9;
	s3 =	sadd.s32 $0x100, s25;
	s7 =	sor.u32 $0x400, s2;
	v42 =	vbroadcast v6, $0x0;
	v6 =	vadd.s32 v38, v53;
	v12 =	vld.idx.msk [tilespmem:v12+s31+$0x0], $0xffff;
	[tilespmem:s24+$0x1C600] =	vst v4  }
0x3a6: {  	s22 =	simm.s32 $0x400;
	s8 =	sor.u32 $0x400, s3;
	v4 =	vadd.s32 v52, v45;
	[tilespmem:s7+$0x1C600] =	vst v8;
	v9 =	vld.idx.msk [tilespmem:v9+s31+$0x0], $0xffff  }
0x3a7: {  	s1 =	simm.s32 $0x380;
	s12 =	sand.u32 $0x1800, s22;
	s4 =	sadd.s32 $0x0, s6;
	[tilespmem:s8+$0x1C600] =	vst v3;
	v8 =	vld.idx.msk [tilespmem:v10+s31+$0x0], $0xffff;
	v10 =	vadd.s32 v51, v48  }
0x3a8: {  	s5 =	sor.u32 $0x1C600, s12;
	s6 =	sand.u32 $0x380, s1;
	s9 =	sor.u32 $0x400, s4;
	v3 =	vadd.s32 v37, v2;
	v7 =	vld.idx.msk [tilespmem:v7+s31+$0x0], $0xffff  }
0x3a9: {  	s21 =	sadd.s32 s6, s5;
	v0 =	vld.idx.msk [tilespmem:v0+s31+$0x0], $0xffff;
	v13 =	vadd.s32 v52, v42;
	[tilespmem:s9+$0x1C600] =	vst v11  }
0x3aa: {  	s7 =	sor.u32 $0x410, s0;
	v6 =	vld.idx.msk [tilespmem:v6+s31+$0x0], $0xffff;
	[tilespmem:s21+$0x0] =	vst v12;
	v12 =	vadd.s32 v51, v39  }
0x3ab: {  	s16 =	simm.s32 $0x300;
	s13 =	simm.s32 $0x280;
	s15 =	sor.u32 $0x410, s2;
	v4 =	vld.idx.msk [tilespmem:v4+s31+$0x0], $0xffff;
	[tilespmem:s7+$0x1C600] =	vst v9;
	v9 =	vadd.s32 v51, v40  }
0x3ac: {  	s17 =	sand.u32 $0x300, s16;
	s19 =	sor.u32 $0x410, s3;
	s7 =	sand.u32 $0x280, s13;
	[tilespmem:s15+$0x1C600] =	vst v8;
	v8 =	vadd.s32 v51, v45;
	v10 =	vld.idx.msk [tilespmem:v10+s31+$0x0], $0xffff  }
0x3ad: {  	v11 =	vadd.s32 v37, v63;
	s9 =	simm.s32 $0x200;
	v3 =	vld.idx.msk [tilespmem:v3+s31+$0x0], $0xffff;
	s28 =	sadd.s32 s7, s5;
	s7 =	sadd.s32 s17, s5;
	[tilespmem:s19+$0x1C600] =	vst v7  }
0x3ae: {  	s18 =	sand.u32 $0x200, s9;
	v55 =	vld.idx.msk [tilespmem:v13+s31+$0x0], $0xffff;
	[tilespmem:s7+$0x0] =	vst v0;
	v0 =	vadd.s32 v36, v2  }
0x3af: {  	s18 =	sadd.s32 s18, s5;
	[tilespmem:s28+$0x0] =	vst v5;
	v5 =	vadd.s32 v37, v54;
	v12 =	vld.idx.msk [tilespmem:v12+s31+$0x0], $0xffff  }
0x3b0: {  	[tilespmem:s18+$0x0] =	vst v4;
	v4 =	vadd.s32 v50, v48;
	v9 =	vld.idx.msk [tilespmem:v9+s31+$0x0], $0xffff  }
0x3b1: {  	s20 =	sor.u32 $0x420, s0;
	v8 =	vld.idx.msk [tilespmem:v8+s31+$0x0], $0xffff;
	[tilespmem:s21+$0x10] =	vst v10;
	v10 =	vadd.s32 v50, v39  }
0x3b2: {  	s23 =	sor.u32 $0x410, s4;
	v11 =	vld.idx.msk [tilespmem:v11+s31+$0x0], $0xffff;
	[tilespmem:s20+$0x1C600] =	vst v3;
	v3 =	vadd.s32 v50, v40  }
0x3b3: {  	[tilespmem:s23+$0x1C600] =	vst v6;
	v6 =	vadd.s32 v50, v45;
	v0 =	vld.idx.msk [tilespmem:v0+s31+$0x0], $0xffff  }
0x3b4: {  	v7 =	vadd.s32 v37, v53;
	v5 =	vld.idx.msk [tilespmem:v5+s31+$0x0], $0xffff;
	[tilespmem:s7+$0x10] =	vst v12  }
0x3b5: {  	v12 =	vadd.s32 v35, v2;
	v4 =	vld.idx.msk [tilespmem:v4+s31+$0x0], $0xffff;
	[tilespmem:s28+$0x10] =	vst v9  }
0x3b6: {  	s24 =	sor.u32 $0x420, s2;
	[tilespmem:s18+$0x10] =	vst v8;
	v8 =	vadd.s32 v49, v48;
	v10 =	vld.idx.msk [tilespmem:v10+s31+$0x0], $0xffff  }
0x3b7: {  	s25 =	sor.u32 $0x430, s0;
	[tilespmem:s24+$0x1C600] =	vst v11;
	v9 =	vadd.s32 v36, v63;
	v3 =	vld.idx.msk [tilespmem:v3+s31+$0x0], $0xffff  }
0x3b8: {  	s6 =	sor.u32 $0x420, s3;
	v6 =	vld.idx.msk [tilespmem:v6+s31+$0x0], $0xffff;
	[tilespmem:s25+$0x1C600] =	vst v0;
	v0 =	vadd.s32 v49, v40  }
0x3b9: {  	v7 =	vld.idx.msk [tilespmem:v7+s31+$0x0], $0xffff;
	[tilespmem:s6+$0x1C600] =	vst v5;
	v5 =	vadd.s32 v49, v45  }
0x3ba: {  	v12 =	vld.idx.msk [tilespmem:v12+s31+$0x0], $0xffff;
	[tilespmem:s21+$0x20] =	vst v4;
	v4 =	vadd.s32 v49, v39  }
0x3bb: {  	v11 =	vadd.s32 v36, v54;
	v8 =	vld.idx.msk [tilespmem:v8+s31+$0x0], $0xffff;
	[tilespmem:s7+$0x20] =	vst v10  }
0x3bc: {  	v9 =	vld.idx.msk [tilespmem:v9+s31+$0x0], $0xffff;
	v10 =	vadd.s32 v34, v2;
	[tilespmem:s28+$0x20] =	vst v3  }
0x3bd: {  	s8 =	sor.u32 $0x420, s4;
	[tilespmem:s18+$0x20] =	vst v6;
	v6 =	vadd.s32 v47, v48;
	v0 =	vld.idx.msk [tilespmem:v0+s31+$0x0], $0xffff  }
0x3be: {  	s9 =	sor.u32 $0x440, s0;
	[tilespmem:s8+$0x1C600] =	vst v7;
	v3 =	vadd.s32 v36, v53;
	v5 =	vld.idx.msk [tilespmem:v5+s31+$0x0], $0xffff  }
0x3bf: {  	v7 =	vadd.s32 v35, v63;
	[tilespmem:s9+$0x1C600] =	vst v12;
	v4 =	vld.idx.msk [tilespmem:v4+s31+$0x0], $0xffff  }
0x3c0: {  	s12 =	sor.u32 $0x430, s2;
	v11 =	vld.idx.msk [tilespmem:v11+s31+$0x0], $0xffff;
	v12 =	vadd.s32 v47, v40;
	[tilespmem:s21+$0x30] =	vst v8  }
0x3c1: {  	v8 =	vadd.s32 v47, v39;
	[tilespmem:s12+$0x1C600] =	vst v9;
	v10 =	vld.idx.msk [tilespmem:v10+s31+$0x0], $0xffff  }
0x3c2: {  	v9 =	vadd.s32 v47, v45;
	v6 =	vld.idx.msk [tilespmem:v6+s31+$0x0], $0xffff;
	[tilespmem:s28+$0x30] =	vst v0  }
0x3c3: {  	v3 =	vld.idx.msk [tilespmem:v3+s31+$0x0], $0xffff;
	[tilespmem:s18+$0x30] =	vst v5;
	v5 =	vadd.s32 v46, v48  }
0x3c4: {  	s13 =	sor.u32 $0x430, s3;
	v7 =	vld.idx.msk [tilespmem:v7+s31+$0x0], $0xffff;
	[tilespmem:s7+$0x30] =	vst v4;
	v4 =	vadd.s32 v33, v2  }
0x3c5: {  	s15 =	sor.u32 $0x450, s0;
	[tilespmem:s13+$0x1C600] =	vst v11;
	v0 =	vadd.s32 v35, v54;
	v12 =	vld.idx.msk [tilespmem:v12+s31+$0x0], $0xffff  }
0x3c6: {  	v11 =	vadd.s32 v35, v53;
	v8 =	vld.idx.msk [tilespmem:v8+s31+$0x0], $0xffff;
	[tilespmem:s15+$0x1C600] =	vst v10  }
0x3c7: {  	s16 =	sor.u32 $0x430, s4;
	v9 =	vld.idx.msk [tilespmem:v9+s31+$0x0], $0xffff;
	v10 =	vadd.s32 v46, v40;
	[tilespmem:s21+$0x40] =	vst v6  }
0x3c8: {  	s17 =	sor.u32 $0x440, s2;
	v6 =	vadd.s32 v46, v39;
	[tilespmem:s16+$0x1C600] =	vst v3;
	v5 =	vld.idx.msk [tilespmem:v5+s31+$0x0], $0xffff  }
0x3c9: {  	v3 =	vadd.s32 v46, v45;
	[tilespmem:s17+$0x1C600] =	vst v7;
	v4 =	vld.idx.msk [tilespmem:v4+s31+$0x0], $0xffff  }
0x3ca: {  	v0 =	vld.idx.msk [tilespmem:v0+s31+$0x0], $0xffff;
	[tilespmem:s28+$0x40] =	vst v12;
	v12 =	vadd.s32 v34, v63  }
0x3cb: {  	v11 =	vld.idx.msk [tilespmem:v11+s31+$0x0], $0xffff;
	[tilespmem:s7+$0x40] =	vst v8  }
0x3cc: {  	v8 =	vld.idx.msk [tilespmem:v10+s31+$0x0], $0xffff;
	[tilespmem:s18+$0x40] =	vst v9  }
0x3cd: {  	s20 =	sor.u32 $0x460, s0;
	v2 =	vadd.s32 v32, v2;
	v6 =	vld.idx.msk [tilespmem:v6+s31+$0x0], $0xffff;
	[tilespmem:s21+$0x50] =	vst v5  }
0x3ce: {  	s25 =	sor.u32 $0x450, s4;
	v10 =	vadd.s32 v44, v48;
	v3 =	vld.idx.msk [tilespmem:v3+s31+$0x0], $0xffff;
	[tilespmem:s20+$0x1C600] =	vst v4  }
0x3cf: {  	s19 =	simm.s32 $0xA;
	s12 =	sor.u32 $0x460, s4;
	v7 =	vadd.s32 v34, v54;
	v12 =	vld.idx.msk [tilespmem:v12+s31+$0x0], $0xffff;
	[dreg:$0x14] =	wrdreg s25  }
0x3d0: {  	s24 =	sor.u32 $0x440, s3;
	v9 =	vmov s19;
	v5 =	vadd.s32 v44, v39;
	[dreg:$0x13] =	wrdreg s12  }
0x3d1: {  	v9 =	vmul.u32 $0x3F0, v9;
	v4 =	vadd.s32 v44, v40;
	[tilespmem:s24+$0x1C600] =	vst v0  }
0x3d2: {  	p0 =	por !p0, !p0;
	s23 =	sor.u32 $0x440, s4;
	v2 =	vld.idx.msk [tilespmem:v2+s31+$0x0], $0xffff;
	[tilespmem:s28+$0x50] =	vst v8  }
0x3d3: {  	s0 =	sor.u32 $0x470, s0;
	s6 =	sor.u32 $0x450, s3;
	s9 =	sor.u32 $0x460, s3;
	v56 =	vbroadcast v9, $0x0;
	v0 =	vadd.s32 v44, v45;
	v9 =	vld.idx.msk [tilespmem:v10+s31+$0x0], $0xffff;
	[tilespmem:s7+$0x50] =	vst v6  }
0x3d4: {  	s13 =	sand.u32 $0x3, s11;
	s25 =	sor.u32 $0x470, s4;
	s4 =	simm.s32 $0x1;
	[tilespmem:s18+$0x50] =	vst v3;
	v7 =	vld.idx.msk [tilespmem:v7+s31+$0x0], $0xffff  }
0x3d5: {  	s16 =	sor.u32 $0x470, s3;
	s17 =	sor.u32 $0x460, s2;
	s4 =	simm.s32 @!p0 $0x0;
	[tilespmem:s23+$0x1C600] =	vst v11;
	v5 =	vld.idx.msk [tilespmem:v5+s31+$0x0], $0xffff  }
0x3d6: {  	s3 =	sshll.u32 s13, $0x8;
	s4 =	sshll.u32 s4, $0x9;
	v10 =	vld.idx.msk [tilespmem:v4+s31+$0x0], $0xffff;
	[dreg:$0x1b] =	wrdreg s17  }
0x3d7: {  	s3 =	sadd.s32 $0x400, s3;
	s19 =	sor.u32 $0x470, s2;
	v8 =	vadd.s32 v34, v53;
	s4 =	sadd.s32 $0x400, s4;
	[tilespmem:s0+$0x1C600] =	vst v2  }
0x3d8: {  	s3 =	sadd.s32 $0x100, s3;
	s20 =	sor.u32 $0x400, s4;
	v14 =	vld.idx.msk [tilespmem:v0+s31+$0x0], $0xffff;
	[dreg:$0x16] =	wrdreg s19  }
0x3d9: {  	s23 =	sor.u32 $0x400, s3;
	[dreg:$0x17] =	wrdreg s20  }
0x3da: {  	[dreg:$0x19] =	wrdreg s23  }
0x3db: {  	v6 =	vadd.s32 v52, v56;
	s24 =	sor.u32 $0x410, s4;
	[tilespmem:s21+$0x60] =	vst v9  }
0x3dc: {  	s15 =	sor.u32 $0x450, s2;
	v3 =	vadd.s32 v43, v48;
	s2 =	sor.u32 $0x420, s4;
	v0 =	vld.idx.msk [tilespmem:v8+s31+$0x0], $0xffff;
	[dreg:$0xf] =	wrdreg s24  }
0x3dd: {  	v11 =	vadd.s32 v33, v63;
	s5 =	sor.u32 $0x430, s4;
	[dreg:$0xa] =	wrdreg s2  }
0x3de: {  	[dreg:$0x7] =	wrdreg s5  }
0x3df: {  	[tilespmem:s15+$0x1C600] =	vst v12  }
0x3e0: {  	v2 =	vadd.s32 v43, v40;
	v6 =	vld.idx.msk [tilespmem:v6+s31+$0x0], $0xffff;
	[tilespmem:s6+$0x1C600] =	vst v7  }
0x3e1: {  	s12 =	sor.u32 $0x410, s3;
	v4 =	vld.idx.msk [tilespmem:v3+s31+$0x0], $0xffff;
	[tilespmem:s28+$0x60] =	vst v10  }
0x3e2: {  	s13 =	sor.u32 $0x420, s3;
	v9 =	vadd.s32 v43, v39;
	v8 =	vld.idx.msk [tilespmem:v11+s31+$0x0], $0xffff;
	[dreg:$0x12] =	wrdreg s12  }
0x3e3: {  	[dreg:$0xd] =	wrdreg s13  }
0x3e4: {  	v15 =	vadd.s32 v43, v45;
	s15 =	sor.u32 $0x460, s3;
	[tilespmem:s7+$0x60] =	vst v5  }
0x3e5: {  	s17 =	sor.u32 $0x440, s4;
	s29 =	sor.u32 $0x470, s4;
	v3 =	vld.idx.msk [tilespmem:v2+s31+$0x0], $0xffff;
	[dreg:$0x8] =	wrdreg s15  }
0x3e6: {  	s0 =	simm.s32 $0xB;
	s19 =	sor.u32 $0x450, s4;
	s23 =	sor.u32 $0x460, s4;
	[tilespmem:s18+$0x60] =	vst v14  }
0x3e7: {  	s20 =	sor.u32 $0x400, s10;
	s5 =	sor.u32 $0x430, s3;
	v7 =	vld.idx.msk [tilespmem:v9+s31+$0x0], $0xffff;
	[smem:$0x7EE] =	sst s10  }
0x3e8: {  	v13 =	vadd.s32 v33, v54;
	s24 =	sor.u32 $0x440, s3;
	v12 =	vadd.s32 v41, v48;
	s13 =	sor.u32 $0x450, s3;
	[smem:$0x7EF] =	sst s20  }
0x3e9: {  	v10 =	vadd.s32 v32, v63;
	s12 =	sor.u32 $0x470, s3;
	v11 =	vadd.s32 v33, v53;
	s15 =	simm.s32 $0x8;
	v9 =	vadd.s32 v41, v40;
	s20 =	simm.s32 $0xC;
	v5 =	vld.idx.msk [tilespmem:v15+s31+$0x0], $0xffff  }
.LBB2_7:
0x3ea: {  	[smem:$0x7EA] =	sst s24  }
0x3eb: {  	[smem:$0x7EB] =	sst s17  }
0x3ec: {  	[dreg:$0x1c] =	wrdreg s13  }
0x3ed: {  	s8 =	rddreg [dreg:$0x14]  }
0x3ee: {  	v14 =	vadd.s32 v41, v39;
	s10 =	smov.u32 s19;
	s13 =	rddreg [dreg:$0x1b];
	s14 =	sadd.s32 $0x4, s14;
	[tilespmem:s8+$0x1C600] =	vst v0  }
0x3ef: {  	s2 =	sadd.s32 $0x1, s20;
	s6 =	rddreg [dreg:$0x13];
	s11 =	sadd.s32 $0x2, s11;
	v0 =	vld.idx.msk [tilespmem:v13+s31+$0x0], $0xffff;
	[tilespmem:s7+$0x70] =	vst v7  }
0x3f0: {  	v2 =	vmov s0;
	p0 =	por !p0, !p0;
	[dreg:$0x14] =	wrdreg s10;
	s17 =	sand.u32 $0x7, s14;
	[tilespmem:s21+$0x70] =	vst v4  }
0x3f1: {  	s1 =	sadd.s32 $0x200, s1;
	v2 =	vmul.u32 $0x3F0, v2;
	s0 =	sshll.u32 s17, $0x7;
	s17 =	rddreg [dreg:$0x16];
	v13 =	vadd.s32 v41, v45;
	v11 =	vld.idx.msk [tilespmem:v11+s31+$0x0], $0xffff;
	[tilespmem:s13+$0x1C600] =	vst v8  }
0x3f2: {  	s0 =	sadd.s32 s22, s0;
	s22 =	sadd.s32 $0x400, s22;
	v8 =	vadd.s32 v32, v54;
	[tilespmem:s18+$0x70] =	vst v5;
	s21 =	rddreg [dreg:$0x8];
	v12 =	vld.idx.msk [tilespmem:v12+s31+$0x0], $0xffff  }
0x3f3: {  	v4 =	vbroadcast v2, $0x0;
	s18 =	sadd.s32 $0x80, s0;
	s19 =	sadd.s32 $0x180, s0;
	[tilespmem:s28+$0x70] =	vst v3;
	v3 =	vadd.s32 v32, v53;
	v5 =	vld.idx.msk [tilespmem:v14+s31+$0x0], $0xffff;
	s3 =	smov.u32 s21  }
0x3f4: {  	v7 =	vadd.s32 v38, v48;
	v2 =	vmov s15;
	s24 =	sor.u32 $0x400, s18;
	s7 =	sor.u32 $0x430, s18;
	v10 =	vld.idx.msk [tilespmem:v10+s31+$0x0], $0xffff;
	[smem:$0x7E8] =	sst s3  }
0x3f5: {  	v15 =	vmov s2;
	v2 =	vmul.u32 $0x3F0, v2;
	s0 =	sor.u32 $0x410, s18;
	s8 =	sor.u32 $0x440, s18;
	v9 =	vld.idx.msk [tilespmem:v9+s31+$0x0], $0xffff;
	v16 =	vadd.s32 v52, v4;
	[smem:$0x7E7] =	sst s7  }
0x3f6: {  	v54 =	vmov v39;
	v14 =	vmul.u32 $0x3F0, v15;
	v15 =	vadd.s32 v38, v40;
	s4 =	sor.u32 $0x400, s19;
	s10 =	sor.u32 $0x460, s18;
	[smem:$0x7E9] =	sst s8;
	v13 =	vld.idx.msk [tilespmem:v13+s31+$0x0], $0xffff;
	[tilespmem:s9+$0x1C600] =	vst v0  }
0x3f7: {  	v53 =	vmov v45;
	s13 =	sor.u32 $0x420, s18;
	s2 =	sor.u32 $0x470, s18;
	[dreg:$0x1b] =	wrdreg s10;
	v45 =	vbroadcast v2, $0x0;
	v0 =	vadd.s32 v38, v54;
	[tilespmem:s6+$0x1C600] =	vst v11;
	v8 =	vld.idx.msk [tilespmem:v8+s31+$0x0], $0xffff  }
0x3f8: {  	s21 =	sand.u32 $0x3, s11;
	[dreg:$0x16] =	wrdreg s2;
	s3 =	simm.s32 $0x1;
	v2 =	vbroadcast v14, $0x0;
	v11 =	vadd.s32 v38, v53;
	[tilespmem:s4+$0x1C600] =	vst v12;
	v3 =	vld.idx.msk [tilespmem:v3+s31+$0x0], $0xffff  }
0x3f9: {  	s2 =	sshll.u32 s21, $0x8;
	s7 =	sand.u32 $0x380, s1;
	s10 =	sor.u32 $0x410, s19;
	v12 =	vadd.s32 v52, v45;
	v7 =	vld.idx.msk [tilespmem:v7+s31+$0x0], $0xffff;
	[tilespmem:s17+$0x1C600] =	vst v10  }
0x3fa: {  	s9 =	sor.u32 $0x450, s18;
	s18 =	smov.u32 s23;
	s23 =	rddreg [dreg:$0x19];
	v10 =	vadd.s32 v52, v2;
	v14 =	vld.idx.msk [tilespmem:v16+s31+$0x0], $0xffff;
	[tilespmem:s24+$0x1C600] =	vst v9  }
0x3fb: {  	s8 =	sadd.s32 $0xFFFFFE80, s1;
	s3 =	simm.s32 @!p0 $0x0;
	[tilespmem:s23+$0x1C600] =	vst v5;
	s24 =	rddreg [dreg:$0x17];
	v9 =	vld.idx.msk [tilespmem:v15+s31+$0x0], $0xffff  }
0x3fc: {  	s2 =	sadd.s32 s22, s2;
	s3 =	sshll.u32 s3, $0x9;
	[dreg:$0x1e] =	wrdreg s9;
	v5 =	vadd.s32 v37, v48;
	[tilespmem:s24+$0x1C600] =	vst v13;
	v0 =	vld.idx.msk [tilespmem:v0+s31+$0x0], $0xffff  }
0x3fd: {  	[dreg:$0x13] =	wrdreg s18;
	s6 =	sand.u32 $0x1800, s22;
	s9 =	smov.u32 s5;
	v15 =	vadd.s32 v51, v4;
	v11 =	vld.idx.msk [tilespmem:v11+s31+$0x0], $0xffff;
	[tilespmem:s16+$0x1C600] =	vst v8  }
0x3fe: {  	v39 =	vmov v56;
	s18 =	sand.u32 $0x200, s8;
	s8 =	rddreg [dreg:$0x12];
	s4 =	sor.u32 $0x1C600, s6;
	v8 =	vld.idx.msk [tilespmem:v12+s31+$0x0], $0xffff;
	v12 =	vadd.s32 v51, v42;
	[tilespmem:s25+$0x1C600] =	vst v3  }
0x3ff: {  	s17 =	smov.u32 s12;
	s21 =	sadd.s32 s7, s4;
	s16 =	sadd.s32 $0xFFFFFF00, s1;
	v3 =	vld.idx.msk [tilespmem:v10+s31+$0x0], $0xffff;
	v10 =	vadd.s32 v51, v39;
	[tilespmem:s10+$0x1C600] =	vst v7  }
0x400: {  	s18 =	sadd.s32 s18, s4;
	s24 =	sadd.s32 $0xFFFFFF80, s1;
	s23 =	sand.u32 $0x280, s16;
	v7 =	vadd.s32 v51, v45;
	[tilespmem:s21+$0x0] =	vst v14  }
0x401: {  	v13 =	vadd.s32 v37, v40;
	s25 =	sand.u32 $0x300, s24;
	s16 =	sadd.s32 s3, s22;
	s28 =	sadd.s32 s23, s4;
	v5 =	vld.idx.msk [tilespmem:v5+s31+$0x0], $0xffff;
	[tilespmem:s0+$0x1C600] =	vst v9  }
0x402: {  	s7 =	sadd.s32 s25, s4;
	s25 =	sadd.s32 $0x100, s2;
	s5 =	sor.u32 $0x400, s16;
	v14 =	vld.idx.msk [tilespmem:v15+s31+$0x0], $0xffff;
	v9 =	vadd.s32 v37, v54;
	[tilespmem:s28+$0x0] =	vst v55  }
0x403: {  	s12 =	smov.u32 s29;
	[dreg:$0x17] =	wrdreg s5;
	[tilespmem:s7+$0x0] =	vst v6;
	s6 =	sor.u32 $0x400, s25;
	v15 =	vadd.s32 v36, v48;
	v12 =	vld.idx.msk [tilespmem:v12+s31+$0x0], $0xffff  }
0x404: {  	s29 =	sor.u32 $0x410, s25;
	v6 =	vadd.s32 v50, v4;
	s4 =	sor.u32 $0x420, s25;
	s5 =	smov.u32 s11;
	[tilespmem:s18+$0x0] =	vst v8;
	v8 =	vld.idx.msk [tilespmem:v10+s31+$0x0], $0xffff  }
0x405: {  	s11 =	sor.u32 $0x420, s19;
	[dreg:$0x19] =	wrdreg s6;
	s6 =	sor.u32 $0x450, s25;
	v10 =	vadd.s32 v37, v53;
	v7 =	vld.idx.msk [tilespmem:v7+s31+$0x0], $0xffff;
	[tilespmem:s8+$0x1C600] =	vst v0  }
0x406: {  	v16 =	vadd.s32 v50, v42;
	s0 =	sor.u32 $0x430, s25;
	[smem:$0x7ED] =	sst s6;
	s6 =	sor.u32 $0x470, s25;
	v13 =	vld.idx.msk [tilespmem:v13+s31+$0x0], $0xffff;
	[tilespmem:s11+$0x1C600] =	vst v5  }
0x407: {  	v55 =	vmov v3;
	v0 =	vadd.s32 v50, v39;
	s8 =	sor.u32 $0x440, s25;
	v3 =	vld.idx.msk [tilespmem:v9+s31+$0x0], $0xffff;
	s11 =	sor.u32 $0x460, s25;
	s25 =	rddreg [dreg:$0xf];
	[tilespmem:s21+$0x10] =	vst v14  }
0x408: {  	v5 =	vadd.s32 v50, v45;
	[tilespmem:s25+$0x1C600] =	vst v11;
	v9 =	vld.idx.msk [tilespmem:v15+s31+$0x0], $0xffff  }
0x409: {  	s10 =	sor.u32 $0x410, s16;
	[dreg:$0x8] =	wrdreg s11;
	v11 =	vadd.s32 v36, v40;
	s25 =	smov.u32 s29;
	v6 =	vld.idx.msk [tilespmem:v6+s31+$0x0], $0xffff;
	[tilespmem:s28+$0x10] =	vst v12  }
0x40a: {  	[dreg:$0x12] =	wrdreg s25;
	s25 =	smov.u32 s10;
	v10 =	vld.idx.msk [tilespmem:v10+s31+$0x0], $0xffff;
	[tilespmem:s18+$0x10] =	vst v7;
	v7 =	vadd.s32 v36, v54  }
0x40b: {  	s11 =	sor.u32 $0x470, s16;
	v12 =	vadd.s32 v35, v48;
	[dreg:$0xf] =	wrdreg s25;
	v14 =	vld.idx.msk [tilespmem:v16+s31+$0x0], $0xffff;
	[tilespmem:s7+$0x10] =	vst v8  }
0x40c: {  	s25 =	smov.u32 s12;
	v8 =	vadd.s32 v49, v4;
	s12 =	smov.u32 s6;
	[tilespmem:s13+$0x1C600] =	vst v13;
	s6 =	rddreg [dreg:$0xd];
	v0 =	vld.idx.msk [tilespmem:v0+s31+$0x0], $0xffff  }
0x40d: {  	s29 =	smov.u32 s11;
	s11 =	smov.u32 s5;
	v15 =	vadd.s32 v49, v42;
	s5 =	sor.u32 $0x430, s19;
	v5 =	vld.idx.msk [tilespmem:v5+s31+$0x0], $0xffff;
	[tilespmem:s6+$0x1C600] =	vst v3  }
0x40e: {  	v13 =	vadd.s32 v49, v39;
	v11 =	vld.idx.msk [tilespmem:v11+s31+$0x0], $0xffff;
	[tilespmem:s5+$0x1C600] =	vst v9  }
0x40f: {  	s10 =	smov.u32 s4;
	[tilespmem:s21+$0x20] =	vst v6;
	v3 =	vld.idx.msk [tilespmem:v7+s31+$0x0], $0xffff  }
0x410: {  	[dreg:$0xd] =	wrdreg s10;
	v9 =	vadd.s32 v49, v45;
	v6 =	vld.idx.msk [tilespmem:v12+s31+$0x0], $0xffff  }
0x411: {  	s10 =	sld [smem:$0x7E7];
	[tilespmem:s28+$0x20] =	vst v14;
	v8 =	vld.idx.msk [tilespmem:v8+s31+$0x0], $0xffff  }
0x412: {  	s23 =	sor.u32 $0x440, s16;
	v12 =	vadd.s32 v36, v53;
	v14 =	vld.idx.msk [tilespmem:v15+s31+$0x0], $0xffff;
	[tilespmem:s7+$0x20] =	vst v0  }
0x413: {  	s24 =	sor.u32 $0x420, s16;
	[smem:$0x7EC] =	sst s23;
	[tilespmem:s18+$0x20] =	vst v5;
	v5 =	vld.idx.msk [tilespmem:v13+s31+$0x0], $0xffff;
	v13 =	vadd.s32 v35, v40  }
0x414: {  	s3 =	sor.u32 $0x430, s16;
	s2 =	sor.u32 $0x450, s16;
	s13 =	rddreg [dreg:$0xa];
	v7 =	vadd.s32 v34, v48;
	[tilespmem:s10+$0x1C600] =	vst v11  }
0x415: {  	s23 =	sor.u32 $0x460, s16;
	s16 =	smov.u32 s17;
	s17 =	sor.u32 $0x440, s19;
	v0 =	vadd.s32 v47, v4;
	v9 =	vld.idx.msk [tilespmem:v9+s31+$0x0], $0xffff;
	[tilespmem:s13+$0x1C600] =	vst v10  }
0x416: {  	v10 =	vadd.s32 v47, v39;
	[tilespmem:s17+$0x1C600] =	vst v6  }
0x417: {  	v15 =	vadd.s32 v47, v42;
	v12 =	vld.idx.msk [tilespmem:v12+s31+$0x0], $0xffff;
	[tilespmem:s28+$0x30] =	vst v14  }
0x418: {  	v6 =	vadd.s32 v47, v45;
	[tilespmem:s21+$0x30] =	vst v8;
	v11 =	vld.idx.msk [tilespmem:v13+s31+$0x0], $0xffff  }
0x419: {  	v7 =	vld.idx.msk [tilespmem:v7+s31+$0x0], $0xffff  }
0x41a: {  	v8 =	vadd.s32 v35, v54;
	[tilespmem:s7+$0x30] =	vst v5;
	v0 =	vld.idx.msk [tilespmem:v0+s31+$0x0], $0xffff  }
0x41b: {  	[tilespmem:s18+$0x30] =	vst v9;
	v9 =	vld.idx.msk [tilespmem:v10+s31+$0x0], $0xffff;
	v10 =	vadd.s32 v35, v53  }
0x41c: {  	v13 =	vadd.s32 v33, v48;
	v14 =	vld.idx.msk [tilespmem:v15+s31+$0x0], $0xffff  }
0x41d: {  	s17 =	rddreg [dreg:$0x7];
	v15 =	vadd.s32 v46, v42;
	[tilespmem:s9+$0x1C600] =	vst v3;
	v6 =	vld.idx.msk [tilespmem:v6+s31+$0x0], $0xffff  }
0x41e: {  	s13 =	sor.u32 $0x450, s19;
	v5 =	vadd.s32 v46, v4;
	[tilespmem:s17+$0x1C600] =	vst v12  }
0x41f: {  	s6 =	smov.u32 s24;
	v3 =	vadd.s32 v46, v39;
	v8 =	vld.idx.msk [tilespmem:v8+s31+$0x0], $0xffff;
	[tilespmem:s13+$0x1C600] =	vst v7  }
0x420: {  	[dreg:$0xa] =	wrdreg s6;
	v12 =	vadd.s32 v34, v40;
	[tilespmem:s21+$0x40] =	vst v0;
	v10 =	vld.idx.msk [tilespmem:v10+s31+$0x0], $0xffff  }
0x421: {  	s6 =	sld [smem:$0x7E9];
	[tilespmem:s28+$0x40] =	vst v14;
	v7 =	vadd.s32 v46, v45;
	v0 =	vld.idx.msk [tilespmem:v13+s31+$0x0], $0xffff  }
0x422: {  	s4 =	sadd.s32 $0x2, s20;
	s13 =	sld [smem:$0x7EA];
	v13 =	vadd.s32 v32, v48;
	v48 =	vmov v4;
	v4 =	vld.idx.msk [tilespmem:v15+s31+$0x0], $0xffff;
	[tilespmem:s18+$0x40] =	vst v6;
	v6 =	vadd.s32 v34, v54  }
0x423: {  	v14 =	vmov s4;
	[tilespmem:s7+$0x40] =	vst v9;
	v5 =	vld.idx.msk [tilespmem:v5+s31+$0x0], $0xffff;
	v15 =	vadd.s32 v44, v42  }
0x424: {  	v14 =	vmul.u32 $0x3F0, v14;
	v3 =	vld.idx.msk [tilespmem:v3+s31+$0x0], $0xffff;
	[tilespmem:s6+$0x1C600] =	vst v11  }
0x425: {  	s10 =	sor.u32 $0x460, s19;
	v9 =	vadd.s32 v44, v48;
	v12 =	vld.idx.msk [tilespmem:v12+s31+$0x0], $0xffff;
	[tilespmem:s13+$0x1C600] =	vst v8  }
0x426: {  	v11 =	vadd.s32 v44, v39;
	v56 =	vbroadcast v14, $0x0;
	v7 =	vld.idx.msk [tilespmem:v7+s31+$0x0], $0xffff;
	[tilespmem:s10+$0x1C600] =	vst v0  }
0x427: {  	v0 =	vadd.s32 v44, v45;
	[tilespmem:s28+$0x50] =	vst v4;
	v14 =	vld.idx.msk [tilespmem:v6+s31+$0x0], $0xffff  }
0x428: {  	s17 =	sld [smem:$0x7EB];
	v8 =	vadd.s32 v52, v56;
	[tilespmem:s21+$0x50] =	vst v5;
	v15 =	vld.idx.msk [tilespmem:v15+s31+$0x0], $0xffff  }
0x429: {  	s6 =	rddreg [dreg:$0x1e];
	[tilespmem:s7+$0x50] =	vst v3;
	v5 =	vld.idx.msk [tilespmem:v13+s31+$0x0], $0xffff;
	v13 =	vadd.s32 v34, v53  }
0x42a: {  	v16 =	vadd.s32 v33, v40;
	[tilespmem:s6+$0x1C600] =	vst v12;
	v9 =	vld.idx.msk [tilespmem:v9+s31+$0x0], $0xffff  }
0x42b: {  	v3 =	vadd.s32 v43, v48;
	[tilespmem:s18+$0x50] =	vst v7;
	v7 =	vld.idx.msk [tilespmem:v11+s31+$0x0], $0xffff  }
0x42c: {  	v18 =	vadd.s32 v43, v42;
	v17 =	vld.idx.msk [tilespmem:v0+s31+$0x0], $0xffff;
	[tilespmem:s17+$0x1C600] =	vst v10  }
0x42d: {  	s24 =	smov.u32 s3;
	s3 =	sor.u32 $0x470, s19;
	v6 =	vld.idx.msk [tilespmem:v8+s31+$0x0], $0xffff;
	v10 =	vadd.s32 v43, v39;
	[tilespmem:s28+$0x60] =	vst v15  }
0x42e: {  	p1 =	slt.u32 s20, $0x1C;
	v0 =	vld.idx.msk [tilespmem:v13+s31+$0x0], $0xffff;
	[tilespmem:s3+$0x1C600] =	vst v5;
	v5 =	vadd.s32 v43, v45  }
.Ltmp2:
0x42f: {  	s4 =	sld [smem:$0x7EC];
	v8 =	vld.idx.msk [tilespmem:v16+s31+$0x0], $0xffff;
	[tilespmem:s21+$0x60] =	vst v9;
	(pc) =	sbr.rel @p1 .LBB2_7-.Ltmp2, $4  }
0x430: {  	s15 =	smov.u32 s20;
	s20 =	sadd.s32 $0x4, s20;
	s10 =	sld [smem:$0x7ED];
	v4 =	vld.idx.msk [tilespmem:v3+s31+$0x0], $0xffff  }
0x431: {  	s5 =	smov.u32 s0;
	s0 =	sadd.s32 $0x3, s15;
	[dreg:$0x7] =	wrdreg s24;
	v12 =	vadd.s32 v41, v48;
	[tilespmem:s7+$0x60] =	vst v7;
	v3 =	vld.idx.msk [tilespmem:v18+s31+$0x0], $0xffff  }
0x432: {  	s19 =	smov.u32 s2;
	s24 =	smov.u32 s8;
	s8 =	rddreg [dreg:$0x1c];
	v11 =	vadd.s32 v33, v53;
	[tilespmem:s18+$0x60] =	vst v17;
	v7 =	vld.idx.msk [tilespmem:v10+s31+$0x0], $0xffff;
	v10 =	vadd.s32 v32, v40;
	v40 =	vmov v42  }
0x433: {  	s9 =	sld [smem:$0x7E8];
	s13 =	smov.u32 s10;
	s17 =	smov.u32 s4;
	v13 =	vadd.s32 v33, v54;
	v42 =	vmov v2;
	[tilespmem:s8+$0x1C600] =	vst v14;
	v9 =	vadd.s32 v41, v40;
	v5 =	vld.idx.msk [tilespmem:v5+s31+$0x0], $0xffff  }
0x434: {  	_ =	sdelay $0x1  }
0x435: {  	s4 =	rddreg [dreg:$0x14]  }
0x436: {  	[tilespmem:s4+$0x1C600] =	vst v0  }
0x437: {  	v13 =	vld.idx.msk [tilespmem:v13+s31+$0x0], $0xffff;
	[tilespmem:s21+$0x70] =	vst v4  }
0x438: {  	v2 =	vmov s0;
	s0 =	rddreg [dreg:$0x1b];
	[tilespmem:s28+$0x70] =	vst v3  }
0x439: {  	s10 =	sadd.s32 $0x4, s14;
	v2 =	vmul.u32 $0x3F0, v2;
	v11 =	vld.idx.msk [tilespmem:v11+s31+$0x0], $0xffff;
	[tilespmem:s0+$0x1C600] =	vst v8  }
0x43a: {  	v14 =	vadd.s32 v41, v39;
	v0 =	vmov s15;
	s6 =	sand.u32 $0x7, s10;
	v3 =	vld.idx.msk [tilespmem:v12+s31+$0x0], $0xffff;
	[tilespmem:s7+$0x70] =	vst v7  }
0x43b: {  	v0 =	vmul.u32 $0x3F0, v0;
	v2 =	vbroadcast v2, $0x0;
	s0 =	sshll.u32 s6, $0x7;
	[tilespmem:s18+$0x70] =	vst v5  }
0x43c: {  	v8 =	vadd.s32 v41, v45;
	v7 =	vld.idx.msk [tilespmem:v10+s31+$0x0], $0xffff;
	s0 =	sadd.s32 s22, s0;
	[tilespmem:s9+$0x1C600] =	vst v13  }
0x43d: {  	v4 =	vbroadcast v0, $0x0;
	v0 =	vld.idx.msk [tilespmem:v9+s31+$0x0], $0xffff;
	v12 =	vadd.s32 v52, v2;
	s7 =	sadd.s32 $0x180, s0;
	s2 =	rddreg [dreg:$0x13]  }
0x43e: {  	s8 =	sor.u32 $0x400, s7;
	[tilespmem:s2+$0x1C600] =	vst v11  }
0x43f: {  	v5 =	vld.idx.msk [tilespmem:v14+s31+$0x0], $0xffff;
	v9 =	vadd.s32 v52, v4;
	[tilespmem:s8+$0x1C600] =	vst v3  }
0x440: {  	s6 =	sadd.s32 $0x80, s0;
	v3 =	vadd.s32 v32, v53;
	s9 =	rddreg [dreg:$0x16]  }
0x441: {  	s3 =	sadd.s32 $0x400, s22;
	s15 =	sadd.s32 $0x200, s1;
	v10 =	vadd.s32 v32, v54;
	s14 =	sor.u32 $0x400, s6;
	v8 =	vld.idx.msk [tilespmem:v8+s31+$0x0], $0xffff;
	[tilespmem:s9+$0x1C600] =	vst v7  }
0x442: {  	s4 =	sadd.s32 $0xFFFFFF00, s15;
	s18 =	sand.u32 $0x1800, s3;
	[tilespmem:s14+$0x1C600] =	vst v0;
	v0 =	vadd.s32 v51, v42;
	v11 =	vld.idx.msk [tilespmem:v12+s31+$0x0], $0xffff  }
0x443: {  	s4 =	sand.u32 $0x280, s4;
	s1 =	sor.u32 $0x1C600, s18;
	v7 =	vadd.s32 v51, v2;
	s2 =	rddreg [dreg:$0x19]  }
0x444: {  	s9 =	sadd.s32 s4, s1;
	[tilespmem:s2+$0x1C600] =	vst v5;
	v5 =	vld.idx.msk [tilespmem:v9+s31+$0x0], $0xffff;
	v9 =	vadd.s32 v51, v56  }
0x445: {  	s20 =	sand.u32 $0x380, s15;
	s21 =	sadd.s32 $0xFFFFFF80, s15;
	s8 =	rddreg [dreg:$0x17];
	v3 =	vld.idx.msk [tilespmem:v3+s31+$0x0], $0xffff;
	[tilespmem:s9+$0x0] =	vst v55  }
0x446: {  	s22 =	sand.u32 $0x300, s21;
	s0 =	sadd.s32 $0xFFFFFE80, s15;
	s2 =	sadd.s32 s20, s1;
	[tilespmem:s8+$0x1C600] =	vst v8;
	v8 =	vld.idx.msk [tilespmem:v10+s31+$0x0], $0xffff;
	v10 =	vadd.s32 v51, v4  }
0x447: {  	s0 =	sand.u32 $0x200, s0;
	v12 =	vadd.s32 v38, v48;
	s8 =	sadd.s32 s22, s1;
	v0 =	vld.idx.msk [tilespmem:v0+s31+$0x0], $0xffff;
	[tilespmem:s2+$0x0] =	vst v11  }
0x448: {  	s1 =	sadd.s32 s0, s1;
	[tilespmem:s8+$0x0] =	vst v6;
	v11 =	vadd.s32 v38, v40;
	v7 =	vld.idx.msk [tilespmem:v7+s31+$0x0], $0xffff  }
0x449: {  	[tilespmem:s1+$0x0] =	vst v5;
	v5 =	vld.idx.msk [tilespmem:v9+s31+$0x0], $0xffff;
	v9 =	vadd.s32 v50, v42  }
0x44a: {  	v6 =	vadd.s32 v50, v2  }
0x44b: {  	[tilespmem:s16+$0x1C600] =	vst v8;
	v8 =	vld.idx.msk [tilespmem:v10+s31+$0x0], $0xffff;
	v10 =	vadd.s32 v50, v56  }
0x44c: {  	v12 =	vld.idx.msk [tilespmem:v12+s31+$0x0], $0xffff;
	[tilespmem:s25+$0x1C600] =	vst v3;
	v3 =	vadd.s32 v50, v4  }
0x44d: {  	[tilespmem:s9+$0x10] =	vst v0;
	v11 =	vld.idx.msk [tilespmem:v11+s31+$0x0], $0xffff  }
0x44e: {  	v13 =	vadd.s32 v38, v39;
	[tilespmem:s2+$0x10] =	vst v7;
	v0 =	vld.idx.msk [tilespmem:v9+s31+$0x0], $0xffff  }
0x44f: {  	v7 =	vadd.s32 v37, v48;
	[tilespmem:s8+$0x10] =	vst v5;
	v6 =	vld.idx.msk [tilespmem:v6+s31+$0x0], $0xffff  }
0x450: {  	s28 =	sor.u32 $0x410, s7;
	v9 =	vadd.s32 v49, v42;
	[tilespmem:s1+$0x10] =	vst v8;
	v8 =	vld.idx.msk [tilespmem:v10+s31+$0x0], $0xffff  }
0x451: {  	s4 =	sor.u32 $0x410, s6;
	[tilespmem:s28+$0x1C600] =	vst v12;
	v5 =	vadd.s32 v49, v2;
	v3 =	vld.idx.msk [tilespmem:v3+s31+$0x0], $0xffff  }
0x452: {  	v10 =	vadd.s32 v49, v56;
	[tilespmem:s4+$0x1C600] =	vst v11  }
0x453: {  	v12 =	vadd.s32 v49, v4;
	v11 =	vld.idx.msk [tilespmem:v13+s31+$0x0], $0xffff;
	[tilespmem:s9+$0x20] =	vst v0  }
0x454: {  	v7 =	vld.idx.msk [tilespmem:v7+s31+$0x0], $0xffff;
	[tilespmem:s2+$0x20] =	vst v6  }
0x455: {  	v13 =	vadd.s32 v38, v45;
	v0 =	vld.idx.msk [tilespmem:v9+s31+$0x0], $0xffff;
	[tilespmem:s8+$0x20] =	vst v8  }
0x456: {  	v6 =	vadd.s32 v37, v40;
	v5 =	vld.idx.msk [tilespmem:v5+s31+$0x0], $0xffff;
	[tilespmem:s1+$0x20] =	vst v3  }
0x457: {  	v9 =	vadd.s32 v47, v42;
	v3 =	vld.idx.msk [tilespmem:v10+s31+$0x0], $0xffff;
	s0 =	rddreg [dreg:$0x12]  }
0x458: {  	s14 =	sor.u32 $0x420, s7;
	v8 =	vadd.s32 v47, v2;
	v10 =	vld.idx.msk [tilespmem:v12+s31+$0x0], $0xffff;
	[tilespmem:s0+$0x1C600] =	vst v11  }
0x459: {  	v11 =	vadd.s32 v47, v56;
	[tilespmem:s14+$0x1C600] =	vst v7  }
0x45a: {  	v12 =	vadd.s32 v47, v4;
	v7 =	vld.idx.msk [tilespmem:v13+s31+$0x0], $0xffff;
	[tilespmem:s9+$0x30] =	vst v0  }
0x45b: {  	v13 =	vadd.s32 v36, v48;
	v6 =	vld.idx.msk [tilespmem:v6+s31+$0x0], $0xffff;
	[tilespmem:s2+$0x30] =	vst v5  }
0x45c: {  	v0 =	vld.idx.msk [tilespmem:v9+s31+$0x0], $0xffff;
	[tilespmem:s8+$0x30] =	vst v3  }
0x45d: {  	v5 =	vadd.s32 v37, v39;
	v8 =	vld.idx.msk [tilespmem:v8+s31+$0x0], $0xffff;
	[tilespmem:s1+$0x30] =	vst v10  }
0x45e: {  	v3 =	vadd.s32 v46, v2;
	v9 =	vld.idx.msk [tilespmem:v11+s31+$0x0], $0xffff;
	s0 =	rddreg [dreg:$0xf]  }
0x45f: {  	s15 =	sor.u32 $0x420, s6;
	v10 =	vadd.s32 v46, v42;
	[tilespmem:s0+$0x1C600] =	vst v7;
	v7 =	vld.idx.msk [tilespmem:v12+s31+$0x0], $0xffff  }
0x460: {  	v11 =	vadd.s32 v46, v56;
	v12 =	vld.idx.msk [tilespmem:v13+s31+$0x0], $0xffff;
	[tilespmem:s15+$0x1C600] =	vst v6  }
0x461: {  	v6 =	vadd.s32 v46, v4;
	[tilespmem:s9+$0x40] =	vst v0  }
0x462: {  	v5 =	vld.idx.msk [tilespmem:v5+s31+$0x0], $0xffff;
	[tilespmem:s2+$0x40] =	vst v8  }
0x463: {  	v13 =	vadd.s32 v37, v45;
	v3 =	vld.idx.msk [tilespmem:v3+s31+$0x0], $0xffff;
	[tilespmem:s8+$0x40] =	vst v9  }
0x464: {  	s16 =	sor.u32 $0x430, s7;
	v8 =	vadd.s32 v35, v48;
	v0 =	vld.idx.msk [tilespmem:v10+s31+$0x0], $0xffff;
	[tilespmem:s1+$0x40] =	vst v7  }
0x465: {  	v9 =	vadd.s32 v44, v2;
	v7 =	vld.idx.msk [tilespmem:v11+s31+$0x0], $0xffff;
	[tilespmem:s16+$0x1C600] =	vst v12  }
0x466: {  	v10 =	vadd.s32 v44, v42;
	v6 =	vld.idx.msk [tilespmem:v6+s31+$0x0], $0xffff;
	s0 =	rddreg [dreg:$0xd]  }
0x467: {  	v11 =	vadd.s32 v44, v56;
	[tilespmem:s0+$0x1C600] =	vst v5  }
0x468: {  	v12 =	vadd.s32 v44, v4;
	v5 =	vld.idx.msk [tilespmem:v13+s31+$0x0], $0xffff;
	[tilespmem:s2+$0x50] =	vst v3  }
0x469: {  	v13 =	vadd.s32 v36, v40;
	v8 =	vld.idx.msk [tilespmem:v8+s31+$0x0], $0xffff;
	[tilespmem:s9+$0x50] =	vst v0  }
0x46a: {  	v3 =	vadd.s32 v36, v39;
	v9 =	vld.idx.msk [tilespmem:v9+s31+$0x0], $0xffff;
	[tilespmem:s8+$0x50] =	vst v7  }
0x46b: {  	v0 =	vld.idx.msk [tilespmem:v10+s31+$0x0], $0xffff;
	[tilespmem:s1+$0x50] =	vst v6  }
0x46c: {  	v7 =	vadd.s32 v43, v2;
	v6 =	vld.idx.msk [tilespmem:v11+s31+$0x0], $0xffff;
	s0 =	rddreg [dreg:$0xa]  }
0x46d: {  	v10 =	vadd.s32 v43, v42;
	[tilespmem:s0+$0x1C600] =	vst v5;
	v5 =	vld.idx.msk [tilespmem:v12+s31+$0x0], $0xffff  }
0x46e: {  	s18 =	sor.u32 $0x440, s7;
	v11 =	vadd.s32 v43, v56;
	v12 =	vld.idx.msk [tilespmem:v13+s31+$0x0], $0xffff  }
0x46f: {  	[tilespmem:s18+$0x1C600] =	vst v8;
	v3 =	vld.idx.msk [tilespmem:v3+s31+$0x0], $0xffff;
	v13 =	vadd.s32 v34, v48  }
0x470: {  	v8 =	vadd.s32 v43, v4;
	[tilespmem:s2+$0x60] =	vst v9  }
0x471: {  	[tilespmem:s9+$0x60] =	vst v0;
	v7 =	vld.idx.msk [tilespmem:v7+s31+$0x0], $0xffff  }
0x472: {  	v9 =	vadd.s32 v36, v45;
	v0 =	vld.idx.msk [tilespmem:v10+s31+$0x0], $0xffff;
	[tilespmem:s8+$0x60] =	vst v6  }
0x473: {  	v6 =	vadd.s32 v41, v2;
	[tilespmem:s1+$0x60] =	vst v5;
	v5 =	vld.idx.msk [tilespmem:v11+s31+$0x0], $0xffff  }
0x474: {  	s20 =	sor.u32 $0x430, s6;
	v10 =	vadd.s32 v41, v42;
	[tilespmem:s5+$0x1C600] =	vst v3;
	v3 =	vld.idx.msk [tilespmem:v13+s31+$0x0], $0xffff  }
0x475: {  	[tilespmem:s20+$0x1C600] =	vst v12;
	v11 =	vadd.s32 v41, v56;
	v8 =	vld.idx.msk [tilespmem:v8+s31+$0x0], $0xffff  }
0x476: {  	v12 =	vadd.s32 v41, v4;
	[tilespmem:s2+$0x70] =	vst v7  }
0x477: {  	s21 =	sadd.s32 $0x4, s10;
	v9 =	vld.idx.msk [tilespmem:v9+s31+$0x0], $0xffff;
	v7 =	vadd.s32 v35, v40;
	[tilespmem:s9+$0x70] =	vst v0  }
0x478: {  	p0 =	por !p0, !p0;
	s25 =	sor.u32 $0x450, s7;
	s0 =	sand.u32 $0x7, s21;
	v0 =	vadd.s32 v33, v48;
	v6 =	vld.idx.msk [tilespmem:v6+s31+$0x0], $0xffff;
	[tilespmem:s8+$0x70] =	vst v5  }
0x479: {  	s22 =	sadd.s32 $0x2, s11;
	s4 =	simm.s32 $0x1;
	s0 =	sshll.u32 s0, $0x7;
	v10 =	vld.idx.msk [tilespmem:v10+s31+$0x0], $0xffff;
	v5 =	vadd.s32 v38, v2;
	[tilespmem:s25+$0x1C600] =	vst v3  }
0x47a: {  	s4 =	simm.s32 @!p0 $0x0;
	s28 =	sadd.s32 s3, s0;
	s2 =	sand.u32 $0x3, s22;
	[tilespmem:s1+$0x70] =	vst v8;
	v8 =	vld.idx.msk [tilespmem:v11+s31+$0x0], $0xffff;
	v11 =	vadd.s32 v38, v42  }
0x47b: {  	s0 =	sadd.s32 $0x180, s28;
	s2 =	sshll.u32 s2, $0x8;
	v3 =	vld.idx.msk [tilespmem:v12+s31+$0x0], $0xffff;
	v12 =	vadd.s32 v38, v56;
	s1 =	rddreg [dreg:$0x7]  }
0x47c: {  	v13 =	vadd.s32 v35, v39;
	s2 =	sadd.s32 s3, s2;
	s8 =	sor.u32 $0x400, s0;
	v7 =	vld.idx.msk [tilespmem:v7+s31+$0x0], $0xffff;
	[tilespmem:s1+$0x1C600] =	vst v9;
	s1 =	sadd.s32 $0x80, s28  }
0x47d: {  	s4 =	sshll.u32 s4, $0x9;
	s2 =	sadd.s32 $0x100, s2;
	v0 =	vld.idx.msk [tilespmem:v0+s31+$0x0], $0xffff;
	v9 =	vadd.s32 v38, v4;
	[tilespmem:s8+$0x1C600] =	vst v6;
	s9 =	sor.u32 $0x400, s1  }
0x47e: {  	s3 =	sadd.s32 s4, s3;
	s10 =	sor.u32 $0x400, s2;
	v6 =	vadd.s32 v35, v45;
	[tilespmem:s9+$0x1C600] =	vst v10;
	v5 =	vld.idx.msk [tilespmem:v5+s31+$0x0], $0xffff  }
0x47f: {  	s11 =	sor.u32 $0x400, s3;
	v10 =	vadd.s32 v37, v2;
	[tilespmem:s10+$0x1C600] =	vst v8;
	v8 =	vld.idx.msk [tilespmem:v11+s31+$0x0], $0xffff  }
0x480: {  	s14 =	sor.u32 $0x440, s6;
	v11 =	vadd.s32 v37, v42;
	[tilespmem:s11+$0x1C600] =	vst v3;
	v3 =	vld.idx.msk [tilespmem:v12+s31+$0x0], $0xffff  }
0x481: {  	s15 =	sor.u32 $0x460, s7;
	[tilespmem:s14+$0x1C600] =	vst v7;
	v12 =	vld.idx.msk [tilespmem:v13+s31+$0x0], $0xffff;
	v13 =	vadd.s32 v32, v48  }
0x482: {  	s16 =	sor.u32 $0x410, s0;
	[tilespmem:s15+$0x1C600] =	vst v0;
	v7 =	vld.idx.msk [tilespmem:v9+s31+$0x0], $0xffff;
	v9 =	vadd.s32 v37, v56  }
0x483: {  	s18 =	sor.u32 $0x410, s1;
	v0 =	vadd.s32 v37, v4;
	v6 =	vld.idx.msk [tilespmem:v6+s31+$0x0], $0xffff;
	[tilespmem:s16+$0x1C600] =	vst v5  }
0x484: {  	s20 =	sor.u32 $0x410, s2;
	v5 =	vadd.s32 v34, v40;
	[tilespmem:s18+$0x1C600] =	vst v8;
	v8 =	vld.idx.msk [tilespmem:v10+s31+$0x0], $0xffff  }
0x485: {  	v10 =	vadd.s32 v36, v2;
	[tilespmem:s20+$0x1C600] =	vst v3;
	v3 =	vld.idx.msk [tilespmem:v11+s31+$0x0], $0xffff  }
0x486: {  	s21 =	sor.u32 $0x410, s3;
	[tilespmem:s24+$0x1C600] =	vst v12;
	v12 =	vld.idx.msk [tilespmem:v13+s31+$0x0], $0xffff;
	v13 =	vadd.s32 v34, v39  }
0x487: {  	[tilespmem:s21+$0x1C600] =	vst v7;
	v7 =	vld.idx.msk [tilespmem:v9+s31+$0x0], $0xffff;
	v9 =	vadd.s32 v36, v42  }
0x488: {  	s22 =	sor.u32 $0x420, s0;
	v11 =	vadd.s32 v36, v56;
	[tilespmem:s17+$0x1C600] =	vst v6;
	v0 =	vld.idx.msk [tilespmem:v0+s31+$0x0], $0xffff  }
0x489: {  	s24 =	sor.u32 $0x420, s1;
	v6 =	vadd.s32 v36, v4;
	v5 =	vld.idx.msk [tilespmem:v5+s31+$0x0], $0xffff;
	[tilespmem:s22+$0x1C600] =	vst v8  }
0x48a: {  	s5 =	sor.u32 $0x470, s7;
	[tilespmem:s24+$0x1C600] =	vst v3;
	v3 =	vadd.s32 v34, v45;
	v8 =	vld.idx.msk [tilespmem:v10+s31+$0x0], $0xffff  }
0x48b: {  	s25 =	sor.u32 $0x420, s2;
	[tilespmem:s5+$0x1C600] =	vst v12;
	v12 =	vld.idx.msk [tilespmem:v13+s31+$0x0], $0xffff;
	v13 =	vadd.s32 v33, v40  }
0x48c: {  	s28 =	sor.u32 $0x420, s3;
	[tilespmem:s25+$0x1C600] =	vst v7;
	v7 =	vadd.s32 v35, v2;
	v9 =	vld.idx.msk [tilespmem:v9+s31+$0x0], $0xffff  }
0x48d: {  	s7 =	sor.u32 $0x450, s6;
	v10 =	vadd.s32 v35, v42;
	[tilespmem:s28+$0x1C600] =	vst v0;
	v0 =	vld.idx.msk [tilespmem:v11+s31+$0x0], $0xffff  }
0x48e: {  	s8 =	sor.u32 $0x430, s0;
	v11 =	vadd.s32 v35, v56;
	v6 =	vld.idx.msk [tilespmem:v6+s31+$0x0], $0xffff;
	[tilespmem:s7+$0x1C600] =	vst v5  }
0x48f: {  	v5 =	vadd.s32 v35, v4;
	v3 =	vld.idx.msk [tilespmem:v3+s31+$0x0], $0xffff;
	[tilespmem:s8+$0x1C600] =	vst v8  }
0x490: {  	s9 =	sor.u32 $0x430, s1;
	[tilespmem:s13+$0x1C600] =	vst v12;
	v12 =	vld.idx.msk [tilespmem:v13+s31+$0x0], $0xffff  }
0x491: {  	s10 =	sor.u32 $0x430, s2;
	v8 =	vadd.s32 v33, v39;
	[tilespmem:s9+$0x1C600] =	vst v9;
	v7 =	vld.idx.msk [tilespmem:v7+s31+$0x0], $0xffff  }
0x492: {  	s11 =	sor.u32 $0x430, s3;
	[tilespmem:s10+$0x1C600] =	vst v0;
	v0 =	vadd.s32 v34, v2;
	v9 =	vld.idx.msk [tilespmem:v10+s31+$0x0], $0xffff  }
0x493: {  	v10 =	vadd.s32 v34, v42;
	[tilespmem:s11+$0x1C600] =	vst v6;
	v6 =	vld.idx.msk [tilespmem:v11+s31+$0x0], $0xffff  }
0x494: {  	s18 =	sor.u32 $0x460, s6;
	v11 =	vadd.s32 v34, v56;
	v5 =	vld.idx.msk [tilespmem:v5+s31+$0x0], $0xffff;
	[tilespmem:s19+$0x1C600] =	vst v3  }
0x495: {  	s14 =	sor.u32 $0x440, s0;
	v13 =	vadd.s32 v33, v45;
	[tilespmem:s18+$0x1C600] =	vst v12  }
0x496: {  	s15 =	sor.u32 $0x440, s1;
	v3 =	vadd.s32 v34, v4;
	v8 =	vld.idx.msk [tilespmem:v8+s31+$0x0], $0xffff;
	[tilespmem:s14+$0x1C600] =	vst v7  }
0x497: {  	s16 =	sor.u32 $0x440, s2;
	v7 =	vadd.s32 v32, v40;
	[tilespmem:s15+$0x1C600] =	vst v9;
	v0 =	vld.idx.msk [tilespmem:v0+s31+$0x0], $0xffff  }
0x498: {  	s17 =	sor.u32 $0x440, s3;
	[tilespmem:s16+$0x1C600] =	vst v6;
	v6 =	vadd.s32 v33, v2;
	v9 =	vld.idx.msk [tilespmem:v10+s31+$0x0], $0xffff  }
0x499: {  	v10 =	vadd.s32 v33, v42;
	[tilespmem:s17+$0x1C600] =	vst v5;
	v5 =	vld.idx.msk [tilespmem:v11+s31+$0x0], $0xffff  }
0x49a: {  	v12 =	vld.idx.msk [tilespmem:v13+s31+$0x0], $0xffff;
	v11 =	vadd.s32 v33, v56;
	s4 =	rddreg [dreg:$0x8]  }
0x49b: {  	s19 =	sor.u32 $0x450, s0;
	v13 =	vadd.s32 v32, v39;
	v3 =	vld.idx.msk [tilespmem:v3+s31+$0x0], $0xffff;
	[tilespmem:s4+$0x1C600] =	vst v8  }
0x49c: {  	s20 =	sor.u32 $0x450, s1;
	v8 =	vadd.s32 v33, v4;
	v7 =	vld.idx.msk [tilespmem:v7+s31+$0x0], $0xffff;
	[tilespmem:s19+$0x1C600] =	vst v0  }
0x49d: {  	s21 =	sor.u32 $0x450, s2;
	v0 =	vadd.s32 v32, v45;
	[tilespmem:s20+$0x1C600] =	vst v9;
	v6 =	vld.idx.msk [tilespmem:v6+s31+$0x0], $0xffff  }
0x49e: {  	v2 =	vadd.s32 v32, v2;
	[tilespmem:s21+$0x1C600] =	vst v5;
	v5 =	vld.idx.msk [tilespmem:v10+s31+$0x0], $0xffff  }
0x49f: {  	s22 =	sor.u32 $0x450, s3;
	[tilespmem:s23+$0x1C600] =	vst v12;
	v9 =	vld.idx.msk [tilespmem:v11+s31+$0x0], $0xffff  }
0x4a0: {  	s24 =	sor.u32 $0x470, s6;
	[tilespmem:s22+$0x1C600] =	vst v3;
	v11 =	vld.idx.msk [tilespmem:v13+s31+$0x0], $0xffff  }
0x4a1: {  	s25 =	sor.u32 $0x460, s0;
	v8 =	vld.idx.msk [tilespmem:v8+s31+$0x0], $0xffff;
	[tilespmem:s24+$0x1C600] =	vst v7  }
0x4a2: {  	s28 =	sor.u32 $0x460, s1;
	v3 =	vadd.s32 v32, v42;
	v0 =	vld.idx.msk [tilespmem:v0+s31+$0x0], $0xffff;
	[tilespmem:s25+$0x1C600] =	vst v6  }
0x4a3: {  	s5 =	sor.u32 $0x460, s2;
	[tilespmem:s28+$0x1C600] =	vst v5;
	v2 =	vld.idx.msk [tilespmem:v2+s31+$0x0], $0xffff  }
0x4a4: {  	v10 =	vadd.s32 v32, v56;
	[tilespmem:s5+$0x1C600] =	vst v9  }
0x4a5: {  	s6 =	sor.u32 $0x460, s3;
	v4 =	vadd.s32 v32, v4;
	[tilespmem:s12+$0x1C600] =	vst v11  }
0x4a6: {  	[tilespmem:s6+$0x1C600] =	vst v8  }
0x4a7: {  	s0 =	sor.u32 $0x470, s0;
	v3 =	vld.idx.msk [tilespmem:v3+s31+$0x0], $0xffff;
	[tilespmem:s29+$0x1C600] =	vst v0  }
0x4a8: {  	s4 =	sld [smem:$0x7F0];
	[tilespmem:s0+$0x1C600] =	vst v2  }
0x4a9: {  	s1 =	sor.u32 $0x470, s1;
	v5 =	vld.idx.msk [tilespmem:v10+s31+$0x0], $0xffff;
	s8 =	sld [smem:$0x7F1]  }
0x4aa: {  	s13 =	rddreg [dreg:$0x3];
	s10 =	sor.u32 $0x470, s2;
	s18 =	simm.s32 $0x1;
	v4 =	vld.idx.msk [tilespmem:v4+s31+$0x0], $0xffff  }
0x4ab: {  	s14 =	simm.s32 $0x800;
	s15 =	simm.s32 $0x8000;
	s4 =	sshll.u32 s4, $0xC  }
0x4ac: {  	s20 =	rddreg [dreg:$0x4];
	[tilespmem:s1+$0x1C600] =	vst v3;
	s7 =	sand.u32 $0x7000, s4;
	s9 =	sshll.u32 s8, $0x12  }
0x4ad: {  	s16 =	simm.s32 $0x0;
	[smem:$0x7E4] =	sst s9;
	s11 =	sor.u32 s7, s9  }
0x4ae: {  	s12 =	sor.u32 $0x470, s3;
	s17 =	sshll.u32 s8, $0x11;
	[tilespmem:s10+$0x1C600] =	vst v5;
	s1 =	sshrl.u32 s11, $0x3  }
0x4af: {  	v40 =	vlaneseq.u32;
	s21 =	simm.s32 $0x3;
	[tilespmem:s12+$0x1C600] =	vst v4;
	s0 =	sadd.s32 s13, s1;
	s1 =	sor.u32 s7, s17  }
0x4b0: {  	v1 =	vor.u32 $0x4000, v60;
	v10 =	vadd.s32 s21, v40;
	v0 =	vadd.s32 s16, v40;
	[hbm4b:s0+s14] =	stream.strided.scatter [tilespmem:s30], [sflag:$0x3], $0x4000, s15, s14, $0x38;
	[tilespmem:$0x1E600] =	vst v63  }
0x4b1: {  	s23 =	simm.s32 $0x3;
	v39 =	vand.u32 $0x3F, v10;
	v11 =	vshll.u32 v10, $0x8;
	v10 =	vshll.u32 v10, $0x7;
	[smem:$0x7E5] =	sst s7;
	s1 =	sshrl.u32 s1, $0x3  }
0x4b2: {  	s22 =	simm.s32 $0x1C600;
	v34 =	vand.u32 $0x3F, v0;
	v11 =	vand.u32 $0x3800, v11;
	v3 =	vadd.s32 s18, v40;
	[smem:$0x7E6] =	sst s17;
	s0 =	sadd.s32 s20, s1  }
0x4b3: {  	v10 =	vand.u32 $0x380, v10;
	v2 =	vshll.u32 v0, $0x8;
	v6 =	vshll.u32 v3, $0x8;
	[hbm4b:s0+s14] =	stream.strided.scatter [tilespmem:s22], [sflag:$0x4], $0x2000, s15, s14, $0x38;
	[tilespmem:$0x1E600] =	vst v63  }
0x4b4: {  	s19 =	simm.s32 $0x2;
	v7 =	vshll.u32 v3, $0x7;
	v36 =	vand.u32 $0x3F, v3;
	v3 =	vor.u32 v1, v39;
	_ =	swait.ge [sflag:s23], $0x4000  }
0x4b5: {  	v6 =	vand.u32 $0x3800, v6;
	v7 =	vand.u32 $0x380, v7;
	v5 =	vadd.s32 s19, v40;
	[sflag:s23] =	ssyncset.done $0x0  }
0x4b6: {  	s24 =	simm.s32 $0x4;
	v4 =	vshll.u32 v0, $0x7;
	v0 =	vor.u32 v1, v36;
	v38 =	vand.u32 $0x3F, v5;
	[sflag:s23] =	ssyncadd.s32 $0xFFFFC000  }
0x4b7: {  	v8 =	vshll.u32 v5, $0x8;
	v9 =	vshll.u32 v5, $0x7;
	v5 =	vor.u32 v1, v38;
	_ =	swait.ge [sflag:s24], $0x2000  }
0x4b8: {  	v12 =	vor.u32 v1, v34;
	v37 =	vor.u32 v10, v11;
	v35 =	vor.u32 v7, v6;
	[sflag:s24] =	ssyncset.done $0x0  }
0x4b9: {  	v2 =	vand.u32 $0x3800, v2;
	v6 =	vor.u32 v40, v37;
	v7 =	vor.u32 v40, v35;
	[tilespmem:$0x1FC20] =	vst v1;
	[sflag:s24] =	ssyncadd.s32 $0xFFFFE000  }
0x4ba: {  	v8 =	vand.u32 $0x3800, v8;
	v9 =	vand.u32 $0x380, v9;
	v1 =	vor.u32 $0x4400, v60;
	v3 =	vld.idx.msk [tilespmem:v3+s26+$0x0], $0xffff  }
0x4bb: {  	v4 =	vand.u32 $0x380, v4;
	v32 =	vor.u32 v9, v8;
	v8 =	vor.u32 v1, v39;
	v0 =	vld.idx.msk [tilespmem:v0+s26+$0x0], $0xffff  }
0x4bc: {  	v33 =	vor.u32 v4, v2;
	v2 =	vor.u32 v40, v32;
	v4 =	vor.u32 v1, v36;
	v5 =	vld.idx.msk [tilespmem:v5+s26+$0x0], $0xffff  }
0x4bd: {  	v10 =	vor.u32 v1, v38  }
0x4be: {  	v9 =	vor.u32 v40, v33;
	v11 =	vld.idx.msk [tilespmem:v12+s26+$0x0], $0xffff;
	[tilespmem:$0x1FC30] =	vst v1  }
0x4bf: {  	v12 =	vor.u32 v1, v34;
	[tilespmem:v6+s30+$0x0] =	vst.idx.msk $0xffff, v3  }
0x4c0: {  	v1 =	vor.u32 $0x4800, v60;
	[tilespmem:v7+s30+$0x0] =	vst.idx.msk $0xffff, v0;
	v3 =	vor.u32 v23, v37;
	v0 =	vld.idx.msk [tilespmem:v8+s26+$0x0], $0xffff  }
0x4c1: {  	v6 =	vor.u32 v23, v35;
	[tilespmem:v2+s30+$0x0] =	vst.idx.msk $0xffff, v5;
	v2 =	vor.u32 v1, v39;
	v4 =	vld.idx.msk [tilespmem:v4+s26+$0x0], $0xffff  }
0x4c2: {  	v5 =	vor.u32 v23, v32;
	v7 =	vor.u32 v1, v36;
	v8 =	vld.idx.msk [tilespmem:v10+s26+$0x0], $0xffff  }
0x4c3: {  	[tilespmem:v9+s30+$0x0] =	vst.idx.msk $0xffff, v11  }
0x4c4: {  	v9 =	vor.u32 v23, v33;
	v11 =	vor.u32 v1, v38;
	v10 =	vld.idx.msk [tilespmem:v12+s26+$0x0], $0xffff;
	[tilespmem:$0x1FC40] =	vst v1  }
0x4c5: {  	v12 =	vor.u32 v1, v34;
	[tilespmem:v3+s30+$0x0] =	vst.idx.msk $0xffff, v0  }
0x4c6: {  	v1 =	vor.u32 $0x4C00, v60;
	[tilespmem:v6+s30+$0x0] =	vst.idx.msk $0xffff, v4;
	v0 =	vld.idx.msk [tilespmem:v2+s26+$0x0], $0xffff;
	v2 =	vor.u32 v25, v37  }
0x4c7: {  	v3 =	vor.u32 v25, v35;
	[tilespmem:v5+s30+$0x0] =	vst.idx.msk $0xffff, v8;
	v5 =	vor.u32 v1, v39;
	v4 =	vld.idx.msk [tilespmem:v7+s26+$0x0], $0xffff  }
0x4c8: {  	v7 =	vor.u32 v1, v36  }
0x4c9: {  	v6 =	vor.u32 v25, v32;
	[tilespmem:v9+s30+$0x0] =	vst.idx.msk $0xffff, v10;
	v8 =	vld.idx.msk [tilespmem:v11+s26+$0x0], $0xffff  }
0x4ca: {  	v9 =	vor.u32 v25, v33;
	v10 =	vld.idx.msk [tilespmem:v12+s26+$0x0], $0xffff;
	v11 =	vor.u32 v1, v38;
	[tilespmem:$0x1FC50] =	vst v1  }
0x4cb: {  	v12 =	vor.u32 v1, v34;
	[tilespmem:v2+s30+$0x0] =	vst.idx.msk $0xffff, v0  }
0x4cc: {  	v1 =	vor.u32 $0x5000, v60;
	[tilespmem:v3+s30+$0x0] =	vst.idx.msk $0xffff, v4;
	v2 =	vor.u32 v19, v37;
	v0 =	vld.idx.msk [tilespmem:v5+s26+$0x0], $0xffff  }
0x4cd: {  	v3 =	vor.u32 v19, v35;
	v4 =	vld.idx.msk [tilespmem:v7+s26+$0x0], $0xffff;
	v5 =	vor.u32 v1, v39  }
0x4ce: {  	[tilespmem:v6+s30+$0x0] =	vst.idx.msk $0xffff, v8;
	v7 =	vor.u32 v1, v36  }
0x4cf: {  	v6 =	vor.u32 v19, v32;
	[tilespmem:v9+s30+$0x0] =	vst.idx.msk $0xffff, v10;
	v8 =	vld.idx.msk [tilespmem:v11+s26+$0x0], $0xffff  }
0x4d0: {  	v9 =	vor.u32 v19, v33;
	v10 =	vld.idx.msk [tilespmem:v12+s26+$0x0], $0xffff;
	v11 =	vor.u32 v1, v38;
	[tilespmem:$0x1FC60] =	vst v1  }
0x4d1: {  	v12 =	vor.u32 v1, v34;
	[tilespmem:v2+s30+$0x0] =	vst.idx.msk $0xffff, v0  }
0x4d2: {  	[tilespmem:v3+s30+$0x0] =	vst.idx.msk $0xffff, v4;
	v2 =	vor.u32 v21, v37;
	v0 =	vld.idx.msk [tilespmem:v5+s26+$0x0], $0xffff  }
0x4d3: {  	v3 =	vor.u32 v21, v35;
	v4 =	vld.idx.msk [tilespmem:v7+s26+$0x0], $0xffff  }
0x4d4: {  	[tilespmem:v6+s30+$0x0] =	vst.idx.msk $0xffff, v8  }
0x4d5: {  	v1 =	vor.u32 $0x5400, v60;
	[tilespmem:v9+s30+$0x0] =	vst.idx.msk $0xffff, v10;
	v8 =	vld.idx.msk [tilespmem:v11+s26+$0x0], $0xffff  }
0x4d6: {  	v10 =	vld.idx.msk [tilespmem:v12+s26+$0x0], $0xffff;
	[tilespmem:$0x1FC70] =	vst v1  }
0x4d7: {  	[tilespmem:v2+s30+$0x0] =	vst.idx.msk $0xffff, v0  }
0x4d8: {  	v5 =	vor.u32 v1, v39;
	[tilespmem:v3+s30+$0x0] =	vst.idx.msk $0xffff, v4  }
0x4d9: {  	v7 =	vor.u32 v1, v36;
	v11 =	vor.u32 v1, v38;
	v12 =	vor.u32 v1, v34;
	v1 =	vld [tilespmem:$0x1FFA0];
	_ =	sdelay $0x1  }
0x4da: {  	v6 =	vor.u32 v21, v32  }
0x4db: {  	v9 =	vor.u32 v21, v33;
	_ =	sdelay $0x1  }
0x4dc: {  	v0 =	vld.idx.msk [tilespmem:v5+s26+$0x0], $0xffff;
	v2 =	vor.u32 v1, v37  }
0x4dd: {  	v4 =	vld.idx.msk [tilespmem:v7+s26+$0x0], $0xffff;
	v3 =	vor.u32 v1, v35  }
0x4de: {  	[tilespmem:v6+s30+$0x0] =	vst.idx.msk $0xffff, v8  }
0x4df: {  	v16 =	vor.u32 $0x5800, v60;
	[tilespmem:v9+s30+$0x0] =	vst.idx.msk $0xffff, v10;
	v8 =	vld.idx.msk [tilespmem:v11+s26+$0x0], $0xffff  }
0x4e0: {  	v10 =	vld.idx.msk [tilespmem:v12+s26+$0x0], $0xffff;
	[tilespmem:$0x1FC80] =	vst v16  }
0x4e1: {  	[tilespmem:v2+s30+$0x0] =	vst.idx.msk $0xffff, v0  }
0x4e2: {  	v5 =	vor.u32 v16, v39;
	[tilespmem:v3+s30+$0x0] =	vst.idx.msk $0xffff, v4  }
0x4e3: {  	v7 =	vor.u32 v16, v36;
	v6 =	vor.u32 v1, v32;
	v13 =	vor.u32 v1, v33;
	v1 =	vld [tilespmem:$0x1FED0]  }
0x4e4: {  	v11 =	vor.u32 v16, v38  }
0x4e5: {  	v16 =	vor.u32 v16, v34;
	_ =	sdelay $0x1  }
0x4e6: {  	v2 =	vld.idx.msk [tilespmem:v5+s26+$0x0], $0xffff  }
0x4e7: {  	v5 =	vld.idx.msk [tilespmem:v7+s26+$0x0], $0xffff;
	[tilespmem:v6+s30+$0x0] =	vst.idx.msk $0xffff, v8;
	v3 =	vor.u32 v1, v37  }
0x4e8: {  	[tilespmem:v13+s30+$0x0] =	vst.idx.msk $0xffff, v10;
	v10 =	vld.idx.msk [tilespmem:v11+s26+$0x0], $0xffff;
	v4 =	vor.u32 v1, v35  }
0x4e9: {  	v18 =	vor.u32 $0x5C00, v60;
	v13 =	vld.idx.msk [tilespmem:v16+s26+$0x0], $0xffff  }
0x4ea: {  	[tilespmem:$0x1FC90] =	vst v18;
	v7 =	vor.u32 v1, v32;
	v16 =	vor.u32 v1, v33;
	v1 =	vor.u32 v30, v33  }
0x4eb: {  	[tilespmem:$0x1FCA0] =	vst v1  }
0x4ec: {  	s28 =	simm.s32 $0x5;
	v41 =	vld [tilespmem:$0x1FE30];
	[tilespmem:v3+s30+$0x0] =	vst.idx.msk $0xffff, v2  }
0x4ed: {  	s25 =	simm.s32 $0x4;
	v17 =	vadd.s32 s28, v40;
	[tilespmem:v4+s30+$0x0] =	vst.idx.msk $0xffff, v5  }
0x4ee: {  	v61 =	vor.u32 v30, v35;
	v9 =	vadd.s32 s25, v40;
	v6 =	vor.u32 v18, v39;
	v1 =	vld [tilespmem:$0x1FEF0]  }
0x4ef: {  	v62 =	vor.u32 v29, v33;
	v15 =	vshll.u32 v9, $0x7;
	v8 =	vor.u32 v18, v36  }
0x4f0: {  	v14 =	vshll.u32 v9, $0x8;
	v0 =	vand.u32 $0x380, v15;
	v15 =	vor.u32 v18, v38  }
0x4f1: {  	v20 =	vmovc v21;
	v24 =	vor.u32 v27, v33;
	v59 =	vor.u32 v30, v32;
	v14 =	vand.u32 $0x3800, v14  }
0x4f2: {  	v46 =	vmovc v23;
	s29 =	simm.s32 $0x6;
	v23 =	vmovc v19;
	v19 =	vor.u32 $0x6000, v60;
	v52 =	vor.u32 v0, v14;
	v0 =	vor.u32 v18, v34  }
0x4f3: {  	v45 =	vmovc v60;
	v12 =	vadd.s32 s29, v40;
	v60 =	vor.u32 v20, v52;
	v3 =	vld.idx.msk [tilespmem:v6+s26+$0x0], $0xffff;
	v4 =	vor.u32 v1, v37  }
0x4f4: {  	v20 =	vor.u32 v26, v33;
	v18 =	vld.idx.msk [tilespmem:v8+s26+$0x0], $0xffff;
	[tilespmem:v7+s30+$0x0] =	vst.idx.msk $0xffff, v10;
	v2 =	vor.u32 v1, v35  }
0x4f5: {  	[tilespmem:v16+s30+$0x0] =	vst.idx.msk $0xffff, v13;
	v13 =	vor.u32 v19, v39;
	v10 =	vld.idx.msk [tilespmem:v15+s26+$0x0], $0xffff;
	v6 =	vor.u32 v1, v32  }
0x4f6: {  	v30 =	vor.u32 v29, v35;
	v58 =	vor.u32 v41, v33;
	v7 =	vor.u32 v19, v36  }
0x4f7: {  	v22 =	vshll.u32 v12, $0x7;
	v16 =	vor.u32 v25, v52;
	v0 =	vld.idx.msk [tilespmem:v0+s26+$0x0], $0xffff;
	v15 =	vor.u32 v19, v34;
	[tilespmem:$0x1FCB0] =	vst v19  }
0x4f8: {  	v14 =	vshll.u32 v17, $0x7;
	v19 =	vor.u32 v19, v38;
	v21 =	vor.u32 v1, v33;
	[tilespmem:v4+s30+$0x0] =	vst.idx.msk $0xffff, v3  }
0x4f9: {  	v11 =	vshll.u32 v17, $0x8;
	v8 =	vor.u32 v23, v52;
	v23 =	vor.u32 v26, v32;
	[tilespmem:v2+s30+$0x0] =	vst.idx.msk $0xffff, v18  }
0x4fa: {  	v5 =	vshll.u32 v12, $0x8;
	v1 =	vor.u32 $0x6400, v45;
	[tilespmem:v6+s30+$0x0] =	vst.idx.msk $0xffff, v10;
	v6 =	vor.u32 v26, v37;
	v13 =	vld.idx.msk [tilespmem:v13+s26+$0x0], $0xffff  }
0x4fb: {  	v3 =	vand.u32 $0x3800, v11;
	v11 =	vor.u32 v26, v35;
	v2 =	vand.u32 $0x380, v14;
	v7 =	vld.idx.msk [tilespmem:v7+s26+$0x0], $0xffff  }
0x4fc: {  	v4 =	vand.u32 $0x3800, v5;
	v10 =	vand.u32 $0x380, v22;
	v14 =	vor.u32 v1, v39  }
0x4fd: {  	[tilespmem:v21+s30+$0x0] =	vst.idx.msk $0xffff, v0;
	v21 =	vor.u32 v1, v36;
	v5 =	vor.u32 v1, v34;
	v19 =	vld.idx.msk [tilespmem:v19+s26+$0x0], $0xffff  }
0x4fe: {  	v22 =	vor.u32 v1, v38;
	v0 =	vor.u32 v40, v52;
	v26 =	vor.u32 v46, v52;
	[tilespmem:$0x1FCC0] =	vst v1  }
0x4ff: {  	v18 =	vor.u32 v41, v35;
	v2 =	vor.u32 v2, v3;
	[tilespmem:v6+s30+$0x0] =	vst.idx.msk $0xffff, v13  }
0x500: {  	v63 =	vor.u32 v10, v4;
	v1 =	vor.u32 $0x6800, v45;
	v28 =	vld.idx.msk [tilespmem:v15+s26+$0x0], $0xffff;
	[tilespmem:v11+s30+$0x0] =	vst.idx.msk $0xffff, v7  }
0x501: {  	v4 =	vand.u32 $0x3F, v9;
	v3 =	vor.u32 v27, v32;
	v7 =	vor.u32 v27, v35;
	v9 =	vld.idx.msk [tilespmem:v14+s26+$0x0], $0xffff;
	[tilespmem:$0x1FCD0] =	vst v1  }
0x502: {  	v47 =	vmov v25;
	s1 =	simm.s32 $0x7;
	s0 =	simm.s32 $0x8;
	v6 =	vand.u32 $0x3F, v17;
	v13 =	vor.u32 v27, v37;
	v11 =	vld.idx.msk [tilespmem:v21+s26+$0x0], $0xffff;
	[tilespmem:v23+s30+$0x0] =	vst.idx.msk $0xffff, v19  }
.LBB2_9:
0x503: {  	v27 =	vld [tilespmem:$0x1FCD0]  }
0x504: {  	v1 =	vld [tilespmem:$0x1FC20];
	_ =	sdelay $0x2  }
0x505: {  	v15 =	vld.idx.msk [tilespmem:v22+s26+$0x0], $0xffff  }
0x506: {  	v10 =	vand.u32 $0x3F, v12;
	v12 =	vadd.s32 s1, v40;
	v50 =	vld [tilespmem:$0x1FE20];
	v19 =	vor.u32 v27, v36  }
0x507: {  	v51 =	vld [tilespmem:$0x1FFE0];
	v14 =	vand.u32 $0x3F, v12;
	[tilespmem:v20+s30+$0x0] =	vst.idx.msk $0xffff, v28;
	v17 =	vor.u32 v27, v39;
	v21 =	vor.u32 v1, v6  }
0x508: {  	v23 =	vor.u32 v1, v10;
	v25 =	vor.u32 v1, v14;
	v54 =	vor.u32 v1, v4;
	v1 =	vld [tilespmem:$0x1FC30]  }
0x509: {  	v49 =	vld [tilespmem:$0x1FF60];
	v28 =	vmov v37;
	[tilespmem:v13+s30+$0x0] =	vst.idx.msk $0xffff, v9  }
0x50a: {  	v20 =	vmovc v35;
	v35 =	vmov v2;
	v9 =	vshll.u32 v12, $0x8;
	v12 =	vshll.u32 v12, $0x7;
	[tilespmem:v7+s30+$0x0] =	vst.idx.msk $0xffff, v11;
	v5 =	vld.idx.msk [tilespmem:v5+s26+$0x0], $0xffff  }
0x50b: {  	v2 =	vmovc v32;
	v32 =	vmovc v63;
	v56 =	vor.u32 v27, v38;
	v9 =	vand.u32 $0x3800, v9;
	v11 =	vand.u32 $0x380, v12;
	v12 =	vld.idx.msk [tilespmem:v19+s26+$0x0], $0xffff  }
0x50c: {  	v63 =	vmovc v36;
	v57 =	vor.u32 v40, v35;
	v36 =	vmov v6;
	v37 =	vor.u32 v11, v9;
	v9 =	vld.idx.msk [tilespmem:v21+s26+$0x0], $0xffff  }
0x50d: {  	v7 =	vld.idx.msk [tilespmem:v17+s26+$0x0], $0xffff;
	v6 =	vor.u32 v1, v36  }
0x50e: {  	v22 =	vmov v33;
	v53 =	vor.u32 $0x6C00, v45;
	[tilespmem:v3+s30+$0x0] =	vst.idx.msk $0xffff, v15;
	v3 =	vor.u32 v50, v28;
	v13 =	vld.idx.msk [tilespmem:v25+s26+$0x0], $0xffff  }
0x50f: {  	v33 =	vmov v52;
	v52 =	vmov v34;
	[tilespmem:v24+s30+$0x0] =	vst.idx.msk $0xffff, v5;
	v5 =	vor.u32 v53, v39;
	v17 =	vld.idx.msk [tilespmem:v23+s26+$0x0], $0xffff  }
0x510: {  	v55 =	vor.u32 v27, v52;
	v11 =	vor.u32 v40, v37;
	v56 =	vld.idx.msk [tilespmem:v56+s26+$0x0], $0xffff;
	[tilespmem:v30+s30+$0x0] =	vst.idx.msk $0xffff, v12  }
0x511: {  	v27 =	vor.u32 v40, v32;
	v21 =	vor.u32 v1, v14;
	v23 =	vld.idx.msk [tilespmem:v54+s26+$0x0], $0xffff;
	[tilespmem:v57+s30+$0x0] =	vst.idx.msk $0xffff, v9  }
0x512: {  	v34 =	vmov v4;
	v4 =	vadd.s32 s0, v40;
	v19 =	vor.u32 v1, v10;
	v40 =	vld.idx.msk [tilespmem:v6+s26+$0x0], $0xffff  }
0x513: {  	v31 =	vor.u32 v50, v2;
	[tilespmem:v3+s30+$0x0] =	vst.idx.msk $0xffff, v7;
	v6 =	vld [tilespmem:$0x1FC40]  }
0x514: {  	v15 =	vor.u32 v53, v63;
	v24 =	vor.u32 v1, v34;
	v5 =	vld.idx.msk [tilespmem:v5+s26+$0x0], $0xffff  }
0x515: {  	v54 =	vor.u32 $0x7000, v45;
	v12 =	vor.u32 v41, v28;
	[tilespmem:v11+s30+$0x0] =	vst.idx.msk $0xffff, v13;
	v11 =	vld.idx.msk [tilespmem:v55+s26+$0x0], $0xffff  }
0x516: {  	[tilespmem:v27+s30+$0x0] =	vst.idx.msk $0xffff, v17;
	v9 =	vld.idx.msk [tilespmem:v21+s26+$0x0], $0xffff;
	v21 =	vor.u32 v54, v39  }
0x517: {  	v29 =	vor.u32 v53, v38;
	v17 =	vor.u32 v46, v37;
	[tilespmem:v0+s30+$0x0] =	vst.idx.msk $0xffff, v23;
	v19 =	vld.idx.msk [tilespmem:v19+s26+$0x0], $0xffff  }
0x518: {  	v3 =	vor.u32 v46, v35;
	[tilespmem:v31+s30+$0x0] =	vst.idx.msk $0xffff, v56;
	v56 =	vld [tilespmem:$0x1FC50];
	v23 =	vor.u32 v6, v14  }
0x519: {  	v7 =	vor.u32 v46, v32;
	v24 =	vld.idx.msk [tilespmem:v24+s26+$0x0], $0xffff  }
0x51a: {  	v1 =	vor.u32 v41, v2;
	v15 =	vld.idx.msk [tilespmem:v15+s26+$0x0], $0xffff;
	[tilespmem:v12+s30+$0x0] =	vst.idx.msk $0xffff, v5  }
0x51b: {  	v55 =	vor.u32 $0x7400, v45;
	[tilespmem:v62+s30+$0x0] =	vst.idx.msk $0xffff, v11;
	v0 =	vor.u32 v6, v36;
	v11 =	vld.idx.msk [tilespmem:v21+s26+$0x0], $0xffff  }
0x51c: {  	v41 =	vor.u32 v6, v10;
	[tilespmem:v17+s30+$0x0] =	vst.idx.msk $0xffff, v9;
	v9 =	vld.idx.msk [tilespmem:v29+s26+$0x0], $0xffff;
	v17 =	vor.u32 v51, v28  }
0x51d: {  	[tilespmem:v3+s30+$0x0] =	vst.idx.msk $0xffff, v40;
	v3 =	vld.idx.msk [tilespmem:v23+s26+$0x0], $0xffff;
	v23 =	vor.u32 v55, v39  }
0x51e: {  	v44 =	vlaneseq.u32;
	s28 =	sadd.s32 $0x1, s0;
	s29 =	sadd.s32 $0x2, s0;
	v48 =	vld [tilespmem:$0x1FFC0];
	v13 =	vor.u32 v54, v63;
	[tilespmem:v7+s30+$0x0] =	vst.idx.msk $0xffff, v19;
	v7 =	vor.u32 v47, v37  }
0x51f: {  	v12 =	vadd.s32 s29, v44;
	v27 =	vor.u32 v6, v34;
	v6 =	vadd.s32 s28, v44;
	[tilespmem:v26+s30+$0x0] =	vst.idx.msk $0xffff, v24;
	v44 =	vld [tilespmem:$0x1FFB0]  }
0x520: {  	v0 =	vld.idx.msk [tilespmem:v0+s26+$0x0], $0xffff;
	[tilespmem:v18+s30+$0x0] =	vst.idx.msk $0xffff, v15  }
0x521: {  	v5 =	vor.u32 v47, v35;
	v26 =	vor.u32 v56, v14;
	v24 =	vld.idx.msk [tilespmem:v41+s26+$0x0], $0xffff;
	[tilespmem:v17+s30+$0x0] =	vst.idx.msk $0xffff, v11  }
0x522: {  	v43 =	vor.u32 v47, v32;
	v19 =	vor.u32 v56, v36;
	[tilespmem:v1+s30+$0x0] =	vst.idx.msk $0xffff, v9;
	v1 =	vld.idx.msk [tilespmem:v23+s26+$0x0], $0xffff  }
0x523: {  	[tilespmem:v7+s30+$0x0] =	vst.idx.msk $0xffff, v3;
	v3 =	vld.idx.msk [tilespmem:v13+s26+$0x0], $0xffff  }
0x524: {  	v57 =	vshll.u32 v4, $0x7;
	v27 =	vld.idx.msk [tilespmem:v27+s26+$0x0], $0xffff  }
0x525: {  	v25 =	vor.u32 v53, v52;
	v23 =	vand.u32 $0x380, v57;
	v57 =	vld [tilespmem:$0x1FC60]  }
0x526: {  	v29 =	vor.u32 v56, v34;
	v40 =	vor.u32 v56, v10;
	[tilespmem:v5+s30+$0x0] =	vst.idx.msk $0xffff, v0;
	v0 =	vld.idx.msk [tilespmem:v26+s26+$0x0], $0xffff  }
0x527: {  	v56 =	vor.u32 $0x7800, v45;
	v7 =	vor.u32 v49, v28;
	[tilespmem:v43+s30+$0x0] =	vst.idx.msk $0xffff, v24;
	v19 =	vld.idx.msk [tilespmem:v19+s26+$0x0], $0xffff  }
0x528: {  	v13 =	vor.u32 v56, v39;
	v24 =	vor.u32 v44, v37;
	[tilespmem:v61+s30+$0x0] =	vst.idx.msk $0xffff, v3;
	v61 =	vld [tilespmem:$0x1FF90]  }
0x529: {  	v62 =	vld [tilespmem:$0x1FC70]  }
0x52a: {  	v42 =	vor.u32 v54, v38;
	v15 =	vld.idx.msk [tilespmem:v25+s26+$0x0], $0xffff  }
0x52b: {  	v31 =	vor.u32 v54, v52;
	v43 =	vld [tilespmem:$0x1FEF0];
	[tilespmem:v16+s30+$0x0] =	vst.idx.msk $0xffff, v27  }
0x52c: {  	v11 =	vor.u32 v44, v35;
	v26 =	vld.idx.msk [tilespmem:v40+s26+$0x0], $0xffff;
	v27 =	vor.u32 v57, v14;
	[tilespmem:v7+s30+$0x0] =	vst.idx.msk $0xffff, v1  }
0x52d: {  	v3 =	vld.idx.msk [tilespmem:v13+s26+$0x0], $0xffff;
	[tilespmem:v24+s30+$0x0] =	vst.idx.msk $0xffff, v0;
	v24 =	vor.u32 v61, v28  }
0x52e: {  	v17 =	vor.u32 v44, v32;
	v29 =	vld.idx.msk [tilespmem:v29+s26+$0x0], $0xffff;
	v16 =	vor.u32 v57, v36  }
0x52f: {  	[tilespmem:v58+s30+$0x0] =	vst.idx.msk $0xffff, v15;
	v41 =	vld.idx.msk [tilespmem:v42+s26+$0x0], $0xffff;
	v40 =	vor.u32 v57, v10  }
0x530: {  	v30 =	vshll.u32 v4, $0x8;
	v21 =	vor.u32 v55, v63;
	v0 =	vld.idx.msk [tilespmem:v31+s26+$0x0], $0xffff  }
0x531: {  	v9 =	vand.u32 $0x3800, v30;
	v30 =	vor.u32 v57, v34;
	[tilespmem:v11+s30+$0x0] =	vst.idx.msk $0xffff, v19;
	v11 =	vld.idx.msk [tilespmem:v27+s26+$0x0], $0xffff  }
0x532: {  	[tilespmem:v24+s30+$0x0] =	vst.idx.msk $0xffff, v3;
	v3 =	vld [tilespmem:$0x1FCA0]  }
0x533: {  	v18 =	vor.u32 v55, v52;
	v1 =	vor.u32 v48, v35;
	[tilespmem:v17+s30+$0x0] =	vst.idx.msk $0xffff, v26;
	v16 =	vld.idx.msk [tilespmem:v16+s26+$0x0], $0xffff  }
0x534: {  	v25 =	vor.u32 v55, v38;
	v5 =	vor.u32 v56, v63;
	v7 =	vor.u32 v48, v32;
	v26 =	vld.idx.msk [tilespmem:v40+s26+$0x0], $0xffff  }
0x535: {  	v57 =	vor.u32 $0x7C00, v45;
	[tilespmem:v8+s30+$0x0] =	vst.idx.msk $0xffff, v29;
	v8 =	vor.u32 v62, v36;
	v21 =	vld.idx.msk [tilespmem:v21+s26+$0x0], $0xffff  }
0x536: {  	v15 =	vor.u32 v56, v52;
	v17 =	vor.u32 v48, v37;
	v27 =	vor.u32 v57, v39;
	v30 =	vld.idx.msk [tilespmem:v30+s26+$0x0], $0xffff  }
0x537: {  	v19 =	vor.u32 v57, v63;
	v29 =	vor.u32 v62, v14;
	[tilespmem:v59+s30+$0x0] =	vst.idx.msk $0xffff, v41;
	v59 =	vld [tilespmem:$0x1FFF0]  }
0x538: {  	v63 =	vor.u32 v62, v10;
	v39 =	vor.u32 v62, v34;
	v62 =	vld [tilespmem:$0x1FFA0];
	[tilespmem:v1+s30+$0x0] =	vst.idx.msk $0xffff, v16  }
0x539: {  	v41 =	vor.u32 v57, v52;
	v52 =	vor.u32 v23, v9;
	v9 =	vld.idx.msk [tilespmem:v25+s26+$0x0], $0xffff;
	[tilespmem:v7+s30+$0x0] =	vst.idx.msk $0xffff, v26  }
0x53a: {  	v8 =	vld.idx.msk [tilespmem:v8+s26+$0x0], $0xffff;
	[tilespmem:v3+s30+$0x0] =	vst.idx.msk $0xffff, v0  }
0x53b: {  	v0 =	vor.u32 v49, v20;
	v3 =	vld.idx.msk [tilespmem:v27+s26+$0x0], $0xffff;
	[tilespmem:v17+s30+$0x0] =	vst.idx.msk $0xffff, v11  }
0x53c: {  	v11 =	vor.u32 v49, v2;
	[tilespmem:v60+s30+$0x0] =	vst.idx.msk $0xffff, v30;
	v30 =	vld [tilespmem:$0x1FC80]  }
0x53d: {  	v42 =	vor.u32 v56, v38;
	v26 =	vld.idx.msk [tilespmem:v63+s26+$0x0], $0xffff;
	v17 =	vor.u32 v59, v28  }
0x53e: {  	v7 =	vor.u32 v62, v37;
	v23 =	vld.idx.msk [tilespmem:v29+s26+$0x0], $0xffff  }
0x53f: {  	v63 =	vld [tilespmem:$0x1FC90]  }
0x540: {  	v28 =	vld.idx.msk [tilespmem:v39+s26+$0x0], $0xffff;
	[tilespmem:v0+s30+$0x0] =	vst.idx.msk $0xffff, v21  }
0x541: {  	v1 =	vor.u32 v62, v35;
	[tilespmem:v11+s30+$0x0] =	vst.idx.msk $0xffff, v9;
	v27 =	vor.u32 v30, v14;
	v5 =	vld.idx.msk [tilespmem:v5+s26+$0x0], $0xffff  }
0x542: {  	v16 =	vor.u32 v62, v32;
	[tilespmem:v17+s30+$0x0] =	vst.idx.msk $0xffff, v3;
	v24 =	vor.u32 v30, v36;
	v9 =	vld.idx.msk [tilespmem:v42+s26+$0x0], $0xffff  }
0x543: {  	[tilespmem:v7+s30+$0x0] =	vst.idx.msk $0xffff, v23;
	v7 =	vor.u32 v61, v20;
	v42 =	vld [tilespmem:$0x1FED0]  }
0x544: {  	v18 =	vld.idx.msk [tilespmem:v18+s26+$0x0], $0xffff;
	v0 =	vor.u32 v62, v33;
	v29 =	vor.u32 v30, v34;
	v30 =	vor.u32 v30, v10  }
0x545: {  	v21 =	vor.u32 v59, v22;
	v3 =	vor.u32 v49, v22;
	v49 =	vld [tilespmem:$0x1FFD0]  }
0x546: {  	v17 =	vor.u32 v61, v22;
	v11 =	vor.u32 v61, v2;
	[tilespmem:v1+s30+$0x0] =	vst.idx.msk $0xffff, v8;
	v22 =	vld.idx.msk [tilespmem:v27+s26+$0x0], $0xffff  }
0x547: {  	v38 =	vor.u32 v57, v38;
	[tilespmem:v16+s30+$0x0] =	vst.idx.msk $0xffff, v26;
	v24 =	vld.idx.msk [tilespmem:v24+s26+$0x0], $0xffff  }
0x548: {  	v1 =	vor.u32 v42, v35;
	[tilespmem:v7+s30+$0x0] =	vst.idx.msk $0xffff, v5;
	v5 =	vld [tilespmem:$0x1FE30]  }
0x549: {  	[tilespmem:v0+s30+$0x0] =	vst.idx.msk $0xffff, v28;
	v8 =	vor.u32 v42, v32;
	v26 =	vld.idx.msk [tilespmem:v30+s26+$0x0], $0xffff  }
0x54a: {  	v0 =	vor.u32 v63, v36;
	v16 =	vor.u32 v42, v37;
	v28 =	vld.idx.msk [tilespmem:v29+s26+$0x0], $0xffff;
	[tilespmem:v3+s30+$0x0] =	vst.idx.msk $0xffff, v18  }
0x54b: {  	v27 =	vor.u32 v63, v14;
	[tilespmem:v11+s30+$0x0] =	vst.idx.msk $0xffff, v9;
	v15 =	vld.idx.msk [tilespmem:v15+s26+$0x0], $0xffff  }
0x54c: {  	v30 =	vor.u32 v63, v10;
	v3 =	vor.u32 v42, v33;
	v9 =	vld.idx.msk [tilespmem:v38+s26+$0x0], $0xffff  }
0x54d: {  	v29 =	vor.u32 v63, v34;
	v58 =	vor.u32 v5, v33;
	v5 =	vld.idx.msk [tilespmem:v19+s26+$0x0], $0xffff;
	[tilespmem:v1+s30+$0x0] =	vst.idx.msk $0xffff, v24  }
0x54e: {  	v4 =	vand.u32 $0x3F, v4;
	v13 =	vshll.u32 v6, $0x8;
	v7 =	vor.u32 v59, v20;
	[tilespmem:v8+s30+$0x0] =	vst.idx.msk $0xffff, v26;
	v8 =	vld [tilespmem:$0x1FCB0]  }
0x54f: {  	v18 =	vor.u32 v51, v33;
	[tilespmem:v16+s30+$0x0] =	vst.idx.msk $0xffff, v22;
	v1 =	vor.u32 v43, v35;
	v0 =	vld.idx.msk [tilespmem:v0+s26+$0x0], $0xffff  }
0x550: {  	v31 =	vshll.u32 v6, $0x7;
	v6 =	vand.u32 $0x3F, v6;
	v60 =	vor.u32 v48, v52;
	[tilespmem:$0x1FCA0] =	vst v18;
	v18 =	vld.idx.msk [tilespmem:v27+s26+$0x0], $0xffff  }
0x551: {  	v62 =	vor.u32 v50, v33;
	v2 =	vor.u32 v59, v2;
	[tilespmem:v3+s30+$0x0] =	vst.idx.msk $0xffff, v28;
	v22 =	vld.idx.msk [tilespmem:v30+s26+$0x0], $0xffff  }
0x552: {  	v61 =	vor.u32 v51, v35;
	v19 =	vor.u32 v43, v37;
	v27 =	vld.idx.msk [tilespmem:v29+s26+$0x0], $0xffff;
	[tilespmem:v17+s30+$0x0] =	vst.idx.msk $0xffff, v15  }
0x553: {  	v13 =	vand.u32 $0x3800, v13;
	v11 =	vor.u32 v43, v32;
	v26 =	vor.u32 v8, v14;
	[tilespmem:v7+s30+$0x0] =	vst.idx.msk $0xffff, v5;
	v5 =	vld [tilespmem:$0x1FF10]  }
0x554: {  	v25 =	vshll.u32 v12, $0x8;
	v15 =	vor.u32 v43, v33;
	v3 =	vor.u32 v8, v36;
	[tilespmem:v1+s30+$0x0] =	vst.idx.msk $0xffff, v0;
	v0 =	vld [tilespmem:$0x1FCC0]  }
0x555: {  	v59 =	vor.u32 v51, v32;
	v24 =	vor.u32 v49, v33;
	v29 =	vor.u32 v8, v10  }
0x556: {  	v23 =	vshll.u32 v12, $0x7;
	v16 =	vor.u32 v47, v52;
	[tilespmem:v2+s30+$0x0] =	vst.idx.msk $0xffff, v9;
	v9 =	vand.u32 $0x3800, v25;
	v17 =	vld.idx.msk [tilespmem:v41+s26+$0x0], $0xffff  }
0x557: {  	v30 =	vor.u32 v50, v35;
	v41 =	vld [tilespmem:$0x1FE30];
	v28 =	vor.u32 v8, v34;
	v7 =	vand.u32 $0x380, v31;
	[tilespmem:v19+s30+$0x0] =	vst.idx.msk $0xffff, v18  }
0x558: {  	v8 =	vor.u32 v44, v52;
	[tilespmem:v11+s30+$0x0] =	vst.idx.msk $0xffff, v22;
	v25 =	vld.idx.msk [tilespmem:v26+s26+$0x0], $0xffff;
	v11 =	vor.u32 v5, v37  }
0x559: {  	[tilespmem:v15+s30+$0x0] =	vst.idx.msk $0xffff, v27;
	v1 =	vor.u32 v5, v35;
	v3 =	vld.idx.msk [tilespmem:v3+s26+$0x0], $0xffff;
	v27 =	vor.u32 v0, v14  }
0x55a: {  	p0 =	slt.u32 s0, $0x3C;
	v18 =	vand.u32 $0x380, v23;
	v19 =	vor.u32 v5, v32;
	v23 =	vld.idx.msk [tilespmem:v29+s26+$0x0], $0xffff;
	v15 =	vor.u32 v0, v36  }
.Ltmp3:
0x55b: {  	v39 =	vmovc v14;
	v2 =	vor.u32 v7, v13;
	v7 =	vor.u32 v49, v35;
	v13 =	vor.u32 v49, v37;
	(pc) =	sbr.rel @p0 .LBB2_9-.Ltmp3, $4  }
0x55c: {  	v63 =	vor.u32 v18, v9;
	v18 =	vor.u32 v41, v35;
	v28 =	vld.idx.msk [tilespmem:v28+s26+$0x0], $0xffff;
	[tilespmem:v21+s30+$0x0] =	vst.idx.msk $0xffff, v17  }
0x55d: {  	v38 =	vmov v10;
	v20 =	vor.u32 v5, v33;
	v26 =	vor.u32 v46, v52;
	[tilespmem:v11+s30+$0x0] =	vst.idx.msk $0xffff, v25  }
0x55e: {  	v40 =	vlaneseq.u32;
	v5 =	vor.u32 v0, v34;
	v22 =	vor.u32 v0, v10;
	[tilespmem:v1+s30+$0x0] =	vst.idx.msk $0xffff, v3;
	v9 =	vld.idx.msk [tilespmem:v27+s26+$0x0], $0xffff  }
0x55f: {  	s1 =	sadd.s32 $0x3, s0;
	s0 =	sadd.s32 $0x4, s0;
	v0 =	vor.u32 v40, v52;
	v3 =	vor.u32 v49, v32;
	[tilespmem:v19+s30+$0x0] =	vst.idx.msk $0xffff, v23;
	v11 =	vld.idx.msk [tilespmem:v15+s26+$0x0], $0xffff  }
0x560: {  	v21 =	vld [tilespmem:$0x1FC20];
	_ =	sdelay $0x2  }
0x561: {  	v1 =	vadd.s32 s1, v40  }
0x562: {  	v14 =	vand.u32 $0x3F, v1  }
0x563: {  	v15 =	vor.u32 v21, v14  }
0x564: {  	v12 =	vand.u32 $0x3F, v12;
	v17 =	vor.u32 v21, v6  }
0x565: {  	v10 =	vshll.u32 v1, $0x8;
	v1 =	vshll.u32 v1, $0x7;
	v19 =	vor.u32 v21, v12  }
0x566: {  	v10 =	vand.u32 $0x3800, v10;
	v1 =	vand.u32 $0x380, v1  }
0x567: {  	v44 =	vld [tilespmem:$0x1FC30];
	v10 =	vor.u32 v1, v10  }
0x568: {  	v1 =	vld.idx.msk [tilespmem:v15+s26+$0x0], $0xffff;
	v15 =	vor.u32 v40, v10  }
0x569: {  	v23 =	vor.u32 v40, v2;
	v21 =	vor.u32 v21, v4;
	v17 =	vld.idx.msk [tilespmem:v17+s26+$0x0], $0xffff  }
0x56a: {  	v27 =	vor.u32 v40, v63;
	v19 =	vld.idx.msk [tilespmem:v19+s26+$0x0], $0xffff;
	_ =	sdelay $0x1  }
0x56b: {  	v25 =	vor.u32 v44, v14  }
0x56c: {  	v29 =	vor.u32 v44, v6;
	[tilespmem:v15+s30+$0x0] =	vst.idx.msk $0xffff, v1  }
0x56d: {  	v31 =	vor.u32 v44, v12;
	v21 =	vld.idx.msk [tilespmem:v21+s26+$0x0], $0xffff;
	[tilespmem:v23+s30+$0x0] =	vst.idx.msk $0xffff, v17  }
0x56e: {  	[tilespmem:v27+s30+$0x0] =	vst.idx.msk $0xffff, v19  }
0x56f: {  	v51 =	vld [tilespmem:$0x1FC40]  }
0x570: {  	v15 =	vor.u32 v46, v10;
	v1 =	vld.idx.msk [tilespmem:v25+s26+$0x0], $0xffff  }
0x571: {  	v50 =	vor.u32 v44, v4;
	v17 =	vor.u32 v46, v2;
	v23 =	vld.idx.msk [tilespmem:v29+s26+$0x0], $0xffff  }
0x572: {  	v25 =	vor.u32 v46, v63;
	[tilespmem:v0+s30+$0x0] =	vst.idx.msk $0xffff, v21;
	v21 =	vld.idx.msk [tilespmem:v31+s26+$0x0], $0xffff;
	_ =	sdelay $0x1  }
0x573: {  	[tilespmem:v20+s30+$0x0] =	vst.idx.msk $0xffff, v28;
	v19 =	vor.u32 v51, v14  }
0x574: {  	v0 =	vor.u32 v51, v6;
	[tilespmem:v15+s30+$0x0] =	vst.idx.msk $0xffff, v1  }
0x575: {  	v27 =	vld.idx.msk [tilespmem:v50+s26+$0x0], $0xffff;
	[tilespmem:v17+s30+$0x0] =	vst.idx.msk $0xffff, v23  }
0x576: {  	[tilespmem:v25+s30+$0x0] =	vst.idx.msk $0xffff, v21  }
0x577: {  	v28 =	vld [tilespmem:$0x1FC50]  }
0x578: {  	v29 =	vor.u32 v51, v12;
	v15 =	vor.u32 v47, v10;
	v1 =	vld.idx.msk [tilespmem:v19+s26+$0x0], $0xffff  }
0x579: {  	v17 =	vor.u32 v47, v2;
	v0 =	vld.idx.msk [tilespmem:v0+s26+$0x0], $0xffff  }
0x57a: {  	[tilespmem:v26+s30+$0x0] =	vst.idx.msk $0xffff, v27  }
0x57b: {  	[tilespmem:v13+s30+$0x0] =	vst.idx.msk $0xffff, v9  }
0x57c: {  	v20 =	vor.u32 v51, v4;
	[tilespmem:v7+s30+$0x0] =	vst.idx.msk $0xffff, v11  }
0x57d: {  	v25 =	vld.idx.msk [tilespmem:v29+s26+$0x0], $0xffff;
	[tilespmem:v15+s30+$0x0] =	vst.idx.msk $0xffff, v1  }
0x57e: {  	v19 =	vor.u32 v28, v14;
	v26 =	vld [tilespmem:$0x1FCD0];
	[tilespmem:v17+s30+$0x0] =	vst.idx.msk $0xffff, v0  }
0x57f: {  	v21 =	vor.u32 v47, v63;
	v23 =	vor.u32 v28, v6;
	v27 =	vld [tilespmem:$0x1FFB0]  }
0x580: {  	v5 =	vld.idx.msk [tilespmem:v5+s26+$0x0], $0xffff  }
0x581: {  	v9 =	vld.idx.msk [tilespmem:v20+s26+$0x0], $0xffff  }
0x582: {  	v7 =	vld.idx.msk [tilespmem:v22+s26+$0x0], $0xffff  }
0x583: {  	v15 =	vld.idx.msk [tilespmem:v19+s26+$0x0], $0xffff  }
0x584: {  	[tilespmem:v21+s30+$0x0] =	vst.idx.msk $0xffff, v25;
	v20 =	vld.idx.msk [tilespmem:v23+s26+$0x0], $0xffff;
	v17 =	vor.u32 v27, v10  }
0x585: {  	v11 =	vor.u32 v28, v4;
	v23 =	vld [tilespmem:$0x1FC60];
	v19 =	vor.u32 v27, v2  }
0x586: {  	[tilespmem:v16+s30+$0x0] =	vst.idx.msk $0xffff, v9  }
0x587: {  	v13 =	vor.u32 v28, v12;
	[tilespmem:v3+s30+$0x0] =	vst.idx.msk $0xffff, v7  }
0x588: {  	[tilespmem:v24+s30+$0x0] =	vst.idx.msk $0xffff, v5  }
0x589: {  	v22 =	vld [tilespmem:$0x1FE20];
	v1 =	vor.u32 v26, v39;
	[tilespmem:v17+s30+$0x0] =	vst.idx.msk $0xffff, v15  }
0x58a: {  	v3 =	vld.idx.msk [tilespmem:v11+s26+$0x0], $0xffff;
	v0 =	vor.u32 v26, v36;
	v21 =	vor.u32 v23, v14;
	[tilespmem:v19+s30+$0x0] =	vst.idx.msk $0xffff, v20  }
0x58b: {  	v16 =	vor.u32 v23, v6;
	v7 =	vor.u32 v23, v12;
	v11 =	vor.u32 v23, v4;
	v23 =	vld [tilespmem:$0x1FFC0]  }
0x58c: {  	v13 =	vld.idx.msk [tilespmem:v13+s26+$0x0], $0xffff;
	v9 =	vor.u32 v27, v63;
	_ =	sdelay $0x1  }
0x58d: {  	v5 =	vor.u32 v22, v37;
	v1 =	vld.idx.msk [tilespmem:v1+s26+$0x0], $0xffff  }
0x58e: {  	v0 =	vld.idx.msk [tilespmem:v0+s26+$0x0], $0xffff  }
0x58f: {  	v19 =	vld.idx.msk [tilespmem:v21+s26+$0x0], $0xffff;
	v20 =	vor.u32 v23, v10  }
0x590: {  	[tilespmem:v9+s30+$0x0] =	vst.idx.msk $0xffff, v13;
	v13 =	vld.idx.msk [tilespmem:v16+s26+$0x0], $0xffff;
	v9 =	vor.u32 v23, v2  }
0x591: {  	v21 =	vld [tilespmem:$0x1FC70];
	[tilespmem:v8+s30+$0x0] =	vst.idx.msk $0xffff, v3  }
0x592: {  	v7 =	vld.idx.msk [tilespmem:v7+s26+$0x0], $0xffff;
	[tilespmem:v5+s30+$0x0] =	vst.idx.msk $0xffff, v1;
	v3 =	vor.u32 v23, v63  }
0x593: {  	[tilespmem:v30+s30+$0x0] =	vst.idx.msk $0xffff, v0  }
0x594: {  	v15 =	vor.u32 v26, v38;
	[tilespmem:v20+s30+$0x0] =	vst.idx.msk $0xffff, v19  }
0x595: {  	v17 =	vor.u32 v53, v39;
	[tilespmem:v9+s30+$0x0] =	vst.idx.msk $0xffff, v13  }
0x596: {  	v16 =	vor.u32 v21, v14;
	v29 =	vld [tilespmem:$0x1FFA0]  }
0x597: {  	v1 =	vld.idx.msk [tilespmem:v11+s26+$0x0], $0xffff;
	v8 =	vor.u32 v21, v6;
	[tilespmem:v3+s30+$0x0] =	vst.idx.msk $0xffff, v7  }
0x598: {  	v5 =	vor.u32 v21, v12;
	v24 =	vld [tilespmem:$0x1FC80]  }
0x599: {  	v11 =	vor.u32 v22, v32;
	v0 =	vld.idx.msk [tilespmem:v15+s26+$0x0], $0xffff  }
0x59a: {  	v17 =	vld.idx.msk [tilespmem:v17+s26+$0x0], $0xffff;
	v15 =	vor.u32 v21, v4;
	v20 =	vor.u32 v41, v37  }
0x59b: {  	v19 =	vor.u32 v26, v34;
	v13 =	vld.idx.msk [tilespmem:v16+s26+$0x0], $0xffff;
	v16 =	vor.u32 v29, v10  }
0x59c: {  	v9 =	vor.u32 v53, v36;
	v7 =	vld.idx.msk [tilespmem:v8+s26+$0x0], $0xffff;
	v3 =	vor.u32 v29, v2  }
0x59d: {  	[tilespmem:v60+s30+$0x0] =	vst.idx.msk $0xffff, v1;
	v5 =	vld.idx.msk [tilespmem:v5+s26+$0x0], $0xffff;
	v1 =	vor.u32 v29, v63;
	v21 =	vor.u32 v24, v6  }
0x59e: {  	[tilespmem:v11+s30+$0x0] =	vst.idx.msk $0xffff, v0  }
0x59f: {  	v0 =	vld.idx.msk [tilespmem:v15+s26+$0x0], $0xffff;
	[tilespmem:v20+s30+$0x0] =	vst.idx.msk $0xffff, v17;
	v15 =	vor.u32 v29, v52;
	v8 =	vor.u32 v24, v14  }
0x5a0: {  	v17 =	vld.idx.msk [tilespmem:v19+s26+$0x0], $0xffff;
	[tilespmem:v16+s30+$0x0] =	vst.idx.msk $0xffff, v13  }
0x5a1: {  	v9 =	vld.idx.msk [tilespmem:v9+s26+$0x0], $0xffff;
	v11 =	vor.u32 v24, v12;
	[tilespmem:v3+s30+$0x0] =	vst.idx.msk $0xffff, v7  }
0x5a2: {  	[tilespmem:v1+s30+$0x0] =	vst.idx.msk $0xffff, v5;
	v5 =	vld.idx.msk [tilespmem:v21+s26+$0x0], $0xffff  }
0x5a3: {  	v21 =	vld [tilespmem:$0x1FC90]  }
0x5a4: {  	v19 =	vor.u32 v24, v4;
	v7 =	vld.idx.msk [tilespmem:v8+s26+$0x0], $0xffff;
	v8 =	vor.u32 v42, v10;
	[tilespmem:v15+s30+$0x0] =	vst.idx.msk $0xffff, v0  }
0x5a5: {  	v13 =	vor.u32 v54, v39;
	v1 =	vor.u32 v42, v2;
	[tilespmem:v62+s30+$0x0] =	vst.idx.msk $0xffff, v17  }
0x5a6: {  	v3 =	vor.u32 v53, v38;
	v0 =	vor.u32 v42, v63;
	v11 =	vld.idx.msk [tilespmem:v11+s26+$0x0], $0xffff;
	[tilespmem:v18+s30+$0x0] =	vst.idx.msk $0xffff, v9  }
0x5a7: {  	v28 =	vld [tilespmem:$0x1FFE0]  }
0x5a8: {  	v16 =	vor.u32 v21, v14  }
0x5a9: {  	v17 =	vld.idx.msk [tilespmem:v19+s26+$0x0], $0xffff;
	v15 =	vor.u32 v21, v6;
	[tilespmem:v8+s30+$0x0] =	vst.idx.msk $0xffff, v7  }
0x5aa: {  	v20 =	vor.u32 v42, v52;
	v9 =	vld.idx.msk [tilespmem:v13+s26+$0x0], $0xffff;
	[tilespmem:v1+s30+$0x0] =	vst.idx.msk $0xffff, v5  }
0x5ab: {  	v3 =	vld.idx.msk [tilespmem:v3+s26+$0x0], $0xffff;
	v8 =	vor.u32 v41, v32;
	[tilespmem:v0+s30+$0x0] =	vst.idx.msk $0xffff, v11  }
0x5ac: {  	v19 =	vor.u32 v21, v12;
	v18 =	vor.u32 v21, v4;
	v13 =	vor.u32 v28, v37;
	v21 =	vld [tilespmem:$0x1FCB0]  }
0x5ad: {  	v5 =	vld.idx.msk [tilespmem:v16+s26+$0x0], $0xffff;
	v16 =	vor.u32 v43, v10  }
0x5ae: {  	v0 =	vor.u32 v43, v2;
	v11 =	vld.idx.msk [tilespmem:v15+s26+$0x0], $0xffff  }
0x5af: {  	[tilespmem:v20+s30+$0x0] =	vst.idx.msk $0xffff, v17  }
0x5b0: {  	v7 =	vor.u32 v53, v34;
	[tilespmem:v8+s30+$0x0] =	vst.idx.msk $0xffff, v3  }
0x5b1: {  	[tilespmem:v13+s30+$0x0] =	vst.idx.msk $0xffff, v9  }
0x5b2: {  	v1 =	vor.u32 v55, v39;
	v19 =	vld.idx.msk [tilespmem:v19+s26+$0x0], $0xffff;
	[tilespmem:v16+s30+$0x0] =	vst.idx.msk $0xffff, v5  }
0x5b3: {  	v15 =	vor.u32 v21, v14;
	v30 =	vld [tilespmem:$0x1FF60];
	[tilespmem:v0+s30+$0x0] =	vst.idx.msk $0xffff, v11  }
0x5b4: {  	v17 =	vor.u32 v43, v63;
	v20 =	vor.u32 v21, v6;
	v24 =	vld [tilespmem:$0x1FF10]  }
0x5b5: {  	v3 =	vld.idx.msk [tilespmem:v7+s26+$0x0], $0xffff  }
0x5b6: {  	v9 =	vld.idx.msk [tilespmem:v18+s26+$0x0], $0xffff;
	v13 =	vor.u32 v21, v12;
	v18 =	vor.u32 v43, v52  }
0x5b7: {  	v7 =	vor.u32 v21, v4;
	v1 =	vld.idx.msk [tilespmem:v1+s26+$0x0], $0xffff  }
0x5b8: {  	v0 =	vor.u32 v54, v38;
	v11 =	vld.idx.msk [tilespmem:v15+s26+$0x0], $0xffff;
	v8 =	vor.u32 v30, v37  }
0x5b9: {  	v5 =	vor.u32 v54, v36;
	[tilespmem:v17+s30+$0x0] =	vst.idx.msk $0xffff, v19;
	v17 =	vld.idx.msk [tilespmem:v20+s26+$0x0], $0xffff;
	v15 =	vor.u32 v24, v10  }
0x5ba: {  	v21 =	vld [tilespmem:$0x1FCC0];
	v16 =	vor.u32 v24, v2  }
0x5bb: {  	[tilespmem:v18+s30+$0x0] =	vst.idx.msk $0xffff, v9;
	v13 =	vld.idx.msk [tilespmem:v13+s26+$0x0], $0xffff;
	v9 =	vor.u32 v24, v63  }
0x5bc: {  	[tilespmem:v58+s30+$0x0] =	vst.idx.msk $0xffff, v3;
	v7 =	vld.idx.msk [tilespmem:v7+s26+$0x0], $0xffff;
	v3 =	vor.u32 v24, v52  }
0x5bd: {  	v0 =	vld.idx.msk [tilespmem:v0+s26+$0x0], $0xffff;
	[tilespmem:v8+s30+$0x0] =	vst.idx.msk $0xffff, v1  }
0x5be: {  	v1 =	vld.idx.msk [tilespmem:v5+s26+$0x0], $0xffff;
	[tilespmem:v15+s30+$0x0] =	vst.idx.msk $0xffff, v11  }
0x5bf: {  	[tilespmem:v16+s30+$0x0] =	vst.idx.msk $0xffff, v17  }
0x5c0: {  	v19 =	vor.u32 v21, v14;
	v25 =	vld [tilespmem:$0x1FFD0];
	[tilespmem:v9+s30+$0x0] =	vst.idx.msk $0xffff, v13  }
0x5c1: {  	v18 =	vor.u32 v21, v6;
	[tilespmem:v3+s30+$0x0] =	vst.idx.msk $0xffff, v7  }
0x5c2: {  	v20 =	vor.u32 v21, v12;
	[tilespmem:v59+s30+$0x0] =	vst.idx.msk $0xffff, v0  }
0x5c3: {  	v5 =	vor.u32 v21, v4;
	[tilespmem:v61+s30+$0x0] =	vst.idx.msk $0xffff, v1  }
0x5c4: {  	v8 =	vor.u32 v56, v39;
	v59 =	vld [tilespmem:$0x1FF90]  }
0x5c5: {  	v15 =	vld.idx.msk [tilespmem:v19+s26+$0x0], $0xffff;
	v16 =	vor.u32 v25, v10  }
0x5c6: {  	v13 =	vld.idx.msk [tilespmem:v18+s26+$0x0], $0xffff;
	v9 =	vor.u32 v25, v2  }
0x5c7: {  	v7 =	vld.idx.msk [tilespmem:v20+s26+$0x0], $0xffff;
	v3 =	vor.u32 v25, v63  }
0x5c8: {  	v19 =	vor.u32 v26, v12;
	v5 =	vld.idx.msk [tilespmem:v5+s26+$0x0], $0xffff;
	v1 =	vor.u32 v25, v52  }
0x5c9: {  	v20 =	vor.u32 v26, v4;
	v0 =	vld.idx.msk [tilespmem:v8+s26+$0x0], $0xffff;
	v8 =	vor.u32 v59, v37  }
0x5ca: {  	[tilespmem:v16+s30+$0x0] =	vst.idx.msk $0xffff, v15  }
0x5cb: {  	[tilespmem:v9+s30+$0x0] =	vst.idx.msk $0xffff, v13  }
0x5cc: {  	[tilespmem:v3+s30+$0x0] =	vst.idx.msk $0xffff, v7  }
0x5cd: {  	v11 =	vor.u32 v54, v34;
	[tilespmem:v1+s30+$0x0] =	vst.idx.msk $0xffff, v5;
	v5 =	vld.idx.msk [tilespmem:v19+s26+$0x0], $0xffff  }
0x5ce: {  	v19 =	vld.idx.msk [tilespmem:v20+s26+$0x0], $0xffff;
	[tilespmem:v8+s30+$0x0] =	vst.idx.msk $0xffff, v0  }
0x5cf: {  	v20 =	vld [tilespmem:$0x1FCA0];
	_ =	sdelay $0x1  }
0x5d0: {  	v17 =	vor.u32 v26, v14  }
0x5d1: {  	v18 =	vor.u32 v26, v6;
	v11 =	vld.idx.msk [tilespmem:v11+s26+$0x0], $0xffff;
	_ =	sdelay $0x3  }
0x5d2: {  	v15 =	vor.u32 v55, v36;
	v13 =	vor.u32 v22, v10;
	v9 =	vld.idx.msk [tilespmem:v17+s26+$0x0], $0xffff  }
0x5d3: {  	v3 =	vor.u32 v53, v14;
	v18 =	vld.idx.msk [tilespmem:v18+s26+$0x0], $0xffff;
	[tilespmem:v20+s30+$0x0] =	vst.idx.msk $0xffff, v11  }
0x5d4: {  	v16 =	vor.u32 v57, v39;
	v17 =	vor.u32 v22, v2;
	v62 =	vld [tilespmem:$0x1FFF0]  }
0x5d5: {  	v1 =	vor.u32 v53, v6;
	v7 =	vor.u32 v22, v63  }
0x5d6: {  	v0 =	vor.u32 v22, v52;
	v8 =	vor.u32 v53, v12  }
0x5d7: {  	v15 =	vld.idx.msk [tilespmem:v15+s26+$0x0], $0xffff;
	v11 =	vor.u32 v30, v35;
	v20 =	vor.u32 v53, v4;
	[tilespmem:v13+s30+$0x0] =	vst.idx.msk $0xffff, v9  }
0x5d8: {  	v21 =	vor.u32 v55, v38;
	v13 =	vor.u32 v41, v10;
	v3 =	vld.idx.msk [tilespmem:v3+s26+$0x0], $0xffff  }
0x5d9: {  	v16 =	vld.idx.msk [tilespmem:v16+s26+$0x0], $0xffff;
	[tilespmem:v17+s30+$0x0] =	vst.idx.msk $0xffff, v18;
	v18 =	vor.u32 v54, v14;
	v22 =	vor.u32 v62, v37  }
0x5da: {  	v9 =	vor.u32 v55, v34;
	v17 =	vor.u32 v41, v2;
	[tilespmem:v7+s30+$0x0] =	vst.idx.msk $0xffff, v5;
	v1 =	vld.idx.msk [tilespmem:v1+s26+$0x0], $0xffff  }
0x5db: {  	v5 =	vor.u32 v41, v63;
	v7 =	vor.u32 v54, v6;
	[tilespmem:v0+s30+$0x0] =	vst.idx.msk $0xffff, v19;
	v0 =	vld.idx.msk [tilespmem:v8+s26+$0x0], $0xffff  }
0x5dc: {  	v8 =	vor.u32 v41, v52;
	[tilespmem:v11+s30+$0x0] =	vst.idx.msk $0xffff, v15;
	v11 =	vor.u32 v54, v12;
	v15 =	vld.idx.msk [tilespmem:v20+s26+$0x0], $0xffff  }
0x5dd: {  	v19 =	vld.idx.msk [tilespmem:v21+s26+$0x0], $0xffff;
	v21 =	vor.u32 v56, v36;
	v20 =	vor.u32 v30, v32;
	[tilespmem:v13+s30+$0x0] =	vst.idx.msk $0xffff, v3  }
0x5de: {  	v13 =	vld.idx.msk [tilespmem:v18+s26+$0x0], $0xffff;
	v18 =	vor.u32 v28, v10;
	[tilespmem:v22+s30+$0x0] =	vst.idx.msk $0xffff, v16;
	v16 =	vor.u32 v54, v4  }
0x5df: {  	v9 =	vld.idx.msk [tilespmem:v9+s26+$0x0], $0xffff;
	[tilespmem:v17+s30+$0x0] =	vst.idx.msk $0xffff, v1;
	v17 =	vor.u32 v55, v14;
	v22 =	vor.u32 v30, v33  }
0x5e0: {  	v3 =	vor.u32 v56, v38;
	v1 =	vor.u32 v28, v2;
	[tilespmem:v5+s30+$0x0] =	vst.idx.msk $0xffff, v0;
	v0 =	vld.idx.msk [tilespmem:v7+s26+$0x0], $0xffff  }
0x5e1: {  	v5 =	vor.u32 v28, v63;
	v7 =	vor.u32 v55, v6;
	[tilespmem:v8+s30+$0x0] =	vst.idx.msk $0xffff, v15;
	v8 =	vld.idx.msk [tilespmem:v11+s26+$0x0], $0xffff  }
0x5e2: {  	[tilespmem:v20+s30+$0x0] =	vst.idx.msk $0xffff, v19;
	v19 =	vld.idx.msk [tilespmem:v21+s26+$0x0], $0xffff;
	v20 =	vor.u32 v59, v35  }
0x5e3: {  	v11 =	vor.u32 v28, v52;
	v15 =	vor.u32 v55, v12;
	[tilespmem:v18+s30+$0x0] =	vst.idx.msk $0xffff, v13;
	v16 =	vld.idx.msk [tilespmem:v16+s26+$0x0], $0xffff  }
0x5e4: {  	v18 =	vor.u32 v30, v10;
	v17 =	vld.idx.msk [tilespmem:v17+s26+$0x0], $0xffff;
	[tilespmem:v22+s30+$0x0] =	vst.idx.msk $0xffff, v9;
	v9 =	vor.u32 v55, v4  }
0x5e5: {  	v3 =	vld.idx.msk [tilespmem:v3+s26+$0x0], $0xffff;
	[tilespmem:v1+s30+$0x0] =	vst.idx.msk $0xffff, v0;
	v0 =	vor.u32 v56, v14;
	v22 =	vor.u32 v59, v32  }
0x5e6: {  	v21 =	vor.u32 v56, v34;
	v1 =	vld.idx.msk [tilespmem:v7+s26+$0x0], $0xffff;
	[tilespmem:v5+s30+$0x0] =	vst.idx.msk $0xffff, v8;
	v5 =	vor.u32 v30, v2  }
0x5e7: {  	v13 =	vor.u32 v57, v36;
	[tilespmem:v20+s30+$0x0] =	vst.idx.msk $0xffff, v19  }
0x5e8: {  	v7 =	vor.u32 v56, v6;
	v8 =	vld.idx.msk [tilespmem:v15+s26+$0x0], $0xffff;
	[tilespmem:v11+s30+$0x0] =	vst.idx.msk $0xffff, v16;
	v11 =	vor.u32 v30, v63  }
0x5e9: {  	v15 =	vor.u32 v56, v12;
	[tilespmem:v18+s30+$0x0] =	vst.idx.msk $0xffff, v17;
	v16 =	vor.u32 v30, v52;
	v9 =	vld.idx.msk [tilespmem:v9+s26+$0x0], $0xffff  }
0x5ea: {  	v18 =	vor.u32 v59, v10;
	v0 =	vld.idx.msk [tilespmem:v0+s26+$0x0], $0xffff;
	[tilespmem:v22+s30+$0x0] =	vst.idx.msk $0xffff, v3;
	v3 =	vor.u32 v56, v4  }
0x5eb: {  	v19 =	vor.u32 v59, v33;
	v20 =	vld.idx.msk [tilespmem:v21+s26+$0x0], $0xffff;
	[tilespmem:v5+s30+$0x0] =	vst.idx.msk $0xffff, v1;
	v1 =	vor.u32 v57, v14  }
0x5ec: {  	v21 =	vor.u32 v57, v38;
	v13 =	vld.idx.msk [tilespmem:v13+s26+$0x0], $0xffff;
	v22 =	vor.u32 v62, v35  }
0x5ed: {  	v17 =	vor.u32 v57, v34;
	v5 =	vld.idx.msk [tilespmem:v7+s26+$0x0], $0xffff;
	v7 =	vor.u32 v59, v2;
	[tilespmem:v11+s30+$0x0] =	vst.idx.msk $0xffff, v8  }
0x5ee: {  	v6 =	vor.u32 v57, v6;
	v11 =	vor.u32 v59, v63;
	v8 =	vld.idx.msk [tilespmem:v15+s26+$0x0], $0xffff;
	[tilespmem:v16+s30+$0x0] =	vst.idx.msk $0xffff, v9  }
0x5ef: {  	[tilespmem:v18+s30+$0x0] =	vst.idx.msk $0xffff, v0;
	v9 =	vor.u32 v57, v12;
	v12 =	vor.u32 v59, v52;
	v3 =	vld.idx.msk [tilespmem:v3+s26+$0x0], $0xffff  }
0x5f0: {  	v4 =	vor.u32 v57, v4;
	[tilespmem:v19+s30+$0x0] =	vst.idx.msk $0xffff, v20;
	v0 =	vld.idx.msk [tilespmem:v1+s26+$0x0], $0xffff;
	v1 =	vor.u32 v62, v10  }
0x5f1: {  	v14 =	vld.idx.msk [tilespmem:v21+s26+$0x0], $0xffff;
	[tilespmem:v22+s30+$0x0] =	vst.idx.msk $0xffff, v13;
	v15 =	vor.u32 v62, v32  }
0x5f2: {  	v13 =	vor.u32 v62, v33;
	[tilespmem:v7+s30+$0x0] =	vst.idx.msk $0xffff, v5;
	v16 =	vld.idx.msk [tilespmem:v17+s26+$0x0], $0xffff  }
0x5f3: {  	v2 =	vor.u32 v62, v2;
	v5 =	vld.idx.msk [tilespmem:v6+s26+$0x0], $0xffff;
	[tilespmem:v11+s30+$0x0] =	vst.idx.msk $0xffff, v8  }
0x5f4: {  	v7 =	vor.u32 v62, v63;
	v6 =	vld.idx.msk [tilespmem:v9+s26+$0x0], $0xffff;
	[tilespmem:v12+s30+$0x0] =	vst.idx.msk $0xffff, v3  }
0x5f5: {  	[tilespmem:v1+s30+$0x0] =	vst.idx.msk $0xffff, v0;
	v3 =	vor.u32 v62, v52;
	v4 =	vld.idx.msk [tilespmem:v4+s26+$0x0], $0xffff  }
0x5f6: {  	[tilespmem:v15+s30+$0x0] =	vst.idx.msk $0xffff, v14  }
0x5f7: {  	[tilespmem:v13+s30+$0x0] =	vst.idx.msk $0xffff, v16  }
0x5f8: {  	[tilespmem:v2+s30+$0x0] =	vst.idx.msk $0xffff, v5  }
0x5f9: {  	[tilespmem:v7+s30+$0x0] =	vst.idx.msk $0xffff, v6  }
0x5fa: {  	[tilespmem:v3+s30+$0x0] =	vst.idx.msk $0xffff, v4  }
0x5fb: {  	s5 =	sld [smem:$0x7EE];
	_ =	sdelay $0x2  }
0x5fc: {  	v52 =	vld [tilespmem:s5+$0x500]  }
0x5fd: {  	v51 =	vld [tilespmem:s5+$0x510]  }
0x5fe: {  	v50 =	vld [tilespmem:s5+$0x520]  }
0x5ff: {  	s0 =	simm.s32 $0x3;
	v49 =	vld [tilespmem:s5+$0x530]  }
0x600: {  	s6 =	simm.s32 $0x1;
	v0 =	vmov s0;
	v47 =	vld [tilespmem:s5+$0x540]  }
0x601: {  	s11 =	simm.s32 $0x2;
	v1 =	vmov s6;
	v0 =	vmul.u32 $0x3F0, v0;
	v46 =	vld [tilespmem:s5+$0x550]  }
0x602: {  	s14 =	simm.s32 $0x0;
	v1 =	vmul.u32 $0x3F0, v1;
	v3 =	vmov s11;
	v44 =	vld [tilespmem:s5+$0x560]  }
0x603: {  	v2 =	vbroadcast v0, $0x0;
	v0 =	vmul.u32 $0x3F0, v3;
	v3 =	vmov s14;
	v43 =	vld [tilespmem:s5+$0x570]  }
0x604: {  	v63 =	vbroadcast v1, $0x0;
	v1 =	vmul.u32 $0x3F0, v3;
	v41 =	vld [tilespmem:s5+$0x580]  }
0x605: {  	v54 =	vbroadcast v0, $0x0;
	v38 =	vld [tilespmem:s5+$0x590];
	v3 =	vadd.s32 v52, v2  }
0x606: {  	v37 =	vld [tilespmem:s5+$0x5A0];
	v53 =	vbroadcast v1, $0x0;
	v0 =	vadd.s32 v52, v63  }
0x607: {  	v36 =	vld [tilespmem:s5+$0x5B0];
	v1 =	vadd.s32 v52, v54  }
0x608: {  	v35 =	vld [tilespmem:s5+$0x5C0];
	v4 =	vadd.s32 v52, v53  }
0x609: {  	v34 =	vld [tilespmem:s5+$0x5D0]  }
0x60a: {  	v3 =	vld.idx.msk [tilespmem:v3+s31+$0x0], $0xffff  }
0x60b: {  	v5 =	vadd.s32 v51, v2;
	v0 =	vld.idx.msk [tilespmem:v0+s31+$0x0], $0xffff  }
0x60c: {  	s7 =	simm.s32 $0x180;
	s8 =	sand.u32 $0x1800, s14;
	v6 =	vadd.s32 v51, v63;
	v1 =	vld.idx.msk [tilespmem:v1+s31+$0x0], $0xffff  }
0x60d: {  	s9 =	simm.s32 $0x80;
	s4 =	sor.u32 $0x1C600, s8;
	s0 =	sand.u32 $0x380, s7;
	v7 =	vadd.s32 v51, v54;
	v4 =	vld.idx.msk [tilespmem:v4+s31+$0x0], $0xffff  }
0x60e: {  	s12 =	simm.s32 $0x100;
	s10 =	sand.u32 $0x280, s9;
	s3 =	sadd.s32 s0, s4;
	v33 =	vld [tilespmem:s5+$0x5E0];
	v8 =	vadd.s32 v51, v53  }
0x60f: {  	s13 =	sand.u32 $0x300, s12;
	s2 =	sadd.s32 s10, s4;
	v32 =	vld [tilespmem:s5+$0x5F0];
	s5 =	simm.s32 $0x0;
	[tilespmem:s3+$0x0] =	vst v3  }
0x610: {  	s1 =	sadd.s32 s13, s4;
	s5 =	sand.u32 $0x200, s5;
	[tilespmem:s2+$0x0] =	vst v0;
	v3 =	vld.idx.msk [tilespmem:v5+s31+$0x0], $0xffff  }
0x611: {  	s15 =	sadd.s32 s5, s4;
	v0 =	vadd.s32 v50, v2;
	[tilespmem:s1+$0x0] =	vst v1;
	v5 =	vld.idx.msk [tilespmem:v6+s31+$0x0], $0xffff  }
0x612: {  	[tilespmem:s15+$0x0] =	vst v4;
	v4 =	vadd.s32 v50, v63;
	v1 =	vld.idx.msk [tilespmem:v7+s31+$0x0], $0xffff  }
0x613: {  	v6 =	vld.idx.msk [tilespmem:v8+s31+$0x0], $0xffff;
	v7 =	vadd.s32 v50, v54  }
0x614: {  	v8 =	vadd.s32 v50, v53  }
0x615: {  	[tilespmem:s3+$0x10] =	vst v3  }
0x616: {  	[tilespmem:s2+$0x10] =	vst v5;
	v0 =	vld.idx.msk [tilespmem:v0+s31+$0x0], $0xffff  }
0x617: {  	v3 =	vadd.s32 v49, v2;
	[tilespmem:s1+$0x10] =	vst v1;
	v4 =	vld.idx.msk [tilespmem:v4+s31+$0x0], $0xffff  }
0x618: {  	[tilespmem:s15+$0x10] =	vst v6;
	v5 =	vadd.s32 v49, v63;
	v1 =	vld.idx.msk [tilespmem:v7+s31+$0x0], $0xffff  }
0x619: {  	v6 =	vld.idx.msk [tilespmem:v8+s31+$0x0], $0xffff;
	v7 =	vadd.s32 v49, v54  }
0x61a: {  	v8 =	vadd.s32 v49, v53  }
0x61b: {  	[tilespmem:s3+$0x20] =	vst v0  }
0x61c: {  	[tilespmem:s2+$0x20] =	vst v4;
	v0 =	vld.idx.msk [tilespmem:v3+s31+$0x0], $0xffff  }
0x61d: {  	[tilespmem:s1+$0x20] =	vst v1;
	v3 =	vadd.s32 v47, v2;
	v4 =	vld.idx.msk [tilespmem:v5+s31+$0x0], $0xffff  }
0x61e: {  	[tilespmem:s15+$0x20] =	vst v6;
	v1 =	vld.idx.msk [tilespmem:v7+s31+$0x0], $0xffff;
	v5 =	vadd.s32 v47, v63  }
0x61f: {  	v6 =	vld.idx.msk [tilespmem:v8+s31+$0x0], $0xffff;
	v7 =	vadd.s32 v47, v54  }
0x620: {  	v8 =	vadd.s32 v47, v53  }
0x621: {  	[tilespmem:s3+$0x30] =	vst v0  }
0x622: {  	[tilespmem:s2+$0x30] =	vst v4;
	v0 =	vld.idx.msk [tilespmem:v3+s31+$0x0], $0xffff  }
0x623: {  	[tilespmem:s1+$0x30] =	vst v1;
	v3 =	vadd.s32 v46, v2;
	v4 =	vld.idx.msk [tilespmem:v5+s31+$0x0], $0xffff  }
0x624: {  	[tilespmem:s15+$0x30] =	vst v6;
	v1 =	vld.idx.msk [tilespmem:v7+s31+$0x0], $0xffff;
	v5 =	vadd.s32 v46, v63  }
0x625: {  	v6 =	vld.idx.msk [tilespmem:v8+s31+$0x0], $0xffff;
	v7 =	vadd.s32 v46, v54  }
0x626: {  	v8 =	vadd.s32 v46, v53  }
0x627: {  	[tilespmem:s3+$0x40] =	vst v0  }
0x628: {  	[tilespmem:s2+$0x40] =	vst v4;
	v0 =	vld.idx.msk [tilespmem:v3+s31+$0x0], $0xffff  }
0x629: {  	[tilespmem:s1+$0x40] =	vst v1;
	v3 =	vadd.s32 v44, v2;
	v4 =	vld.idx.msk [tilespmem:v5+s31+$0x0], $0xffff  }
0x62a: {  	[tilespmem:s15+$0x40] =	vst v6;
	v1 =	vld.idx.msk [tilespmem:v7+s31+$0x0], $0xffff;
	v5 =	vadd.s32 v44, v63  }
0x62b: {  	v6 =	vld.idx.msk [tilespmem:v8+s31+$0x0], $0xffff;
	v7 =	vadd.s32 v44, v54  }
0x62c: {  	v8 =	vadd.s32 v44, v53  }
0x62d: {  	[tilespmem:s3+$0x50] =	vst v0  }
0x62e: {  	[tilespmem:s2+$0x50] =	vst v4;
	v0 =	vld.idx.msk [tilespmem:v3+s31+$0x0], $0xffff  }
0x62f: {  	[tilespmem:s1+$0x50] =	vst v1;
	v3 =	vadd.s32 v43, v2;
	v4 =	vld.idx.msk [tilespmem:v5+s31+$0x0], $0xffff  }
0x630: {  	s16 =	simm.s32 $0x5;
	[tilespmem:s15+$0x50] =	vst v6;
	v6 =	vadd.s32 v43, v63;
	v5 =	vld.idx.msk [tilespmem:v7+s31+$0x0], $0xffff  }
0x631: {  	v1 =	vmov s16;
	v7 =	vld.idx.msk [tilespmem:v8+s31+$0x0], $0xffff;
	v8 =	vadd.s32 v43, v54  }
0x632: {  	v9 =	vadd.s32 v43, v53;
	v1 =	vmul.u32 $0x3F0, v1  }
0x633: {  	s17 =	simm.s32 $0x6;
	[tilespmem:s3+$0x60] =	vst v0  }
0x634: {  	v40 =	vbroadcast v1, $0x0;
	v1 =	vmov s17;
	[tilespmem:s2+$0x60] =	vst v4;
	v0 =	vld.idx.msk [tilespmem:v3+s31+$0x0], $0xffff  }
0x635: {  	v1 =	vmul.u32 $0x3F0, v1;
	[tilespmem:s1+$0x60] =	vst v5;
	v3 =	vadd.s32 v41, v2;
	v6 =	vld.idx.msk [tilespmem:v6+s31+$0x0], $0xffff  }
0x636: {  	[tilespmem:s15+$0x60] =	vst v7;
	v7 =	vadd.s32 v41, v63;
	v5 =	vld.idx.msk [tilespmem:v8+s31+$0x0], $0xffff  }
0x637: {  	s18 =	simm.s32 $0x7;
	v39 =	vbroadcast v1, $0x0;
	v1 =	vld.idx.msk [tilespmem:v9+s31+$0x0], $0xffff;
	v9 =	vadd.s32 v41, v54  }
0x638: {  	v4 =	vadd.s32 v52, v40;
	v8 =	vmov s18  }
0x639: {  	s20 =	sand.u32 $0x7, s14;
	v10 =	vadd.s32 v41, v53;
	v8 =	vmul.u32 $0x3F0, v8;
	[tilespmem:s3+$0x70] =	vst v0  }
0x63a: {  	s19 =	simm.s32 $0x4;
	s22 =	sshll.u32 s20, $0x7;
	v0 =	vadd.s32 v52, v39;
	[tilespmem:s2+$0x70] =	vst v6;
	v3 =	vld.idx.msk [tilespmem:v3+s31+$0x0], $0xffff  }
0x63b: {  	s21 =	simm.s32 $0x9;
	s23 =	sadd.s32 $0x0, s22;
	v48 =	vbroadcast v8, $0x0;
	v8 =	vadd.s32 v38, v2;
	v6 =	vmov s19;
	[tilespmem:s1+$0x70] =	vst v5;
	v7 =	vld.idx.msk [tilespmem:v7+s31+$0x0], $0xffff  }
0x63c: {  	p0 =	por $0x0, $0x0;
	s24 =	sand.u32 $0x3, s14;
	s0 =	sadd.s32 $0x180, s23;
	v5 =	vmov s21;
	[tilespmem:s15+$0x70] =	vst v1;
	v6 =	vmul.u32 $0x3F0, v6;
	v1 =	vld.idx.msk [tilespmem:v9+s31+$0x0], $0xffff;
	v9 =	vadd.s32 v38, v63  }
0x63d: {  	s25 =	sor.u32 $0x400, s0;
	v4 =	vld.idx.msk [tilespmem:v4+s31+$0x0], $0xffff;
	v11 =	vadd.s32 v52, v48;
	s3 =	simm.s32 $0x1;
	s2 =	sshll.u32 s24, $0x8;
	v5 =	vmul.u32 $0x3F0, v5  }
0x63e: {  	v10 =	vld.idx.msk [tilespmem:v10+s31+$0x0], $0xffff;
	s3 =	simm.s32 @!p0 $0x0;
	s26 =	sadd.s32 $0x0, s2;
	s2 =	sadd.s32 $0x80, s23;
	v45 =	vbroadcast v6, $0x0;
	v6 =	vadd.s32 v38, v54  }
0x63f: {  	s6 =	sshll.u32 s3, $0x9;
	s3 =	sadd.s32 $0x100, s26;
	s7 =	sor.u32 $0x400, s2;
	v42 =	vbroadcast v5, $0x0;
	v5 =	vadd.s32 v38, v53;
	v0 =	vld.idx.msk [tilespmem:v0+s31+$0x0], $0xffff;
	[tilespmem:s25+$0x1C600] =	vst v3  }
0x640: {  	s22 =	simm.s32 $0x400;
	s8 =	sor.u32 $0x400, s3;
	v3 =	vadd.s32 v52, v45;
	[tilespmem:s7+$0x1C600] =	vst v7;
	v8 =	vld.idx.msk [tilespmem:v8+s31+$0x0], $0xffff  }
0x641: {  	s10 =	sand.u32 $0x1800, s22;
	s4 =	sadd.s32 $0x0, s6;
	v12 =	vadd.s32 v52, v42;
	[tilespmem:s8+$0x1C600] =	vst v1;
	s8 =	simm.s32 $0x280;
	v7 =	vld.idx.msk [tilespmem:v9+s31+$0x0], $0xffff  }
0x642: {  	s5 =	sor.u32 $0x1C600, s10;
	s9 =	sor.u32 $0x400, s4;
	v11 =	vld.idx.msk [tilespmem:v11+s31+$0x0], $0xffff;
	v1 =	vadd.s32 v37, v2;
	s8 =	sand.u32 $0x280, s8  }
0x643: {  	[tilespmem:s9+$0x1C600] =	vst v10;
	v9 =	vadd.s32 v51, v48;
	v6 =	vld.idx.msk [tilespmem:v6+s31+$0x0], $0xffff;
	s28 =	sadd.s32 s8, s5  }
0x644: {  	s1 =	simm.s32 $0x380;
	v10 =	vadd.s32 v37, v63;
	s7 =	sor.u32 $0x410, s0;
	v5 =	vld.idx.msk [tilespmem:v5+s31+$0x0], $0xffff;
	[tilespmem:s28+$0x0] =	vst v4  }
0x645: {  	s12 =	sor.u32 $0x410, s2;
	s6 =	sand.u32 $0x380, s1;
	s9 =	simm.s32 $0x300;
	v4 =	vadd.s32 v37, v54;
	v3 =	vld.idx.msk [tilespmem:v3+s31+$0x0], $0xffff;
	[tilespmem:s7+$0x1C600] =	vst v8  }
0x646: {  	s13 =	sand.u32 $0x300, s9;
	v55 =	vld.idx.msk [tilespmem:v12+s31+$0x0], $0xffff;
	s7 =	sadd.s32 s6, s5;
	[tilespmem:s12+$0x1C600] =	vst v7;
	v7 =	vadd.s32 v51, v45  }
0x647: {  	s10 =	simm.s32 $0x200;
	s24 =	sadd.s32 s13, s5;
	[tilespmem:s7+$0x0] =	vst v11;
	v11 =	vadd.s32 v51, v39;
	v1 =	vld.idx.msk [tilespmem:v1+s31+$0x0], $0xffff  }
0x648: {  	s15 =	sand.u32 $0x200, s10;
	s16 =	sor.u32 $0x410, s3;
	[tilespmem:s24+$0x0] =	vst v0;
	v8 =	vadd.s32 v51, v40;
	v9 =	vld.idx.msk [tilespmem:v9+s31+$0x0], $0xffff  }
0x649: {  	s18 =	sadd.s32 s15, s5;
	v10 =	vld.idx.msk [tilespmem:v10+s31+$0x0], $0xffff;
	[tilespmem:s16+$0x1C600] =	vst v6;
	v6 =	vadd.s32 v37, v53  }
0x64a: {  	s19 =	sor.u32 $0x410, s4;
	v4 =	vld.idx.msk [tilespmem:v4+s31+$0x0], $0xffff;
	[tilespmem:s18+$0x0] =	vst v3;
	v3 =	vadd.s32 v50, v48  }
0x64b: {  	s17 =	sor.u32 $0x420, s0;
	v0 =	vadd.s32 v36, v2;
	[tilespmem:s19+$0x1C600] =	vst v5;
	v7 =	vld.idx.msk [tilespmem:v7+s31+$0x0], $0xffff  }
0x64c: {  	v5 =	vadd.s32 v50, v45;
	v11 =	vld.idx.msk [tilespmem:v11+s31+$0x0], $0xffff;
	[tilespmem:s17+$0x1C600] =	vst v1  }
0x64d: {  	s20 =	sor.u32 $0x420, s2;
	v8 =	vld.idx.msk [tilespmem:v8+s31+$0x0], $0xffff;
	[tilespmem:s7+$0x10] =	vst v9;
	v9 =	vadd.s32 v50, v39  }
0x64e: {  	s23 =	sor.u32 $0x420, s3;
	v1 =	vadd.s32 v50, v40;
	v6 =	vld.idx.msk [tilespmem:v6+s31+$0x0], $0xffff;
	[tilespmem:s20+$0x1C600] =	vst v10  }
0x64f: {  	v10 =	vadd.s32 v36, v54;
	[tilespmem:s23+$0x1C600] =	vst v4;
	v3 =	vld.idx.msk [tilespmem:v3+s31+$0x0], $0xffff  }
0x650: {  	v0 =	vld.idx.msk [tilespmem:v0+s31+$0x0], $0xffff;
	[tilespmem:s18+$0x10] =	vst v7;
	v7 =	vadd.s32 v49, v48  }
0x651: {  	[tilespmem:s24+$0x10] =	vst v11;
	v11 =	vadd.s32 v35, v2;
	v5 =	vld.idx.msk [tilespmem:v5+s31+$0x0], $0xffff  }
0x652: {  	s25 =	sor.u32 $0x420, s4;
	[tilespmem:s28+$0x10] =	vst v8;
	v8 =	vadd.s32 v36, v63;
	v9 =	vld.idx.msk [tilespmem:v9+s31+$0x0], $0xffff  }
0x653: {  	v4 =	vadd.s32 v49, v45;
	v1 =	vld.idx.msk [tilespmem:v1+s31+$0x0], $0xffff;
	[tilespmem:s25+$0x1C600] =	vst v6  }
0x654: {  	s21 =	sor.u32 $0x430, s0;
	v10 =	vld.idx.msk [tilespmem:v10+s31+$0x0], $0xffff;
	[tilespmem:s7+$0x20] =	vst v3;
	v3 =	vadd.s32 v49, v39  }
0x655: {  	[tilespmem:s21+$0x1C600] =	vst v0;
	v0 =	vadd.s32 v49, v40;
	v7 =	vld.idx.msk [tilespmem:v7+s31+$0x0], $0xffff  }
0x656: {  	v11 =	vld.idx.msk [tilespmem:v11+s31+$0x0], $0xffff;
	[tilespmem:s18+$0x20] =	vst v5;
	v5 =	vadd.s32 v47, v48  }
0x657: {  	v8 =	vld.idx.msk [tilespmem:v8+s31+$0x0], $0xffff;
	[tilespmem:s24+$0x20] =	vst v9;
	v9 =	vadd.s32 v34, v2  }
0x658: {  	s8 =	sor.u32 $0x430, s3;
	[tilespmem:s28+$0x20] =	vst v1;
	v1 =	vadd.s32 v36, v53;
	v4 =	vld.idx.msk [tilespmem:v4+s31+$0x0], $0xffff  }
0x659: {  	v6 =	vadd.s32 v35, v63;
	[tilespmem:s8+$0x1C600] =	vst v10;
	v3 =	vld.idx.msk [tilespmem:v3+s31+$0x0], $0xffff  }
0x65a: {  	s26 =	sor.u32 $0x440, s0;
	v0 =	vld.idx.msk [tilespmem:v0+s31+$0x0], $0xffff;
	[tilespmem:s7+$0x30] =	vst v7;
	v7 =	vadd.s32 v47, v39  }
0x65b: {  	s6 =	sor.u32 $0x430, s2;
	[tilespmem:s26+$0x1C600] =	vst v11;
	v11 =	vadd.s32 v47, v40;
	v5 =	vld.idx.msk [tilespmem:v5+s31+$0x0], $0xffff  }
0x65c: {  	[tilespmem:s6+$0x1C600] =	vst v8;
	v8 =	vadd.s32 v47, v45;
	v9 =	vld.idx.msk [tilespmem:v9+s31+$0x0], $0xffff  }
0x65d: {  	v1 =	vld.idx.msk [tilespmem:v1+s31+$0x0], $0xffff;
	[tilespmem:s18+$0x30] =	vst v4;
	v4 =	vadd.s32 v46, v48  }
0x65e: {  	v6 =	vld.idx.msk [tilespmem:v6+s31+$0x0], $0xffff;
	[tilespmem:s24+$0x30] =	vst v3;
	v3 =	vadd.s32 v33, v2  }
0x65f: {  	[tilespmem:s28+$0x30] =	vst v0;
	v0 =	vadd.s32 v35, v54;
	v7 =	vld.idx.msk [tilespmem:v7+s31+$0x0], $0xffff  }
0x660: {  	s9 =	sor.u32 $0x450, s0;
	v10 =	vadd.s32 v35, v53;
	v11 =	vld.idx.msk [tilespmem:v11+s31+$0x0], $0xffff;
	[tilespmem:s7+$0x40] =	vst v5  }
0x661: {  	s10 =	sor.u32 $0x430, s4;
	v8 =	vld.idx.msk [tilespmem:v8+s31+$0x0], $0xffff;
	[tilespmem:s9+$0x1C600] =	vst v9;
	v9 =	vadd.s32 v46, v40  }
0x662: {  	s12 =	sor.u32 $0x440, s2;
	v5 =	vadd.s32 v46, v39;
	[tilespmem:s10+$0x1C600] =	vst v1;
	v4 =	vld.idx.msk [tilespmem:v4+s31+$0x0], $0xffff  }
0x663: {  	v1 =	vadd.s32 v46, v45;
	[tilespmem:s12+$0x1C600] =	vst v6;
	v3 =	vld.idx.msk [tilespmem:v3+s31+$0x0], $0xffff  }
0x664: {  	v2 =	vadd.s32 v32, v2;
	v0 =	vld.idx.msk [tilespmem:v0+s31+$0x0], $0xffff;
	[tilespmem:s24+$0x40] =	vst v7  }
0x665: {  	v10 =	vld.idx.msk [tilespmem:v10+s31+$0x0], $0xffff;
	[tilespmem:s28+$0x40] =	vst v11;
	v11 =	vadd.s32 v34, v63  }
0x666: {  	[tilespmem:s18+$0x40] =	vst v8;
	v7 =	vld.idx.msk [tilespmem:v9+s31+$0x0], $0xffff;
	v9 =	vadd.s32 v44, v48  }
0x667: {  	s15 =	sor.u32 $0x460, s0;
	s13 =	simm.s32 $0xA;
	v5 =	vld.idx.msk [tilespmem:v5+s31+$0x0], $0xffff;
	[tilespmem:s7+$0x50] =	vst v4  }
0x668: {  	s16 =	sor.u32 $0x440, s3;
	v6 =	vadd.s32 v34, v54;
	v8 =	vmov s13;
	v1 =	vld.idx.msk [tilespmem:v1+s31+$0x0], $0xffff;
	[tilespmem:s15+$0x1C600] =	vst v3  }
0x669: {  	s20 =	sor.u32 $0x460, s4;
	v8 =	vmul.u32 $0x3F0, v8;
	v4 =	vadd.s32 v44, v39;
	[tilespmem:s16+$0x1C600] =	vst v0;
	v2 =	vld.idx.msk [tilespmem:v2+s31+$0x0], $0xffff  }
0x66a: {  	v0 =	vadd.s32 v44, v45;
	v11 =	vld.idx.msk [tilespmem:v11+s31+$0x0], $0xffff;
	[dreg:$0x15] =	wrdreg s20  }
0x66b: {  	s23 =	sand.u32 $0x3, s11;
	v56 =	vbroadcast v8, $0x0;
	v3 =	vadd.s32 v44, v40;
	v8 =	vld.idx.msk [tilespmem:v9+s31+$0x0], $0xffff;
	[tilespmem:s28+$0x50] =	vst v7  }
0x66c: {  	p0 =	por !p0, !p0;
	s0 =	sor.u32 $0x470, s0;
	s5 =	sshll.u32 s23, $0x8;
	v7 =	vadd.s32 v34, v53;
	[tilespmem:s24+$0x50] =	vst v5  }
0x66d: {  	s19 =	sor.u32 $0x450, s3;
	s17 =	sor.u32 $0x440, s4;
	s5 =	sadd.s32 $0x400, s5;
	v9 =	vld.idx.msk [tilespmem:v6+s31+$0x0], $0xffff;
	[tilespmem:s18+$0x50] =	vst v1  }
0x66e: {  	s6 =	sor.u32 $0x460, s3;
	s16 =	sor.u32 $0x470, s3;
	s3 =	simm.s32 $0x1;
	[tilespmem:s17+$0x1C600] =	vst v10;
	v12 =	vld.idx.msk [tilespmem:v4+s31+$0x0], $0xffff  }
0x66f: {  	s3 =	simm.s32 @!p0 $0x0;
	v14 =	vld.idx.msk [tilespmem:v0+s31+$0x0], $0xffff;
	[tilespmem:s0+$0x1C600] =	vst v2;
	s0 =	sadd.s32 $0x100, s5  }
0x670: {  	s3 =	sshll.u32 s3, $0x9;
	v5 =	vadd.s32 v52, v56;
	v3 =	vld.idx.msk [tilespmem:v3+s31+$0x0], $0xffff;
	s26 =	sor.u32 $0x400, s0;
	[tilespmem:s7+$0x60] =	vst v8  }
0x671: {  	s3 =	sadd.s32 $0x400, s3;
	s12 =	sor.u32 $0x410, s0;
	v0 =	vld.idx.msk [tilespmem:v7+s31+$0x0], $0xffff;
	[dreg:$0x1a] =	wrdreg s26  }
0x672: {  	s13 =	sor.u32 $0x410, s3;
	v1 =	vadd.s32 v43, v48;
	[dreg:$0x11] =	wrdreg s12  }
0x673: {  	s21 =	sor.u32 $0x450, s2;
	[dreg:$0x10] =	wrdreg s13  }
0x674: {  	s15 =	sor.u32 $0x420, s3;
	v10 =	vadd.s32 v33, v63;
	[tilespmem:s21+$0x1C600] =	vst v11  }
0x675: {  	v2 =	vadd.s32 v43, v40;
	v6 =	vld.idx.msk [tilespmem:v5+s31+$0x0], $0xffff;
	[dreg:$0xb] =	wrdreg s15  }
0x676: {  	s17 =	sor.u32 $0x450, s3;
	[tilespmem:s19+$0x1C600] =	vst v9  }
0x677: {  	v4 =	vld.idx.msk [tilespmem:v1+s31+$0x0], $0xffff;
	[dreg:$0xc] =	wrdreg s17  }
0x678: {  	[tilespmem:s28+$0x60] =	vst v3  }
0x679: {  	v15 =	vadd.s32 v43, v39;
	s30 =	sor.u32 $0x460, s2;
	s25 =	sor.u32 $0x470, s4;
	s19 =	sor.u32 $0x420, s0;
	v8 =	vld.idx.msk [tilespmem:v10+s31+$0x0], $0xffff;
	[tilespmem:s24+$0x60] =	vst v12  }
0x67a: {  	s8 =	sor.u32 $0x470, s2;
	s23 =	sor.u32 $0x430, s0;
	v5 =	vadd.s32 v43, v45;
	v3 =	vld.idx.msk [tilespmem:v2+s31+$0x0], $0xffff;
	[dreg:$0xe] =	wrdreg s19  }
0x67b: {  	s10 =	sor.u32 $0x450, s4;
	s12 =	sor.u32 $0x440, s0;
	[dreg:$0x9] =	wrdreg s23  }
0x67c: {  	s19 =	sor.u32 $0x450, s0;
	s23 =	sor.u32 $0x460, s0;
	s0 =	sor.u32 $0x470, s0  }
0x67d: {  	v21 =	vmov v23;
	v19 =	vmov v25;
	v25 =	vmov v62;
	s20 =	sor.u32 $0x440, s3;
	s29 =	sor.u32 $0x470, s3;
	[dreg:$0x6] =	wrdreg s0  }
0x67e: {  	v57 =	vmov v29;
	v13 =	vadd.s32 v33, v54;
	s5 =	sor.u32 $0x400, s3;
	s26 =	sor.u32 $0x430, s3;
	s13 =	simm.s32 $0x8;
	v11 =	vadd.s32 v33, v53;
	[tilespmem:s18+$0x60] =	vst v14;
	v7 =	vld.idx.msk [tilespmem:v15+s31+$0x0], $0xffff  }
0x67f: {  	s21 =	sor.u32 $0x460, s3;
	v9 =	vadd.s32 v41, v40;
	s17 =	simm.s32 $0xC;
	v12 =	vadd.s32 v41, v48;
	v10 =	vadd.s32 v32, v63;
	s0 =	simm.s32 $0xB;
	v5 =	vld.idx.msk [tilespmem:v5+s31+$0x0], $0xffff  }
.LBB2_11:
0x680: {  	[smem:$0x7E2] =	sst s12  }
0x681: {  	[smem:$0x7E0] =	sst s26;
	v2 =	vadd.s32 v41, v39;
	[tilespmem:s10+$0x1C600] =	vst v0  }
0x682: {  	[dreg:$0x1d] =	wrdreg s20;
	[tilespmem:s7+$0x70] =	vst v4  }
0x683: {  	v1 =	vmov s0;
	s12 =	rddreg [dreg:$0xc];
	s14 =	sadd.s32 $0x4, s14;
	v0 =	vld.idx.msk [tilespmem:v13+s31+$0x0], $0xffff;
	[tilespmem:s30+$0x1C600] =	vst v8  }
0x684: {  	s3 =	sadd.s32 $0x1, s17;
	s26 =	rddreg [dreg:$0x15];
	p0 =	por !p0, !p0;
	v1 =	vmul.u32 $0x3F0, v1;
	v13 =	vadd.s32 v41, v45;
	v11 =	vld.idx.msk [tilespmem:v11+s31+$0x0], $0xffff;
	[tilespmem:s24+$0x70] =	vst v7  }
0x685: {  	s1 =	sadd.s32 $0x200, s1;
	s2 =	smov.u32 s12;
	[dreg:$0x18] =	wrdreg s14;
	v8 =	vadd.s32 v32, v54;
	[tilespmem:s18+$0x70] =	vst v5;
	v12 =	vld.idx.msk [tilespmem:v12+s31+$0x0], $0xffff  }
0x686: {  	s14 =	sand.u32 $0x7, s14;
	s12 =	smov.u32 s21;
	[smem:$0x7DD] =	sst s2;
	v4 =	vbroadcast v1, $0x0;
	v1 =	vadd.s32 v32, v53;
	[tilespmem:s28+$0x70] =	vst v3;
	v5 =	vld.idx.msk [tilespmem:v2+s31+$0x0], $0xffff  }
0x687: {  	s0 =	sshll.u32 s14, $0x7;
	[dreg:$0x15] =	wrdreg s12;
	s2 =	sadd.s32 $0xFFFFFF00, s1;
	v7 =	vadd.s32 v38, v48;
	v3 =	vld.idx.msk [tilespmem:v10+s31+$0x0], $0xffff;
	v10 =	vmov s13  }
0x688: {  	v14 =	vmov s3;
	s0 =	sadd.s32 s22, s0;
	s22 =	sadd.s32 $0x400, s22;
	s18 =	smov.u32 s23;
	v9 =	vld.idx.msk [tilespmem:v9+s31+$0x0], $0xffff;
	v15 =	vadd.s32 v52, v4;
	v10 =	vmul.u32 $0x3F0, v10  }
0x689: {  	v54 =	vmov v39;
	s15 =	sadd.s32 $0x80, s0;
	s20 =	sadd.s32 $0x180, s0;
	v2 =	vmul.u32 $0x3F0, v14;
	v14 =	vadd.s32 v38, v40;
	[smem:$0x7DE] =	sst s18;
	v13 =	vld.idx.msk [tilespmem:v13+s31+$0x0], $0xffff;
	[tilespmem:s6+$0x1C600] =	vst v0  }
0x68a: {  	v53 =	vmov v45;
	s21 =	sand.u32 $0x1800, s22;
	s24 =	sor.u32 $0x400, s20;
	s18 =	rddreg [dreg:$0x1a];
	v0 =	vadd.s32 v38, v54;
	v45 =	vbroadcast v10, $0x0;
	[tilespmem:s26+$0x1C600] =	vst v11;
	v8 =	vld.idx.msk [tilespmem:v8+s31+$0x0], $0xffff  }
0x68b: {  	s9 =	sor.u32 $0x440, s15;
	s23 =	sor.u32 $0x1C600, s21;
	s21 =	rddreg [dreg:$0x11];
	v10 =	vadd.s32 v38, v53;
	[tilespmem:s24+$0x1C600] =	vst v12;
	v1 =	vld.idx.msk [tilespmem:v1+s31+$0x0], $0xffff  }
0x68c: {  	s4 =	sor.u32 $0x400, s15;
	s10 =	sor.u32 $0x450, s15;
	[smem:$0x7E1] =	sst s9;
	v2 =	vbroadcast v2, $0x0;
	v11 =	vadd.s32 v52, v45;
	v7 =	vld.idx.msk [tilespmem:v7+s31+$0x0], $0xffff;
	[tilespmem:s8+$0x1C600] =	vst v3  }
0x68d: {  	s0 =	sor.u32 $0x410, s15;
	s30 =	sor.u32 $0x460, s15;
	[dreg:$0x1f] =	wrdreg s10;
	v12 =	vld.idx.msk [tilespmem:v15+s31+$0x0], $0xffff;
	[tilespmem:s4+$0x1C600] =	vst v9  }
0x68e: {  	s10 =	sadd.s32 $0x2, s11;
	s9 =	sor.u32 $0x410, s20;
	s11 =	sadd.s32 $0xFFFFFF80, s1;
	[tilespmem:s18+$0x1C600] =	vst v5;
	v3 =	vadd.s32 v52, v2;
	v9 =	vld.idx.msk [tilespmem:v14+s31+$0x0], $0xffff  }
0x68f: {  	s14 =	sand.u32 $0x3, s10;
	s12 =	sand.u32 $0x300, s11;
	s6 =	sor.u32 $0x430, s15;
	v5 =	vadd.s32 v37, v48;
	[tilespmem:s5+$0x1C600] =	vst v13;
	v0 =	vld.idx.msk [tilespmem:v0+s31+$0x0], $0xffff  }
0x690: {  	s3 =	sshll.u32 s14, $0x8;
	s26 =	sor.u32 $0x420, s15;
	[smem:$0x7DF] =	sst s6;
	v10 =	vld.idx.msk [tilespmem:v10+s31+$0x0], $0xffff;
	[tilespmem:s16+$0x1C600] =	vst v8  }
0x691: {  	s15 =	sor.u32 $0x470, s15;
	s24 =	sand.u32 $0x380, s1;
	s4 =	simm.s32 $0x1;
	v14 =	vadd.s32 v51, v4;
	v8 =	vld.idx.msk [tilespmem:v11+s31+$0x0], $0xffff;
	[tilespmem:s25+$0x1C600] =	vst v1  }
0x692: {  	s6 =	sand.u32 $0x280, s2;
	s7 =	sadd.s32 s24, s23;
	s4 =	simm.s32 @!p0 $0x0;
	v13 =	vadd.s32 v37, v40;
	[tilespmem:s9+$0x1C600] =	vst v7  }
0x693: {  	v39 =	vmov v56;
	s3 =	sadd.s32 s22, s3;
	s28 =	sadd.s32 s6, s23;
	s4 =	sshll.u32 s4, $0x9;
	v11 =	vadd.s32 v51, v42;
	v1 =	vld.idx.msk [tilespmem:v3+s31+$0x0], $0xffff;
	[tilespmem:s7+$0x0] =	vst v12  }
0x694: {  	s24 =	sadd.s32 s12, s23;
	s8 =	smov.u32 s29;
	s16 =	sadd.s32 s4, s22;
	v3 =	vadd.s32 v51, v39;
	v5 =	vld.idx.msk [tilespmem:v5+s31+$0x0], $0xffff  }
0x695: {  	s4 =	smov.u32 s19;
	s25 =	sadd.s32 $0xFFFFFE80, s1;
	v7 =	vadd.s32 v51, v45;
	s29 =	sor.u32 $0x410, s16;
	[tilespmem:s0+$0x1C600] =	vst v9  }
0x696: {  	s9 =	sor.u32 $0x440, s16;
	s5 =	sand.u32 $0x200, s25;
	s25 =	sadd.s32 $0x100, s3;
	v12 =	vld.idx.msk [tilespmem:v14+s31+$0x0], $0xffff;
	v9 =	vadd.s32 v37, v54;
	[tilespmem:s28+$0x0] =	vst v55  }
0x697: {  	[tilespmem:s24+$0x0] =	vst v6;
	s11 =	sor.u32 $0x470, s16;
	s18 =	sadd.s32 s5, s23;
	v14 =	vadd.s32 v36, v48;
	s14 =	sor.u32 $0x400, s25;
	v13 =	vld.idx.msk [tilespmem:v13+s31+$0x0], $0xffff  }
0x698: {  	v6 =	vadd.s32 v50, v4;
	s2 =	sor.u32 $0x410, s25;
	s12 =	sor.u32 $0x420, s25;
	s23 =	sor.u32 $0x420, s20;
	v11 =	vld.idx.msk [tilespmem:v11+s31+$0x0], $0xffff;
	[tilespmem:s18+$0x0] =	vst v8  }
0x699: {  	s3 =	sor.u32 $0x430, s25;
	[dreg:$0x1a] =	wrdreg s14;
	v3 =	vld.idx.msk [tilespmem:v3+s31+$0x0], $0xffff;
	v8 =	vadd.s32 v37, v53;
	[tilespmem:s23+$0x1C600] =	vst v5;
	s23 =	sor.u32 $0x450, s16  }
0x69a: {  	v15 =	vadd.s32 v50, v42;
	s19 =	sor.u32 $0x440, s25;
	s6 =	sor.u32 $0x470, s25;
	[tilespmem:s21+$0x1C600] =	vst v0;
	v7 =	vld.idx.msk [tilespmem:v7+s31+$0x0], $0xffff;
	[dreg:$0xc] =	wrdreg s23  }
0x69b: {  	v55 =	vmov v1;
	v0 =	vadd.s32 v50, v39;
	s21 =	sor.u32 $0x450, s25;
	v1 =	vld.idx.msk [tilespmem:v9+s31+$0x0], $0xffff;
	s23 =	sor.u32 $0x460, s25;
	[tilespmem:s7+$0x10] =	vst v12;
	s25 =	rddreg [dreg:$0x10]  }
0x69c: {  	s5 =	sor.u32 $0x400, s16;
	[smem:$0x7E3] =	sst s21;
	v5 =	vadd.s32 v50, v45;
	v9 =	vld.idx.msk [tilespmem:v14+s31+$0x0], $0xffff;
	[tilespmem:s25+$0x1C600] =	vst v10;
	s25 =	smov.u32 s2  }
0x69d: {  	s0 =	sor.u32 $0x420, s16;
	v6 =	vld.idx.msk [tilespmem:v6+s31+$0x0], $0xffff;
	v10 =	vadd.s32 v36, v40;
	[dreg:$0x11] =	wrdreg s25;
	[tilespmem:s28+$0x10] =	vst v11;
	s25 =	smov.u32 s29  }
0x69e: {  	s14 =	sor.u32 $0x430, s16;
	s21 =	sor.u32 $0x460, s16;
	v8 =	vld.idx.msk [tilespmem:v8+s31+$0x0], $0xffff;
	v11 =	vadd.s32 v35, v48;
	[tilespmem:s24+$0x10] =	vst v3;
	[dreg:$0x10] =	wrdreg s25  }
0x69f: {  	v3 =	vadd.s32 v49, v4;
	s25 =	smov.u32 s8;
	s8 =	smov.u32 s15;
	v12 =	vld.idx.msk [tilespmem:v15+s31+$0x0], $0xffff;
	s15 =	rddreg [dreg:$0x6];
	[tilespmem:s18+$0x10] =	vst v7  }
0x6a0: {  	v0 =	vld.idx.msk [tilespmem:v0+s31+$0x0], $0xffff;
	v7 =	vadd.s32 v36, v54;
	[tilespmem:s26+$0x1C600] =	vst v13;
	s16 =	smov.u32 s15;
	s15 =	smov.u32 s6;
	s6 =	sor.u32 $0x430, s20  }
0x6a1: {  	v14 =	vadd.s32 v49, v42;
	v5 =	vld.idx.msk [tilespmem:v5+s31+$0x0], $0xffff;
	[tilespmem:s6+$0x1C600] =	vst v9  }
0x6a2: {  	v13 =	vadd.s32 v49, v39;
	[dreg:$0x6] =	wrdreg s15;
	v10 =	vld.idx.msk [tilespmem:v10+s31+$0x0], $0xffff;
	[tilespmem:s7+$0x20] =	vst v6  }
0x6a3: {  	s15 =	rddreg [dreg:$0xe];
	v9 =	vadd.s32 v49, v45;
	v6 =	vld.idx.msk [tilespmem:v11+s31+$0x0], $0xffff  }
0x6a4: {  	[tilespmem:s15+$0x1C600] =	vst v1;
	v3 =	vld.idx.msk [tilespmem:v3+s31+$0x0], $0xffff  }
0x6a5: {  	s26 =	smov.u32 s12;
	v11 =	vadd.s32 v36, v53;
	[tilespmem:s28+$0x20] =	vst v12;
	v1 =	vld.idx.msk [tilespmem:v7+s31+$0x0], $0xffff  }
0x6a6: {  	[dreg:$0xe] =	wrdreg s26;
	v7 =	vadd.s32 v34, v48;
	[tilespmem:s24+$0x20] =	vst v0;
	v12 =	vld.idx.msk [tilespmem:v14+s31+$0x0], $0xffff  }
0x6a7: {  	s6 =	rddreg [dreg:$0xb];
	v0 =	vadd.s32 v47, v4;
	[tilespmem:s18+$0x20] =	vst v5;
	v5 =	vld.idx.msk [tilespmem:v13+s31+$0x0], $0xffff  }
0x6a8: {  	s12 =	sor.u32 $0x440, s20;
	s26 =	sld [smem:$0x7DF];
	v13 =	vadd.s32 v35, v40;
	v9 =	vld.idx.msk [tilespmem:v9+s31+$0x0], $0xffff;
	[tilespmem:s6+$0x1C600] =	vst v8  }
0x6a9: {  	v14 =	vadd.s32 v47, v42;
	[tilespmem:s12+$0x1C600] =	vst v6  }
0x6aa: {  	v8 =	vadd.s32 v47, v39;
	v11 =	vld.idx.msk [tilespmem:v11+s31+$0x0], $0xffff;
	[tilespmem:s7+$0x30] =	vst v3  }
0x6ab: {  	[tilespmem:s26+$0x1C600] =	vst v10;
	v6 =	vadd.s32 v47, v45;
	v3 =	vld.idx.msk [tilespmem:v7+s31+$0x0], $0xffff  }
0x6ac: {  	[tilespmem:s28+$0x30] =	vst v12;
	v0 =	vld.idx.msk [tilespmem:v0+s31+$0x0], $0xffff  }
0x6ad: {  	[tilespmem:s24+$0x30] =	vst v5;
	v7 =	vadd.s32 v35, v54;
	v10 =	vld.idx.msk [tilespmem:v13+s31+$0x0], $0xffff  }
0x6ae: {  	s26 =	sld [smem:$0x7E0];
	v13 =	vld.idx.msk [tilespmem:v14+s31+$0x0], $0xffff;
	[tilespmem:s18+$0x30] =	vst v9;
	v9 =	vadd.s32 v35, v53  }
0x6af: {  	s2 =	rddreg [dreg:$0x9];
	v12 =	vadd.s32 v33, v48;
	v8 =	vld.idx.msk [tilespmem:v8+s31+$0x0], $0xffff  }
0x6b0: {  	v14 =	vadd.s32 v46, v42;
	[tilespmem:s2+$0x1C600] =	vst v1;
	v6 =	vld.idx.msk [tilespmem:v6+s31+$0x0], $0xffff  }
0x6b1: {  	s15 =	smov.u32 s0;
	s12 =	sor.u32 $0x450, s20;
	v5 =	vadd.s32 v46, v4;
	[tilespmem:s26+$0x1C600] =	vst v11  }
0x6b2: {  	[dreg:$0xb] =	wrdreg s15;
	v1 =	vadd.s32 v46, v39;
	v7 =	vld.idx.msk [tilespmem:v7+s31+$0x0], $0xffff;
	[tilespmem:s12+$0x1C600] =	vst v3  }
0x6b3: {  	s15 =	smov.u32 s3;
	s3 =	sld [smem:$0x7E1];
	v3 =	vadd.s32 v46, v45;
	[tilespmem:s7+$0x40] =	vst v0;
	v9 =	vld.idx.msk [tilespmem:v9+s31+$0x0], $0xffff  }
0x6b4: {  	[dreg:$0x9] =	wrdreg s15;
	v11 =	vadd.s32 v34, v40;
	[tilespmem:s28+$0x40] =	vst v13;
	v0 =	vld.idx.msk [tilespmem:v12+s31+$0x0], $0xffff  }
0x6b5: {  	s15 =	sld [smem:$0x7E2];
	s2 =	sadd.s32 $0x2, s17;
	v12 =	vadd.s32 v32, v48;
	v48 =	vmov v4;
	v4 =	vld.idx.msk [tilespmem:v14+s31+$0x0], $0xffff;
	[tilespmem:s18+$0x40] =	vst v6;
	v6 =	vadd.s32 v34, v54  }
0x6b6: {  	v13 =	vmov s2;
	[tilespmem:s24+$0x40] =	vst v8;
	v5 =	vld.idx.msk [tilespmem:v5+s31+$0x0], $0xffff;
	v14 =	vadd.s32 v44, v42  }
0x6b7: {  	v13 =	vmul.u32 $0x3F0, v13;
	v1 =	vld.idx.msk [tilespmem:v1+s31+$0x0], $0xffff;
	[tilespmem:s3+$0x1C600] =	vst v10  }
0x6b8: {  	s12 =	sor.u32 $0x460, s20;
	v8 =	vadd.s32 v44, v48;
	v3 =	vld.idx.msk [tilespmem:v3+s31+$0x0], $0xffff;
	[tilespmem:s15+$0x1C600] =	vst v7  }
0x6b9: {  	v10 =	vadd.s32 v44, v39;
	v11 =	vld.idx.msk [tilespmem:v11+s31+$0x0], $0xffff;
	v56 =	vbroadcast v13, $0x0;
	[tilespmem:s12+$0x1C600] =	vst v0  }
0x6ba: {  	v0 =	vadd.s32 v44, v45;
	[tilespmem:s28+$0x50] =	vst v4;
	v15 =	vld.idx.msk [tilespmem:v6+s31+$0x0], $0xffff  }
0x6bb: {  	v7 =	vadd.s32 v52, v56;
	[tilespmem:s7+$0x50] =	vst v5;
	v14 =	vld.idx.msk [tilespmem:v14+s31+$0x0], $0xffff  }
0x6bc: {  	[tilespmem:s24+$0x50] =	vst v1;
	v5 =	vld.idx.msk [tilespmem:v12+s31+$0x0], $0xffff;
	v12 =	vadd.s32 v34, v53  }
0x6bd: {  	s3 =	sor.u32 $0x470, s20;
	s20 =	smov.u32 s9;
	s9 =	rddreg [dreg:$0x1f];
	v8 =	vld.idx.msk [tilespmem:v8+s31+$0x0], $0xffff;
	[tilespmem:s18+$0x50] =	vst v3;
	v3 =	vadd.s32 v33, v40  }
0x6be: {  	v17 =	vadd.s32 v43, v42;
	s2 =	rddreg [dreg:$0x1d];
	[tilespmem:s9+$0x1C600] =	vst v11;
	v10 =	vld.idx.msk [tilespmem:v10+s31+$0x0], $0xffff  }
0x6bf: {  	v1 =	vadd.s32 v43, v48;
	v16 =	vld.idx.msk [tilespmem:v0+s31+$0x0], $0xffff;
	[tilespmem:s2+$0x1C600] =	vst v9  }
0x6c0: {  	v6 =	vld.idx.msk [tilespmem:v7+s31+$0x0], $0xffff;
	v9 =	vadd.s32 v43, v39;
	[tilespmem:s28+$0x60] =	vst v14  }
0x6c1: {  	p1 =	slt.u32 s17, $0x1C;
	v0 =	vld.idx.msk [tilespmem:v12+s31+$0x0], $0xffff;
	[tilespmem:s3+$0x1C600] =	vst v5;
	v5 =	vadd.s32 v43, v45  }
.Ltmp4:
0x6c2: {  	[tilespmem:s7+$0x60] =	vst v8;
	v8 =	vld.idx.msk [tilespmem:v3+s31+$0x0], $0xffff;
	(pc) =	sbr.rel @p1 .LBB2_11-.Ltmp4, $4  }
0x6c3: {  	s13 =	smov.u32 s17;
	s29 =	smov.u32 s11;
	s15 =	sld [smem:$0x7E3];
	v3 =	vld.idx.msk [tilespmem:v17+s31+$0x0], $0xffff  }
0x6c4: {  	s11 =	smov.u32 s10;
	s10 =	sld [smem:$0x7DD];
	s0 =	sadd.s32 $0x3, s13;
	v13 =	vadd.s32 v33, v54;
	[tilespmem:s24+$0x60] =	vst v10;
	v4 =	vld.idx.msk [tilespmem:v1+s31+$0x0], $0xffff  }
0x6c5: {  	s6 =	sld [smem:$0x7DE];
	s17 =	sadd.s32 $0x4, s17;
	s26 =	smov.u32 s14;
	v11 =	vadd.s32 v33, v53;
	v10 =	vadd.s32 v32, v40;
	v40 =	vmov v42;
	[tilespmem:s18+$0x60] =	vst v16;
	v7 =	vld.idx.msk [tilespmem:v9+s31+$0x0], $0xffff  }
0x6c6: {  	s14 =	rddreg [dreg:$0x18];
	s12 =	smov.u32 s19;
	s19 =	smov.u32 s15;
	v12 =	vadd.s32 v41, v48;
	v42 =	vmov v2;
	v9 =	vadd.s32 v41, v40;
	[tilespmem:s4+$0x1C600] =	vst v15;
	v5 =	vld.idx.msk [tilespmem:v5+s31+$0x0], $0xffff  }
0x6c7: {  	_ =	sdelay $0x1  }
0x6c8: {  	v1 =	vmov s0  }
0x6c9: {  	[tilespmem:s10+$0x1C600] =	vst v0;
	v1 =	vmul.u32 $0x3F0, v1  }
0x6ca: {  	v0 =	vmov s13;
	v13 =	vld.idx.msk [tilespmem:v13+s31+$0x0], $0xffff;
	[tilespmem:s30+$0x1C600] =	vst v8  }
0x6cb: {  	s4 =	sadd.s32 $0x4, s14;
	v0 =	vmul.u32 $0x3F0, v0;
	v60 =	vld.idx.msk [tilespmem:v10+s31+$0x0], $0xffff;
	[tilespmem:s7+$0x70] =	vst v4;
	v2 =	vbroadcast v1, $0x0;
	v1 =	vadd.s32 v41, v45  }
0x6cc: {  	[tilespmem:s28+$0x70] =	vst v3;
	s17 =	sand.u32 $0x7, s4;
	v3 =	vld.idx.msk [tilespmem:v12+s31+$0x0], $0xffff  }
0x6cd: {  	v14 =	vadd.s32 v41, v39;
	s0 =	sshll.u32 s17, $0x7;
	[tilespmem:s24+$0x70] =	vst v7;
	v4 =	vbroadcast v0, $0x0;
	v0 =	vld.idx.msk [tilespmem:v9+s31+$0x0], $0xffff  }
0x6ce: {  	v58 =	vld.idx.msk [tilespmem:v11+s31+$0x0], $0xffff;
	s0 =	sadd.s32 s22, s0;
	[tilespmem:s18+$0x70] =	vst v5;
	v59 =	vadd.s32 v52, v2  }
0x6cf: {  	s10 =	sadd.s32 $0x400, s22;
	s22 =	sadd.s32 $0x200, s1;
	s7 =	sadd.s32 $0x180, s0;
	[tilespmem:s6+$0x1C600] =	vst v13;
	v62 =	vadd.s32 v52, v4  }
0x6d0: {  	v63 =	vadd.s32 v32, v54;
	s18 =	sor.u32 $0x400, s7;
	s6 =	sadd.s32 $0x80, s0;
	s2 =	rddreg [dreg:$0x15];
	[tilespmem:s8+$0x1C600] =	vst v60;
	v1 =	vld.idx.msk [tilespmem:v1+s31+$0x0], $0xffff  }
0x6d1: {  	s24 =	sand.u32 $0x1800, s10;
	s3 =	sadd.s32 $0xFFFFFF00, s22;
	s0 =	sor.u32 $0x400, s6;
	[tilespmem:s18+$0x1C600] =	vst v3;
	v3 =	vadd.s32 v32, v53  }
0x6d2: {  	s1 =	sor.u32 $0x1C600, s24;
	v61 =	vld.idx.msk [tilespmem:v14+s31+$0x0], $0xffff;
	s14 =	sand.u32 $0x280, s3;
	[tilespmem:s0+$0x1C600] =	vst v0;
	v0 =	vadd.s32 v51, v42  }
0x6d3: {  	s15 =	sadd.s32 $0xFFFFFF80, s22;
	s9 =	sadd.s32 s14, s1;
	[tilespmem:s2+$0x1C600] =	vst v58;
	v12 =	vld.idx.msk [tilespmem:v59+s31+$0x0], $0xffff  }
0x6d4: {  	v13 =	vadd.s32 v51, v2;
	s17 =	sand.u32 $0x300, s15;
	s2 =	rddreg [dreg:$0x1a];
	[tilespmem:s9+$0x0] =	vst v55;
	v14 =	vld.idx.msk [tilespmem:v62+s31+$0x0], $0xffff  }
0x6d5: {  	v15 =	vadd.s32 v51, v56;
	s18 =	sadd.s32 s17, s1;
	[tilespmem:s5+$0x1C600] =	vst v1;
	v1 =	vld.idx.msk [tilespmem:v63+s31+$0x0], $0xffff  }
0x6d6: {  	s28 =	sand.u32 $0x380, s22;
	v52 =	vadd.s32 v51, v4;
	s0 =	sadd.s32 $0xFFFFFE80, s22;
	[tilespmem:s18+$0x0] =	vst v6;
	v3 =	vld.idx.msk [tilespmem:v3+s31+$0x0], $0xffff  }
0x6d7: {  	s8 =	sadd.s32 s28, s1;
	v53 =	vadd.s32 v38, v48;
	s0 =	sand.u32 $0x200, s0;
	[tilespmem:s2+$0x1C600] =	vst v61;
	v0 =	vld.idx.msk [tilespmem:v0+s31+$0x0], $0xffff  }
0x6d8: {  	v60 =	vadd.s32 v50, v42;
	s1 =	sadd.s32 s0, s1;
	[tilespmem:s8+$0x0] =	vst v12  }
0x6d9: {  	v54 =	vadd.s32 v38, v40;
	[tilespmem:s1+$0x0] =	vst v14;
	v7 =	vld.idx.msk [tilespmem:v13+s31+$0x0], $0xffff  }
0x6da: {  	v58 =	vadd.s32 v50, v2;
	v59 =	vld.idx.msk [tilespmem:v15+s31+$0x0], $0xffff;
	[tilespmem:s16+$0x1C600] =	vst v1  }
0x6db: {  	v61 =	vadd.s32 v50, v56;
	v1 =	vld.idx.msk [tilespmem:v52+s31+$0x0], $0xffff;
	[tilespmem:s25+$0x1C600] =	vst v3  }
0x6dc: {  	v62 =	vadd.s32 v50, v4;
	v3 =	vld.idx.msk [tilespmem:v53+s31+$0x0], $0xffff;
	[tilespmem:s9+$0x10] =	vst v0  }
0x6dd: {  	v50 =	vadd.s32 v37, v48;
	v0 =	vld.idx.msk [tilespmem:v60+s31+$0x0], $0xffff  }
0x6de: {  	v10 =	vld.idx.msk [tilespmem:v54+s31+$0x0], $0xffff;
	v52 =	vadd.s32 v49, v42;
	[tilespmem:s8+$0x10] =	vst v7  }
0x6df: {  	v63 =	vadd.s32 v38, v39;
	[tilespmem:s18+$0x10] =	vst v59;
	v6 =	vld.idx.msk [tilespmem:v58+s31+$0x0], $0xffff  }
0x6e0: {  	v51 =	vadd.s32 v49, v2;
	s22 =	sor.u32 $0x410, s7;
	[tilespmem:s1+$0x10] =	vst v1;
	v1 =	vld.idx.msk [tilespmem:v61+s31+$0x0], $0xffff  }
0x6e1: {  	v53 =	vadd.s32 v49, v56;
	[tilespmem:s22+$0x1C600] =	vst v3;
	v3 =	vld.idx.msk [tilespmem:v62+s31+$0x0], $0xffff  }
0x6e2: {  	s24 =	sor.u32 $0x410, s6;
	v55 =	vadd.s32 v49, v4;
	v7 =	vld.idx.msk [tilespmem:v50+s31+$0x0], $0xffff;
	[tilespmem:s9+$0x20] =	vst v0  }
0x6e3: {  	[tilespmem:s24+$0x1C600] =	vst v10;
	v59 =	vadd.s32 v37, v40;
	v0 =	vld.idx.msk [tilespmem:v52+s31+$0x0], $0xffff  }
0x6e4: {  	v54 =	vld.idx.msk [tilespmem:v63+s31+$0x0], $0xffff;
	v60 =	vadd.s32 v47, v42;
	[tilespmem:s8+$0x20] =	vst v6  }
0x6e5: {  	v49 =	vadd.s32 v36, v48;
	v5 =	vld.idx.msk [tilespmem:v51+s31+$0x0], $0xffff;
	[tilespmem:s18+$0x20] =	vst v1  }
0x6e6: {  	s25 =	sor.u32 $0x420, s7;
	v58 =	vadd.s32 v38, v45;
	[tilespmem:s1+$0x20] =	vst v3;
	v3 =	vld.idx.msk [tilespmem:v53+s31+$0x0], $0xffff  }
0x6e7: {  	v1 =	vadd.s32 v47, v2;
	s0 =	rddreg [dreg:$0x11];
	v61 =	vld.idx.msk [tilespmem:v55+s31+$0x0], $0xffff;
	[tilespmem:s25+$0x1C600] =	vst v7  }
0x6e8: {  	v62 =	vadd.s32 v47, v56;
	v6 =	vld.idx.msk [tilespmem:v59+s31+$0x0], $0xffff;
	[tilespmem:s9+$0x30] =	vst v0  }
0x6e9: {  	v47 =	vadd.s32 v47, v4;
	[tilespmem:s0+$0x1C600] =	vst v54;
	v0 =	vld.idx.msk [tilespmem:v60+s31+$0x0], $0xffff  }
0x6ea: {  	v52 =	vadd.s32 v46, v42;
	v55 =	vld.idx.msk [tilespmem:v49+s31+$0x0], $0xffff;
	[tilespmem:s8+$0x30] =	vst v5  }
0x6eb: {  	v63 =	vld.idx.msk [tilespmem:v58+s31+$0x0], $0xffff;
	[tilespmem:s18+$0x30] =	vst v3  }
0x6ec: {  	s28 =	sor.u32 $0x420, s6;
	v50 =	vadd.s32 v37, v39;
	v1 =	vld.idx.msk [tilespmem:v1+s31+$0x0], $0xffff;
	[tilespmem:s1+$0x30] =	vst v61  }
0x6ed: {  	v3 =	vadd.s32 v46, v2;
	v51 =	vld.idx.msk [tilespmem:v62+s31+$0x0], $0xffff;
	s0 =	rddreg [dreg:$0x10];
	[tilespmem:s28+$0x1C600] =	vst v6  }
0x6ee: {  	s2 =	sor.u32 $0x430, s7;
	v54 =	vadd.s32 v46, v56;
	v53 =	vld.idx.msk [tilespmem:v47+s31+$0x0], $0xffff;
	[tilespmem:s9+$0x40] =	vst v0  }
0x6ef: {  	v58 =	vadd.s32 v46, v4;
	[tilespmem:s2+$0x1C600] =	vst v55;
	v0 =	vld.idx.msk [tilespmem:v52+s31+$0x0], $0xffff  }
0x6f0: {  	v62 =	vadd.s32 v44, v42;
	[tilespmem:s0+$0x1C600] =	vst v63  }
0x6f1: {  	v5 =	vld.idx.msk [tilespmem:v50+s31+$0x0], $0xffff;
	[tilespmem:s8+$0x40] =	vst v1;
	v1 =	vadd.s32 v35, v48  }
0x6f2: {  	v59 =	vadd.s32 v37, v45;
	v3 =	vld.idx.msk [tilespmem:v3+s31+$0x0], $0xffff;
	[tilespmem:s18+$0x40] =	vst v51  }
0x6f3: {  	v60 =	vadd.s32 v44, v2;
	[tilespmem:s1+$0x40] =	vst v53;
	v61 =	vld.idx.msk [tilespmem:v54+s31+$0x0], $0xffff  }
0x6f4: {  	v46 =	vadd.s32 v44, v56;
	v63 =	vld.idx.msk [tilespmem:v58+s31+$0x0], $0xffff;
	s0 =	rddreg [dreg:$0xe];
	[tilespmem:s9+$0x50] =	vst v0  }
0x6f5: {  	v49 =	vadd.s32 v44, v4;
	v0 =	vld.idx.msk [tilespmem:v62+s31+$0x0], $0xffff  }
0x6f6: {  	v50 =	vadd.s32 v36, v40;
	[tilespmem:s0+$0x1C600] =	vst v5;
	v1 =	vld.idx.msk [tilespmem:v1+s31+$0x0], $0xffff  }
0x6f7: {  	v47 =	vld.idx.msk [tilespmem:v59+s31+$0x0], $0xffff;
	v53 =	vadd.s32 v43, v42;
	[tilespmem:s8+$0x50] =	vst v3  }
0x6f8: {  	v3 =	vadd.s32 v36, v39;
	v8 =	vld.idx.msk [tilespmem:v60+s31+$0x0], $0xffff;
	[tilespmem:s18+$0x50] =	vst v61  }
0x6f9: {  	v51 =	vadd.s32 v43, v2;
	[tilespmem:s1+$0x50] =	vst v63;
	v52 =	vld.idx.msk [tilespmem:v46+s31+$0x0], $0xffff  }
0x6fa: {  	s3 =	sor.u32 $0x440, s7;
	v60 =	vadd.s32 v36, v45;
	s0 =	rddreg [dreg:$0xb];
	v54 =	vld.idx.msk [tilespmem:v49+s31+$0x0], $0xffff;
	[tilespmem:s9+$0x60] =	vst v0  }
0x6fb: {  	v55 =	vadd.s32 v43, v56;
	[tilespmem:s3+$0x1C600] =	vst v1;
	v1 =	vld.idx.msk [tilespmem:v50+s31+$0x0], $0xffff  }
0x6fc: {  	v58 =	vadd.s32 v43, v4;
	[tilespmem:s0+$0x1C600] =	vst v47;
	v0 =	vld.idx.msk [tilespmem:v53+s31+$0x0], $0xffff  }
0x6fd: {  	v59 =	vadd.s32 v34, v48;
	v3 =	vld.idx.msk [tilespmem:v3+s31+$0x0], $0xffff;
	[tilespmem:s8+$0x60] =	vst v8  }
0x6fe: {  	v63 =	vadd.s32 v41, v42;
	v7 =	vld.idx.msk [tilespmem:v51+s31+$0x0], $0xffff;
	[tilespmem:s18+$0x60] =	vst v52  }
0x6ff: {  	s13 =	sor.u32 $0x430, s6;
	v61 =	vadd.s32 v41, v2;
	v8 =	vld.idx.msk [tilespmem:v60+s31+$0x0], $0xffff;
	[tilespmem:s1+$0x60] =	vst v54  }
0x700: {  	v15 =	vadd.s32 v35, v40;
	v62 =	vld.idx.msk [tilespmem:v55+s31+$0x0], $0xffff;
	[tilespmem:s13+$0x1C600] =	vst v1  }
0x701: {  	v13 =	vadd.s32 v41, v56;
	v1 =	vld.idx.msk [tilespmem:v58+s31+$0x0], $0xffff;
	s0 =	rddreg [dreg:$0x9];
	[tilespmem:s9+$0x70] =	vst v0  }
0x702: {  	s14 =	sadd.s32 $0x4, s4;
	v14 =	vadd.s32 v41, v4;
	[tilespmem:s0+$0x1C600] =	vst v3;
	v3 =	vld.idx.msk [tilespmem:v59+s31+$0x0], $0xffff  }
0x703: {  	v47 =	vadd.s32 v35, v39;
	s0 =	sand.u32 $0x7, s14;
	v9 =	vld.idx.msk [tilespmem:v63+s31+$0x0], $0xffff;
	[tilespmem:s8+$0x70] =	vst v7  }
0x704: {  	s15 =	sadd.s32 $0x2, s11;
	v0 =	vadd.s32 v33, v48;
	[tilespmem:s26+$0x1C600] =	vst v8;
	s0 =	sshll.u32 s0, $0x7;
	v6 =	vld.idx.msk [tilespmem:v61+s31+$0x0], $0xffff  }
0x705: {  	p0 =	por !p0, !p0;
	s2 =	sand.u32 $0x3, s15;
	v41 =	vadd.s32 v38, v2;
	v7 =	vld.idx.msk [tilespmem:v15+s31+$0x0], $0xffff;
	[tilespmem:s18+$0x70] =	vst v62;
	s17 =	sadd.s32 s10, s0  }
0x706: {  	s16 =	sor.u32 $0x450, s7;
	s2 =	sshll.u32 s2, $0x8;
	v43 =	vadd.s32 v38, v42;
	[tilespmem:s1+$0x70] =	vst v1;
	v1 =	vld.idx.msk [tilespmem:v13+s31+$0x0], $0xffff;
	s1 =	sadd.s32 $0x80, s17  }
0x707: {  	v44 =	vadd.s32 v38, v56;
	v46 =	vadd.s32 v38, v4;
	s3 =	simm.s32 $0x1;
	s0 =	sadd.s32 $0x180, s17;
	s24 =	sor.u32 $0x400, s1;
	[tilespmem:s16+$0x1C600] =	vst v3;
	v3 =	vld.idx.msk [tilespmem:v14+s31+$0x0], $0xffff  }
0x708: {  	s2 =	sadd.s32 s10, s2;
	v49 =	vadd.s32 v35, v45;
	s3 =	simm.s32 @!p0 $0x0;
	v60 =	vadd.s32 v36, v42;
	v54 =	vld.idx.msk [tilespmem:v47+s31+$0x0], $0xffff;
	s18 =	sor.u32 $0x400, s0;
	[tilespmem:s24+$0x1C600] =	vst v9  }
0x709: {  	s28 =	sor.u32 $0x440, s6;
	s22 =	sshll.u32 s3, $0x9;
	s3 =	sadd.s32 $0x100, s2;
	v58 =	vadd.s32 v36, v2;
	v63 =	vadd.s32 v36, v4;
	v0 =	vld.idx.msk [tilespmem:v0+s31+$0x0], $0xffff;
	[tilespmem:s18+$0x1C600] =	vst v6  }
0x70a: {  	s2 =	sadd.s32 s22, s10;
	s25 =	sor.u32 $0x400, s3;
	v61 =	vadd.s32 v36, v56;
	v36 =	vadd.s32 v34, v39;
	[tilespmem:s28+$0x1C600] =	vst v7;
	v5 =	vld.idx.msk [tilespmem:v41+s31+$0x0], $0xffff  }
0x70b: {  	v50 =	vadd.s32 v37, v2;
	s26 =	sor.u32 $0x400, s2;
	[tilespmem:s25+$0x1C600] =	vst v1;
	v1 =	vld.idx.msk [tilespmem:v43+s31+$0x0], $0xffff  }
0x70c: {  	v51 =	vadd.s32 v37, v42;
	[tilespmem:s26+$0x1C600] =	vst v3;
	v3 =	vld.idx.msk [tilespmem:v44+s31+$0x0], $0xffff  }
0x70d: {  	s5 =	sor.u32 $0x460, s7;
	v53 =	vadd.s32 v37, v56;
	[tilespmem:s12+$0x1C600] =	vst v54;
	v52 =	vld.idx.msk [tilespmem:v46+s31+$0x0], $0xffff  }
0x70e: {  	s8 =	sor.u32 $0x410, s0;
	v6 =	vld.idx.msk [tilespmem:v49+s31+$0x0], $0xffff;
	[tilespmem:s5+$0x1C600] =	vst v0;
	v0 =	vadd.s32 v37, v4  }
0x70f: {  	v55 =	vadd.s32 v32, v48;
	s9 =	sor.u32 $0x410, s1;
	v43 =	vld.idx.msk [tilespmem:v36+s31+$0x0], $0xffff;
	[tilespmem:s8+$0x1C600] =	vst v5  }
0x710: {  	s10 =	sor.u32 $0x410, s3;
	[tilespmem:s9+$0x1C600] =	vst v1;
	v1 =	vadd.s32 v34, v40;
	v5 =	vld.idx.msk [tilespmem:v50+s31+$0x0], $0xffff  }
0x711: {  	s11 =	sor.u32 $0x410, s2;
	[tilespmem:s10+$0x1C600] =	vst v3;
	v3 =	vld.idx.msk [tilespmem:v51+s31+$0x0], $0xffff  }
0x712: {  	[tilespmem:s11+$0x1C600] =	vst v52;
	v59 =	vld.idx.msk [tilespmem:v53+s31+$0x0], $0xffff  }
0x713: {  	[tilespmem:s20+$0x1C600] =	vst v6;
	v0 =	vld.idx.msk [tilespmem:v0+s31+$0x0], $0xffff  }
0x714: {  	s13 =	sor.u32 $0x420, s0;
	v62 =	vld.idx.msk [tilespmem:v55+s31+$0x0], $0xffff;
	[tilespmem:s19+$0x1C600] =	vst v43  }
0x715: {  	s14 =	sor.u32 $0x420, s1;
	v1 =	vld.idx.msk [tilespmem:v1+s31+$0x0], $0xffff;
	[tilespmem:s13+$0x1C600] =	vst v5  }
0x716: {  	s15 =	sor.u32 $0x420, s3;
	[tilespmem:s14+$0x1C600] =	vst v3;
	v3 =	vadd.s32 v34, v45;
	v5 =	vld.idx.msk [tilespmem:v58+s31+$0x0], $0xffff  }
0x717: {  	s16 =	sor.u32 $0x420, s2;
	v37 =	vadd.s32 v35, v2;
	[tilespmem:s15+$0x1C600] =	vst v59;
	v8 =	vld.idx.msk [tilespmem:v60+s31+$0x0], $0xffff  }
0x718: {  	v38 =	vadd.s32 v35, v42;
	s17 =	sor.u32 $0x470, s7;
	[tilespmem:s16+$0x1C600] =	vst v0;
	v0 =	vld.idx.msk [tilespmem:v61+s31+$0x0], $0xffff  }
0x719: {  	s18 =	sor.u32 $0x450, s6;
	v41 =	vadd.s32 v35, v56;
	[tilespmem:s17+$0x1C600] =	vst v62;
	v6 =	vld.idx.msk [tilespmem:v63+s31+$0x0], $0xffff  }
0x71a: {  	s20 =	sor.u32 $0x430, s0;
	[tilespmem:s18+$0x1C600] =	vst v1;
	v1 =	vadd.s32 v35, v4  }
0x71b: {  	s22 =	sor.u32 $0x430, s1;
	v44 =	vadd.s32 v33, v40;
	v3 =	vld.idx.msk [tilespmem:v3+s31+$0x0], $0xffff;
	[tilespmem:s20+$0x1C600] =	vst v5  }
0x71c: {  	s24 =	sor.u32 $0x430, s3;
	v46 =	vadd.s32 v33, v39;
	[tilespmem:s22+$0x1C600] =	vst v8;
	v7 =	vld.idx.msk [tilespmem:v37+s31+$0x0], $0xffff  }
0x71d: {  	s25 =	sor.u32 $0x430, s2;
	[tilespmem:s24+$0x1C600] =	vst v0;
	v0 =	vadd.s32 v34, v2;
	v8 =	vld.idx.msk [tilespmem:v38+s31+$0x0], $0xffff  }
0x71e: {  	v48 =	vadd.s32 v34, v42;
	[tilespmem:s25+$0x1C600] =	vst v6;
	v47 =	vld.idx.msk [tilespmem:v41+s31+$0x0], $0xffff  }
0x71f: {  	v49 =	vadd.s32 v34, v56;
	v1 =	vld.idx.msk [tilespmem:v1+s31+$0x0], $0xffff;
	s4 =	rddreg [dreg:$0xc]  }
0x720: {  	s26 =	sor.u32 $0x440, s0;
	v50 =	vld.idx.msk [tilespmem:v44+s31+$0x0], $0xffff;
	[tilespmem:s4+$0x1C600] =	vst v3;
	v3 =	vadd.s32 v34, v4  }
0x721: {  	s28 =	sor.u32 $0x440, s1;
	v51 =	vadd.s32 v33, v45;
	v5 =	vld.idx.msk [tilespmem:v46+s31+$0x0], $0xffff;
	[tilespmem:s26+$0x1C600] =	vst v7  }
0x722: {  	s5 =	sor.u32 $0x440, s3;
	v52 =	vadd.s32 v32, v40;
	[tilespmem:s28+$0x1C600] =	vst v8;
	v0 =	vld.idx.msk [tilespmem:v0+s31+$0x0], $0xffff  }
0x723: {  	s7 =	sor.u32 $0x440, s2;
	v53 =	vadd.s32 v33, v2;
	[tilespmem:s5+$0x1C600] =	vst v47;
	v8 =	vld.idx.msk [tilespmem:v48+s31+$0x0], $0xffff  }
0x724: {  	v54 =	vadd.s32 v33, v42;
	s8 =	sor.u32 $0x460, s6;
	[tilespmem:s7+$0x1C600] =	vst v1;
	v1 =	vld.idx.msk [tilespmem:v49+s31+$0x0], $0xffff  }
0x725: {  	v55 =	vadd.s32 v33, v56;
	[tilespmem:s8+$0x1C600] =	vst v50;
	v3 =	vld.idx.msk [tilespmem:v3+s31+$0x0], $0xffff  }
0x726: {  	s9 =	sor.u32 $0x450, s0;
	v59 =	vadd.s32 v33, v4;
	[tilespmem:s23+$0x1C600] =	vst v5;
	v58 =	vld.idx.msk [tilespmem:v51+s31+$0x0], $0xffff  }
0x727: {  	s10 =	sor.u32 $0x450, s1;
	v7 =	vld.idx.msk [tilespmem:v52+s31+$0x0], $0xffff;
	[tilespmem:s9+$0x1C600] =	vst v0;
	v0 =	vadd.s32 v32, v45  }
0x728: {  	s11 =	sor.u32 $0x450, s3;
	v60 =	vadd.s32 v32, v39;
	[tilespmem:s10+$0x1C600] =	vst v8;
	v6 =	vld.idx.msk [tilespmem:v53+s31+$0x0], $0xffff  }
0x729: {  	s12 =	sor.u32 $0x450, s2;
	[tilespmem:s11+$0x1C600] =	vst v1;
	v1 =	vadd.s32 v32, v2;
	v2 =	vld.idx.msk [tilespmem:v54+s31+$0x0], $0xffff  }
0x72a: {  	[tilespmem:s12+$0x1C600] =	vst v3;
	v3 =	vadd.s32 v32, v42;
	v61 =	vld.idx.msk [tilespmem:v55+s31+$0x0], $0xffff  }
0x72b: {  	s13 =	sor.u32 $0x470, s6;
	[tilespmem:s21+$0x1C600] =	vst v58;
	v5 =	vld.idx.msk [tilespmem:v59+s31+$0x0], $0xffff  }
0x72c: {  	s14 =	sor.u32 $0x460, s0;
	[tilespmem:s13+$0x1C600] =	vst v7;
	v0 =	vld.idx.msk [tilespmem:v0+s31+$0x0], $0xffff  }
0x72d: {  	v62 =	vadd.s32 v32, v56;
	s15 =	sor.u32 $0x460, s1;
	v63 =	vld.idx.msk [tilespmem:v60+s31+$0x0], $0xffff;
	[tilespmem:s14+$0x1C600] =	vst v6  }
0x72e: {  	s16 =	sor.u32 $0x460, s3;
	v4 =	vadd.s32 v32, v4;
	[tilespmem:s15+$0x1C600] =	vst v2;
	v1 =	vld.idx.msk [tilespmem:v1+s31+$0x0], $0xffff  }
0x72f: {  	s17 =	sor.u32 $0x460, s2;
	[tilespmem:s16+$0x1C600] =	vst v61;
	v2 =	vld.idx.msk [tilespmem:v3+s31+$0x0], $0xffff  }
0x730: {  	[tilespmem:s17+$0x1C600] =	vst v5  }
0x731: {  	s4 =	rddreg [dreg:$0x6];
	[tilespmem:s29+$0x1C600] =	vst v0  }
0x732: {  	s0 =	sor.u32 $0x470, s0;
	v3 =	vld.idx.msk [tilespmem:v62+s31+$0x0], $0xffff;
	[tilespmem:s4+$0x1C600] =	vst v63  }
0x733: {  	s18 =	sor.u32 $0x470, s1;
	v4 =	vld.idx.msk [tilespmem:v4+s31+$0x0], $0xffff;
	[tilespmem:s0+$0x1C600] =	vst v1  }
0x734: {  	s19 =	sld [smem:$0x7E5];
	[tilespmem:s18+$0x1C600] =	vst v2  }
0x735: {  	s21 =	sld [smem:$0x7E4]  }
0x736: {  	s20 =	sor.u32 $0x470, s3  }
0x737: {  	s22 =	sor.u32 $0x470, s2;
	[tilespmem:s20+$0x1C600] =	vst v3;
	s1 =	sor.u32 $0x800, s19  }
0x738: {  	s24 =	rddreg [dreg:$0x3];
	[tilespmem:s22+$0x1C600] =	vst v4;
	s3 =	sor.u32 s21, s1  }
0x739: {  	s30 =	simm.s32 $0x18600;
	s26 =	sld [smem:$0x7E6];
	s23 =	sshrl.u32 s3, $0x3  }
0x73a: {  	s25 =	simm.s32 $0x8000;
	s4 =	simm.s32 $0x800;
	s0 =	sadd.s32 s24, s23  }
0x73b: {  	[hbm4b:s0+s4] =	stream.strided.scatter [tilespmem:s30], [sflag:$0x3], $0x4000, s25, s4, $0x38;
	[tilespmem:$0x1E600] =	vst v63  }
0x73c: {  	s0 =	sor.u32 s26, s1  }
0x73d: {  	s28 =	rddreg [dreg:$0x4];
	s0 =	sshrl.u32 s0, $0x3  }
0x73e: {  	s29 =	simm.s32 $0x1C600;
	s1 =	sld [smem:$0x7F2];
	s0 =	sadd.s32 s28, s0  }
0x73f: {  	[hbm4b:s0+s4] =	stream.strided.scatter [tilespmem:s29], [sflag:$0x4], $0x2000, s25, s4, $0x38;
	[tilespmem:$0x1E600] =	vst v63  }
0x740: {  	v46 =	vld [tilespmem:$0x1FE40];
	s0 =	sld [smem:$0x7FC]  }
0x741: {  	v48 =	vld [tilespmem:$0x1FE50]  }
0x742: {  	v47 =	vld [tilespmem:$0x1FE60];
	p0 =	sgt.u32 s1, $0x2F  }
0x743: {  	v53 =	vld [tilespmem:$0x1FE70];
	s0 =	sadd.s32 @!p0 s1, s0  }
0x744: {  	v63 =	vld [tilespmem:$0x1FE80];
	s3 =	sld [smem:$0x7EE];
	s0 =	sshll.u32 @!p0 s0, $0x6  }
0x745: {  	v51 =	vld [tilespmem:$0x1FE90];
	s1 =	rddreg [dreg:$0x0];
	s0 =	sand.u32 @!p0 $0xFFFFFC0, s0  }
0x746: {  	v52 =	vld [tilespmem:$0x1FEA0];
	s2 =	simm.s32 @!p0 $0x0;
	s1 =	sadd.s32 @!p0 s1, s0  }
0x747: {  	v49 =	vld [tilespmem:$0x1FEB0];
	[tilespmem:s3], [sflag:$0x1] =	stream.linear.gather @!p0 [hbm4b:s1+s2], $0x200, $0x38  }
0x748: {  	v31 =	vld [tilespmem:$0x1FEC0];
	s1 =	rddreg [dreg:$0x1]  }
0x749: {  	v42 =	vld [tilespmem:$0x1FED0];
	s0 =	sadd.s32 @!p0 s1, s0;
	s1 =	sld [smem:$0x7EF]  }
0x74a: {  	s6 =	sld [smem:$0x7F3];
	v38 =	vld [tilespmem:$0x1FEE0]  }
0x74b: {  	v43 =	vld [tilespmem:$0x1FEF0]  }
0x74c: {  	v61 =	vld [tilespmem:$0x1FF00];
	[tilespmem:s1], [sflag:$0x1] =	stream.linear.gather @!p0 [hbm4b:s0+s2], $0x200, $0x38  }
0x74d: {  	v23 =	vld [tilespmem:$0x1FF20];
	p0 =	sne.s32 s6, $0x32  }
.Ltmp5:
0x74e: {  	v62 =	vld [tilespmem:$0x1FF30];
	(pc) =	sbr.rel @p0 .LBB2_4-.Ltmp5, $4  }
0x74f: {  	v1 =	vld [tilespmem:$0x1FF40]  }
0x750: {  	v40 =	vld [tilespmem:$0x1FF50]  }
0x751: {  	v39 =	vld [tilespmem:$0x1FF70]  }
0x752: {  	v30 =	vlaneseq.u32;
	v45 =	vld [tilespmem:$0x1FF80]  }
0x753: {  	s0 =	simm.s32 $0x3  }
0x754: {  	_ =	swait.ge [sflag:s0], $0x4000  }
0x755: {  	[sflag:s0] =	ssyncset.done $0x0  }
0x756: {  	s1 =	simm.s32 $0x4;
	[sflag:s0] =	ssyncadd.s32 $0xFFFFC000  }
0x757: {  	_ =	swait.ge [sflag:s1], $0x2000  }
0x758: {  	s2 =	sld [smem:$0x7F4]  }
0x759: {  	s29 =	sld [smem:$0x7FD];
	_ =	sdelay $0x1  }
0x75a: {  	s2 =	sadd.s32 $0x1, s2  }
0x75b: {  	p0 =	sne.s32 s2, s29  }
.Ltmp6:
0x75c: {  	_ = 	snop;
	(pc) =	sbr.rel @p0 .LBB2_1-.Ltmp6, $3  }
0x75d: {  	_ =	sdelay $0x1  }
0x75e: {  	[sflag:s1] =	ssyncset.done $0x0  }
0x75f: {  	[sflag:s1] =	ssyncadd.s32 $0xFFFFE000  }
0x760: {  	_ =	sfence.sel $0x180000  }
0x761: {  	[bflag:$0x0] =	sbarrier.arrive $0xFFFF  }
0x762: {  	_ =	strace $0x90000047  }
0x763: {  	s0 =	stileid.u32;
	[bflag:$0x2] =	sbarrier.arrive $0xFFFF  }
0x764: {  	p0 =	sne.s32 s0, $0x0;
	s0 =	rddreg [dreg:$0x5]  }
0x765: {  	s0 =	sadd.s32 @!p0 $0x100000, s0  }
0x766: {  	[sflag:s0] =	ssyncadd.tile.s32 @!p0 $0x1;
	_ =	shalt  }
.Lfunc_end2:
_tile_overlayer_lowered:
.L_overlay_start_2:
0x767: {  	(tag) =	ssettag $0x2  }
0x768: {  	s0 =	rddreg [dreg:$0x0];
	s2 =	stileid.u32  }
0x769: {  	s1 =	rddreg [dreg:$0x1];
	p0 =	sne.s32 s2, $0x0  }
0x76a: {  	s3 =	rddreg [dreg:$0x2];
	[bflag:$0x3] =	sbarrier.arrive $0xFFFF;
	s2 =	simm.s32 @!p0 $0x1C05  }
0x76b: {  	[timem:s3], [sflag:s2] =	dma.local @!p0 [hbm:s0], s1  }
0x76c: {  	s0 =	simm.s32 @!p0 $0x5  }
0x76d: {  	_ =	swait.ge @!p0 [sflag:s0], s1  }
0x76e: {  	s1 =	ssub.s32 @!p0 $0x0, s1;
	[sflag:s0] =	ssyncset.done @!p0 $0x0  }
0x76f: {  	[sflag:s0] =	ssyncadd.s32 @!p0 s1  }
0x770: {  	[bflag:$0x3] =	sbarrier.arrive $0xFFFF  }
0x771: {  	_ =	shalt  }

</sc_bundles>
